<compile_context>
chip_gen: v7x
topology: tpu7x:2x2x1
jax: 0.10.2.dev20260603
libtpu: 0.0.44.dev20260713+nightly
codegen_flags: <defaults>
</compile_context>

<pallas_src>
import functools

import jax
import jax.numpy as jnp
from jax import lax
from jax.experimental import pallas as pl
from jax.experimental.pallas import tpu as pltpu
from jax.experimental.pallas import tpu_sc as plsc

_NC = 2
_NS = 16
_L = 16
_NW = _NC * _NS
_BATCH = 16384
_DIM = 64
_BPW = _BATCH // _NW
_CHUNK = 128
_NCHUNK = _BPW // _CHUNK
_NGROUP = _CHUNK // _L
_GAMMA = 1.0


def _vsqrt(x):
    x = jnp.maximum(x, jnp.float32(1e-30))
    i = lax.bitcast_convert_type(x, jnp.int32)
    y = lax.bitcast_convert_type(jnp.int32(0x5F3759DF) - (i >> 1), jnp.float32)
    for _ in range(3):
        y = y * (jnp.float32(1.5) - jnp.float32(0.5) * x * y * y)
    return x * y


def _hsum(v, s):
    for off in (8, 4, 2, 1):
        s[pl.ds(0, _L)] = v
        v = v + s[pl.ds(off, _L)]
    return v[0]


def _body(ph, pr, pt, nh, nr, nt, ent, rel, out,
          iph, ipr, ipt, inh, inr, int_,
          bhp, brp, btp, bhn, brn, btn,
          sp_s, sn_s, accv, sems):
    wid = lax.axis_index("s") * _NC + lax.axis_index("c")
    base = wid * _BPW

    pltpu.sync_copy(ph.at[pl.ds(base, _BPW)], iph)
    pltpu.sync_copy(pr.at[pl.ds(base, _BPW)], ipr)
    pltpu.sync_copy(pt.at[pl.ds(base, _BPW)], ipt)
    pltpu.sync_copy(nh.at[pl.ds(base, _BPW)], inh)
    pltpu.sync_copy(nr.at[pl.ds(base, _BPW)], inr)
    pltpu.sync_copy(nt.at[pl.ds(base, _BPW)], int_)

    zero = jnp.zeros((_L,), jnp.float32)
    sp_s[pl.ds(_L, _L)] = zero
    sn_s[pl.ds(_L, _L)] = zero
    acc0 = zero

    def chunk_body(c, acc):
        sl = pl.ds(c * _CHUNK, _CHUNK)
        cps = [
            pltpu.async_copy(ent.at[iph.at[sl]], bhp, sems.at[0]),
            pltpu.async_copy(rel.at[ipr.at[sl]], brp, sems.at[1]),
            pltpu.async_copy(ent.at[ipt.at[sl]], btp, sems.at[2]),
            pltpu.async_copy(ent.at[inh.at[sl]], bhn, sems.at[3]),
            pltpu.async_copy(rel.at[inr.at[sl]], brn, sems.at[4]),
            pltpu.async_copy(ent.at[int_.at[sl]], btn, sems.at[5]),
        ]
        for cp in cps:
            cp.wait()

        liota = lax.broadcasted_iota(jnp.int32, (_L,), 0)

        def group_body(g, acc):
            vsp = jnp.zeros((_L,), jnp.float32)
            vsn = jnp.zeros((_L,), jnp.float32)
            for i in range(_L):
                r = g * _L + i
                accp = jnp.zeros((_L,), jnp.float32)
                accn = jnp.zeros((_L,), jnp.float32)
                for j in range(_DIM // _L):
                    dsl = pl.ds(j * _L, _L)
                    dp = bhp[r, dsl] + brp[r, dsl] - btp[r, dsl]
                    dn = bhn[r, dsl] + brn[r, dsl] - btn[r, dsl]
                    accp = accp + dp * dp
                    accn = accn + dn * dn
                lane = liota == jnp.int32(i)
                vsp = jnp.where(lane, jnp.full((_L,), _hsum(accp, sp_s)), vsp)
                vsn = jnp.where(lane, jnp.full((_L,), _hsum(accn, sn_s)), vsn)
            margin = jnp.float32(_GAMMA) + _vsqrt(vsp) - _vsqrt(vsn)
            return acc + jnp.maximum(margin, jnp.float32(0.0))

        return lax.fori_loop(0, _NGROUP, group_body, acc)

    acc = lax.fori_loop(0, _NCHUNK, chunk_body, acc0)
    accv[...] = acc
    pltpu.sync_copy(accv, out.at[wid])


@functools.partial(
    pl.kernel,
    out_type=jax.ShapeDtypeStruct((_NW, _L), jnp.float32),
    mesh=plsc.VectorSubcoreMesh(
        core_axis_name="c", subcore_axis_name="s",
        num_cores=_NC, num_subcores=_NS),
    compiler_params=pltpu.CompilerParams(use_tc_tiling_on_sc=False),
    scratch_types=[
        pltpu.VMEM((_BPW,), jnp.int32),
        pltpu.VMEM((_BPW,), jnp.int32),
        pltpu.VMEM((_BPW,), jnp.int32),
        pltpu.VMEM((_BPW,), jnp.int32),
        pltpu.VMEM((_BPW,), jnp.int32),
        pltpu.VMEM((_BPW,), jnp.int32),
        pltpu.VMEM((_CHUNK, _DIM), jnp.float32),
        pltpu.VMEM((_CHUNK, _DIM), jnp.float32),
        pltpu.VMEM((_CHUNK, _DIM), jnp.float32),
        pltpu.VMEM((_CHUNK, _DIM), jnp.float32),
        pltpu.VMEM((_CHUNK, _DIM), jnp.float32),
        pltpu.VMEM((_CHUNK, _DIM), jnp.float32),
        pltpu.VMEM((2 * _L,), jnp.float32),
        pltpu.VMEM((2 * _L,), jnp.float32),
        pltpu.VMEM((_L,), jnp.float32),
        pltpu.SemaphoreType.DMA((6,)),
    ],
)
def _transe_sc(*refs):
    _body(*refs[:9], *refs[9:15], *refs[15:21], refs[21], refs[22],
          refs[23], refs[24])


def kernel(pos_head, pos_relation, pos_tail,
           neg_head, neg_relation, neg_tail,
           entity_emb, relation_emb):
    partials = _transe_sc(pos_head, pos_relation, pos_tail,
                          neg_head, neg_relation, neg_tail,
                          entity_emb, relation_emb)
    return jnp.sum(partials)

# --- scband reference (transcript-rebuilt; emitter-appended) ---
"""Pipeline reference for scband-trans-e-12601434047058 (READ-ONLY COPY).

The authoritative reference and input builder live on the scoring server;
editing this copy changes nothing except your own understanding.
"""

import jax, jax.numpy as jnp
import numpy as np
import math

ENTITY_NUM = 100000
RELATION_NUM = 1000
DIM = 64
BATCH = 16384
GAMMA = 1.0


def setup_inputs(seed: int = 0) -> dict:
    key = jax.random.key(seed)
    k1, k2, k3, k4, k5, k6, k7, k8 = jax.random.split(key, 8)
    bound = 6.0 / math.sqrt(DIM)
    entity_emb = jax.random.uniform(k7, (ENTITY_NUM, DIM), dtype=jnp.float32, minval=-bound, maxval=bound)
    relation_emb = jax.random.uniform(k8, (RELATION_NUM, DIM), dtype=jnp.float32, minval=-bound, maxval=bound)
    # normalize rows as done in TransE.__init__
    entity_emb = entity_emb / jnp.linalg.norm(entity_emb, axis=1, keepdims=True)
    relation_emb = relation_emb / jnp.linalg.norm(relation_emb, axis=1, keepdims=True)
    return {
        "pos_head": jax.random.randint(k1, (BATCH,), 0, ENTITY_NUM, dtype=jnp.int64 if jax.config.jax_enable_x64 else jnp.int32),
        "pos_relation": jax.random.randint(k2, (BATCH,), 0, RELATION_NUM, dtype=jnp.int64 if jax.config.jax_enable_x64 else jnp.int32),
        "pos_tail": jax.random.randint(k3, (BATCH,), 0, ENTITY_NUM, dtype=jnp.int64 if jax.config.jax_enable_x64 else jnp.int32),
        "neg_head": jax.random.randint(k4, (BATCH,), 0, ENTITY_NUM, dtype=jnp.int64 if jax.config.jax_enable_x64 else jnp.int32),
        "neg_relation": jax.random.randint(k5, (BATCH,), 0, RELATION_NUM, dtype=jnp.int64 if jax.config.jax_enable_x64 else jnp.int32),
        "neg_tail": jax.random.randint(k6, (BATCH,), 0, ENTITY_NUM, dtype=jnp.int64 if jax.config.jax_enable_x64 else jnp.int32),
        "entity_emb": entity_emb,
        "relation_emb": relation_emb,
    }


def reference(pos_head, pos_relation, pos_tail, neg_head, neg_relation, neg_tail, entity_emb, relation_emb):
    # embedding lookups (gather)
    pos_dis = (jnp.take(entity_emb, pos_head, axis=0)
               + jnp.take(relation_emb, pos_relation, axis=0)
               - jnp.take(entity_emb, pos_tail, axis=0))
    neg_dis = (jnp.take(entity_emb, neg_head, axis=0)
               + jnp.take(relation_emb, neg_relation, axis=0)
               - jnp.take(entity_emb, neg_tail, axis=0))
    # margin loss with L2 norm (d_norm=2)
    distance_diff = GAMMA + jnp.linalg.norm(pos_dis, ord=2, axis=1) - jnp.linalg.norm(neg_dis, ord=2, axis=1)
    return jnp.sum(jax.nn.relu(distance_diff))

if __name__ == "__main__":
    import jax
    _d = setup_inputs()
    print(jax.jit(kernel)(*tuple(_d.values())))

</pallas_src>

<mosaic_0001>
#map = affine_map<(d0, d1) -> (0)>
#map1 = affine_map<(d0, d1) -> (0, 0)>
module attributes {stable_mosaic.version = 14 : i64} {
  func.func @_transe_sc(%arg0: i32, %arg1: i32, %arg2: memref<16384xi32, #tpu.memory_space<hbm>>, %arg3: memref<16384xi32, #tpu.memory_space<hbm>>, %arg4: memref<16384xi32, #tpu.memory_space<hbm>>, %arg5: memref<16384xi32, #tpu.memory_space<hbm>>, %arg6: memref<16384xi32, #tpu.memory_space<hbm>>, %arg7: memref<16384xi32, #tpu.memory_space<hbm>>, %arg8: memref<100000x64xf32, #tpu.memory_space<hbm>>, %arg9: memref<1000x64xf32, #tpu.memory_space<hbm>>, %arg10: memref<32x16xf32, #tpu.memory_space<hbm>>, %arg11: memref<512xi32, #tpu.memory_space<vmem>>, %arg12: memref<512xi32, #tpu.memory_space<vmem>>, %arg13: memref<512xi32, #tpu.memory_space<vmem>>, %arg14: memref<512xi32, #tpu.memory_space<vmem>>, %arg15: memref<512xi32, #tpu.memory_space<vmem>>, %arg16: memref<512xi32, #tpu.memory_space<vmem>>, %arg17: memref<128x64xf32, #tpu.memory_space<vmem>>, %arg18: memref<128x64xf32, #tpu.memory_space<vmem>>, %arg19: memref<128x64xf32, #tpu.memory_space<vmem>>, %arg20: memref<128x64xf32, #tpu.memory_space<vmem>>, %arg21: memref<128x64xf32, #tpu.memory_space<vmem>>, %arg22: memref<128x64xf32, #tpu.memory_space<vmem>>, %arg23: memref<32xf32, #tpu.memory_space<vmem>>, %arg24: memref<32xf32, #tpu.memory_space<vmem>>, %arg25: memref<16xf32, #tpu.memory_space<vmem>>, %arg26: memref<6x!tpu.dma_semaphore, #tpu.memory_space<semaphore_mem>>) attributes {dimension_semantics = [#tpu.dimension_semantics<core_parallel>, #tpu.dimension_semantics<subcore_parallel>], iteration_bounds = array<i64: 2, 16>, scalar_prefetch = 0 : i64, scratch_operands = 16 : i64, tpu.core_type = #tpu.core_type<sc_vector_subcore>, window_params = [{transform_indices = #map}, {transform_indices = #map}, {transform_indices = #map}, {transform_indices = #map}, {transform_indices = #map}, {transform_indices = #map}, {transform_indices = #map1}, {transform_indices = #map1}, {transform_indices = #map1}]} {
    %mul3A = arith.constant 2 : i32
    %mul3A_0 = arith.muli %arg1, %mul3A : i32
    %add3A = arith.addi %mul3A_0, %arg0 : i32
    %mul3A_1 = arith.constant 512 : i32
    %mul3A_2 = arith.muli %add3A, %mul3A_1 : i32
    "tpu.region"() ({
      %run_scoped3A = tpu.sem_alloc : memref<!tpu.dma_semaphore, #tpu.memory_space<semaphore_mem>>
      %dma_start3A = tpu.memref_slice %arg2[%mul3A_2] : memref<16384xi32, #tpu.memory_space<hbm>> -> memref<512xi32, #tpu.memory_space<hbm>>
      %dma_start3A_20 = tpu.memref_slice %arg2[%mul3A_2] : memref<16384xi32, #tpu.memory_space<hbm>> -> memref<512xi32, #tpu.memory_space<hbm>>
      tpu.enqueue_dma source(%dma_start3A_20 : memref<512xi32, #tpu.memory_space<hbm>>) target(%arg11 : memref<512xi32, #tpu.memory_space<vmem>>) target_semaphore(%run_scoped3A : memref<!tpu.dma_semaphore, #tpu.memory_space<semaphore_mem>>)
      %dma_wait3A = tpu.memref_slice %arg2[%mul3A_2] : memref<16384xi32, #tpu.memory_space<hbm>> -> memref<512xi32, #tpu.memory_space<hbm>>
      %dma_wait3A_21 = tpu.memref_slice %arg2[%mul3A_2] : memref<16384xi32, #tpu.memory_space<hbm>> -> memref<512xi32, #tpu.memory_space<hbm>>
      tpu.wait_dma2 semaphore(%run_scoped3A : memref<!tpu.dma_semaphore, #tpu.memory_space<semaphore_mem>>) src(%dma_wait3A_21 : memref<512xi32, #tpu.memory_space<hbm>>) dst(%arg11 : memref<512xi32, #tpu.memory_space<vmem>>)
      tpu.yield
    }) : () -> ()
    "tpu.region"() ({
      %run_scoped3A = tpu.sem_alloc : memref<!tpu.dma_semaphore, #tpu.memory_space<semaphore_mem>>
      %dma_start3A = tpu.memref_slice %arg3[%mul3A_2] : memref<16384xi32, #tpu.memory_space<hbm>> -> memref<512xi32, #tpu.memory_space<hbm>>
      %dma_start3A_20 = tpu.memref_slice %arg3[%mul3A_2] : memref<16384xi32, #tpu.memory_space<hbm>> -> memref<512xi32, #tpu.memory_space<hbm>>
      tpu.enqueue_dma source(%dma_start3A_20 : memref<512xi32, #tpu.memory_space<hbm>>) target(%arg12 : memref<512xi32, #tpu.memory_space<vmem>>) target_semaphore(%run_scoped3A : memref<!tpu.dma_semaphore, #tpu.memory_space<semaphore_mem>>)
      %dma_wait3A = tpu.memref_slice %arg3[%mul3A_2] : memref<16384xi32, #tpu.memory_space<hbm>> -> memref<512xi32, #tpu.memory_space<hbm>>
      %dma_wait3A_21 = tpu.memref_slice %arg3[%mul3A_2] : memref<16384xi32, #tpu.memory_space<hbm>> -> memref<512xi32, #tpu.memory_space<hbm>>
      tpu.wait_dma2 semaphore(%run_scoped3A : memref<!tpu.dma_semaphore, #tpu.memory_space<semaphore_mem>>) src(%dma_wait3A_21 : memref<512xi32, #tpu.memory_space<hbm>>) dst(%arg12 : memref<512xi32, #tpu.memory_space<vmem>>)
      tpu.yield
    }) : () -> ()
    "tpu.region"() ({
      %run_scoped3A = tpu.sem_alloc : memref<!tpu.dma_semaphore, #tpu.memory_space<semaphore_mem>>
      %dma_start3A = tpu.memref_slice %arg4[%mul3A_2] : memref<16384xi32, #tpu.memory_space<hbm>> -> memref<512xi32, #tpu.memory_space<hbm>>
      %dma_start3A_20 = tpu.memref_slice %arg4[%mul3A_2] : memref<16384xi32, #tpu.memory_space<hbm>> -> memref<512xi32, #tpu.memory_space<hbm>>
      tpu.enqueue_dma source(%dma_start3A_20 : memref<512xi32, #tpu.memory_space<hbm>>) target(%arg13 : memref<512xi32, #tpu.memory_space<vmem>>) target_semaphore(%run_scoped3A : memref<!tpu.dma_semaphore, #tpu.memory_space<semaphore_mem>>)
      %dma_wait3A = tpu.memref_slice %arg4[%mul3A_2] : memref<16384xi32, #tpu.memory_space<hbm>> -> memref<512xi32, #tpu.memory_space<hbm>>
      %dma_wait3A_21 = tpu.memref_slice %arg4[%mul3A_2] : memref<16384xi32, #tpu.memory_space<hbm>> -> memref<512xi32, #tpu.memory_space<hbm>>
      tpu.wait_dma2 semaphore(%run_scoped3A : memref<!tpu.dma_semaphore, #tpu.memory_space<semaphore_mem>>) src(%dma_wait3A_21 : memref<512xi32, #tpu.memory_space<hbm>>) dst(%arg13 : memref<512xi32, #tpu.memory_space<vmem>>)
      tpu.yield
    }) : () -> ()
    "tpu.region"() ({
      %run_scoped3A = tpu.sem_alloc : memref<!tpu.dma_semaphore, #tpu.memory_space<semaphore_mem>>
      %dma_start3A = tpu.memref_slice %arg5[%mul3A_2] : memref<16384xi32, #tpu.memory_space<hbm>> -> memref<512xi32, #tpu.memory_space<hbm>>
      %dma_start3A_20 = tpu.memref_slice %arg5[%mul3A_2] : memref<16384xi32, #tpu.memory_space<hbm>> -> memref<512xi32, #tpu.memory_space<hbm>>
      tpu.enqueue_dma source(%dma_start3A_20 : memref<512xi32, #tpu.memory_space<hbm>>) target(%arg14 : memref<512xi32, #tpu.memory_space<vmem>>) target_semaphore(%run_scoped3A : memref<!tpu.dma_semaphore, #tpu.memory_space<semaphore_mem>>)
      %dma_wait3A = tpu.memref_slice %arg5[%mul3A_2] : memref<16384xi32, #tpu.memory_space<hbm>> -> memref<512xi32, #tpu.memory_space<hbm>>
      %dma_wait3A_21 = tpu.memref_slice %arg5[%mul3A_2] : memref<16384xi32, #tpu.memory_space<hbm>> -> memref<512xi32, #tpu.memory_space<hbm>>
      tpu.wait_dma2 semaphore(%run_scoped3A : memref<!tpu.dma_semaphore, #tpu.memory_space<semaphore_mem>>) src(%dma_wait3A_21 : memref<512xi32, #tpu.memory_space<hbm>>) dst(%arg14 : memref<512xi32, #tpu.memory_space<vmem>>)
      tpu.yield
    }) : () -> ()
    "tpu.region"() ({
      %run_scoped3A = tpu.sem_alloc : memref<!tpu.dma_semaphore, #tpu.memory_space<semaphore_mem>>
      %dma_start3A = tpu.memref_slice %arg6[%mul3A_2] : memref<16384xi32, #tpu.memory_space<hbm>> -> memref<512xi32, #tpu.memory_space<hbm>>
      %dma_start3A_20 = tpu.memref_slice %arg6[%mul3A_2] : memref<16384xi32, #tpu.memory_space<hbm>> -> memref<512xi32, #tpu.memory_space<hbm>>
      tpu.enqueue_dma source(%dma_start3A_20 : memref<512xi32, #tpu.memory_space<hbm>>) target(%arg15 : memref<512xi32, #tpu.memory_space<vmem>>) target_semaphore(%run_scoped3A : memref<!tpu.dma_semaphore, #tpu.memory_space<semaphore_mem>>)
      %dma_wait3A = tpu.memref_slice %arg6[%mul3A_2] : memref<16384xi32, #tpu.memory_space<hbm>> -> memref<512xi32, #tpu.memory_space<hbm>>
      %dma_wait3A_21 = tpu.memref_slice %arg6[%mul3A_2] : memref<16384xi32, #tpu.memory_space<hbm>> -> memref<512xi32, #tpu.memory_space<hbm>>
      tpu.wait_dma2 semaphore(%run_scoped3A : memref<!tpu.dma_semaphore, #tpu.memory_space<semaphore_mem>>) src(%dma_wait3A_21 : memref<512xi32, #tpu.memory_space<hbm>>) dst(%arg15 : memref<512xi32, #tpu.memory_space<vmem>>)
      tpu.yield
    }) : () -> ()
    "tpu.region"() ({
      %run_scoped3A = tpu.sem_alloc : memref<!tpu.dma_semaphore, #tpu.memory_space<semaphore_mem>>
      %dma_start3A = tpu.memref_slice %arg7[%mul3A_2] : memref<16384xi32, #tpu.memory_space<hbm>> -> memref<512xi32, #tpu.memory_space<hbm>>
      %dma_start3A_20 = tpu.memref_slice %arg7[%mul3A_2] : memref<16384xi32, #tpu.memory_space<hbm>> -> memref<512xi32, #tpu.memory_space<hbm>>
      tpu.enqueue_dma source(%dma_start3A_20 : memref<512xi32, #tpu.memory_space<hbm>>) target(%arg16 : memref<512xi32, #tpu.memory_space<vmem>>) target_semaphore(%run_scoped3A : memref<!tpu.dma_semaphore, #tpu.memory_space<semaphore_mem>>)
      %dma_wait3A = tpu.memref_slice %arg7[%mul3A_2] : memref<16384xi32, #tpu.memory_space<hbm>> -> memref<512xi32, #tpu.memory_space<hbm>>
      %dma_wait3A_21 = tpu.memref_slice %arg7[%mul3A_2] : memref<16384xi32, #tpu.memory_space<hbm>> -> memref<512xi32, #tpu.memory_space<hbm>>
      tpu.wait_dma2 semaphore(%run_scoped3A : memref<!tpu.dma_semaphore, #tpu.memory_space<semaphore_mem>>) src(%dma_wait3A_21 : memref<512xi32, #tpu.memory_space<hbm>>) dst(%arg16 : memref<512xi32, #tpu.memory_space<vmem>>)
      tpu.yield
    }) : () -> ()
    %broadcast_in_dim3A = arith.constant 0.000000e+00 : f32
    %broadcast_in_dim3A_3 = vector.broadcast %broadcast_in_dim3A : f32 to vector<16xf32>
    %swap3A = arith.constant 16 : index
    %swap3A_4 = tpu.vector_load %arg23[%swap3A] {strides = array<i32>} : memref<32xf32, #tpu.memory_space<vmem>>, vector<16xf32>,
    %swap3A_5 = vector.shape_cast %swap3A_4 : vector<16xf32> to vector<16xf32>
    %swap3A_6 = vector.shape_cast %broadcast_in_dim3A_3 : vector<16xf32> to vector<16xf32>
    tpu.vector_store %arg23[%swap3A], %swap3A_6 {strides = array<i32>} : memref<32xf32, #tpu.memory_space<vmem>>, vector<16xf32>,
    %swap3A_7 = arith.constant 16 : index
    %swap3A_8 = tpu.vector_load %arg24[%swap3A_7] {strides = array<i32>} : memref<32xf32, #tpu.memory_space<vmem>>, vector<16xf32>,
    %swap3A_9 = vector.shape_cast %swap3A_8 : vector<16xf32> to vector<16xf32>
    %swap3A_10 = vector.shape_cast %broadcast_in_dim3A_3 : vector<16xf32> to vector<16xf32>
    tpu.vector_store %arg24[%swap3A_7], %swap3A_10 {strides = array<i32>} : memref<32xf32, #tpu.memory_space<vmem>>, vector<16xf32>,
    %scan3A = arith.constant 0 : i32
    %scan3A_11 = arith.constant 4 : i32
    %scan3A_12 = arith.addi %scan3A, %scan3A_11 : i32
    %scan3A_13 = arith.constant 1 : i32
    %scan3A_14 = scf.for %scan3A_20 = %scan3A to %scan3A_12 step %scan3A_13 iter_args(%scan3A_21 = %broadcast_in_dim3A_3) -> (vector<16xf32>)  : i32 {
      %mul3A_22 = arith.constant 128 : i32
      %mul3A_23 = arith.muli %scan3A_20, %mul3A_22 : i32
      %dma_start3A = arith.constant 0 : i32
      %dma_start3A_24 = tpu.memref_slice %arg11[%mul3A_23] : memref<512xi32, #tpu.memory_space<vmem>> -> memref<128xi32, #tpu.memory_space<vmem>>
      %dma_start3A_25 = arith.constant 0 : i32
      %dma_start3A_26 = arith.constant 0 : i32
      %dma_start3A_27 = tpu.memref_slice %arg8[%dma_start3A_25, %dma_start3A_26] : memref<100000x64xf32, #tpu.memory_space<hbm>> -> memref<100000x64xf32, #tpu.memory_space<hbm>>
      %dma_start3A_28 = tpu.memref_slice %arg26[%dma_start3A] : memref<6x!tpu.dma_semaphore, #tpu.memory_space<semaphore_mem>> -> memref<1x!tpu.dma_semaphore, #tpu.memory_space<semaphore_mem>>
      %dma_start3A_29 = tpu.memref_squeeze %dma_start3A_28 : memref<1x!tpu.dma_semaphore, #tpu.memory_space<semaphore_mem>> -> memref<!tpu.dma_semaphore, #tpu.memory_space<semaphore_mem>>
      tpu.enqueue_indirect_dma source(%dma_start3A_27 : memref<100000x64xf32, #tpu.memory_space<hbm>>) target(%arg17 : memref<128x64xf32, #tpu.memory_space<vmem>>) offsets(%dma_start3A_24 : memref<128xi32, #tpu.memory_space<vmem>>) semaphore(%dma_start3A_29 : memref<!tpu.dma_semaphore, #tpu.memory_space<semaphore_mem>>)
      %dma_start3A_30 = arith.constant 1 : i32
      %dma_start3A_31 = tpu.memref_slice %arg12[%mul3A_23] : memref<512xi32, #tpu.memory_space<vmem>> -> memref<128xi32, #tpu.memory_space<vmem>>
      %dma_start3A_32 = arith.constant 0 : i32
      %dma_start3A_33 = arith.constant 0 : i32
      %dma_start3A_34 = tpu.memref_slice %arg9[%dma_start3A_32, %dma_start3A_33] : memref<1000x64xf32, #tpu.memory_space<hbm>> -> memref<1000x64xf32, #tpu.memory_space<hbm>>
      %dma_start3A_35 = tpu.memref_slice %arg26[%dma_start3A_30] : memref<6x!tpu.dma_semaphore, #tpu.memory_space<semaphore_mem>> -> memref<1x!tpu.dma_semaphore, #tpu.memory_space<semaphore_mem>>
      %dma_start3A_36 = tpu.memref_squeeze %dma_start3A_35 : memref<1x!tpu.dma_semaphore, #tpu.memory_space<semaphore_mem>> -> memref<!tpu.dma_semaphore, #tpu.memory_space<semaphore_mem>>
      tpu.enqueue_indirect_dma source(%dma_start3A_34 : memref<1000x64xf32, #tpu.memory_space<hbm>>) target(%arg18 : memref<128x64xf32, #tpu.memory_space<vmem>>) offsets(%dma_start3A_31 : memref<128xi32, #tpu.memory_space<vmem>>) semaphore(%dma_start3A_36 : memref<!tpu.dma_semaphore, #tpu.memory_space<semaphore_mem>>)
      %dma_start3A_37 = arith.constant 2 : i32
      %dma_start3A_38 = tpu.memref_slice %arg13[%mul3A_23] : memref<512xi32, #tpu.memory_space<vmem>> -> memref<128xi32, #tpu.memory_space<vmem>>
      %dma_start3A_39 = arith.constant 0 : i32
      %dma_start3A_40 = arith.constant 0 : i32
      %dma_start3A_41 = tpu.memref_slice %arg8[%dma_start3A_39, %dma_start3A_40] : memref<100000x64xf32, #tpu.memory_space<hbm>> -> memref<100000x64xf32, #tpu.memory_space<hbm>>
      %dma_start3A_42 = tpu.memref_slice %arg26[%dma_start3A_37] : memref<6x!tpu.dma_semaphore, #tpu.memory_space<semaphore_mem>> -> memref<1x!tpu.dma_semaphore, #tpu.memory_space<semaphore_mem>>
      %dma_start3A_43 = tpu.memref_squeeze %dma_start3A_42 : memref<1x!tpu.dma_semaphore, #tpu.memory_space<semaphore_mem>> -> memref<!tpu.dma_semaphore, #tpu.memory_space<semaphore_mem>>
      tpu.enqueue_indirect_dma source(%dma_start3A_41 : memref<100000x64xf32, #tpu.memory_space<hbm>>) target(%arg19 : memref<128x64xf32, #tpu.memory_space<vmem>>) offsets(%dma_start3A_38 : memref<128xi32, #tpu.memory_space<vmem>>) semaphore(%dma_start3A_43 : memref<!tpu.dma_semaphore, #tpu.memory_space<semaphore_mem>>)
      %dma_start3A_44 = arith.constant 3 : i32
      %dma_start3A_45 = tpu.memref_slice %arg14[%mul3A_23] : memref<512xi32, #tpu.memory_space<vmem>> -> memref<128xi32, #tpu.memory_space<vmem>>
      %dma_start3A_46 = arith.constant 0 : i32
      %dma_start3A_47 = arith.constant 0 : i32
      %dma_start3A_48 = tpu.memref_slice %arg8[%dma_start3A_46, %dma_start3A_47] : memref<100000x64xf32, #tpu.memory_space<hbm>> -> memref<100000x64xf32, #tpu.memory_space<hbm>>
      %dma_start3A_49 = tpu.memref_slice %arg26[%dma_start3A_44] : memref<6x!tpu.dma_semaphore, #tpu.memory_space<semaphore_mem>> -> memref<1x!tpu.dma_semaphore, #tpu.memory_space<semaphore_mem>>
      %dma_start3A_50 = tpu.memref_squeeze %dma_start3A_49 : memref<1x!tpu.dma_semaphore, #tpu.memory_space<semaphore_mem>> -> memref<!tpu.dma_semaphore, #tpu.memory_space<semaphore_mem>>
      tpu.enqueue_indirect_dma source(%dma_start3A_48 : memref<100000x64xf32, #tpu.memory_space<hbm>>) target(%arg20 : memref<128x64xf32, #tpu.memory_space<vmem>>) offsets(%dma_start3A_45 : memref<128xi32, #tpu.memory_space<vmem>>) semaphore(%dma_start3A_50 : memref<!tpu.dma_semaphore, #tpu.memory_space<semaphore_mem>>)
      %dma_start3A_51 = arith.constant 4 : i32
      %dma_start3A_52 = tpu.memref_slice %arg15[%mul3A_23] : memref<512xi32, #tpu.memory_space<vmem>> -> memref<128xi32, #tpu.memory_space<vmem>>
      %dma_start3A_53 = arith.constant 0 : i32
      %dma_start3A_54 = arith.constant 0 : i32
      %dma_start3A_55 = tpu.memref_slice %arg9[%dma_start3A_53, %dma_start3A_54] : memref<1000x64xf32, #tpu.memory_space<hbm>> -> memref<1000x64xf32, #tpu.memory_space<hbm>>
      %dma_start3A_56 = tpu.memref_slice %arg26[%dma_start3A_51] : memref<6x!tpu.dma_semaphore, #tpu.memory_space<semaphore_mem>> -> memref<1x!tpu.dma_semaphore, #tpu.memory_space<semaphore_mem>>
      %dma_start3A_57 = tpu.memref_squeeze %dma_start3A_56 : memref<1x!tpu.dma_semaphore, #tpu.memory_space<semaphore_mem>> -> memref<!tpu.dma_semaphore, #tpu.memory_space<semaphore_mem>>
      tpu.enqueue_indirect_dma source(%dma_start3A_55 : memref<1000x64xf32, #tpu.memory_space<hbm>>) target(%arg21 : memref<128x64xf32, #tpu.memory_space<vmem>>) offsets(%dma_start3A_52 : memref<128xi32, #tpu.memory_space<vmem>>) semaphore(%dma_start3A_57 : memref<!tpu.dma_semaphore, #tpu.memory_space<semaphore_mem>>)
      %dma_start3A_58 = arith.constant 5 : i32
      %dma_start3A_59 = tpu.memref_slice %arg16[%mul3A_23] : memref<512xi32, #tpu.memory_space<vmem>> -> memref<128xi32, #tpu.memory_space<vmem>>
      %dma_start3A_60 = arith.constant 0 : i32
      %dma_start3A_61 = arith.constant 0 : i32
      %dma_start3A_62 = tpu.memref_slice %arg8[%dma_start3A_60, %dma_start3A_61] : memref<100000x64xf32, #tpu.memory_space<hbm>> -> memref<100000x64xf32, #tpu.memory_space<hbm>>
      %dma_start3A_63 = tpu.memref_slice %arg26[%dma_start3A_58] : memref<6x!tpu.dma_semaphore, #tpu.memory_space<semaphore_mem>> -> memref<1x!tpu.dma_semaphore, #tpu.memory_space<semaphore_mem>>
      %dma_start3A_64 = tpu.memref_squeeze %dma_start3A_63 : memref<1x!tpu.dma_semaphore, #tpu.memory_space<semaphore_mem>> -> memref<!tpu.dma_semaphore, #tpu.memory_space<semaphore_mem>>
      tpu.enqueue_indirect_dma source(%dma_start3A_62 : memref<100000x64xf32, #tpu.memory_space<hbm>>) target(%arg22 : memref<128x64xf32, #tpu.memory_space<vmem>>) offsets(%dma_start3A_59 : memref<128xi32, #tpu.memory_space<vmem>>) semaphore(%dma_start3A_64 : memref<!tpu.dma_semaphore, #tpu.memory_space<semaphore_mem>>)
      %dma_wait3A = arith.constant 0 : i32
      %dma_wait3A_65 = tpu.memref_slice %arg11[%mul3A_23] : memref<512xi32, #tpu.memory_space<vmem>> -> memref<128xi32, #tpu.memory_space<vmem>>
      %dma_wait3A_66 = arith.constant 0 : i32
      %dma_wait3A_67 = arith.constant 0 : i32
      %dma_wait3A_68 = tpu.memref_slice %arg8[%dma_wait3A_66, %dma_wait3A_67] : memref<100000x64xf32, #tpu.memory_space<hbm>> -> memref<100000x64xf32, #tpu.memory_space<hbm>>
      %dma_wait3A_69 = tpu.memref_slice %arg26[%dma_wait3A] : memref<6x!tpu.dma_semaphore, #tpu.memory_space<semaphore_mem>> -> memref<1x!tpu.dma_semaphore, #tpu.memory_space<semaphore_mem>>
      %dma_wait3A_70 = tpu.memref_squeeze %dma_wait3A_69 : memref<1x!tpu.dma_semaphore, #tpu.memory_space<semaphore_mem>> -> memref<!tpu.dma_semaphore, #tpu.memory_space<semaphore_mem>>
      tpu.wait_indirect_dma semaphore(%dma_wait3A_70 : memref<!tpu.dma_semaphore, #tpu.memory_space<semaphore_mem>>) src(%dma_wait3A_68 : memref<100000x64xf32, #tpu.memory_space<hbm>>) dst(%arg17 : memref<128x64xf32, #tpu.memory_space<vmem>>)
      %dma_wait3A_71 = arith.constant 1 : i32
      %dma_wait3A_72 = tpu.memref_slice %arg12[%mul3A_23] : memref<512xi32, #tpu.memory_space<vmem>> -> memref<128xi32, #tpu.memory_space<vmem>>
      %dma_wait3A_73 = arith.constant 0 : i32
      %dma_wait3A_74 = arith.constant 0 : i32
      %dma_wait3A_75 = tpu.memref_slice %arg9[%dma_wait3A_73, %dma_wait3A_74] : memref<1000x64xf32, #tpu.memory_space<hbm>> -> memref<1000x64xf32, #tpu.memory_space<hbm>>
      %dma_wait3A_76 = tpu.memref_slice %arg26[%dma_wait3A_71] : memref<6x!tpu.dma_semaphore, #tpu.memory_space<semaphore_mem>> -> memref<1x!tpu.dma_semaphore, #tpu.memory_space<semaphore_mem>>
      %dma_wait3A_77 = tpu.memref_squeeze %dma_wait3A_76 : memref<1x!tpu.dma_semaphore, #tpu.memory_space<semaphore_mem>> -> memref<!tpu.dma_semaphore, #tpu.memory_space<semaphore_mem>>
      tpu.wait_indirect_dma semaphore(%dma_wait3A_77 : memref<!tpu.dma_semaphore, #tpu.memory_space<semaphore_mem>>) src(%dma_wait3A_75 : memref<1000x64xf32, #tpu.memory_space<hbm>>) dst(%arg18 : memref<128x64xf32, #tpu.memory_space<vmem>>)
      %dma_wait3A_78 = arith.constant 2 : i32
      %dma_wait3A_79 = tpu.memref_slice %arg13[%mul3A_23] : memref<512xi32, #tpu.memory_space<vmem>> -> memref<128xi32, #tpu.memory_space<vmem>>
      %dma_wait3A_80 = arith.constant 0 : i32
      %dma_wait3A_81 = arith.constant 0 : i32
      %dma_wait3A_82 = tpu.memref_slice %arg8[%dma_wait3A_80, %dma_wait3A_81] : memref<100000x64xf32, #tpu.memory_space<hbm>> -> memref<100000x64xf32, #tpu.memory_space<hbm>>
      %dma_wait3A_83 = tpu.memref_slice %arg26[%dma_wait3A_78] : memref<6x!tpu.dma_semaphore, #tpu.memory_space<semaphore_mem>> -> memref<1x!tpu.dma_semaphore, #tpu.memory_space<semaphore_mem>>
      %dma_wait3A_84 = tpu.memref_squeeze %dma_wait3A_83 : memref<1x!tpu.dma_semaphore, #tpu.memory_space<semaphore_mem>> -> memref<!tpu.dma_semaphore, #tpu.memory_space<semaphore_mem>>
      tpu.wait_indirect_dma semaphore(%dma_wait3A_84 : memref<!tpu.dma_semaphore, #tpu.memory_space<semaphore_mem>>) src(%dma_wait3A_82 : memref<100000x64xf32, #tpu.memory_space<hbm>>) dst(%arg19 : memref<128x64xf32, #tpu.memory_space<vmem>>)
      %dma_wait3A_85 = arith.constant 3 : i32
      %dma_wait3A_86 = tpu.memref_slice %arg14[%mul3A_23] : memref<512xi32, #tpu.memory_space<vmem>> -> memref<128xi32, #tpu.memory_space<vmem>>
      %dma_wait3A_87 = arith.constant 0 : i32
      %dma_wait3A_88 = arith.constant 0 : i32
      %dma_wait3A_89 = tpu.memref_slice %arg8[%dma_wait3A_87, %dma_wait3A_88] : memref<100000x64xf32, #tpu.memory_space<hbm>> -> memref<100000x64xf32, #tpu.memory_space<hbm>>
      %dma_wait3A_90 = tpu.memref_slice %arg26[%dma_wait3A_85] : memref<6x!tpu.dma_semaphore, #tpu.memory_space<semaphore_mem>> -> memref<1x!tpu.dma_semaphore, #tpu.memory_space<semaphore_mem>>
      %dma_wait3A_91 = tpu.memref_squeeze %dma_wait3A_90 : memref<1x!tpu.dma_semaphore, #tpu.memory_space<semaphore_mem>> -> memref<!tpu.dma_semaphore, #tpu.memory_space<semaphore_mem>>
      tpu.wait_indirect_dma semaphore(%dma_wait3A_91 : memref<!tpu.dma_semaphore, #tpu.memory_space<semaphore_mem>>) src(%dma_wait3A_89 : memref<100000x64xf32, #tpu.memory_space<hbm>>) dst(%arg20 : memref<128x64xf32, #tpu.memory_space<vmem>>)
      %dma_wait3A_92 = arith.constant 4 : i32
      %dma_wait3A_93 = tpu.memref_slice %arg15[%mul3A_23] : memref<512xi32, #tpu.memory_space<vmem>> -> memref<128xi32, #tpu.memory_space<vmem>>
      %dma_wait3A_94 = arith.constant 0 : i32
      %dma_wait3A_95 = arith.constant 0 : i32
      %dma_wait3A_96 = tpu.memref_slice %arg9[%dma_wait3A_94, %dma_wait3A_95] : memref<1000x64xf32, #tpu.memory_space<hbm>> -> memref<1000x64xf32, #tpu.memory_space<hbm>>
      %dma_wait3A_97 = tpu.memref_slice %arg26[%dma_wait3A_92] : memref<6x!tpu.dma_semaphore, #tpu.memory_space<semaphore_mem>> -> memref<1x!tpu.dma_semaphore, #tpu.memory_space<semaphore_mem>>
      %dma_wait3A_98 = tpu.memref_squeeze %dma_wait3A_97 : memref<1x!tpu.dma_semaphore, #tpu.memory_space<semaphore_mem>> -> memref<!tpu.dma_semaphore, #tpu.memory_space<semaphore_mem>>
      tpu.wait_indirect_dma semaphore(%dma_wait3A_98 : memref<!tpu.dma_semaphore, #tpu.memory_space<semaphore_mem>>) src(%dma_wait3A_96 : memref<1000x64xf32, #tpu.memory_space<hbm>>) dst(%arg21 : memref<128x64xf32, #tpu.memory_space<vmem>>)
      %dma_wait3A_99 = arith.constant 5 : i32
      %dma_wait3A_100 = tpu.memref_slice %arg16[%mul3A_23] : memref<512xi32, #tpu.memory_space<vmem>> -> memref<128xi32, #tpu.memory_space<vmem>>
      %dma_wait3A_101 = arith.constant 0 : i32
      %dma_wait3A_102 = arith.constant 0 : i32
      %dma_wait3A_103 = tpu.memref_slice %arg8[%dma_wait3A_101, %dma_wait3A_102] : memref<100000x64xf32, #tpu.memory_space<hbm>> -> memref<100000x64xf32, #tpu.memory_space<hbm>>
      %dma_wait3A_104 = tpu.memref_slice %arg26[%dma_wait3A_99] : memref<6x!tpu.dma_semaphore, #tpu.memory_space<semaphore_mem>> -> memref<1x!tpu.dma_semaphore, #tpu.memory_space<semaphore_mem>>
      %dma_wait3A_105 = tpu.memref_squeeze %dma_wait3A_104 : memref<1x!tpu.dma_semaphore, #tpu.memory_space<semaphore_mem>> -> memref<!tpu.dma_semaphore, #tpu.memory_space<semaphore_mem>>
      tpu.wait_indirect_dma semaphore(%dma_wait3A_105 : memref<!tpu.dma_semaphore, #tpu.memory_space<semaphore_mem>>) src(%dma_wait3A_103 : memref<100000x64xf32, #tpu.memory_space<hbm>>) dst(%arg22 : memref<128x64xf32, #tpu.memory_space<vmem>>)
      %iota3A = tpu.iota {dimensions = array<i32: 0>} : vector<16xi32>
      %scan3A_106 = arith.constant 0 : i32
      %scan3A_107 = arith.constant 8 : i32
      %scan3A_108 = arith.addi %scan3A_106, %scan3A_107 : i32
      %scan3A_109 = arith.constant 1 : i32
      %scan3A_110 = scf.for %scan3A_112 = %scan3A_106 to %scan3A_108 step %scan3A_109 iter_args(%scan3A_113 = %scan3A_21) -> (vector<16xf32>)  : i32 {
        %broadcast_in_dim3A_114 = arith.constant 0.000000e+00 : f32
        %broadcast_in_dim3A_115 = vector.broadcast %broadcast_in_dim3A_114 : f32 to vector<16xf32>
        %broadcast_in_dim3A_116 = arith.constant 0.000000e+00 : f32
        %broadcast_in_dim3A_117 = vector.broadcast %broadcast_in_dim3A_116 : f32 to vector<16xf32>
        %mul3A_118 = arith.constant 16 : i32
        %mul3A_119 = arith.muli %scan3A_112, %mul3A_118 : i32
        %add3A_120 = arith.constant 0 : i32
        %add3A_121 = arith.addi %mul3A_119, %add3A_120 : i32
        %broadcast_in_dim3A_122 = arith.constant 0.000000e+00 : f32
        %broadcast_in_dim3A_123 = vector.broadcast %broadcast_in_dim3A_122 : f32 to vector<16xf32>
        %broadcast_in_dim3A_124 = arith.constant 0.000000e+00 : f32
        %broadcast_in_dim3A_125 = vector.broadcast %broadcast_in_dim3A_124 : f32 to vector<16xf32>
        %get3A = arith.index_cast %add3A_121 : i32 to index
        %get3A_126 = arith.constant 0 : index
        %get3A_127 = tpu.vector_load %arg17[%get3A, %get3A_126] {strides = array<i32>} : memref<128x64xf32, #tpu.memory_space<vmem>>, vector<1x16xf32>,
        %get3A_128 = vector.shape_cast %get3A_127 : vector<1x16xf32> to vector<16xf32>
        %get3A_129 = arith.index_cast %add3A_121 : i32 to index
        %get3A_130 = arith.constant 0 : index
        %get3A_131 = tpu.vector_load %arg18[%get3A_129, %get3A_130] {strides = array<i32>} : memref<128x64xf32, #tpu.memory_space<vmem>>, vector<1x16xf32>,
        %get3A_132 = vector.shape_cast %get3A_131 : vector<1x16xf32> to vector<16xf32>
        %add3A_133 = arith.addf %get3A_128, %get3A_132 : vector<16xf32>
        %get3A_134 = arith.index_cast %add3A_121 : i32 to index
        %get3A_135 = arith.constant 0 : index
        %get3A_136 = tpu.vector_load %arg19[%get3A_134, %get3A_135] {strides = array<i32>} : memref<128x64xf32, #tpu.memory_space<vmem>>, vector<1x16xf32>,
        %get3A_137 = vector.shape_cast %get3A_136 : vector<1x16xf32> to vector<16xf32>
        %sub3A = arith.subf %add3A_133, %get3A_137 : vector<16xf32>
        %get3A_138 = arith.index_cast %add3A_121 : i32 to index
        %get3A_139 = arith.constant 0 : index
        %get3A_140 = tpu.vector_load %arg20[%get3A_138, %get3A_139] {strides = array<i32>} : memref<128x64xf32, #tpu.memory_space<vmem>>, vector<1x16xf32>,
        %get3A_141 = vector.shape_cast %get3A_140 : vector<1x16xf32> to vector<16xf32>
        %get3A_142 = arith.index_cast %add3A_121 : i32 to index
        %get3A_143 = arith.constant 0 : index
        %get3A_144 = tpu.vector_load %arg21[%get3A_142, %get3A_143] {strides = array<i32>} : memref<128x64xf32, #tpu.memory_space<vmem>>, vector<1x16xf32>,
        %get3A_145 = vector.shape_cast %get3A_144 : vector<1x16xf32> to vector<16xf32>
        %add3A_146 = arith.addf %get3A_141, %get3A_145 : vector<16xf32>
        %get3A_147 = arith.index_cast %add3A_121 : i32 to index
        %get3A_148 = arith.constant 0 : index
        %get3A_149 = tpu.vector_load %arg22[%get3A_147, %get3A_148] {strides = array<i32>} : memref<128x64xf32, #tpu.memory_space<vmem>>, vector<1x16xf32>,
        %get3A_150 = vector.shape_cast %get3A_149 : vector<1x16xf32> to vector<16xf32>
        %sub3A_151 = arith.subf %add3A_146, %get3A_150 : vector<16xf32>
        %mul3A_152 = arith.mulf %sub3A, %sub3A : vector<16xf32>
        %add3A_153 = arith.addf %broadcast_in_dim3A_123, %mul3A_152 : vector<16xf32>
        %mul3A_154 = arith.mulf %sub3A_151, %sub3A_151 : vector<16xf32>
        %add3A_155 = arith.addf %broadcast_in_dim3A_125, %mul3A_154 : vector<16xf32>
        %get3A_156 = arith.index_cast %add3A_121 : i32 to index
        %get3A_157 = arith.constant 16 : index
        %get3A_158 = tpu.vector_load %arg17[%get3A_156, %get3A_157] {strides = array<i32>} : memref<128x64xf32, #tpu.memory_space<vmem>>, vector<1x16xf32>,
        %get3A_159 = vector.shape_cast %get3A_158 : vector<1x16xf32> to vector<16xf32>
        %get3A_160 = arith.index_cast %add3A_121 : i32 to index
        %get3A_161 = arith.constant 16 : index
        %get3A_162 = tpu.vector_load %arg18[%get3A_160, %get3A_161] {strides = array<i32>} : memref<128x64xf32, #tpu.memory_space<vmem>>, vector<1x16xf32>,
        %get3A_163 = vector.shape_cast %get3A_162 : vector<1x16xf32> to vector<16xf32>
        %add3A_164 = arith.addf %get3A_159, %get3A_163 : vector<16xf32>
        %get3A_165 = arith.index_cast %add3A_121 : i32 to index
        %get3A_166 = arith.constant 16 : index
        %get3A_167 = tpu.vector_load %arg19[%get3A_165, %get3A_166] {strides = array<i32>} : memref<128x64xf32, #tpu.memory_space<vmem>>, vector<1x16xf32>,
        %get3A_168 = vector.shape_cast %get3A_167 : vector<1x16xf32> to vector<16xf32>
        %sub3A_169 = arith.subf %add3A_164, %get3A_168 : vector<16xf32>
        %get3A_170 = arith.index_cast %add3A_121 : i32 to index
        %get3A_171 = arith.constant 16 : index
        %get3A_172 = tpu.vector_load %arg20[%get3A_170, %get3A_171] {strides = array<i32>} : memref<128x64xf32, #tpu.memory_space<vmem>>, vector<1x16xf32>,
        %get3A_173 = vector.shape_cast %get3A_172 : vector<1x16xf32> to vector<16xf32>
        %get3A_174 = arith.index_cast %add3A_121 : i32 to index
        %get3A_175 = arith.constant 16 : index
        %get3A_176 = tpu.vector_load %arg21[%get3A_174, %get3A_175] {strides = array<i32>} : memref<128x64xf32, #tpu.memory_space<vmem>>, vector<1x16xf32>,
        %get3A_177 = vector.shape_cast %get3A_176 : vector<1x16xf32> to vector<16xf32>
        %add3A_178 = arith.addf %get3A_173, %get3A_177 : vector<16xf32>
        %get3A_179 = arith.index_cast %add3A_121 : i32 to index
        %get3A_180 = arith.constant 16 : index
        %get3A_181 = tpu.vector_load %arg22[%get3A_179, %get3A_180] {strides = array<i32>} : memref<128x64xf32, #tpu.memory_space<vmem>>, vector<1x16xf32>,
        %get3A_182 = vector.shape_cast %get3A_181 : vector<1x16xf32> to vector<16xf32>
        %sub3A_183 = arith.subf %add3A_178, %get3A_182 : vector<16xf32>
        %mul3A_184 = arith.mulf %sub3A_169, %sub3A_169 : vector<16xf32>
        %add3A_185 = arith.addf %add3A_153, %mul3A_184 : vector<16xf32>
        %mul3A_186 = arith.mulf %sub3A_183, %sub3A_183 : vector<16xf32>
        %add3A_187 = arith.addf %add3A_155, %mul3A_186 : vector<16xf32>
        %get3A_188 = arith.index_cast %add3A_121 : i32 to index
        %get3A_189 = arith.constant 32 : index
        %get3A_190 = tpu.vector_load %arg17[%get3A_188, %get3A_189] {strides = array<i32>} : memref<128x64xf32, #tpu.memory_space<vmem>>, vector<1x16xf32>,
        %get3A_191 = vector.shape_cast %get3A_190 : vector<1x16xf32> to vector<16xf32>
        %get3A_192 = arith.index_cast %add3A_121 : i32 to index
        %get3A_193 = arith.constant 32 : index
        %get3A_194 = tpu.vector_load %arg18[%get3A_192, %get3A_193] {strides = array<i32>} : memref<128x64xf32, #tpu.memory_space<vmem>>, vector<1x16xf32>,
        %get3A_195 = vector.shape_cast %get3A_194 : vector<1x16xf32> to vector<16xf32>
        %add3A_196 = arith.addf %get3A_191, %get3A_195 : vector<16xf32>
        %get3A_197 = arith.index_cast %add3A_121 : i32 to index
        %get3A_198 = arith.constant 32 : index
        %get3A_199 = tpu.vector_load %arg19[%get3A_197, %get3A_198] {strides = array<i32>} : memref<128x64xf32, #tpu.memory_space<vmem>>, vector<1x16xf32>,
        %get3A_200 = vector.shape_cast %get3A_199 : vector<1x16xf32> to vector<16xf32>
        %sub3A_201 = arith.subf %add3A_196, %get3A_200 : vector<16xf32>
        %get3A_202 = arith.index_cast %add3A_121 : i32 to index
        %get3A_203 = arith.constant 32 : index
        %get3A_204 = tpu.vector_load %arg20[%get3A_202, %get3A_203] {strides = array<i32>} : memref<128x64xf32, #tpu.memory_space<vmem>>, vector<1x16xf32>,
        %get3A_205 = vector.shape_cast %get3A_204 : vector<1x16xf32> to vector<16xf32>
        %get3A_206 = arith.index_cast %add3A_121 : i32 to index
        %get3A_207 = arith.constant 32 : index
        %get3A_208 = tpu.vector_load %arg21[%get3A_206, %get3A_207] {strides = array<i32>} : memref<128x64xf32, #tpu.memory_space<vmem>>, vector<1x16xf32>,
        %get3A_209 = vector.shape_cast %get3A_208 : vector<1x16xf32> to vector<16xf32>
        %add3A_210 = arith.addf %get3A_205, %get3A_209 : vector<16xf32>
        %get3A_211 = arith.index_cast %add3A_121 : i32 to index
        %get3A_212 = arith.constant 32 : index
        %get3A_213 = tpu.vector_load %arg22[%get3A_211, %get3A_212] {strides = array<i32>} : memref<128x64xf32, #tpu.memory_space<vmem>>, vector<1x16xf32>,
        %get3A_214 = vector.shape_cast %get3A_213 : vector<1x16xf32> to vector<16xf32>
        %sub3A_215 = arith.subf %add3A_210, %get3A_214 : vector<16xf32>
        %mul3A_216 = arith.mulf %sub3A_201, %sub3A_201 : vector<16xf32>
        %add3A_217 = arith.addf %add3A_185, %mul3A_216 : vector<16xf32>
        %mul3A_218 = arith.mulf %sub3A_215, %sub3A_215 : vector<16xf32>
        %add3A_219 = arith.addf %add3A_187, %mul3A_218 : vector<16xf32>
        %get3A_220 = arith.index_cast %add3A_121 : i32 to index
        %get3A_221 = arith.constant 48 : index
        %get3A_222 = tpu.vector_load %arg17[%get3A_220, %get3A_221] {strides = array<i32>} : memref<128x64xf32, #tpu.memory_space<vmem>>, vector<1x16xf32>,
        %get3A_223 = vector.shape_cast %get3A_222 : vector<1x16xf32> to vector<16xf32>
        %get3A_224 = arith.index_cast %add3A_121 : i32 to index
        %get3A_225 = arith.constant 48 : index
        %get3A_226 = tpu.vector_load %arg18[%get3A_224, %get3A_225] {strides = array<i32>} : memref<128x64xf32, #tpu.memory_space<vmem>>, vector<1x16xf32>,
        %get3A_227 = vector.shape_cast %get3A_226 : vector<1x16xf32> to vector<16xf32>
        %add3A_228 = arith.addf %get3A_223, %get3A_227 : vector<16xf32>
        %get3A_229 = arith.index_cast %add3A_121 : i32 to index
        %get3A_230 = arith.constant 48 : index
        %get3A_231 = tpu.vector_load %arg19[%get3A_229, %get3A_230] {strides = array<i32>} : memref<128x64xf32, #tpu.memory_space<vmem>>, vector<1x16xf32>,
        %get3A_232 = vector.shape_cast %get3A_231 : vector<1x16xf32> to vector<16xf32>
        %sub3A_233 = arith.subf %add3A_228, %get3A_232 : vector<16xf32>
        %get3A_234 = arith.index_cast %add3A_121 : i32 to index
        %get3A_235 = arith.constant 48 : index
        %get3A_236 = tpu.vector_load %arg20[%get3A_234, %get3A_235] {strides = array<i32>} : memref<128x64xf32, #tpu.memory_space<vmem>>, vector<1x16xf32>,
        %get3A_237 = vector.shape_cast %get3A_236 : vector<1x16xf32> to vector<16xf32>
        %get3A_238 = arith.index_cast %add3A_121 : i32 to index
        %get3A_239 = arith.constant 48 : index
        %get3A_240 = tpu.vector_load %arg21[%get3A_238, %get3A_239] {strides = array<i32>} : memref<128x64xf32, #tpu.memory_space<vmem>>, vector<1x16xf32>,
        %get3A_241 = vector.shape_cast %get3A_240 : vector<1x16xf32> to vector<16xf32>
        %add3A_242 = arith.addf %get3A_237, %get3A_241 : vector<16xf32>
        %get3A_243 = arith.index_cast %add3A_121 : i32 to index
        %get3A_244 = arith.constant 48 : index
        %get3A_245 = tpu.vector_load %arg22[%get3A_243, %get3A_244] {strides = array<i32>} : memref<128x64xf32, #tpu.memory_space<vmem>>, vector<1x16xf32>,
        %get3A_246 = vector.shape_cast %get3A_245 : vector<1x16xf32> to vector<16xf32>
        %sub3A_247 = arith.subf %add3A_242, %get3A_246 : vector<16xf32>
        %mul3A_248 = arith.mulf %sub3A_233, %sub3A_233 : vector<16xf32>
        %add3A_249 = arith.addf %add3A_217, %mul3A_248 : vector<16xf32>
        %mul3A_250 = arith.mulf %sub3A_247, %sub3A_247 : vector<16xf32>
        %add3A_251 = arith.addf %add3A_219, %mul3A_250 : vector<16xf32>
        %eq3A = arith.constant 0 : i32
        %eq3A_252 = vector.broadcast %eq3A : i32 to vector<16xi32>
        %eq3A_253 = arith.cmpi eq, %iota3A, %eq3A_252 : vector<16xi32>
        %swap3A_254 = arith.constant 0 : index
        %swap3A_255 = tpu.vector_load %arg23[%swap3A_254] {strides = array<i32>} : memref<32xf32, #tpu.memory_space<vmem>>, vector<16xf32>,
        %swap3A_256 = vector.shape_cast %swap3A_255 : vector<16xf32> to vector<16xf32>
        %swap3A_257 = vector.shape_cast %add3A_249 : vector<16xf32> to vector<16xf32>
        tpu.vector_store %arg23[%swap3A_254], %swap3A_257 {strides = array<i32>} : memref<32xf32, #tpu.memory_space<vmem>>, vector<16xf32>,
        %get3A_258 = arith.constant 8 : index
        %get3A_259 = tpu.vector_load %arg23[%get3A_258] {strides = array<i32>} : memref<32xf32, #tpu.memory_space<vmem>>, vector<16xf32>,
        %get3A_260 = vector.shape_cast %get3A_259 : vector<16xf32> to vector<16xf32>
        %add3A_261 = arith.addf %add3A_249, %get3A_260 : vector<16xf32>
        %swap3A_262 = arith.constant 0 : index
        %swap3A_263 = tpu.vector_load %arg23[%swap3A_262] {strides = array<i32>} : memref<32xf32, #tpu.memory_space<vmem>>, vector<16xf32>,
        %swap3A_264 = vector.shape_cast %swap3A_263 : vector<16xf32> to vector<16xf32>
        %swap3A_265 = vector.shape_cast %add3A_261 : vector<16xf32> to vector<16xf32>
        tpu.vector_store %arg23[%swap3A_262], %swap3A_265 {strides = array<i32>} : memref<32xf32, #tpu.memory_space<vmem>>, vector<16xf32>,
        %get3A_266 = arith.constant 4 : index
        %get3A_267 = tpu.vector_load %arg23[%get3A_266] {strides = array<i32>} : memref<32xf32, #tpu.memory_space<vmem>>, vector<16xf32>,
        %get3A_268 = vector.shape_cast %get3A_267 : vector<16xf32> to vector<16xf32>
        %add3A_269 = arith.addf %add3A_261, %get3A_268 : vector<16xf32>
        %swap3A_270 = arith.constant 0 : index
        %swap3A_271 = tpu.vector_load %arg23[%swap3A_270] {strides = array<i32>} : memref<32xf32, #tpu.memory_space<vmem>>, vector<16xf32>,
        %swap3A_272 = vector.shape_cast %swap3A_271 : vector<16xf32> to vector<16xf32>
        %swap3A_273 = vector.shape_cast %add3A_269 : vector<16xf32> to vector<16xf32>
        tpu.vector_store %arg23[%swap3A_270], %swap3A_273 {strides = array<i32>} : memref<32xf32, #tpu.memory_space<vmem>>, vector<16xf32>,
        %get3A_274 = arith.constant 2 : index
        %get3A_275 = tpu.vector_load %arg23[%get3A_274] {strides = array<i32>} : memref<32xf32, #tpu.memory_space<vmem>>, vector<16xf32>,
        %get3A_276 = vector.shape_cast %get3A_275 : vector<16xf32> to vector<16xf32>
        %add3A_277 = arith.addf %add3A_269, %get3A_276 : vector<16xf32>
        %swap3A_278 = arith.constant 0 : index
        %swap3A_279 = tpu.vector_load %arg23[%swap3A_278] {strides = array<i32>} : memref<32xf32, #tpu.memory_space<vmem>>, vector<16xf32>,
        %swap3A_280 = vector.shape_cast %swap3A_279 : vector<16xf32> to vector<16xf32>
        %swap3A_281 = vector.shape_cast %add3A_277 : vector<16xf32> to vector<16xf32>
        tpu.vector_store %arg23[%swap3A_278], %swap3A_281 {strides = array<i32>} : memref<32xf32, #tpu.memory_space<vmem>>, vector<16xf32>,
        %get3A_282 = arith.constant 1 : index
        %get3A_283 = tpu.vector_load %arg23[%get3A_282] {strides = array<i32>} : memref<32xf32, #tpu.memory_space<vmem>>, vector<16xf32>,
        %get3A_284 = vector.shape_cast %get3A_283 : vector<16xf32> to vector<16xf32>
        %add3A_285 = arith.addf %add3A_277, %get3A_284 : vector<16xf32>
        %slice3A = vector.extract_strided_slice %add3A_285 {offsets = [0], sizes = [1], strides = [1]} : vector<16xf32> to vector<1xf32>
        %squeeze3A = vector.extract %slice3A[0] : f32 from vector<1xf32>
        %broadcast_in_dim3A_286 = vector.broadcast %squeeze3A : f32 to vector<16xf32>
        %select_n3A = arith.select %eq3A_253, %broadcast_in_dim3A_286, %broadcast_in_dim3A_115 : vector<16xi1>, vector<16xf32>
        %swap3A_287 = arith.constant 0 : index
        %swap3A_288 = tpu.vector_load %arg24[%swap3A_287] {strides = array<i32>} : memref<32xf32, #tpu.memory_space<vmem>>, vector<16xf32>,
        %swap3A_289 = vector.shape_cast %swap3A_288 : vector<16xf32> to vector<16xf32>
        %swap3A_290 = vector.shape_cast %add3A_251 : vector<16xf32> to vector<16xf32>
        tpu.vector_store %arg24[%swap3A_287], %swap3A_290 {strides = array<i32>} : memref<32xf32, #tpu.memory_space<vmem>>, vector<16xf32>,
        %get3A_291 = arith.constant 8 : index
        %get3A_292 = tpu.vector_load %arg24[%get3A_291] {strides = array<i32>} : memref<32xf32, #tpu.memory_space<vmem>>, vector<16xf32>,
        %get3A_293 = vector.shape_cast %get3A_292 : vector<16xf32> to vector<16xf32>
        %add3A_294 = arith.addf %add3A_251, %get3A_293 : vector<16xf32>
        %swap3A_295 = arith.constant 0 : index
        %swap3A_296 = tpu.vector_load %arg24[%swap3A_295] {strides = array<i32>} : memref<32xf32, #tpu.memory_space<vmem>>, vector<16xf32>,
        %swap3A_297 = vector.shape_cast %swap3A_296 : vector<16xf32> to vector<16xf32>
        %swap3A_298 = vector.shape_cast %add3A_294 : vector<16xf32> to vector<16xf32>
        tpu.vector_store %arg24[%swap3A_295], %swap3A_298 {strides = array<i32>} : memref<32xf32, #tpu.memory_space<vmem>>, vector<16xf32>,
        %get3A_299 = arith.constant 4 : index
        %get3A_300 = tpu.vector_load %arg24[%get3A_299] {strides = array<i32>} : memref<32xf32, #tpu.memory_space<vmem>>, vector<16xf32>,
        %get3A_301 = vector.shape_cast %get3A_300 : vector<16xf32> to vector<16xf32>
        %add3A_302 = arith.addf %add3A_294, %get3A_301 : vector<16xf32>
        %swap3A_303 = arith.constant 0 : index
        %swap3A_304 = tpu.vector_load %arg24[%swap3A_303] {strides = array<i32>} : memref<32xf32, #tpu.memory_space<vmem>>, vector<16xf32>,
        %swap3A_305 = vector.shape_cast %swap3A_304 : vector<16xf32> to vector<16xf32>
        %swap3A_306 = vector.shape_cast %add3A_302 : vector<16xf32> to vector<16xf32>
        tpu.vector_store %arg24[%swap3A_303], %swap3A_306 {strides = array<i32>} : memref<32xf32, #tpu.memory_space<vmem>>, vector<16xf32>,
        %get3A_307 = arith.constant 2 : index
        %get3A_308 = tpu.vector_load %arg24[%get3A_307] {strides = array<i32>} : memref<32xf32, #tpu.memory_space<vmem>>, vector<16xf32>,
        %get3A_309 = vector.shape_cast %get3A_308 : vector<16xf32> to vector<16xf32>
        %add3A_310 = arith.addf %add3A_302, %get3A_309 : vector<16xf32>
        %swap3A_311 = arith.constant 0 : index
        %swap3A_312 = tpu.vector_load %arg24[%swap3A_311] {strides = array<i32>} : memref<32xf32, #tpu.memory_space<vmem>>, vector<16xf32>,
        %swap3A_313 = vector.shape_cast %swap3A_312 : vector<16xf32> to vector<16xf32>
        %swap3A_314 = vector.shape_cast %add3A_310 : vector<16xf32> to vector<16xf32>
        tpu.vector_store %arg24[%swap3A_311], %swap3A_314 {strides = array<i32>} : memref<32xf32, #tpu.memory_space<vmem>>, vector<16xf32>,
        %get3A_315 = arith.constant 1 : index
        %get3A_316 = tpu.vector_load %arg24[%get3A_315] {strides = array<i32>} : memref<32xf32, #tpu.memory_space<vmem>>, vector<16xf32>,
        %get3A_317 = vector.shape_cast %get3A_316 : vector<16xf32> to vector<16xf32>
        %add3A_318 = arith.addf %add3A_310, %get3A_317 : vector<16xf32>
        %slice3A_319 = vector.extract_strided_slice %add3A_318 {offsets = [0], sizes = [1], strides = [1]} : vector<16xf32> to vector<1xf32>
        %squeeze3A_320 = vector.extract %slice3A_319[0] : f32 from vector<1xf32>
        %broadcast_in_dim3A_321 = vector.broadcast %squeeze3A_320 : f32 to vector<16xf32>
        %select_n3A_322 = arith.select %eq3A_253, %broadcast_in_dim3A_321, %broadcast_in_dim3A_117 : vector<16xi1>, vector<16xf32>
        %mul3A_323 = arith.constant 16 : i32
        %mul3A_324 = arith.muli %scan3A_112, %mul3A_323 : i32
        %add3A_325 = arith.constant 1 : i32
        %add3A_326 = arith.addi %mul3A_324, %add3A_325 : i32
        %broadcast_in_dim3A_327 = arith.constant 0.000000e+00 : f32
        %broadcast_in_dim3A_328 = vector.broadcast %broadcast_in_dim3A_327 : f32 to vector<16xf32>
        %broadcast_in_dim3A_329 = arith.constant 0.000000e+00 : f32
        %broadcast_in_dim3A_330 = vector.broadcast %broadcast_in_dim3A_329 : f32 to vector<16xf32>
        %get3A_331 = arith.index_cast %add3A_326 : i32 to index
        %get3A_332 = arith.constant 0 : index
        %get3A_333 = tpu.vector_load %arg17[%get3A_331, %get3A_332] {strides = array<i32>} : memref<128x64xf32, #tpu.memory_space<vmem>>, vector<1x16xf32>,
        %get3A_334 = vector.shape_cast %get3A_333 : vector<1x16xf32> to vector<16xf32>
        %get3A_335 = arith.index_cast %add3A_326 : i32 to index
        %get3A_336 = arith.constant 0 : index
        %get3A_337 = tpu.vector_load %arg18[%get3A_335, %get3A_336] {strides = array<i32>} : memref<128x64xf32, #tpu.memory_space<vmem>>, vector<1x16xf32>,
        %get3A_338 = vector.shape_cast %get3A_337 : vector<1x16xf32> to vector<16xf32>
        %add3A_339 = arith.addf %get3A_334, %get3A_338 : vector<16xf32>
        %get3A_340 = arith.index_cast %add3A_326 : i32 to index
        %get3A_341 = arith.constant 0 : index
        %get3A_342 = tpu.vector_load %arg19[%get3A_340, %get3A_341] {strides = array<i32>} : memref<128x64xf32, #tpu.memory_space<vmem>>, vector<1x16xf32>,
        %get3A_343 = vector.shape_cast %get3A_342 : vector<1x16xf32> to vector<16xf32>
        %sub3A_344 = arith.subf %add3A_339, %get3A_343 : vector<16xf32>
        %get3A_345 = arith.index_cast %add3A_326 : i32 to index
        %get3A_346 = arith.constant 0 : index
        %get3A_347 = tpu.vector_load %arg20[%get3A_345, %get3A_346] {strides = array<i32>} : memref<128x64xf32, #tpu.memory_space<vmem>>, vector<1x16xf32>,
        %get3A_348 = vector.shape_cast %get3A_347 : vector<1x16xf32> to vector<16xf32>
        %get3A_349 = arith.index_cast %add3A_326 : i32 to index
        %get3A_350 = arith.constant 0 : index
        %get3A_351 = tpu.vector_load %arg21[%get3A_349, %get3A_350] {strides = array<i32>} : memref<128x64xf32, #tpu.memory_space<vmem>>, vector<1x16xf32>,
        %get3A_352 = vector.shape_cast %get3A_351 : vector<1x16xf32> to vector<16xf32>
        %add3A_353 = arith.addf %get3A_348, %get3A_352 : vector<16xf32>
        %get3A_354 = arith.index_cast %add3A_326 : i32 to index
        %get3A_355 = arith.constant 0 : index
        %get3A_356 = tpu.vector_load %arg22[%get3A_354, %get3A_355] {strides = array<i32>} : memref<128x64xf32, #tpu.memory_space<vmem>>, vector<1x16xf32>,
        %get3A_357 = vector.shape_cast %get3A_356 : vector<1x16xf32> to vector<16xf32>
        %sub3A_358 = arith.subf %add3A_353, %get3A_357 : vector<16xf32>
        %mul3A_359 = arith.mulf %sub3A_344, %sub3A_344 : vector<16xf32>
        %add3A_360 = arith.addf %broadcast_in_dim3A_328, %mul3A_359 : vector<16xf32>
        %mul3A_361 = arith.mulf %sub3A_358, %sub3A_358 : vector<16xf32>
        %add3A_362 = arith.addf %broadcast_in_dim3A_330, %mul3A_361 : vector<16xf32>
        %get3A_363 = arith.index_cast %add3A_326 : i32 to index
        %get3A_364 = arith.constant 16 : index
        %get3A_365 = tpu.vector_load %arg17[%get3A_363, %get3A_364] {strides = array<i32>} : memref<128x64xf32, #tpu.memory_space<vmem>>, vector<1x16xf32>,
        %get3A_366 = vector.shape_cast %get3A_365 : vector<1x16xf32> to vector<16xf32>
        %get3A_367 = arith.index_cast %add3A_326 : i32 to index
        %get3A_368 = arith.constant 16 : index
        %get3A_369 = tpu.vector_load %arg18[%get3A_367, %get3A_368] {strides = array<i32>} : memref<128x64xf32, #tpu.memory_space<vmem>>, vector<1x16xf32>,
        %get3A_370 = vector.shape_cast %get3A_369 : vector<1x16xf32> to vector<16xf32>
        %add3A_371 = arith.addf %get3A_366, %get3A_370 : vector<16xf32>
        %get3A_372 = arith.index_cast %add3A_326 : i32 to index
        %get3A_373 = arith.constant 16 : index
        %get3A_374 = tpu.vector_load %arg19[%get3A_372, %get3A_373] {strides = array<i32>} : memref<128x64xf32, #tpu.memory_space<vmem>>, vector<1x16xf32>,
        %get3A_375 = vector.shape_cast %get3A_374 : vector<1x16xf32> to vector<16xf32>
        %sub3A_376 = arith.subf %add3A_371, %get3A_375 : vector<16xf32>
        %get3A_377 = arith.index_cast %add3A_326 : i32 to index
        %get3A_378 = arith.constant 16 : index
        %get3A_379 = tpu.vector_load %arg20[%get3A_377, %get3A_378] {strides = array<i32>} : memref<128x64xf32, #tpu.memory_space<vmem>>, vector<1x16xf32>,
        %get3A_380 = vector.shape_cast %get3A_379 : vector<1x16xf32> to vector<16xf32>
        %get3A_381 = arith.index_cast %add3A_326 : i32 to index
        %get3A_382 = arith.constant 16 : index
        %get3A_383 = tpu.vector_load %arg21[%get3A_381, %get3A_382] {strides = array<i32>} : memref<128x64xf32, #tpu.memory_space<vmem>>, vector<1x16xf32>,
        %get3A_384 = vector.shape_cast %get3A_383 : vector<1x16xf32> to vector<16xf32>
        %add3A_385 = arith.addf %get3A_380, %get3A_384 : vector<16xf32>
        %get3A_386 = arith.index_cast %add3A_326 : i32 to index
        %get3A_387 = arith.constant 16 : index
        %get3A_388 = tpu.vector_load %arg22[%get3A_386, %get3A_387] {strides = array<i32>} : memref<128x64xf32, #tpu.memory_space<vmem>>, vector<1x16xf32>,
        %get3A_389 = vector.shape_cast %get3A_388 : vector<1x16xf32> to vector<16xf32>
        %sub3A_390 = arith.subf %add3A_385, %get3A_389 : vector<16xf32>
        %mul3A_391 = arith.mulf %sub3A_376, %sub3A_376 : vector<16xf32>
        %add3A_392 = arith.addf %add3A_360, %mul3A_391 : vector<16xf32>
        %mul3A_393 = arith.mulf %sub3A_390, %sub3A_390 : vector<16xf32>
        %add3A_394 = arith.addf %add3A_362, %mul3A_393 : vector<16xf32>
        %get3A_395 = arith.index_cast %add3A_326 : i32 to index
        %get3A_396 = arith.constant 32 : index
        %get3A_397 = tpu.vector_load %arg17[%get3A_395, %get3A_396] {strides = array<i32>} : memref<128x64xf32, #tpu.memory_space<vmem>>, vector<1x16xf32>,
        %get3A_398 = vector.shape_cast %get3A_397 : vector<1x16xf32> to vector<16xf32>
        %get3A_399 = arith.index_cast %add3A_326 : i32 to index
        %get3A_400 = arith.constant 32 : index
        %get3A_401 = tpu.vector_load %arg18[%get3A_399, %get3A_400] {strides = array<i32>} : memref<128x64xf32, #tpu.memory_space<vmem>>, vector<1x16xf32>,
        %get3A_402 = vector.shape_cast %get3A_401 : vector<1x16xf32> to vector<16xf32>
        %add3A_403 = arith.addf %get3A_398, %get3A_402 : vector<16xf32>
        %get3A_404 = arith.index_cast %add3A_326 : i32 to index
        %get3A_405 = arith.constant 32 : index
        %get3A_406 = tpu.vector_load %arg19[%get3A_404, %get3A_405] {strides = array<i32>} : memref<128x64xf32, #tpu.memory_space<vmem>>, vector<1x16xf32>,
        %get3A_407 = vector.shape_cast %get3A_406 : vector<1x16xf32> to vector<16xf32>
        %sub3A_408 = arith.subf %add3A_403, %get3A_407 : vector<16xf32>
        %get3A_409 = arith.index_cast %add3A_326 : i32 to index
        %get3A_410 = arith.constant 32 : index
        %get3A_411 = tpu.vector_load %arg20[%get3A_409, %get3A_410] {strides = array<i32>} : memref<128x64xf32, #tpu.memory_space<vmem>>, vector<1x16xf32>,
        %get3A_412 = vector.shape_cast %get3A_411 : vector<1x16xf32> to vector<16xf32>
        %get3A_413 = arith.index_cast %add3A_326 : i32 to index
        %get3A_414 = arith.constant 32 : index
        %get3A_415 = tpu.vector_load %arg21[%get3A_413, %get3A_414] {strides = array<i32>} : memref<128x64xf32, #tpu.memory_space<vmem>>, vector<1x16xf32>,
        %get3A_416 = vector.shape_cast %get3A_415 : vector<1x16xf32> to vector<16xf32>
        %add3A_417 = arith.addf %get3A_412, %get3A_416 : vector<16xf32>
        %get3A_418 = arith.index_cast %add3A_326 : i32 to index
        %get3A_419 = arith.constant 32 : index
        %get3A_420 = tpu.vector_load %arg22[%get3A_418, %get3A_419] {strides = array<i32>} : memref<128x64xf32, #tpu.memory_space<vmem>>, vector<1x16xf32>,
        %get3A_421 = vector.shape_cast %get3A_420 : vector<1x16xf32> to vector<16xf32>
        %sub3A_422 = arith.subf %add3A_417, %get3A_421 : vector<16xf32>
        %mul3A_423 = arith.mulf %sub3A_408, %sub3A_408 : vector<16xf32>
        %add3A_424 = arith.addf %add3A_392, %mul3A_423 : vector<16xf32>
        %mul3A_425 = arith.mulf %sub3A_422, %sub3A_422 : vector<16xf32>
        %add3A_426 = arith.addf %add3A_394, %mul3A_425 : vector<16xf32>
        %get3A_427 = arith.index_cast %add3A_326 : i32 to index
        %get3A_428 = arith.constant 48 : index
        %get3A_429 = tpu.vector_load %arg17[%get3A_427, %get3A_428] {strides = array<i32>} : memref<128x64xf32, #tpu.memory_space<vmem>>, vector<1x16xf32>,
        %get3A_430 = vector.shape_cast %get3A_429 : vector<1x16xf32> to vector<16xf32>
        %get3A_431 = arith.index_cast %add3A_326 : i32 to index
        %get3A_432 = arith.constant 48 : index
        %get3A_433 = tpu.vector_load %arg18[%get3A_431, %get3A_432] {strides = array<i32>} : memref<128x64xf32, #tpu.memory_space<vmem>>, vector<1x16xf32>,
        %get3A_434 = vector.shape_cast %get3A_433 : vector<1x16xf32> to vector<16xf32>
        %add3A_435 = arith.addf %get3A_430, %get3A_434 : vector<16xf32>
        %get3A_436 = arith.index_cast %add3A_326 : i32 to index
        %get3A_437 = arith.constant 48 : index
        %get3A_438 = tpu.vector_load %arg19[%get3A_436, %get3A_437] {strides = array<i32>} : memref<128x64xf32, #tpu.memory_space<vmem>>, vector<1x16xf32>,
        %get3A_439 = vector.shape_cast %get3A_438 : vector<1x16xf32> to vector<16xf32>
        %sub3A_440 = arith.subf %add3A_435, %get3A_439 : vector<16xf32>
        %get3A_441 = arith.index_cast %add3A_326 : i32 to index
        %get3A_442 = arith.constant 48 : index
        %get3A_443 = tpu.vector_load %arg20[%get3A_441, %get3A_442] {strides = array<i32>} : memref<128x64xf32, #tpu.memory_space<vmem>>, vector<1x16xf32>,
        %get3A_444 = vector.shape_cast %get3A_443 : vector<1x16xf32> to vector<16xf32>
        %get3A_445 = arith.index_cast %add3A_326 : i32 to index
        %get3A_446 = arith.constant 48 : index
        %get3A_447 = tpu.vector_load %arg21[%get3A_445, %get3A_446] {strides = array<i32>} : memref<128x64xf32, #tpu.memory_space<vmem>>, vector<1x16xf32>,
        %get3A_448 = vector.shape_cast %get3A_447 : vector<1x16xf32> to vector<16xf32>
        %add3A_449 = arith.addf %get3A_444, %get3A_448 : vector<16xf32>
        %get3A_450 = arith.index_cast %add3A_326 : i32 to index
        %get3A_451 = arith.constant 48 : index
        %get3A_452 = tpu.vector_load %arg22[%get3A_450, %get3A_451] {strides = array<i32>} : memref<128x64xf32, #tpu.memory_space<vmem>>, vector<1x16xf32>,
        %get3A_453 = vector.shape_cast %get3A_452 : vector<1x16xf32> to vector<16xf32>
        %sub3A_454 = arith.subf %add3A_449, %get3A_453 : vector<16xf32>
        %mul3A_455 = arith.mulf %sub3A_440, %sub3A_440 : vector<16xf32>
        %add3A_456 = arith.addf %add3A_424, %mul3A_455 : vector<16xf32>
        %mul3A_457 = arith.mulf %sub3A_454, %sub3A_454 : vector<16xf32>
        %add3A_458 = arith.addf %add3A_426, %mul3A_457 : vector<16xf32>
        %eq3A_459 = arith.constant 1 : i32
        %eq3A_460 = vector.broadcast %eq3A_459 : i32 to vector<16xi32>
        %eq3A_461 = arith.cmpi eq, %iota3A, %eq3A_460 : vector<16xi32>
        %swap3A_462 = arith.constant 0 : index
        %swap3A_463 = tpu.vector_load %arg23[%swap3A_462] {strides = array<i32>} : memref<32xf32, #tpu.memory_space<vmem>>, vector<16xf32>,
        %swap3A_464 = vector.shape_cast %swap3A_463 : vector<16xf32> to vector<16xf32>
        %swap3A_465 = vector.shape_cast %add3A_456 : vector<16xf32> to vector<16xf32>
        tpu.vector_store %arg23[%swap3A_462], %swap3A_465 {strides = array<i32>} : memref<32xf32, #tpu.memory_space<vmem>>, vector<16xf32>,
        %get3A_466 = arith.constant 8 : index
        %get3A_467 = tpu.vector_load %arg23[%get3A_466] {strides = array<i32>} : memref<32xf32, #tpu.memory_space<vmem>>, vector<16xf32>,
        %get3A_468 = vector.shape_cast %get3A_467 : vector<16xf32> to vector<16xf32>
        %add3A_469 = arith.addf %add3A_456, %get3A_468 : vector<16xf32>
        %swap3A_470 = arith.constant 0 : index
        %swap3A_471 = tpu.vector_load %arg23[%swap3A_470] {strides = array<i32>} : memref<32xf32, #tpu.memory_space<vmem>>, vector<16xf32>,
        %swap3A_472 = vector.shape_cast %swap3A_471 : vector<16xf32> to vector<16xf32>
        %swap3A_473 = vector.shape_cast %add3A_469 : vector<16xf32> to vector<16xf32>
        tpu.vector_store %arg23[%swap3A_470], %swap3A_473 {strides = array<i32>} : memref<32xf32, #tpu.memory_space<vmem>>, vector<16xf32>,
        %get3A_474 = arith.constant 4 : index
        %get3A_475 = tpu.vector_load %arg23[%get3A_474] {strides = array<i32>} : memref<32xf32, #tpu.memory_space<vmem>>, vector<16xf32>,
        %get3A_476 = vector.shape_cast %get3A_475 : vector<16xf32> to vector<16xf32>
        %add3A_477 = arith.addf %add3A_469, %get3A_476 : vector<16xf32>
        %swap3A_478 = arith.constant 0 : index
        %swap3A_479 = tpu.vector_load %arg23[%swap3A_478] {strides = array<i32>} : memref<32xf32, #tpu.memory_space<vmem>>, vector<16xf32>,
        %swap3A_480 = vector.shape_cast %swap3A_479 : vector<16xf32> to vector<16xf32>
        %swap3A_481 = vector.shape_cast %add3A_477 : vector<16xf32> to vector<16xf32>
        tpu.vector_store %arg23[%swap3A_478], %swap3A_481 {strides = array<i32>} : memref<32xf32, #tpu.memory_space<vmem>>, vector<16xf32>,
        %get3A_482 = arith.constant 2 : index
        %get3A_483 = tpu.vector_load %arg23[%get3A_482] {strides = array<i32>} : memref<32xf32, #tpu.memory_space<vmem>>, vector<16xf32>,
        %get3A_484 = vector.shape_cast %get3A_483 : vector<16xf32> to vector<16xf32>
        %add3A_485 = arith.addf %add3A_477, %get3A_484 : vector<16xf32>
        %swap3A_486 = arith.constant 0 : index
        %swap3A_487 = tpu.vector_load %arg23[%swap3A_486] {strides = array<i32>} : memref<32xf32, #tpu.memory_space<vmem>>, vector<16xf32>,
        %swap3A_488 = vector.shape_cast %swap3A_487 : vector<16xf32> to vector<16xf32>
        %swap3A_489 = vector.shape_cast %add3A_485 : vector<16xf32> to vector<16xf32>
        tpu.vector_store %arg23[%swap3A_486], %swap3A_489 {strides = array<i32>} : memref<32xf32, #tpu.memory_space<vmem>>, vector<16xf32>,
        %get3A_490 = arith.constant 1 : index
        %get3A_491 = tpu.vector_load %arg23[%get3A_490] {strides = array<i32>} : memref<32xf32, #tpu.memory_space<vmem>>, vector<16xf32>,
        %get3A_492 = vector.shape_cast %get3A_491 : vector<16xf32> to vector<16xf32>
        %add3A_493 = arith.addf %add3A_485, %get3A_492 : vector<16xf32>
        %slice3A_494 = vector.extract_strided_slice %add3A_493 {offsets = [0], sizes = [1], strides = [1]} : vector<16xf32> to vector<1xf32>
        %squeeze3A_495 = vector.extract %slice3A_494[0] : f32 from vector<1xf32>
        %broadcast_in_dim3A_496 = vector.broadcast %squeeze3A_495 : f32 to vector<16xf32>
        %select_n3A_497 = arith.select %eq3A_461, %broadcast_in_dim3A_496, %select_n3A : vector<16xi1>, vector<16xf32>
        %swap3A_498 = arith.constant 0 : index
        %swap3A_499 = tpu.vector_load %arg24[%swap3A_498] {strides = array<i32>} : memref<32xf32, #tpu.memory_space<vmem>>, vector<16xf32>,
        %swap3A_500 = vector.shape_cast %swap3A_499 : vector<16xf32> to vector<16xf32>
        %swap3A_501 = vector.shape_cast %add3A_458 : vector<16xf32> to vector<16xf32>
        tpu.vector_store %arg24[%swap3A_498], %swap3A_501 {strides = array<i32>} : memref<32xf32, #tpu.memory_space<vmem>>, vector<16xf32>,
        %get3A_502 = arith.constant 8 : index
        %get3A_503 = tpu.vector_load %arg24[%get3A_502] {strides = array<i32>} : memref<32xf32, #tpu.memory_space<vmem>>, vector<16xf32>,
        %get3A_504 = vector.shape_cast %get3A_503 : vector<16xf32> to vector<16xf32>
        %add3A_505 = arith.addf %add3A_458, %get3A_504 : vector<16xf32>
        %swap3A_506 = arith.constant 0 : index
        %swap3A_507 = tpu.vector_load %arg24[%swap3A_506] {strides = array<i32>} : memref<32xf32, #tpu.memory_space<vmem>>, vector<16xf32>,
        %swap3A_508 = vector.shape_cast %swap3A_507 : vector<16xf32> to vector<16xf32>
        %swap3A_509 = vector.shape_cast %add3A_505 : vector<16xf32> to vector<16xf32>
        tpu.vector_store %arg24[%swap3A_506], %swap3A_509 {strides = array<i32>} : memref<32xf32, #tpu.memory_space<vmem>>, vector<16xf32>,
        %get3A_510 = arith.constant 4 : index
        %get3A_511 = tpu.vector_load %arg24[%get3A_510] {strides = array<i32>} : memref<32xf32, #tpu.memory_space<vmem>>, vector<16xf32>,
        %get3A_512 = vector.shape_cast %get3A_511 : vector<16xf32> to vector<16xf32>
        %add3A_513 = arith.addf %add3A_505, %get3A_512 : vector<16xf32>
        %swap3A_514 = arith.constant 0 : index
        %swap3A_515 = tpu.vector_load %arg24[%swap3A_514] {strides = array<i32>} : memref<32xf32, #tpu.memory_space<vmem>>, vector<16xf32>,
        %swap3A_516 = vector.shape_cast %swap3A_515 : vector<16xf32> to vector<16xf32>
        %swap3A_517 = vector.shape_cast %add3A_513 : vector<16xf32> to vector<16xf32>
        tpu.vector_store %arg24[%swap3A_514], %swap3A_517 {strides = array<i32>} : memref<32xf32, #tpu.memory_space<vmem>>, vector<16xf32>,
        %get3A_518 = arith.constant 2 : index
        %get3A_519 = tpu.vector_load %arg24[%get3A_518] {strides = array<i32>} : memref<32xf32, #tpu.memory_space<vmem>>, vector<16xf32>,
        %get3A_520 = vector.shape_cast %get3A_519 : vector<16xf32> to vector<16xf32>
        %add3A_521 = arith.addf %add3A_513, %get3A_520 : vector<16xf32>
        %swap3A_522 = arith.constant 0 : index
        %swap3A_523 = tpu.vector_load %arg24[%swap3A_522] {strides = array<i32>} : memref<32xf32, #tpu.memory_space<vmem>>, vector<16xf32>,
        %swap3A_524 = vector.shape_cast %swap3A_523 : vector<16xf32> to vector<16xf32>
        %swap3A_525 = vector.shape_cast %add3A_521 : vector<16xf32> to vector<16xf32>
        tpu.vector_store %arg24[%swap3A_522], %swap3A_525 {strides = array<i32>} : memref<32xf32, #tpu.memory_space<vmem>>, vector<16xf32>,
        %get3A_526 = arith.constant 1 : index
        %get3A_527 = tpu.vector_load %arg24[%get3A_526] {strides = array<i32>} : memref<32xf32, #tpu.memory_space<vmem>>, vector<16xf32>,
        %get3A_528 = vector.shape_cast %get3A_527 : vector<16xf32> to vector<16xf32>
        %add3A_529 = arith.addf %add3A_521, %get3A_528 : vector<16xf32>
        %slice3A_530 = vector.extract_strided_slice %add3A_529 {offsets = [0], sizes = [1], strides = [1]} : vector<16xf32> to vector<1xf32>
        %squeeze3A_531 = vector.extract %slice3A_530[0] : f32 from vector<1xf32>
        %broadcast_in_dim3A_532 = vector.broadcast %squeeze3A_531 : f32 to vector<16xf32>
        %select_n3A_533 = arith.select %eq3A_461, %broadcast_in_dim3A_532, %select_n3A_322 : vector<16xi1>, vector<16xf32>
        %mul3A_534 = arith.constant 16 : i32
        %mul3A_535 = arith.muli %scan3A_112, %mul3A_534 : i32
        %add3A_536 = arith.constant 2 : i32
        %add3A_537 = arith.addi %mul3A_535, %add3A_536 : i32
        %broadcast_in_dim3A_538 = arith.constant 0.000000e+00 : f32
        %broadcast_in_dim3A_539 = vector.broadcast %broadcast_in_dim3A_538 : f32 to vector<16xf32>
        %broadcast_in_dim3A_540 = arith.constant 0.000000e+00 : f32
        %broadcast_in_dim3A_541 = vector.broadcast %broadcast_in_dim3A_540 : f32 to vector<16xf32>
        %get3A_542 = arith.index_cast %add3A_537 : i32 to index
        %get3A_543 = arith.constant 0 : index
        %get3A_544 = tpu.vector_load %arg17[%get3A_542, %get3A_543] {strides = array<i32>} : memref<128x64xf32, #tpu.memory_space<vmem>>, vector<1x16xf32>,
        %get3A_545 = vector.shape_cast %get3A_544 : vector<1x16xf32> to vector<16xf32>
        %get3A_546 = arith.index_cast %add3A_537 : i32 to index
        %get3A_547 = arith.constant 0 : index
        %get3A_548 = tpu.vector_load %arg18[%get3A_546, %get3A_547] {strides = array<i32>} : memref<128x64xf32, #tpu.memory_space<vmem>>, vector<1x16xf32>,
        %get3A_549 = vector.shape_cast %get3A_548 : vector<1x16xf32> to vector<16xf32>
        %add3A_550 = arith.addf %get3A_545, %get3A_549 : vector<16xf32>
        %get3A_551 = arith.index_cast %add3A_537 : i32 to index
        %get3A_552 = arith.constant 0 : index
        %get3A_553 = tpu.vector_load %arg19[%get3A_551, %get3A_552] {strides = array<i32>} : memref<128x64xf32, #tpu.memory_space<vmem>>, vector<1x16xf32>,
        %get3A_554 = vector.shape_cast %get3A_553 : vector<1x16xf32> to vector<16xf32>
        %sub3A_555 = arith.subf %add3A_550, %get3A_554 : vector<16xf32>
        %get3A_556 = arith.index_cast %add3A_537 : i32 to index
        %get3A_557 = arith.constant 0 : index
        %get3A_558 = tpu.vector_load %arg20[%get3A_556, %get3A_557] {strides = array<i32>} : memref<128x64xf32, #tpu.memory_space<vmem>>, vector<1x16xf32>,
        %get3A_559 = vector.shape_cast %get3A_558 : vector<1x16xf32> to vector<16xf32>
        %get3A_560 = arith.index_cast %add3A_537 : i32 to index
        %get3A_561 = arith.constant 0 : index
        %get3A_562 = tpu.vector_load %arg21[%get3A_560, %get3A_561] {strides = array<i32>} : memref<128x64xf32, #tpu.memory_space<vmem>>, vector<1x16xf32>,
        %get3A_563 = vector.shape_cast %get3A_562 : vector<1x16xf32> to vector<16xf32>
        %add3A_564 = arith.addf %get3A_559, %get3A_563 : vector<16xf32>
        %get3A_565 = arith.index_cast %add3A_537 : i32 to index
        %get3A_566 = arith.constant 0 : index
        %get3A_567 = tpu.vector_load %arg22[%get3A_565, %get3A_566] {strides = array<i32>} : memref<128x64xf32, #tpu.memory_space<vmem>>, vector<1x16xf32>,
        %get3A_568 = vector.shape_cast %get3A_567 : vector<1x16xf32> to vector<16xf32>
        %sub3A_569 = arith.subf %add3A_564, %get3A_568 : vector<16xf32>
        %mul3A_570 = arith.mulf %sub3A_555, %sub3A_555 : vector<16xf32>
        %add3A_571 = arith.addf %broadcast_in_dim3A_539, %mul3A_570 : vector<16xf32>
        %mul3A_572 = arith.mulf %sub3A_569, %sub3A_569 : vector<16xf32>
        %add3A_573 = arith.addf %broadcast_in_dim3A_541, %mul3A_572 : vector<16xf32>
        %get3A_574 = arith.index_cast %add3A_537 : i32 to index
        %get3A_575 = arith.constant 16 : index
        %get3A_576 = tpu.vector_load %arg17[%get3A_574, %get3A_575] {strides = array<i32>} : memref<128x64xf32, #tpu.memory_space<vmem>>, vector<1x16xf32>,
        %get3A_577 = vector.shape_cast %get3A_576 : vector<1x16xf32> to vector<16xf32>
        %get3A_578 = arith.index_cast %add3A_537 : i32 to index
        %get3A_579 = arith.constant 16 : index
        %get3A_580 = tpu.vector_load %arg18[%get3A_578, %get3A_579] {strides = array<i32>} : memref<128x64xf32, #tpu.memory_space<vmem>>, vector<1x16xf32>,
        %get3A_581 = vector.shape_cast %get3A_580 : vector<1x16xf32> to vector<16xf32>
        %add3A_582 = arith.addf %get3A_577, %get3A_581 : vector<16xf32>
        %get3A_583 = arith.index_cast %add3A_537 : i32 to index
        %get3A_584 = arith.constant 16 : index
        %get3A_585 = tpu.vector_load %arg19[%get3A_583, %get3A_584] {strides = array<i32>} : memref<128x64xf32, #tpu.memory_space<vmem>>, vector<1x16xf32>,
        %get3A_586 = vector.shape_cast %get3A_585 : vector<1x16xf32> to vector<16xf32>
        %sub3A_587 = arith.subf %add3A_582, %get3A_586 : vector<16xf32>
        %get3A_588 = arith.index_cast %add3A_537 : i32 to index
        %get3A_589 = arith.constant 16 : index
        %get3A_590 = tpu.vector_load %arg20[%get3A_588, %get3A_589] {strides = array<i32>} : memref<128x64xf32, #tpu.memory_space<vmem>>, vector<1x16xf32>,
        %get3A_591 = vector.shape_cast %get3A_590 : vector<1x16xf32> to vector<16xf32>
        %get3A_592 = arith.index_cast %add3A_537 : i32 to index
        %get3A_593 = arith.constant 16 : index
        %get3A_594 = tpu.vector_load %arg21[%get3A_592, %get3A_593] {strides = array<i32>} : memref<128x64xf32, #tpu.memory_space<vmem>>, vector<1x16xf32>,
        %get3A_595 = vector.shape_cast %get3A_594 : vector<1x16xf32> to vector<16xf32>
        %add3A_596 = arith.addf %get3A_591, %get3A_595 : vector<16xf32>
        %get3A_597 = arith.index_cast %add3A_537 : i32 to index
        %get3A_598 = arith.constant 16 : index
        %get3A_599 = tpu.vector_load %arg22[%get3A_597, %get3A_598] {strides = array<i32>} : memref<128x64xf32, #tpu.memory_space<vmem>>, vector<1x16xf32>,
        %get3A_600 = vector.shape_cast %get3A_599 : vector<1x16xf32> to vector<16xf32>
        %sub3A_601 = arith.subf %add3A_596, %get3A_600 : vector<16xf32>
        %mul3A_602 = arith.mulf %sub3A_587, %sub3A_587 : vector<16xf32>
        %add3A_603 = arith.addf %add3A_571, %mul3A_602 : vector<16xf32>
        %mul3A_604 = arith.mulf %sub3A_601, %sub3A_601 : vector<16xf32>
        %add3A_605 = arith.addf %add3A_573, %mul3A_604 : vector<16xf32>
        %get3A_606 = arith.index_cast %add3A_537 : i32 to index
        %get3A_607 = arith.constant 32 : index
        %get3A_608 = tpu.vector_load %arg17[%get3A_606, %get3A_607] {strides = array<i32>} : memref<128x64xf32, #tpu.memory_space<vmem>>, vector<1x16xf32>,
        %get3A_609 = vector.shape_cast %get3A_608 : vector<1x16xf32> to vector<16xf32>
        %get3A_610 = arith.index_cast %add3A_537 : i32 to index
        %get3A_611 = arith.constant 32 : index
        %get3A_612 = tpu.vector_load %arg18[%get3A_610, %get3A_611] {strides = array<i32>} : memref<128x64xf32, #tpu.memory_space<vmem>>, vector<1x16xf32>,
        %get3A_613 = vector.shape_cast %get3A_612 : vector<1x16xf32> to vector<16xf32>
        %add3A_614 = arith.addf %get3A_609, %get3A_613 : vector<16xf32>
        %get3A_615 = arith.index_cast %add3A_537 : i32 to index
        %get3A_616 = arith.constant 32 : index
        %get3A_617 = tpu.vector_load %arg19[%get3A_615, %get3A_616] {strides = array<i32>} : memref<128x64xf32, #tpu.memory_space<vmem>>, vector<1x16xf32>,
        %get3A_618 = vector.shape_cast %get3A_617 : vector<1x16xf32> to vector<16xf32>
        %sub3A_619 = arith.subf %add3A_614, %get3A_618 : vector<16xf32>
        %get3A_620 = arith.index_cast %add3A_537 : i32 to index
        %get3A_621 = arith.constant 32 : index
        %get3A_622 = tpu.vector_load %arg20[%get3A_620, %get3A_621] {strides = array<i32>} : memref<128x64xf32, #tpu.memory_space<vmem>>, vector<1x16xf32>,
        %get3A_623 = vector.shape_cast %get3A_622 : vector<1x16xf32> to vector<16xf32>
        %get3A_624 = arith.index_cast %add3A_537 : i32 to index
        %get3A_625 = arith.constant 32 : index
        %get3A_626 = tpu.vector_load %arg21[%get3A_624, %get3A_625] {strides = array<i32>} : memref<128x64xf32, #tpu.memory_space<vmem>>, vector<1x16xf32>,
        %get3A_627 = vector.shape_cast %get3A_626 : vector<1x16xf32> to vector<16xf32>
        %add3A_628 = arith.addf %get3A_623, %get3A_627 : vector<16xf32>
        %get3A_629 = arith.index_cast %add3A_537 : i32 to index
        %get3A_630 = arith.constant 32 : index
        %get3A_631 = tpu.vector_load %arg22[%get3A_629, %get3A_630] {strides = array<i32>} : memref<128x64xf32, #tpu.memory_space<vmem>>, vector<1x16xf32>,
        %get3A_632 = vector.shape_cast %get3A_631 : vector<1x16xf32> to vector<16xf32>
        %sub3A_633 = arith.subf %add3A_628, %get3A_632 : vector<16xf32>
        %mul3A_634 = arith.mulf %sub3A_619, %sub3A_619 : vector<16xf32>
        %add3A_635 = arith.addf %add3A_603, %mul3A_634 : vector<16xf32>
        %mul3A_636 = arith.mulf %sub3A_633, %sub3A_633 : vector<16xf32>
        %add3A_637 = arith.addf %add3A_605, %mul3A_636 : vector<16xf32>
        %get3A_638 = arith.index_cast %add3A_537 : i32 to index
        %get3A_639 = arith.constant 48 : index
        %get3A_640 = tpu.vector_load %arg17[%get3A_638, %get3A_639] {strides = array<i32>} : memref<128x64xf32, #tpu.memory_space<vmem>>, vector<1x16xf32>,
        %get3A_641 = vector.shape_cast %get3A_640 : vector<1x16xf32> to vector<16xf32>
        %get3A_642 = arith.index_cast %add3A_537 : i32 to index
        %get3A_643 = arith.constant 48 : index
        %get3A_644 = tpu.vector_load %arg18[%get3A_642, %get3A_643] {strides = array<i32>} : memref<128x64xf32, #tpu.memory_space<vmem>>, vector<1x16xf32>,
        %get3A_645 = vector.shape_cast %get3A_644 : vector<1x16xf32> to vector<16xf32>
        %add3A_646 = arith.addf %get3A_641, %get3A_645 : vector<16xf32>
        %get3A_647 = arith.index_cast %add3A_537 : i32 to index
        %get3A_648 = arith.constant 48 : index
        %get3A_649 = tpu.vector_load %arg19[%get3A_647, %get3A_648] {strides = array<i32>} : memref<128x64xf32, #tpu.memory_space<vmem>>, vector<1x16xf32>,
        %get3A_650 = vector.shape_cast %get3A_649 : vector<1x16xf32> to vector<16xf32>
        %sub3A_651 = arith.subf %add3A_646, %get3A_650 : vector<16xf32>
        %get3A_652 = arith.index_cast %add3A_537 : i32 to index
        %get3A_653 = arith.constant 48 : index
        %get3A_654 = tpu.vector_load %arg20[%get3A_652, %get3A_653] {strides = array<i32>} : memref<128x64xf32, #tpu.memory_space<vmem>>, vector<1x16xf32>,
        %get3A_655 = vector.shape_cast %get3A_654 : vector<1x16xf32> to vector<16xf32>
        %get3A_656 = arith.index_cast %add3A_537 : i32 to index
        %get3A_657 = arith.constant 48 : index
        %get3A_658 = tpu.vector_load %arg21[%get3A_656, %get3A_657] {strides = array<i32>} : memref<128x64xf32, #tpu.memory_space<vmem>>, vector<1x16xf32>,
        %get3A_659 = vector.shape_cast %get3A_658 : vector<1x16xf32> to vector<16xf32>
        %add3A_660 = arith.addf %get3A_655, %get3A_659 : vector<16xf32>
        %get3A_661 = arith.index_cast %add3A_537 : i32 to index
        %get3A_662 = arith.constant 48 : index
        %get3A_663 = tpu.vector_load %arg22[%get3A_661, %get3A_662] {strides = array<i32>} : memref<128x64xf32, #tpu.memory_space<vmem>>, vector<1x16xf32>,
        %get3A_664 = vector.shape_cast %get3A_663 : vector<1x16xf32> to vector<16xf32>
        %sub3A_665 = arith.subf %add3A_660, %get3A_664 : vector<16xf32>
        %mul3A_666 = arith.mulf %sub3A_651, %sub3A_651 : vector<16xf32>
        %add3A_667 = arith.addf %add3A_635, %mul3A_666 : vector<16xf32>
        %mul3A_668 = arith.mulf %sub3A_665, %sub3A_665 : vector<16xf32>
        %add3A_669 = arith.addf %add3A_637, %mul3A_668 : vector<16xf32>
        %eq3A_670 = arith.constant 2 : i32
        %eq3A_671 = vector.broadcast %eq3A_670 : i32 to vector<16xi32>
        %eq3A_672 = arith.cmpi eq, %iota3A, %eq3A_671 : vector<16xi32>
        %swap3A_673 = arith.constant 0 : index
        %swap3A_674 = tpu.vector_load %arg23[%swap3A_673] {strides = array<i32>} : memref<32xf32, #tpu.memory_space<vmem>>, vector<16xf32>,
        %swap3A_675 = vector.shape_cast %swap3A_674 : vector<16xf32> to vector<16xf32>
        %swap3A_676 = vector.shape_cast %add3A_667 : vector<16xf32> to vector<16xf32>
        tpu.vector_store %arg23[%swap3A_673], %swap3A_676 {strides = array<i32>} : memref<32xf32, #tpu.memory_space<vmem>>, vector<16xf32>,
        %get3A_677 = arith.constant 8 : index
        %get3A_678 = tpu.vector_load %arg23[%get3A_677] {strides = array<i32>} : memref<32xf32, #tpu.memory_space<vmem>>, vector<16xf32>,
        %get3A_679 = vector.shape_cast %get3A_678 : vector<16xf32> to vector<16xf32>
        %add3A_680 = arith.addf %add3A_667, %get3A_679 : vector<16xf32>
        %swap3A_681 = arith.constant 0 : index
        %swap3A_682 = tpu.vector_load %arg23[%swap3A_681] {strides = array<i32>} : memref<32xf32, #tpu.memory_space<vmem>>, vector<16xf32>,
        %swap3A_683 = vector.shape_cast %swap3A_682 : vector<16xf32> to vector<16xf32>
        %swap3A_684 = vector.shape_cast %add3A_680 : vector<16xf32> to vector<16xf32>
        tpu.vector_store %arg23[%swap3A_681], %swap3A_684 {strides = array<i32>} : memref<32xf32, #tpu.memory_space<vmem>>, vector<16xf32>,
        %get3A_685 = arith.constant 4 : index
        %get3A_686 = tpu.vector_load %arg23[%get3A_685] {strides = array<i32>} : memref<32xf32, #tpu.memory_space<vmem>>, vector<16xf32>,
        %get3A_687 = vector.shape_cast %get3A_686 : vector<16xf32> to vector<16xf32>
        %add3A_688 = arith.addf %add3A_680, %get3A_687 : vector<16xf32>
        %swap3A_689 = arith.constant 0 : index
        %swap3A_690 = tpu.vector_load %arg23[%swap3A_689] {strides = array<i32>} : memref<32xf32, #tpu.memory_space<vmem>>, vector<16xf32>,
        %swap3A_691 = vector.shape_cast %swap3A_690 : vector<16xf32> to vector<16xf32>
        %swap3A_692 = vector.shape_cast %add3A_688 : vector<16xf32> to vector<16xf32>
        tpu.vector_store %arg23[%swap3A_689], %swap3A_692 {strides = array<i32>} : memref<32xf32, #tpu.memory_space<vmem>>, vector<16xf32>,
        %get3A_693 = arith.constant 2 : index
        %get3A_694 = tpu.vector_load %arg23[%get3A_693] {strides = array<i32>} : memref<32xf32, #tpu.memory_space<vmem>>, vector<16xf32>,
        %get3A_695 = vector.shape_cast %get3A_694 : vector<16xf32> to vector<16xf32>
        %add3A_696 = arith.addf %add3A_688, %get3A_695 : vector<16xf32>
        %swap3A_697 = arith.constant 0 : index
        %swap3A_698 = tpu.vector_load %arg23[%swap3A_697] {strides = array<i32>} : memref<32xf32, #tpu.memory_space<vmem>>, vector<16xf32>,
        %swap3A_699 = vector.shape_cast %swap3A_698 : vector<16xf32> to vector<16xf32>
        %swap3A_700 = vector.shape_cast %add3A_696 : vector<16xf32> to vector<16xf32>
        tpu.vector_store %arg23[%swap3A_697], %swap3A_700 {strides = array<i32>} : memref<32xf32, #tpu.memory_space<vmem>>, vector<16xf32>,
        %get3A_701 = arith.constant 1 : index
        %get3A_702 = tpu.vector_load %arg23[%get3A_701] {strides = array<i32>} : memref<32xf32, #tpu.memory_space<vmem>>, vector<16xf32>,
        %get3A_703 = vector.shape_cast %get3A_702 : vector<16xf32> to vector<16xf32>
        %add3A_704 = arith.addf %add3A_696, %get3A_703 : vector<16xf32>
        %slice3A_705 = vector.extract_strided_slice %add3A_704 {offsets = [0], sizes = [1], strides = [1]} : vector<16xf32> to vector<1xf32>
        %squeeze3A_706 = vector.extract %slice3A_705[0] : f32 from vector<1xf32>
        %broadcast_in_dim3A_707 = vector.broadcast %squeeze3A_706 : f32 to vector<16xf32>
        %select_n3A_708 = arith.select %eq3A_672, %broadcast_in_dim3A_707, %select_n3A_497 : vector<16xi1>, vector<16xf32>
        %swap3A_709 = arith.constant 0 : index
        %swap3A_710 = tpu.vector_load %arg24[%swap3A_709] {strides = array<i32>} : memref<32xf32, #tpu.memory_space<vmem>>, vector<16xf32>,
        %swap3A_711 = vector.shape_cast %swap3A_710 : vector<16xf32> to vector<16xf32>
        %swap3A_712 = vector.shape_cast %add3A_669 : vector<16xf32> to vector<16xf32>
        tpu.vector_store %arg24[%swap3A_709], %swap3A_712 {strides = array<i32>} : memref<32xf32, #tpu.memory_space<vmem>>, vector<16xf32>,
        %get3A_713 = arith.constant 8 : index
        %get3A_714 = tpu.vector_load %arg24[%get3A_713] {strides = array<i32>} : memref<32xf32, #tpu.memory_space<vmem>>, vector<16xf32>,
        %get3A_715 = vector.shape_cast %get3A_714 : vector<16xf32> to vector<16xf32>
        %add3A_716 = arith.addf %add3A_669, %get3A_715 : vector<16xf32>
        %swap3A_717 = arith.constant 0 : index
        %swap3A_718 = tpu.vector_load %arg24[%swap3A_717] {strides = array<i32>} : memref<32xf32, #tpu.memory_space<vmem>>, vector<16xf32>,
        %swap3A_719 = vector.shape_cast %swap3A_718 : vector<16xf32> to vector<16xf32>
        %swap3A_720 = vector.shape_cast %add3A_716 : vector<16xf32> to vector<16xf32>
        tpu.vector_store %arg24[%swap3A_717], %swap3A_720 {strides = array<i32>} : memref<32xf32, #tpu.memory_space<vmem>>, vector<16xf32>,
        %get3A_721 = arith.constant 4 : index
        %get3A_722 = tpu.vector_load %arg24[%get3A_721] {strides = array<i32>} : memref<32xf32, #tpu.memory_space<vmem>>, vector<16xf32>,
        %get3A_723 = vector.shape_cast %get3A_722 : vector<16xf32> to vector<16xf32>
        %add3A_724 = arith.addf %add3A_716, %get3A_723 : vector<16xf32>
        %swap3A_725 = arith.constant 0 : index
        %swap3A_726 = tpu.vector_load %arg24[%swap3A_725] {strides = array<i32>} : memref<32xf32, #tpu.memory_space<vmem>>, vector<16xf32>,
        %swap3A_727 = vector.shape_cast %swap3A_726 : vector<16xf32> to vector<16xf32>
        %swap3A_728 = vector.shape_cast %add3A_724 : vector<16xf32> to vector<16xf32>
        tpu.vector_store %arg24[%swap3A_725], %swap3A_728 {strides = array<i32>} : memref<32xf32, #tpu.memory_space<vmem>>, vector<16xf32>,
        %get3A_729 = arith.constant 2 : index
        %get3A_730 = tpu.vector_load %arg24[%get3A_729] {strides = array<i32>} : memref<32xf32, #tpu.memory_space<vmem>>, vector<16xf32>,
        %get3A_731 = vector.shape_cast %get3A_730 : vector<16xf32> to vector<16xf32>
        %add3A_732 = arith.addf %add3A_724, %get3A_731 : vector<16xf32>
        %swap3A_733 = arith.constant 0 : index
        %swap3A_734 = tpu.vector_load %arg24[%swap3A_733] {strides = array<i32>} : memref<32xf32, #tpu.memory_space<vmem>>, vector<16xf32>,
        %swap3A_735 = vector.shape_cast %swap3A_734 : vector<16xf32> to vector<16xf32>
        %swap3A_736 = vector.shape_cast %add3A_732 : vector<16xf32> to vector<16xf32>
        tpu.vector_store %arg24[%swap3A_733], %swap3A_736 {strides = array<i32>} : memref<32xf32, #tpu.memory_space<vmem>>, vector<16xf32>,
        %get3A_737 = arith.constant 1 : index
        %get3A_738 = tpu.vector_load %arg24[%get3A_737] {strides = array<i32>} : memref<32xf32, #tpu.memory_space<vmem>>, vector<16xf32>,
        %get3A_739 = vector.shape_cast %get3A_738 : vector<16xf32> to vector<16xf32>
        %add3A_740 = arith.addf %add3A_732, %get3A_739 : vector<16xf32>
        %slice3A_741 = vector.extract_strided_slice %add3A_740 {offsets = [0], sizes = [1], strides = [1]} : vector<16xf32> to vector<1xf32>
        %squeeze3A_742 = vector.extract %slice3A_741[0] : f32 from vector<1xf32>
        %broadcast_in_dim3A_743 = vector.broadcast %squeeze3A_742 : f32 to vector<16xf32>
        %select_n3A_744 = arith.select %eq3A_672, %broadcast_in_dim3A_743, %select_n3A_533 : vector<16xi1>, vector<16xf32>
        %mul3A_745 = arith.constant 16 : i32
        %mul3A_746 = arith.muli %scan3A_112, %mul3A_745 : i32
        %add3A_747 = arith.constant 3 : i32
        %add3A_748 = arith.addi %mul3A_746, %add3A_747 : i32
        %broadcast_in_dim3A_749 = arith.constant 0.000000e+00 : f32
        %broadcast_in_dim3A_750 = vector.broadcast %broadcast_in_dim3A_749 : f32 to vector<16xf32>
        %broadcast_in_dim3A_751 = arith.constant 0.000000e+00 : f32
        %broadcast_in_dim3A_752 = vector.broadcast %broadcast_in_dim3A_751 : f32 to vector<16xf32>
        %get3A_753 = arith.index_cast %add3A_748 : i32 to index
        %get3A_754 = arith.constant 0 : index
        %get3A_755 = tpu.vector_load %arg17[%get3A_753, %get3A_754] {strides = array<i32>} : memref<128x64xf32, #tpu.memory_space<vmem>>, vector<1x16xf32>,
        %get3A_756 = vector.shape_cast %get3A_755 : vector<1x16xf32> to vector<16xf32>
        %get3A_757 = arith.index_cast %add3A_748 : i32 to index
        %get3A_758 = arith.constant 0 : index
        %get3A_759 = tpu.vector_load %arg18[%get3A_757, %get3A_758] {strides = array<i32>} : memref<128x64xf32, #tpu.memory_space<vmem>>, vector<1x16xf32>,
        %get3A_760 = vector.shape_cast %get3A_759 : vector<1x16xf32> to vector<16xf32>
        %add3A_761 = arith.addf %get3A_756, %get3A_760 : vector<16xf32>
        %get3A_762 = arith.index_cast %add3A_748 : i32 to index
        %get3A_763 = arith.constant 0 : index
        %get3A_764 = tpu.vector_load %arg19[%get3A_762, %get3A_763] {strides = array<i32>} : memref<128x64xf32, #tpu.memory_space<vmem>>, vector<1x16xf32>,
        %get3A_765 = vector.shape_cast %get3A_764 : vector<1x16xf32> to vector<16xf32>
        %sub3A_766 = arith.subf %add3A_761, %get3A_765 : vector<16xf32>
        %get3A_767 = arith.index_cast %add3A_748 : i32 to index
        %get3A_768 = arith.constant 0 : index
        %get3A_769 = tpu.vector_load %arg20[%get3A_767, %get3A_768] {strides = array<i32>} : memref<128x64xf32, #tpu.memory_space<vmem>>, vector<1x16xf32>,
        %get3A_770 = vector.shape_cast %get3A_769 : vector<1x16xf32> to vector<16xf32>
        %get3A_771 = arith.index_cast %add3A_748 : i32 to index
        %get3A_772 = arith.constant 0 : index
        %get3A_773 = tpu.vector_load %arg21[%get3A_771, %get3A_772] {strides = array<i32>} : memref<128x64xf32, #tpu.memory_space<vmem>>, vector<1x16xf32>,
        %get3A_774 = vector.shape_cast %get3A_773 : vector<1x16xf32> to vector<16xf32>
        %add3A_775 = arith.addf %get3A_770, %get3A_774 : vector<16xf32>
        %get3A_776 = arith.index_cast %add3A_748 : i32 to index
        %get3A_777 = arith.constant 0 : index
        %get3A_778 = tpu.vector_load %arg22[%get3A_776, %get3A_777] {strides = array<i32>} : memref<128x64xf32, #tpu.memory_space<vmem>>, vector<1x16xf32>,
        %get3A_779 = vector.shape_cast %get3A_778 : vector<1x16xf32> to vector<16xf32>
        %sub3A_780 = arith.subf %add3A_775, %get3A_779 : vector<16xf32>
        %mul3A_781 = arith.mulf %sub3A_766, %sub3A_766 : vector<16xf32>
        %add3A_782 = arith.addf %broadcast_in_dim3A_750, %mul3A_781 : vector<16xf32>
        %mul3A_783 = arith.mulf %sub3A_780, %sub3A_780 : vector<16xf32>
        %add3A_784 = arith.addf %broadcast_in_dim3A_752, %mul3A_783 : vector<16xf32>
        %get3A_785 = arith.index_cast %add3A_748 : i32 to index
        %get3A_786 = arith.constant 16 : index
        %get3A_787 = tpu.vector_load %arg17[%get3A_785, %get3A_786] {strides = array<i32>} : memref<128x64xf32, #tpu.memory_space<vmem>>, vector<1x16xf32>,
        %get3A_788 = vector.shape_cast %get3A_787 : vector<1x16xf32> to vector<16xf32>
        %get3A_789 = arith.index_cast %add3A_748 : i32 to index
        %get3A_790 = arith.constant 16 : index
        %get3A_791 = tpu.vector_load %arg18[%get3A_789, %get3A_790] {strides = array<i32>} : memref<128x64xf32, #tpu.memory_space<vmem>>, vector<1x16xf32>,
        %get3A_792 = vector.shape_cast %get3A_791 : vector<1x16xf32> to vector<16xf32>
        %add3A_793 = arith.addf %get3A_788, %get3A_792 : vector<16xf32>
        %get3A_794 = arith.index_cast %add3A_748 : i32 to index
        %get3A_795 = arith.constant 16 : index
        %get3A_796 = tpu.vector_load %arg19[%get3A_794, %get3A_795] {strides = array<i32>} : memref<128x64xf32, #tpu.memory_space<vmem>>, vector<1x16xf32>,
        %get3A_797 = vector.shape_cast %get3A_796 : vector<1x16xf32> to vector<16xf32>
        %sub3A_798 = arith.subf %add3A_793, %get3A_797 : vector<16xf32>
        %get3A_799 = arith.index_cast %add3A_748 : i32 to index
        %get3A_800 = arith.constant 16 : index
        %get3A_801 = tpu.vector_load %arg20[%get3A_799, %get3A_800] {strides = array<i32>} : memref<128x64xf32, #tpu.memory_space<vmem>>, vector<1x16xf32>,
        %get3A_802 = vector.shape_cast %get3A_801 : vector<1x16xf32> to vector<16xf32>
        %get3A_803 = arith.index_cast %add3A_748 : i32 to index
        %get3A_804 = arith.constant 16 : index
        %get3A_805 = tpu.vector_load %arg21[%get3A_803, %get3A_804] {strides = array<i32>} : memref<128x64xf32, #tpu.memory_space<vmem>>, vector<1x16xf32>,
        %get3A_806 = vector.shape_cast %get3A_805 : vector<1x16xf32> to vector<16xf32>
        %add3A_807 = arith.addf %get3A_802, %get3A_806 : vector<16xf32>
        %get3A_808 = arith.index_cast %add3A_748 : i32 to index
        %get3A_809 = arith.constant 16 : index
        %get3A_810 = tpu.vector_load %arg22[%get3A_808, %get3A_809] {strides = array<i32>} : memref<128x64xf32, #tpu.memory_space<vmem>>, vector<1x16xf32>,
        %get3A_811 = vector.shape_cast %get3A_810 : vector<1x16xf32> to vector<16xf32>
        %sub3A_812 = arith.subf %add3A_807, %get3A_811 : vector<16xf32>
        %mul3A_813 = arith.mulf %sub3A_798, %sub3A_798 : vector<16xf32>
        %add3A_814 = arith.addf %add3A_782, %mul3A_813 : vector<16xf32>
        %mul3A_815 = arith.mulf %sub3A_812, %sub3A_812 : vector<16xf32>
        %add3A_816 = arith.addf %add3A_784, %mul3A_815 : vector<16xf32>
        %get3A_817 = arith.index_cast %add3A_748 : i32 to index
        %get3A_818 = arith.constant 32 : index
        %get3A_819 = tpu.vector_load %arg17[%get3A_817, %get3A_818] {strides = array<i32>} : memref<128x64xf32, #tpu.memory_space<vmem>>, vector<1x16xf32>,
        %get3A_820 = vector.shape_cast %get3A_819 : vector<1x16xf32> to vector<16xf32>
        %get3A_821 = arith.index_cast %add3A_748 : i32 to index
        %get3A_822 = arith.constant 32 : index
        %get3A_823 = tpu.vector_load %arg18[%get3A_821, %get3A_822] {strides = array<i32>} : memref<128x64xf32, #tpu.memory_space<vmem>>, vector<1x16xf32>,
        %get3A_824 = vector.shape_cast %get3A_823 : vector<1x16xf32> to vector<16xf32>
        %add3A_825 = arith.addf %get3A_820, %get3A_824 : vector<16xf32>
        %get3A_826 = arith.index_cast %add3A_748 : i32 to index
        %get3A_827 = arith.constant 32 : index
        %get3A_828 = tpu.vector_load %arg19[%get3A_826, %get3A_827] {strides = array<i32>} : memref<128x64xf32, #tpu.memory_space<vmem>>, vector<1x16xf32>,
        %get3A_829 = vector.shape_cast %get3A_828 : vector<1x16xf32> to vector<16xf32>
        %sub3A_830 = arith.subf %add3A_825, %get3A_829 : vector<16xf32>
        %get3A_831 = arith.index_cast %add3A_748 : i32 to index
        %get3A_832 = arith.constant 32 : index
        %get3A_833 = tpu.vector_load %arg20[%get3A_831, %get3A_832] {strides = array<i32>} : memref<128x64xf32, #tpu.memory_space<vmem>>, vector<1x16xf32>,
        %get3A_834 = vector.shape_cast %get3A_833 : vector<1x16xf32> to vector<16xf32>
        %get3A_835 = arith.index_cast %add3A_748 : i32 to index
        %get3A_836 = arith.constant 32 : index
        %get3A_837 = tpu.vector_load %arg21[%get3A_835, %get3A_836] {strides = array<i32>} : memref<128x64xf32, #tpu.memory_space<vmem>>, vector<1x16xf32>,
        %get3A_838 = vector.shape_cast %get3A_837 : vector<1x16xf32> to vector<16xf32>
        %add3A_839 = arith.addf %get3A_834, %get3A_838 : vector<16xf32>
        %get3A_840 = arith.index_cast %add3A_748 : i32 to index
        %get3A_841 = arith.constant 32 : index
        %get3A_842 = tpu.vector_load %arg22[%get3A_840, %get3A_841] {strides = array<i32>} : memref<128x64xf32, #tpu.memory_space<vmem>>, vector<1x16xf32>,
        %get3A_843 = vector.shape_cast %get3A_842 : vector<1x16xf32> to vector<16xf32>
        %sub3A_844 = arith.subf %add3A_839, %get3A_843 : vector<16xf32>
        %mul3A_845 = arith.mulf %sub3A_830, %sub3A_830 : vector<16xf32>
        %add3A_846 = arith.addf %add3A_814, %mul3A_845 : vector<16xf32>
        %mul3A_847 = arith.mulf %sub3A_844, %sub3A_844 : vector<16xf32>
        %add3A_848 = arith.addf %add3A_816, %mul3A_847 : vector<16xf32>
        %get3A_849 = arith.index_cast %add3A_748 : i32 to index
        %get3A_850 = arith.constant 48 : index
        %get3A_851 = tpu.vector_load %arg17[%get3A_849, %get3A_850] {strides = array<i32>} : memref<128x64xf32, #tpu.memory_space<vmem>>, vector<1x16xf32>,
        %get3A_852 = vector.shape_cast %get3A_851 : vector<1x16xf32> to vector<16xf32>
        %get3A_853 = arith.index_cast %add3A_748 : i32 to index
        %get3A_854 = arith.constant 48 : index
        %get3A_855 = tpu.vector_load %arg18[%get3A_853, %get3A_854] {strides = array<i32>} : memref<128x64xf32, #tpu.memory_space<vmem>>, vector<1x16xf32>,
        %get3A_856 = vector.shape_cast %get3A_855 : vector<1x16xf32> to vector<16xf32>
        %add3A_857 = arith.addf %get3A_852, %get3A_856 : vector<16xf32>
        %get3A_858 = arith.index_cast %add3A_748 : i32 to index
        %get3A_859 = arith.constant 48 : index
        %get3A_860 = tpu.vector_load %arg19[%get3A_858, %get3A_859] {strides = array<i32>} : memref<128x64xf32, #tpu.memory_space<vmem>>, vector<1x16xf32>,
        %get3A_861 = vector.shape_cast %get3A_860 : vector<1x16xf32> to vector<16xf32>
        %sub3A_862 = arith.subf %add3A_857, %get3A_861 : vector<16xf32>
        %get3A_863 = arith.index_cast %add3A_748 : i32 to index
        %get3A_864 = arith.constant 48 : index
        %get3A_865 = tpu.vector_load %arg20[%get3A_863, %get3A_864] {strides = array<i32>} : memref<128x64xf32, #tpu.memory_space<vmem>>, vector<1x16xf32>,
        %get3A_866 = vector.shape_cast %get3A_865 : vector<1x16xf32> to vector<16xf32>
        %get3A_867 = arith.index_cast %add3A_748 : i32 to index
        %get3A_868 = arith.constant 48 : index
        %get3A_869 = tpu.vector_load %arg21[%get3A_867, %get3A_868] {strides = array<i32>} : memref<128x64xf32, #tpu.memory_space<vmem>>, vector<1x16xf32>,
        %get3A_870 = vector.shape_cast %get3A_869 : vector<1x16xf32> to vector<16xf32>
        %add3A_871 = arith.addf %get3A_866, %get3A_870 : vector<16xf32>
        %get3A_872 = arith.index_cast %add3A_748 : i32 to index
        %get3A_873 = arith.constant 48 : index
        %get3A_874 = tpu.vector_load %arg22[%get3A_872, %get3A_873] {strides = array<i32>} : memref<128x64xf32, #tpu.memory_space<vmem>>, vector<1x16xf32>,
        %get3A_875 = vector.shape_cast %get3A_874 : vector<1x16xf32> to vector<16xf32>
        %sub3A_876 = arith.subf %add3A_871, %get3A_875 : vector<16xf32>
        %mul3A_877 = arith.mulf %sub3A_862, %sub3A_862 : vector<16xf32>
        %add3A_878 = arith.addf %add3A_846, %mul3A_877 : vector<16xf32>
        %mul3A_879 = arith.mulf %sub3A_876, %sub3A_876 : vector<16xf32>
        %add3A_880 = arith.addf %add3A_848, %mul3A_879 : vector<16xf32>
        %eq3A_881 = arith.constant 3 : i32
        %eq3A_882 = vector.broadcast %eq3A_881 : i32 to vector<16xi32>
        %eq3A_883 = arith.cmpi eq, %iota3A, %eq3A_882 : vector<16xi32>
        %swap3A_884 = arith.constant 0 : index
        %swap3A_885 = tpu.vector_load %arg23[%swap3A_884] {strides = array<i32>} : memref<32xf32, #tpu.memory_space<vmem>>, vector<16xf32>,
        %swap3A_886 = vector.shape_cast %swap3A_885 : vector<16xf32> to vector<16xf32>
        %swap3A_887 = vector.shape_cast %add3A_878 : vector<16xf32> to vector<16xf32>
        tpu.vector_store %arg23[%swap3A_884], %swap3A_887 {strides = array<i32>} : memref<32xf32, #tpu.memory_space<vmem>>, vector<16xf32>,
        %get3A_888 = arith.constant 8 : index
        %get3A_889 = tpu.vector_load %arg23[%get3A_888] {strides = array<i32>} : memref<32xf32, #tpu.memory_space<vmem>>, vector<16xf32>,
        %get3A_890 = vector.shape_cast %get3A_889 : vector<16xf32> to vector<16xf32>
        %add3A_891 = arith.addf %add3A_878, %get3A_890 : vector<16xf32>
        %swap3A_892 = arith.constant 0 : index
        %swap3A_893 = tpu.vector_load %arg23[%swap3A_892] {strides = array<i32>} : memref<32xf32, #tpu.memory_space<vmem>>, vector<16xf32>,
        %swap3A_894 = vector.shape_cast %swap3A_893 : vector<16xf32> to vector<16xf32>
        %swap3A_895 = vector.shape_cast %add3A_891 : vector<16xf32> to vector<16xf32>
        tpu.vector_store %arg23[%swap3A_892], %swap3A_895 {strides = array<i32>} : memref<32xf32, #tpu.memory_space<vmem>>, vector<16xf32>,
        %get3A_896 = arith.constant 4 : index
        %get3A_897 = tpu.vector_load %arg23[%get3A_896] {strides = array<i32>} : memref<32xf32, #tpu.memory_space<vmem>>, vector<16xf32>,
        %get3A_898 = vector.shape_cast %get3A_897 : vector<16xf32> to vector<16xf32>
        %add3A_899 = arith.addf %add3A_891, %get3A_898 : vector<16xf32>
        %swap3A_900 = arith.constant 0 : index
        %swap3A_901 = tpu.vector_load %arg23[%swap3A_900] {strides = array<i32>} : memref<32xf32, #tpu.memory_space<vmem>>, vector<16xf32>,
        %swap3A_902 = vector.shape_cast %swap3A_901 : vector<16xf32> to vector<16xf32>
        %swap3A_903 = vector.shape_cast %add3A_899 : vector<16xf32> to vector<16xf32>
        tpu.vector_store %arg23[%swap3A_900], %swap3A_903 {strides = array<i32>} : memref<32xf32, #tpu.memory_space<vmem>>, vector<16xf32>,
        %get3A_904 = arith.constant 2 : index
        %get3A_905 = tpu.vector_load %arg23[%get3A_904] {strides = array<i32>} : memref<32xf32, #tpu.memory_space<vmem>>, vector<16xf32>,
        %get3A_906 = vector.shape_cast %get3A_905 : vector<16xf32> to vector<16xf32>
        %add3A_907 = arith.addf %add3A_899, %get3A_906 : vector<16xf32>
        %swap3A_908 = arith.constant 0 : index
        %swap3A_909 = tpu.vector_load %arg23[%swap3A_908] {strides = array<i32>} : memref<32xf32, #tpu.memory_space<vmem>>, vector<16xf32>,
        %swap3A_910 = vector.shape_cast %swap3A_909 : vector<16xf32> to vector<16xf32>
        %swap3A_911 = vector.shape_cast %add3A_907 : vector<16xf32> to vector<16xf32>
        tpu.vector_store %arg23[%swap3A_908], %swap3A_911 {strides = array<i32>} : memref<32xf32, #tpu.memory_space<vmem>>, vector<16xf32>,
        %get3A_912 = arith.constant 1 : index
        %get3A_913 = tpu.vector_load %arg23[%get3A_912] {strides = array<i32>} : memref<32xf32, #tpu.memory_space<vmem>>, vector<16xf32>,
        %get3A_914 = vector.shape_cast %get3A_913 : vector<16xf32> to vector<16xf32>
        %add3A_915 = arith.addf %add3A_907, %get3A_914 : vector<16xf32>
        %slice3A_916 = vector.extract_strided_slice %add3A_915 {offsets = [0], sizes = [1], strides = [1]} : vector<16xf32> to vector<1xf32>
        %squeeze3A_917 = vector.extract %slice3A_916[0] : f32 from vector<1xf32>
        %broadcast_in_dim3A_918 = vector.broadcast %squeeze3A_917 : f32 to vector<16xf32>
        %select_n3A_919 = arith.select %eq3A_883, %broadcast_in_dim3A_918, %select_n3A_708 : vector<16xi1>, vector<16xf32>
        %swap3A_920 = arith.constant 0 : index
        %swap3A_921 = tpu.vector_load %arg24[%swap3A_920] {strides = array<i32>} : memref<32xf32, #tpu.memory_space<vmem>>, vector<16xf32>,
        %swap3A_922 = vector.shape_cast %swap3A_921 : vector<16xf32> to vector<16xf32>
        %swap3A_923 = vector.shape_cast %add3A_880 : vector<16xf32> to vector<16xf32>
        tpu.vector_store %arg24[%swap3A_920], %swap3A_923 {strides = array<i32>} : memref<32xf32, #tpu.memory_space<vmem>>, vector<16xf32>,
        %get3A_924 = arith.constant 8 : index
        %get3A_925 = tpu.vector_load %arg24[%get3A_924] {strides = array<i32>} : memref<32xf32, #tpu.memory_space<vmem>>, vector<16xf32>,
        %get3A_926 = vector.shape_cast %get3A_925 : vector<16xf32> to vector<16xf32>
        %add3A_927 = arith.addf %add3A_880, %get3A_926 : vector<16xf32>
        %swap3A_928 = arith.constant 0 : index
        %swap3A_929 = tpu.vector_load %arg24[%swap3A_928] {strides = array<i32>} : memref<32xf32, #tpu.memory_space<vmem>>, vector<16xf32>,
        %swap3A_930 = vector.shape_cast %swap3A_929 : vector<16xf32> to vector<16xf32>
        %swap3A_931 = vector.shape_cast %add3A_927 : vector<16xf32> to vector<16xf32>
        tpu.vector_store %arg24[%swap3A_928], %swap3A_931 {strides = array<i32>} : memref<32xf32, #tpu.memory_space<vmem>>, vector<16xf32>,
        %get3A_932 = arith.constant 4 : index
        %get3A_933 = tpu.vector_load %arg24[%get3A_932] {strides = array<i32>} : memref<32xf32, #tpu.memory_space<vmem>>, vector<16xf32>,
        %get3A_934 = vector.shape_cast %get3A_933 : vector<16xf32> to vector<16xf32>
        %add3A_935 = arith.addf %add3A_927, %get3A_934 : vector<16xf32>
        %swap3A_936 = arith.constant 0 : index
        %swap3A_937 = tpu.vector_load %arg24[%swap3A_936] {strides = array<i32>} : memref<32xf32, #tpu.memory_space<vmem>>, vector<16xf32>,
        %swap3A_938 = vector.shape_cast %swap3A_937 : vector<16xf32> to vector<16xf32>
        %swap3A_939 = vector.shape_cast %add3A_935 : vector<16xf32> to vector<16xf32>
        tpu.vector_store %arg24[%swap3A_936], %swap3A_939 {strides = array<i32>} : memref<32xf32, #tpu.memory_space<vmem>>, vector<16xf32>,
        %get3A_940 = arith.constant 2 : index
        %get3A_941 = tpu.vector_load %arg24[%get3A_940] {strides = array<i32>} : memref<32xf32, #tpu.memory_space<vmem>>, vector<16xf32>,
        %get3A_942 = vector.shape_cast %get3A_941 : vector<16xf32> to vector<16xf32>
        %add3A_943 = arith.addf %add3A_935, %get3A_942 : vector<16xf32>
        %swap3A_944 = arith.constant 0 : index
        %swap3A_945 = tpu.vector_load %arg24[%swap3A_944] {strides = array<i32>} : memref<32xf32, #tpu.memory_space<vmem>>, vector<16xf32>,
        %swap3A_946 = vector.shape_cast %swap3A_945 : vector<16xf32> to vector<16xf32>
        %swap3A_947 = vector.shape_cast %add3A_943 : vector<16xf32> to vector<16xf32>
        tpu.vector_store %arg24[%swap3A_944], %swap3A_947 {strides = array<i32>} : memref<32xf32, #tpu.memory_space<vmem>>, vector<16xf32>,
        %get3A_948 = arith.constant 1 : index
        %get3A_949 = tpu.vector_load %arg24[%get3A_948] {strides = array<i32>} : memref<32xf32, #tpu.memory_space<vmem>>, vector<16xf32>,
        %get3A_950 = vector.shape_cast %get3A_949 : vector<16xf32> to vector<16xf32>
        %add3A_951 = arith.addf %add3A_943, %get3A_950 : vector<16xf32>
        %slice3A_952 = vector.extract_strided_slice %add3A_951 {offsets = [0], sizes = [1], strides = [1]} : vector<16xf32> to vector<1xf32>
        %squeeze3A_953 = vector.extract %slice3A_952[0] : f32 from vector<1xf32>
        %broadcast_in_dim3A_954 = vector.broadcast %squeeze3A_953 : f32 to vector<16xf32>
        %select_n3A_955 = arith.select %eq3A_883, %broadcast_in_dim3A_954, %select_n3A_744 : vector<16xi1>, vector<16xf32>
        %mul3A_956 = arith.constant 16 : i32
        %mul3A_957 = arith.muli %scan3A_112, %mul3A_956 : i32
        %add3A_958 = arith.constant 4 : i32
        %add3A_959 = arith.addi %mul3A_957, %add3A_958 : i32
        %broadcast_in_dim3A_960 = arith.constant 0.000000e+00 : f32
        %broadcast_in_dim3A_961 = vector.broadcast %broadcast_in_dim3A_960 : f32 to vector<16xf32>
        %broadcast_in_dim3A_962 = arith.constant 0.000000e+00 : f32
        %broadcast_in_dim3A_963 = vector.broadcast %broadcast_in_dim3A_962 : f32 to vector<16xf32>
        %get3A_964 = arith.index_cast %add3A_959 : i32 to index
        %get3A_965 = arith.constant 0 : index
        %get3A_966 = tpu.vector_load %arg17[%get3A_964, %get3A_965] {strides = array<i32>} : memref<128x64xf32, #tpu.memory_space<vmem>>, vector<1x16xf32>,
        %get3A_967 = vector.shape_cast %get3A_966 : vector<1x16xf32> to vector<16xf32>
        %get3A_968 = arith.index_cast %add3A_959 : i32 to index
        %get3A_969 = arith.constant 0 : index
        %get3A_970 = tpu.vector_load %arg18[%get3A_968, %get3A_969] {strides = array<i32>} : memref<128x64xf32, #tpu.memory_space<vmem>>, vector<1x16xf32>,
        %get3A_971 = vector.shape_cast %get3A_970 : vector<1x16xf32> to vector<16xf32>
        %add3A_972 = arith.addf %get3A_967, %get3A_971 : vector<16xf32>
        %get3A_973 = arith.index_cast %add3A_959 : i32 to index
        %get3A_974 = arith.constant 0 : index
        %get3A_975 = tpu.vector_load %arg19[%get3A_973, %get3A_974] {strides = array<i32>} : memref<128x64xf32, #tpu.memory_space<vmem>>, vector<1x16xf32>,
        %get3A_976 = vector.shape_cast %get3A_975 : vector<1x16xf32> to vector<16xf32>
        %sub3A_977 = arith.subf %add3A_972, %get3A_976 : vector<16xf32>
        %get3A_978 = arith.index_cast %add3A_959 : i32 to index
        %get3A_979 = arith.constant 0 : index
        %get3A_980 = tpu.vector_load %arg20[%get3A_978, %get3A_979] {strides = array<i32>} : memref<128x64xf32, #tpu.memory_space<vmem>>, vector<1x16xf32>,
        %get3A_981 = vector.shape_cast %get3A_980 : vector<1x16xf32> to vector<16xf32>
        %get3A_982 = arith.index_cast %add3A_959 : i32 to index
        %get3A_983 = arith.constant 0 : index
        %get3A_984 = tpu.vector_load %arg21[%get3A_982, %get3A_983] {strides = array<i32>} : memref<128x64xf32, #tpu.memory_space<vmem>>, vector<1x16xf32>,
        %get3A_985 = vector.shape_cast %get3A_984 : vector<1x16xf32> to vector<16xf32>
        %add3A_986 = arith.addf %get3A_981, %get3A_985 : vector<16xf32>
        %get3A_987 = arith.index_cast %add3A_959 : i32 to index
        %get3A_988 = arith.constant 0 : index
        %get3A_989 = tpu.vector_load %arg22[%get3A_987, %get3A_988] {strides = array<i32>} : memref<128x64xf32, #tpu.memory_space<vmem>>, vector<1x16xf32>,
        %get3A_990 = vector.shape_cast %get3A_989 : vector<1x16xf32> to vector<16xf32>
        %sub3A_991 = arith.subf %add3A_986, %get3A_990 : vector<16xf32>
        %mul3A_992 = arith.mulf %sub3A_977, %sub3A_977 : vector<16xf32>
        %add3A_993 = arith.addf %broadcast_in_dim3A_961, %mul3A_992 : vector<16xf32>
        %mul3A_994 = arith.mulf %sub3A_991, %sub3A_991 : vector<16xf32>
        %add3A_995 = arith.addf %broadcast_in_dim3A_963, %mul3A_994 : vector<16xf32>
        %get3A_996 = arith.index_cast %add3A_959 : i32 to index
        %get3A_997 = arith.constant 16 : index
        %get3A_998 = tpu.vector_load %arg17[%get3A_996, %get3A_997] {strides = array<i32>} : memref<128x64xf32, #tpu.memory_space<vmem>>, vector<1x16xf32>,
        %get3A_999 = vector.shape_cast %get3A_998 : vector<1x16xf32> to vector<16xf32>
        %get3A_1000 = arith.index_cast %add3A_959 : i32 to index
        %get3A_1001 = arith.constant 16 : index
        %get3A_1002 = tpu.vector_load %arg18[%get3A_1000, %get3A_1001] {strides = array<i32>} : memref<128x64xf32, #tpu.memory_space<vmem>>, vector<1x16xf32>,
        %get3A_1003 = vector.shape_cast %get3A_1002 : vector<1x16xf32> to vector<16xf32>
        %add3A_1004 = arith.addf %get3A_999, %get3A_1003 : vector<16xf32>
        %get3A_1005 = arith.index_cast %add3A_959 : i32 to index
        %get3A_1006 = arith.constant 16 : index
        %get3A_1007 = tpu.vector_load %arg19[%get3A_1005, %get3A_1006] {strides = array<i32>} : memref<128x64xf32, #tpu.memory_space<vmem>>, vector<1x16xf32>,
        %get3A_1008 = vector.shape_cast %get3A_1007 : vector<1x16xf32> to vector<16xf32>
        %sub3A_1009 = arith.subf %add3A_1004, %get3A_1008 : vector<16xf32>
        %get3A_1010 = arith.index_cast %add3A_959 : i32 to index
        %get3A_1011 = arith.constant 16 : index
        %get3A_1012 = tpu.vector_load %arg20[%get3A_1010, %get3A_1011] {strides = array<i32>} : memref<128x64xf32, #tpu.memory_space<vmem>>, vector<1x16xf32>,
        %get3A_1013 = vector.shape_cast %get3A_1012 : vector<1x16xf32> to vector<16xf32>
        %get3A_1014 = arith.index_cast %add3A_959 : i32 to index
        %get3A_1015 = arith.constant 16 : index
        %get3A_1016 = tpu.vector_load %arg21[%get3A_1014, %get3A_1015] {strides = array<i32>} : memref<128x64xf32, #tpu.memory_space<vmem>>, vector<1x16xf32>,
        %get3A_1017 = vector.shape_cast %get3A_1016 : vector<1x16xf32> to vector<16xf32>
        %add3A_1018 = arith.addf %get3A_1013, %get3A_1017 : vector<16xf32>
        %get3A_1019 = arith.index_cast %add3A_959 : i32 to index
        %get3A_1020 = arith.constant 16 : index
        %get3A_1021 = tpu.vector_load %arg22[%get3A_1019, %get3A_1020] {strides = array<i32>} : memref<128x64xf32, #tpu.memory_space<vmem>>, vector<1x16xf32>,
        %get3A_1022 = vector.shape_cast %get3A_1021 : vector<1x16xf32> to vector<16xf32>
        %sub3A_1023 = arith.subf %add3A_1018, %get3A_1022 : vector<16xf32>
        %mul3A_1024 = arith.mulf %sub3A_1009, %sub3A_1009 : vector<16xf32>
        %add3A_1025 = arith.addf %add3A_993, %mul3A_1024 : vector<16xf32>
        %mul3A_1026 = arith.mulf %sub3A_1023, %sub3A_1023 : vector<16xf32>
        %add3A_1027 = arith.addf %add3A_995, %mul3A_1026 : vector<16xf32>
        %get3A_1028 = arith.index_cast %add3A_959 : i32 to index
        %get3A_1029 = arith.constant 32 : index
        %get3A_1030 = tpu.vector_load %arg17[%get3A_1028, %get3A_1029] {strides = array<i32>} : memref<128x64xf32, #tpu.memory_space<vmem>>, vector<1x16xf32>,
        %get3A_1031 = vector.shape_cast %get3A_1030 : vector<1x16xf32> to vector<16xf32>
        %get3A_1032 = arith.index_cast %add3A_959 : i32 to index
        %get3A_1033 = arith.constant 32 : index
        %get3A_1034 = tpu.vector_load %arg18[%get3A_1032, %get3A_1033] {strides = array<i32>} : memref<128x64xf32, #tpu.memory_space<vmem>>, vector<1x16xf32>,
        %get3A_1035 = vector.shape_cast %get3A_1034 : vector<1x16xf32> to vector<16xf32>
        %add3A_1036 = arith.addf %get3A_1031, %get3A_1035 : vector<16xf32>
        %get3A_1037 = arith.index_cast %add3A_959 : i32 to index
        %get3A_1038 = arith.constant 32 : index
        %get3A_1039 = tpu.vector_load %arg19[%get3A_1037, %get3A_1038] {strides = array<i32>} : memref<128x64xf32, #tpu.memory_space<vmem>>, vector<1x16xf32>,
        %get3A_1040 = vector.shape_cast %get3A_1039 : vector<1x16xf32> to vector<16xf32>
        %sub3A_1041 = arith.subf %add3A_1036, %get3A_1040 : vector<16xf32>
        %get3A_1042 = arith.index_cast %add3A_959 : i32 to index
        %get3A_1043 = arith.constant 32 : index
        %get3A_1044 = tpu.vector_load %arg20[%get3A_1042, %get3A_1043] {strides = array<i32>} : memref<128x64xf32, #tpu.memory_space<vmem>>, vector<1x16xf32>,
        %get3A_1045 = vector.shape_cast %get3A_1044 : vector<1x16xf32> to vector<16xf32>
        %get3A_1046 = arith.index_cast %add3A_959 : i32 to index
        %get3A_1047 = arith.constant 32 : index
        %get3A_1048 = tpu.vector_load %arg21[%get3A_1046, %get3A_1047] {strides = array<i32>} : memref<128x64xf32, #tpu.memory_space<vmem>>, vector<1x16xf32>,
        %get3A_1049 = vector.shape_cast %get3A_1048 : vector<1x16xf32> to vector<16xf32>
        %add3A_1050 = arith.addf %get3A_1045, %get3A_1049 : vector<16xf32>
        %get3A_1051 = arith.index_cast %add3A_959 : i32 to index
        %get3A_1052 = arith.constant 32 : index
        %get3A_1053 = tpu.vector_load %arg22[%get3A_1051, %get3A_1052] {strides = array<i32>} : memref<128x64xf32, #tpu.memory_space<vmem>>, vector<1x16xf32>,
        %get3A_1054 = vector.shape_cast %get3A_1053 : vector<1x16xf32> to vector<16xf32>
        %sub3A_1055 = arith.subf %add3A_1050, %get3A_1054 : vector<16xf32>
        %mul3A_1056 = arith.mulf %sub3A_1041, %sub3A_1041 : vector<16xf32>
        %add3A_1057 = arith.addf %add3A_1025, %mul3A_1056 : vector<16xf32>
        %mul3A_1058 = arith.mulf %sub3A_1055, %sub3A_1055 : vector<16xf32>
        %add3A_1059 = arith.addf %add3A_1027, %mul3A_1058 : vector<16xf32>
        %get3A_1060 = arith.index_cast %add3A_959 : i32 to index
        %get3A_1061 = arith.constant 48 : index
        %get3A_1062 = tpu.vector_load %arg17[%get3A_1060, %get3A_1061] {strides = array<i32>} : memref<128x64xf32, #tpu.memory_space<vmem>>, vector<1x16xf32>,
        %get3A_1063 = vector.shape_cast %get3A_1062 : vector<1x16xf32> to vector<16xf32>
        %get3A_1064 = arith.index_cast %add3A_959 : i32 to index
        %get3A_1065 = arith.constant 48 : index
        %get3A_1066 = tpu.vector_load %arg18[%get3A_1064, %get3A_1065] {strides = array<i32>} : memref<128x64xf32, #tpu.memory_space<vmem>>, vector<1x16xf32>,
        %get3A_1067 = vector.shape_cast %get3A_1066 : vector<1x16xf32> to vector<16xf32>
        %add3A_1068 = arith.addf %get3A_1063, %get3A_1067 : vector<16xf32>
        %get3A_1069 = arith.index_cast %add3A_959 : i32 to index
        %get3A_1070 = arith.constant 48 : index
        %get3A_1071 = tpu.vector_load %arg19[%get3A_1069, %get3A_1070] {strides = array<i32>} : memref<128x64xf32, #tpu.memory_space<vmem>>, vector<1x16xf32>,
        %get3A_1072 = vector.shape_cast %get3A_1071 : vector<1x16xf32> to vector<16xf32>
        %sub3A_1073 = arith.subf %add3A_1068, %get3A_1072 : vector<16xf32>
        %get3A_1074 = arith.index_cast %add3A_959 : i32 to index
        %get3A_1075 = arith.constant 48 : index
        %get3A_1076 = tpu.vector_load %arg20[%get3A_1074, %get3A_1075] {strides = array<i32>} : memref<128x64xf32, #tpu.memory_space<vmem>>, vector<1x16xf32>,
        %get3A_1077 = vector.shape_cast %get3A_1076 : vector<1x16xf32> to vector<16xf32>
        %get3A_1078 = arith.index_cast %add3A_959 : i32 to index
        %get3A_1079 = arith.constant 48 : index
        %get3A_1080 = tpu.vector_load %arg21[%get3A_1078, %get3A_1079] {strides = array<i32>} : memref<128x64xf32, #tpu.memory_space<vmem>>, vector<1x16xf32>,
        %get3A_1081 = vector.shape_cast %get3A_1080 : vector<1x16xf32> to vector<16xf32>
        %add3A_1082 = arith.addf %get3A_1077, %get3A_1081 : vector<16xf32>
        %get3A_1083 = arith.index_cast %add3A_959 : i32 to index
        %get3A_1084 = arith.constant 48 : index
        %get3A_1085 = tpu.vector_load %arg22[%get3A_1083, %get3A_1084] {strides = array<i32>} : memref<128x64xf32, #tpu.memory_space<vmem>>, vector<1x16xf32>,
        %get3A_1086 = vector.shape_cast %get3A_1085 : vector<1x16xf32> to vector<16xf32>
        %sub3A_1087 = arith.subf %add3A_1082, %get3A_1086 : vector<16xf32>
        %mul3A_1088 = arith.mulf %sub3A_1073, %sub3A_1073 : vector<16xf32>
        %add3A_1089 = arith.addf %add3A_1057, %mul3A_1088 : vector<16xf32>
        %mul3A_1090 = arith.mulf %sub3A_1087, %sub3A_1087 : vector<16xf32>
        %add3A_1091 = arith.addf %add3A_1059, %mul3A_1090 : vector<16xf32>
        %eq3A_1092 = arith.constant 4 : i32
        %eq3A_1093 = vector.broadcast %eq3A_1092 : i32 to vector<16xi32>
        %eq3A_1094 = arith.cmpi eq, %iota3A, %eq3A_1093 : vector<16xi32>
        %swap3A_1095 = arith.constant 0 : index
        %swap3A_1096 = tpu.vector_load %arg23[%swap3A_1095] {strides = array<i32>} : memref<32xf32, #tpu.memory_space<vmem>>, vector<16xf32>,
        %swap3A_1097 = vector.shape_cast %swap3A_1096 : vector<16xf32> to vector<16xf32>
        %swap3A_1098 = vector.shape_cast %add3A_1089 : vector<16xf32> to vector<16xf32>
        tpu.vector_store %arg23[%swap3A_1095], %swap3A_1098 {strides = array<i32>} : memref<32xf32, #tpu.memory_space<vmem>>, vector<16xf32>,
        %get3A_1099 = arith.constant 8 : index
        %get3A_1100 = tpu.vector_load %arg23[%get3A_1099] {strides = array<i32>} : memref<32xf32, #tpu.memory_space<vmem>>, vector<16xf32>,
        %get3A_1101 = vector.shape_cast %get3A_1100 : vector<16xf32> to vector<16xf32>
        %add3A_1102 = arith.addf %add3A_1089, %get3A_1101 : vector<16xf32>
        %swap3A_1103 = arith.constant 0 : index
        %swap3A_1104 = tpu.vector_load %arg23[%swap3A_1103] {strides = array<i32>} : memref<32xf32, #tpu.memory_space<vmem>>, vector<16xf32>,
        %swap3A_1105 = vector.shape_cast %swap3A_1104 : vector<16xf32> to vector<16xf32>
        %swap3A_1106 = vector.shape_cast %add3A_1102 : vector<16xf32> to vector<16xf32>
        tpu.vector_store %arg23[%swap3A_1103], %swap3A_1106 {strides = array<i32>} : memref<32xf32, #tpu.memory_space<vmem>>, vector<16xf32>,
        %get3A_1107 = arith.constant 4 : index
        %get3A_1108 = tpu.vector_load %arg23[%get3A_1107] {strides = array<i32>} : memref<32xf32, #tpu.memory_space<vmem>>, vector<16xf32>,
        %get3A_1109 = vector.shape_cast %get3A_1108 : vector<16xf32> to vector<16xf32>
        %add3A_1110 = arith.addf %add3A_1102, %get3A_1109 : vector<16xf32>
        %swap3A_1111 = arith.constant 0 : index
        %swap3A_1112 = tpu.vector_load %arg23[%swap3A_1111] {strides = array<i32>} : memref<32xf32, #tpu.memory_space<vmem>>, vector<16xf32>,
        %swap3A_1113 = vector.shape_cast %swap3A_1112 : vector<16xf32> to vector<16xf32>
        %swap3A_1114 = vector.shape_cast %add3A_1110 : vector<16xf32> to vector<16xf32>
        tpu.vector_store %arg23[%swap3A_1111], %swap3A_1114 {strides = array<i32>} : memref<32xf32, #tpu.memory_space<vmem>>, vector<16xf32>,
        %get3A_1115 = arith.constant 2 : index
        %get3A_1116 = tpu.vector_load %arg23[%get3A_1115] {strides = array<i32>} : memref<32xf32, #tpu.memory_space<vmem>>, vector<16xf32>,
        %get3A_1117 = vector.shape_cast %get3A_1116 : vector<16xf32> to vector<16xf32>
        %add3A_1118 = arith.addf %add3A_1110, %get3A_1117 : vector<16xf32>
        %swap3A_1119 = arith.constant 0 : index
        %swap3A_1120 = tpu.vector_load %arg23[%swap3A_1119] {strides = array<i32>} : memref<32xf32, #tpu.memory_space<vmem>>, vector<16xf32>,
        %swap3A_1121 = vector.shape_cast %swap3A_1120 : vector<16xf32> to vector<16xf32>
        %swap3A_1122 = vector.shape_cast %add3A_1118 : vector<16xf32> to vector<16xf32>
        tpu.vector_store %arg23[%swap3A_1119], %swap3A_1122 {strides = array<i32>} : memref<32xf32, #tpu.memory_space<vmem>>, vector<16xf32>,
        %get3A_1123 = arith.constant 1 : index
        %get3A_1124 = tpu.vector_load %arg23[%get3A_1123] {strides = array<i32>} : memref<32xf32, #tpu.memory_space<vmem>>, vector<16xf32>,
        %get3A_1125 = vector.shape_cast %get3A_1124 : vector<16xf32> to vector<16xf32>
        %add3A_1126 = arith.addf %add3A_1118, %get3A_1125 : vector<16xf32>
        %slice3A_1127 = vector.extract_strided_slice %add3A_1126 {offsets = [0], sizes = [1], strides = [1]} : vector<16xf32> to vector<1xf32>
        %squeeze3A_1128 = vector.extract %slice3A_1127[0] : f32 from vector<1xf32>
        %broadcast_in_dim3A_1129 = vector.broadcast %squeeze3A_1128 : f32 to vector<16xf32>
        %select_n3A_1130 = arith.select %eq3A_1094, %broadcast_in_dim3A_1129, %select_n3A_919 : vector<16xi1>, vector<16xf32>
        %swap3A_1131 = arith.constant 0 : index
        %swap3A_1132 = tpu.vector_load %arg24[%swap3A_1131] {strides = array<i32>} : memref<32xf32, #tpu.memory_space<vmem>>, vector<16xf32>,
        %swap3A_1133 = vector.shape_cast %swap3A_1132 : vector<16xf32> to vector<16xf32>
        %swap3A_1134 = vector.shape_cast %add3A_1091 : vector<16xf32> to vector<16xf32>
        tpu.vector_store %arg24[%swap3A_1131], %swap3A_1134 {strides = array<i32>} : memref<32xf32, #tpu.memory_space<vmem>>, vector<16xf32>,
        %get3A_1135 = arith.constant 8 : index
        %get3A_1136 = tpu.vector_load %arg24[%get3A_1135] {strides = array<i32>} : memref<32xf32, #tpu.memory_space<vmem>>, vector<16xf32>,
        %get3A_1137 = vector.shape_cast %get3A_1136 : vector<16xf32> to vector<16xf32>
        %add3A_1138 = arith.addf %add3A_1091, %get3A_1137 : vector<16xf32>
        %swap3A_1139 = arith.constant 0 : index
        %swap3A_1140 = tpu.vector_load %arg24[%swap3A_1139] {strides = array<i32>} : memref<32xf32, #tpu.memory_space<vmem>>, vector<16xf32>,
        %swap3A_1141 = vector.shape_cast %swap3A_1140 : vector<16xf32> to vector<16xf32>
        %swap3A_1142 = vector.shape_cast %add3A_1138 : vector<16xf32> to vector<16xf32>
        tpu.vector_store %arg24[%swap3A_1139], %swap3A_1142 {strides = array<i32>} : memref<32xf32, #tpu.memory_space<vmem>>, vector<16xf32>,
        %get3A_1143 = arith.constant 4 : index
        %get3A_1144 = tpu.vector_load %arg24[%get3A_1143] {strides = array<i32>} : memref<32xf32, #tpu.memory_space<vmem>>, vector<16xf32>,
        %get3A_1145 = vector.shape_cast %get3A_1144 : vector<16xf32> to vector<16xf32>
        %add3A_1146 = arith.addf %add3A_1138, %get3A_1145 : vector<16xf32>
        %swap3A_1147 = arith.constant 0 : index
        %swap3A_1148 = tpu.vector_load %arg24[%swap3A_1147] {strides = array<i32>} : memref<32xf32, #tpu.memory_space<vmem>>, vector<16xf32>,
        %swap3A_1149 = vector.shape_cast %swap3A_1148 : vector<16xf32> to vector<16xf32>
        %swap3A_1150 = vector.shape_cast %add3A_1146 : vector<16xf32> to vector<16xf32>
        tpu.vector_store %arg24[%swap3A_1147], %swap3A_1150 {strides = array<i32>} : memref<32xf32, #tpu.memory_space<vmem>>, vector<16xf32>,
        %get3A_1151 = arith.constant 2 : index
        %get3A_1152 = tpu.vector_load %arg24[%get3A_1151] {strides = array<i32>} : memref<32xf32, #tpu.memory_space<vmem>>, vector<16xf32>,
        %get3A_1153 = vector.shape_cast %get3A_1152 : vector<16xf32> to vector<16xf32>
        %add3A_1154 = arith.addf %add3A_1146, %get3A_1153 : vector<16xf32>
        %swap3A_1155 = arith.constant 0 : index
        %swap3A_1156 = tpu.vector_load %arg24[%swap3A_1155] {strides = array<i32>} : memref<32xf32, #tpu.memory_space<vmem>>, vector<16xf32>,
        %swap3A_1157 = vector.shape_cast %swap3A_1156 : vector<16xf32> to vector<16xf32>
        %swap3A_1158 = vector.shape_cast %add3A_1154 : vector<16xf32> to vector<16xf32>
        tpu.vector_store %arg24[%swap3A_1155], %swap3A_1158 {strides = array<i32>} : memref<32xf32, #tpu.memory_space<vmem>>, vector<16xf32>,
        %get3A_1159 = arith.constant 1 : index
        %get3A_1160 = tpu.vector_load %arg24[%get3A_1159] {strides = array<i32>} : memref<32xf32, #tpu.memory_space<vmem>>, vector<16xf32>,
        %get3A_1161 = vector.shape_cast %get3A_1160 : vector<16xf32> to vector<16xf32>
        %add3A_1162 = arith.addf %add3A_1154, %get3A_1161 : vector<16xf32>
        %slice3A_1163 = vector.extract_strided_slice %add3A_1162 {offsets = [0], sizes = [1], strides = [1]} : vector<16xf32> to vector<1xf32>
        %squeeze3A_1164 = vector.extract %slice3A_1163[0] : f32 from vector<1xf32>
        %broadcast_in_dim3A_1165 = vector.broadcast %squeeze3A_1164 : f32 to vector<16xf32>
        %select_n3A_1166 = arith.select %eq3A_1094, %broadcast_in_dim3A_1165, %select_n3A_955 : vector<16xi1>, vector<16xf32>
        %mul3A_1167 = arith.constant 16 : i32
        %mul3A_1168 = arith.muli %scan3A_112, %mul3A_1167 : i32
        %add3A_1169 = arith.constant 5 : i32
        %add3A_1170 = arith.addi %mul3A_1168, %add3A_1169 : i32
        %broadcast_in_dim3A_1171 = arith.constant 0.000000e+00 : f32
        %broadcast_in_dim3A_1172 = vector.broadcast %broadcast_in_dim3A_1171 : f32 to vector<16xf32>
        %broadcast_in_dim3A_1173 = arith.constant 0.000000e+00 : f32
        %broadcast_in_dim3A_1174 = vector.broadcast %broadcast_in_dim3A_1173 : f32 to vector<16xf32>
        %get3A_1175 = arith.index_cast %add3A_1170 : i32 to index
        %get3A_1176 = arith.constant 0 : index
        %get3A_1177 = tpu.vector_load %arg17[%get3A_1175, %get3A_1176] {strides = array<i32>} : memref<128x64xf32, #tpu.memory_space<vmem>>, vector<1x16xf32>,
        %get3A_1178 = vector.shape_cast %get3A_1177 : vector<1x16xf32> to vector<16xf32>
        %get3A_1179 = arith.index_cast %add3A_1170 : i32 to index
        %get3A_1180 = arith.constant 0 : index
        %get3A_1181 = tpu.vector_load %arg18[%get3A_1179, %get3A_1180] {strides = array<i32>} : memref<128x64xf32, #tpu.memory_space<vmem>>, vector<1x16xf32>,
        %get3A_1182 = vector.shape_cast %get3A_1181 : vector<1x16xf32> to vector<16xf32>
        %add3A_1183 = arith.addf %get3A_1178, %get3A_1182 : vector<16xf32>
        %get3A_1184 = arith.index_cast %add3A_1170 : i32 to index
        %get3A_1185 = arith.constant 0 : index
        %get3A_1186 = tpu.vector_load %arg19[%get3A_1184, %get3A_1185] {strides = array<i32>} : memref<128x64xf32, #tpu.memory_space<vmem>>, vector<1x16xf32>,
        %get3A_1187 = vector.shape_cast %get3A_1186 : vector<1x16xf32> to vector<16xf32>
        %sub3A_1188 = arith.subf %add3A_1183, %get3A_1187 : vector<16xf32>
        %get3A_1189 = arith.index_cast %add3A_1170 : i32 to index
        %get3A_1190 = arith.constant 0 : index
        %get3A_1191 = tpu.vector_load %arg20[%get3A_1189, %get3A_1190] {strides = array<i32>} : memref<128x64xf32, #tpu.memory_space<vmem>>, vector<1x16xf32>,
        %get3A_1192 = vector.shape_cast %get3A_1191 : vector<1x16xf32> to vector<16xf32>
        %get3A_1193 = arith.index_cast %add3A_1170 : i32 to index
        %get3A_1194 = arith.constant 0 : index
        %get3A_1195 = tpu.vector_load %arg21[%get3A_1193, %get3A_1194] {strides = array<i32>} : memref<128x64xf32, #tpu.memory_space<vmem>>, vector<1x16xf32>,
        %get3A_1196 = vector.shape_cast %get3A_1195 : vector<1x16xf32> to vector<16xf32>
        %add3A_1197 = arith.addf %get3A_1192, %get3A_1196 : vector<16xf32>
        %get3A_1198 = arith.index_cast %add3A_1170 : i32 to index
        %get3A_1199 = arith.constant 0 : index
        %get3A_1200 = tpu.vector_load %arg22[%get3A_1198, %get3A_1199] {strides = array<i32>} : memref<128x64xf32, #tpu.memory_space<vmem>>, vector<1x16xf32>,
        %get3A_1201 = vector.shape_cast %get3A_1200 : vector<1x16xf32> to vector<16xf32>
        %sub3A_1202 = arith.subf %add3A_1197, %get3A_1201 : vector<16xf32>
        %mul3A_1203 = arith.mulf %sub3A_1188, %sub3A_1188 : vector<16xf32>
        %add3A_1204 = arith.addf %broadcast_in_dim3A_1172, %mul3A_1203 : vector<16xf32>
        %mul3A_1205 = arith.mulf %sub3A_1202, %sub3A_1202 : vector<16xf32>
        %add3A_1206 = arith.addf %broadcast_in_dim3A_1174, %mul3A_1205 : vector<16xf32>
        %get3A_1207 = arith.index_cast %add3A_1170 : i32 to index
        %get3A_1208 = arith.constant 16 : index
        %get3A_1209 = tpu.vector_load %arg17[%get3A_1207, %get3A_1208] {strides = array<i32>} : memref<128x64xf32, #tpu.memory_space<vmem>>, vector<1x16xf32>,
        %get3A_1210 = vector.shape_cast %get3A_1209 : vector<1x16xf32> to vector<16xf32>
        %get3A_1211 = arith.index_cast %add3A_1170 : i32 to index
        %get3A_1212 = arith.constant 16 : index
        %get3A_1213 = tpu.vector_load %arg18[%get3A_1211, %get3A_1212] {strides = array<i32>} : memref<128x64xf32, #tpu.memory_space<vmem>>, vector<1x16xf32>,
        %get3A_1214 = vector.shape_cast %get3A_1213 : vector<1x16xf32> to vector<16xf32>
        %add3A_1215 = arith.addf %get3A_1210, %get3A_1214 : vector<16xf32>
        %get3A_1216 = arith.index_cast %add3A_1170 : i32 to index
        %get3A_1217 = arith.constant 16 : index
        %get3A_1218 = tpu.vector_load %arg19[%get3A_1216, %get3A_1217] {strides = array<i32>} : memref<128x64xf32, #tpu.memory_space<vmem>>, vector<1x16xf32>,
        %get3A_1219 = vector.shape_cast %get3A_1218 : vector<1x16xf32> to vector<16xf32>
        %sub3A_1220 = arith.subf %add3A_1215, %get3A_1219 : vector<16xf32>
        %get3A_1221 = arith.index_cast %add3A_1170 : i32 to index
        %get3A_1222 = arith.constant 16 : index
        %get3A_1223 = tpu.vector_load %arg20[%get3A_1221, %get3A_1222] {strides = array<i32>} : memref<128x64xf32, #tpu.memory_space<vmem>>, vector<1x16xf32>,
        %get3A_1224 = vector.shape_cast %get3A_1223 : vector<1x16xf32> to vector<16xf32>
        %get3A_1225 = arith.index_cast %add3A_1170 : i32 to index
        %get3A_1226 = arith.constant 16 : index
        %get3A_1227 = tpu.vector_load %arg21[%get3A_1225, %get3A_1226] {strides = array<i32>} : memref<128x64xf32, #tpu.memory_space<vmem>>, vector<1x16xf32>,
        %get3A_1228 = vector.shape_cast %get3A_1227 : vector<1x16xf32> to vector<16xf32>
        %add3A_1229 = arith.addf %get3A_1224, %get3A_1228 : vector<16xf32>
        %get3A_1230 = arith.index_cast %add3A_1170 : i32 to index
        %get3A_1231 = arith.constant 16 : index
        %get3A_1232 = tpu.vector_load %arg22[%get3A_1230, %get3A_1231] {strides = array<i32>} : memref<128x64xf32, #tpu.memory_space<vmem>>, vector<1x16xf32>,
        %get3A_1233 = vector.shape_cast %get3A_1232 : vector<1x16xf32> to vector<16xf32>
        %sub3A_1234 = arith.subf %add3A_1229, %get3A_1233 : vector<16xf32>
        %mul3A_1235 = arith.mulf %sub3A_1220, %sub3A_1220 : vector<16xf32>
        %add3A_1236 = arith.addf %add3A_1204, %mul3A_1235 : vector<16xf32>
        %mul3A_1237 = arith.mulf %sub3A_1234, %sub3A_1234 : vector<16xf32>
        %add3A_1238 = arith.addf %add3A_1206, %mul3A_1237 : vector<16xf32>
        %get3A_1239 = arith.index_cast %add3A_1170 : i32 to index
        %get3A_1240 = arith.constant 32 : index
        %get3A_1241 = tpu.vector_load %arg17[%get3A_1239, %get3A_1240] {strides = array<i32>} : memref<128x64xf32, #tpu.memory_space<vmem>>, vector<1x16xf32>,
        %get3A_1242 = vector.shape_cast %get3A_1241 : vector<1x16xf32> to vector<16xf32>
        %get3A_1243 = arith.index_cast %add3A_1170 : i32 to index
        %get3A_1244 = arith.constant 32 : index
        %get3A_1245 = tpu.vector_load %arg18[%get3A_1243, %get3A_1244] {strides = array<i32>} : memref<128x64xf32, #tpu.memory_space<vmem>>, vector<1x16xf32>,
        %get3A_1246 = vector.shape_cast %get3A_1245 : vector<1x16xf32> to vector<16xf32>
        %add3A_1247 = arith.addf %get3A_1242, %get3A_1246 : vector<16xf32>
        %get3A_1248 = arith.index_cast %add3A_1170 : i32 to index
        %get3A_1249 = arith.constant 32 : index
        %get3A_1250 = tpu.vector_load %arg19[%get3A_1248, %get3A_1249] {strides = array<i32>} : memref<128x64xf32, #tpu.memory_space<vmem>>, vector<1x16xf32>,
        %get3A_1251 = vector.shape_cast %get3A_1250 : vector<1x16xf32> to vector<16xf32>
        %sub3A_1252 = arith.subf %add3A_1247, %get3A_1251 : vector<16xf32>
        %get3A_1253 = arith.index_cast %add3A_1170 : i32 to index
        %get3A_1254 = arith.constant 32 : index
        %get3A_1255 = tpu.vector_load %arg20[%get3A_1253, %get3A_1254] {strides = array<i32>} : memref<128x64xf32, #tpu.memory_space<vmem>>, vector<1x16xf32>,
        %get3A_1256 = vector.shape_cast %get3A_1255 : vector<1x16xf32> to vector<16xf32>
        %get3A_1257 = arith.index_cast %add3A_1170 : i32 to index
        %get3A_1258 = arith.constant 32 : index
        %get3A_1259 = tpu.vector_load %arg21[%get3A_1257, %get3A_1258] {strides = array<i32>} : memref<128x64xf32, #tpu.memory_space<vmem>>, vector<1x16xf32>,
        %get3A_1260 = vector.shape_cast %get3A_1259 : vector<1x16xf32> to vector<16xf32>
        %add3A_1261 = arith.addf %get3A_1256, %get3A_1260 : vector<16xf32>
        %get3A_1262 = arith.index_cast %add3A_1170 : i32 to index
        %get3A_1263 = arith.constant 32 : index
        %get3A_1264 = tpu.vector_load %arg22[%get3A_1262, %get3A_1263] {strides = array<i32>} : memref<128x64xf32, #tpu.memory_space<vmem>>, vector<1x16xf32>,
        %get3A_1265 = vector.shape_cast %get3A_1264 : vector<1x16xf32> to vector<16xf32>
        %sub3A_1266 = arith.subf %add3A_1261, %get3A_1265 : vector<16xf32>
        %mul3A_1267 = arith.mulf %sub3A_1252, %sub3A_1252 : vector<16xf32>
        %add3A_1268 = arith.addf %add3A_1236, %mul3A_1267 : vector<16xf32>
        %mul3A_1269 = arith.mulf %sub3A_1266, %sub3A_1266 : vector<16xf32>
        %add3A_1270 = arith.addf %add3A_1238, %mul3A_1269 : vector<16xf32>
        %get3A_1271 = arith.index_cast %add3A_1170 : i32 to index
        %get3A_1272 = arith.constant 48 : index
        %get3A_1273 = tpu.vector_load %arg17[%get3A_1271, %get3A_1272] {strides = array<i32>} : memref<128x64xf32, #tpu.memory_space<vmem>>, vector<1x16xf32>,
        %get3A_1274 = vector.shape_cast %get3A_1273 : vector<1x16xf32> to vector<16xf32>
        %get3A_1275 = arith.index_cast %add3A_1170 : i32 to index
        %get3A_1276 = arith.constant 48 : index
        %get3A_1277 = tpu.vector_load %arg18[%get3A_1275, %get3A_1276] {strides = array<i32>} : memref<128x64xf32, #tpu.memory_space<vmem>>, vector<1x16xf32>,
        %get3A_1278 = vector.shape_cast %get3A_1277 : vector<1x16xf32> to vector<16xf32>
        %add3A_1279 = arith.addf %get3A_1274, %get3A_1278 : vector<16xf32>
        %get3A_1280 = arith.index_cast %add3A_1170 : i32 to index
        %get3A_1281 = arith.constant 48 : index
        %get3A_1282 = tpu.vector_load %arg19[%get3A_1280, %get3A_1281] {strides = array<i32>} : memref<128x64xf32, #tpu.memory_space<vmem>>, vector<1x16xf32>,
        %get3A_1283 = vector.shape_cast %get3A_1282 : vector<1x16xf32> to vector<16xf32>
        %sub3A_1284 = arith.subf %add3A_1279, %get3A_1283 : vector<16xf32>
        %get3A_1285 = arith.index_cast %add3A_1170 : i32 to index
        %get3A_1286 = arith.constant 48 : index
        %get3A_1287 = tpu.vector_load %arg20[%get3A_1285, %get3A_1286] {strides = array<i32>} : memref<128x64xf32, #tpu.memory_space<vmem>>, vector<1x16xf32>,
        %get3A_1288 = vector.shape_cast %get3A_1287 : vector<1x16xf32> to vector<16xf32>
        %get3A_1289 = arith.index_cast %add3A_1170 : i32 to index
        %get3A_1290 = arith.constant 48 : index
        %get3A_1291 = tpu.vector_load %arg21[%get3A_1289, %get3A_1290] {strides = array<i32>} : memref<128x64xf32, #tpu.memory_space<vmem>>, vector<1x16xf32>,
        %get3A_1292 = vector.shape_cast %get3A_1291 : vector<1x16xf32> to vector<16xf32>
        %add3A_1293 = arith.addf %get3A_1288, %get3A_1292 : vector<16xf32>
        %get3A_1294 = arith.index_cast %add3A_1170 : i32 to index
        %get3A_1295 = arith.constant 48 : index
        %get3A_1296 = tpu.vector_load %arg22[%get3A_1294, %get3A_1295] {strides = array<i32>} : memref<128x64xf32, #tpu.memory_space<vmem>>, vector<1x16xf32>,
        %get3A_1297 = vector.shape_cast %get3A_1296 : vector<1x16xf32> to vector<16xf32>
        %sub3A_1298 = arith.subf %add3A_1293, %get3A_1297 : vector<16xf32>
        %mul3A_1299 = arith.mulf %sub3A_1284, %sub3A_1284 : vector<16xf32>
        %add3A_1300 = arith.addf %add3A_1268, %mul3A_1299 : vector<16xf32>
        %mul3A_1301 = arith.mulf %sub3A_1298, %sub3A_1298 : vector<16xf32>
        %add3A_1302 = arith.addf %add3A_1270, %mul3A_1301 : vector<16xf32>
        %eq3A_1303 = arith.constant 5 : i32
        %eq3A_1304 = vector.broadcast %eq3A_1303 : i32 to vector<16xi32>
        %eq3A_1305 = arith.cmpi eq, %iota3A, %eq3A_1304 : vector<16xi32>
        %swap3A_1306 = arith.constant 0 : index
        %swap3A_1307 = tpu.vector_load %arg23[%swap3A_1306] {strides = array<i32>} : memref<32xf32, #tpu.memory_space<vmem>>, vector<16xf32>,
        %swap3A_1308 = vector.shape_cast %swap3A_1307 : vector<16xf32> to vector<16xf32>
        %swap3A_1309 = vector.shape_cast %add3A_1300 : vector<16xf32> to vector<16xf32>
        tpu.vector_store %arg23[%swap3A_1306], %swap3A_1309 {strides = array<i32>} : memref<32xf32, #tpu.memory_space<vmem>>, vector<16xf32>,
        %get3A_1310 = arith.constant 8 : index
        %get3A_1311 = tpu.vector_load %arg23[%get3A_1310] {strides = array<i32>} : memref<32xf32, #tpu.memory_space<vmem>>, vector<16xf32>,
        %get3A_1312 = vector.shape_cast %get3A_1311 : vector<16xf32> to vector<16xf32>
        %add3A_1313 = arith.addf %add3A_1300, %get3A_1312 : vector<16xf32>
        %swap3A_1314 = arith.constant 0 : index
        %swap3A_1315 = tpu.vector_load %arg23[%swap3A_1314] {strides = array<i32>} : memref<32xf32, #tpu.memory_space<vmem>>, vector<16xf32>,
        %swap3A_1316 = vector.shape_cast %swap3A_1315 : vector<16xf32> to vector<16xf32>
        %swap3A_1317 = vector.shape_cast %add3A_1313 : vector<16xf32> to vector<16xf32>
        tpu.vector_store %arg23[%swap3A_1314], %swap3A_1317 {strides = array<i32>} : memref<32xf32, #tpu.memory_space<vmem>>, vector<16xf32>,
        %get3A_1318 = arith.constant 4 : index
        %get3A_1319 = tpu.vector_load %arg23[%get3A_1318] {strides = array<i32>} : memref<32xf32, #tpu.memory_space<vmem>>, vector<16xf32>,
        %get3A_1320 = vector.shape_cast %get3A_1319 : vector<16xf32> to vector<16xf32>
        %add3A_1321 = arith.addf %add3A_1313, %get3A_1320 : vector<16xf32>
        %swap3A_1322 = arith.constant 0 : index
        %swap3A_1323 = tpu.vector_load %arg23[%swap3A_1322] {strides = array<i32>} : memref<32xf32, #tpu.memory_space<vmem>>, vector<16xf32>,
        %swap3A_1324 = vector.shape_cast %swap3A_1323 : vector<16xf32> to vector<16xf32>
        %swap3A_1325 = vector.shape_cast %add3A_1321 : vector<16xf32> to vector<16xf32>
        tpu.vector_store %arg23[%swap3A_1322], %swap3A_1325 {strides = array<i32>} : memref<32xf32, #tpu.memory_space<vmem>>, vector<16xf32>,
        %get3A_1326 = arith.constant 2 : index
        %get3A_1327 = tpu.vector_load %arg23[%get3A_1326] {strides = array<i32>} : memref<32xf32, #tpu.memory_space<vmem>>, vector<16xf32>,
        %get3A_1328 = vector.shape_cast %get3A_1327 : vector<16xf32> to vector<16xf32>
        %add3A_1329 = arith.addf %add3A_1321, %get3A_1328 : vector<16xf32>
        %swap3A_1330 = arith.constant 0 : index
        %swap3A_1331 = tpu.vector_load %arg23[%swap3A_1330] {strides = array<i32>} : memref<32xf32, #tpu.memory_space<vmem>>, vector<16xf32>,
        %swap3A_1332 = vector.shape_cast %swap3A_1331 : vector<16xf32> to vector<16xf32>
        %swap3A_1333 = vector.shape_cast %add3A_1329 : vector<16xf32> to vector<16xf32>
        tpu.vector_store %arg23[%swap3A_1330], %swap3A_1333 {strides = array<i32>} : memref<32xf32, #tpu.memory_space<vmem>>, vector<16xf32>,
        %get3A_1334 = arith.constant 1 : index
        %get3A_1335 = tpu.vector_load %arg23[%get3A_1334] {strides = array<i32>} : memref<32xf32, #tpu.memory_space<vmem>>, vector<16xf32>,
        %get3A_1336 = vector.shape_cast %get3A_1335 : vector<16xf32> to vector<16xf32>
        %add3A_1337 = arith.addf %add3A_1329, %get3A_1336 : vector<16xf32>
        %slice3A_1338 = vector.extract_strided_slice %add3A_1337 {offsets = [0], sizes = [1], strides = [1]} : vector<16xf32> to vector<1xf32>
        %squeeze3A_1339 = vector.extract %slice3A_1338[0] : f32 from vector<1xf32>
        %broadcast_in_dim3A_1340 = vector.broadcast %squeeze3A_1339 : f32 to vector<16xf32>
        %select_n3A_1341 = arith.select %eq3A_1305, %broadcast_in_dim3A_1340, %select_n3A_1130 : vector<16xi1>, vector<16xf32>
        %swap3A_1342 = arith.constant 0 : index
        %swap3A_1343 = tpu.vector_load %arg24[%swap3A_1342] {strides = array<i32>} : memref<32xf32, #tpu.memory_space<vmem>>, vector<16xf32>,
        %swap3A_1344 = vector.shape_cast %swap3A_1343 : vector<16xf32> to vector<16xf32>
        %swap3A_1345 = vector.shape_cast %add3A_1302 : vector<16xf32> to vector<16xf32>
        tpu.vector_store %arg24[%swap3A_1342], %swap3A_1345 {strides = array<i32>} : memref<32xf32, #tpu.memory_space<vmem>>, vector<16xf32>,
        %get3A_1346 = arith.constant 8 : index
        %get3A_1347 = tpu.vector_load %arg24[%get3A_1346] {strides = array<i32>} : memref<32xf32, #tpu.memory_space<vmem>>, vector<16xf32>,
        %get3A_1348 = vector.shape_cast %get3A_1347 : vector<16xf32> to vector<16xf32>
        %add3A_1349 = arith.addf %add3A_1302, %get3A_1348 : vector<16xf32>
        %swap3A_1350 = arith.constant 0 : index
        %swap3A_1351 = tpu.vector_load %arg24[%swap3A_1350] {strides = array<i32>} : memref<32xf32, #tpu.memory_space<vmem>>, vector<16xf32>,
        %swap3A_1352 = vector.shape_cast %swap3A_1351 : vector<16xf32> to vector<16xf32>
        %swap3A_1353 = vector.shape_cast %add3A_1349 : vector<16xf32> to vector<16xf32>
        tpu.vector_store %arg24[%swap3A_1350], %swap3A_1353 {strides = array<i32>} : memref<32xf32, #tpu.memory_space<vmem>>, vector<16xf32>,
        %get3A_1354 = arith.constant 4 : index
        %get3A_1355 = tpu.vector_load %arg24[%get3A_1354] {strides = array<i32>} : memref<32xf32, #tpu.memory_space<vmem>>, vector<16xf32>,
        %get3A_1356 = vector.shape_cast %get3A_1355 : vector<16xf32> to vector<16xf32>
        %add3A_1357 = arith.addf %add3A_1349, %get3A_1356 : vector<16xf32>
        %swap3A_1358 = arith.constant 0 : index
        %swap3A_1359 = tpu.vector_load %arg24[%swap3A_1358] {strides = array<i32>} : memref<32xf32, #tpu.memory_space<vmem>>, vector<16xf32>,
        %swap3A_1360 = vector.shape_cast %swap3A_1359 : vector<16xf32> to vector<16xf32>
        %swap3A_1361 = vector.shape_cast %add3A_1357 : vector<16xf32> to vector<16xf32>
        tpu.vector_store %arg24[%swap3A_1358], %swap3A_1361 {strides = array<i32>} : memref<32xf32, #tpu.memory_space<vmem>>, vector<16xf32>,
        %get3A_1362 = arith.constant 2 : index
        %get3A_1363 = tpu.vector_load %arg24[%get3A_1362] {strides = array<i32>} : memref<32xf32, #tpu.memory_space<vmem>>, vector<16xf32>,
        %get3A_1364 = vector.shape_cast %get3A_1363 : vector<16xf32> to vector<16xf32>
        %add3A_1365 = arith.addf %add3A_1357, %get3A_1364 : vector<16xf32>
        %swap3A_1366 = arith.constant 0 : index
        %swap3A_1367 = tpu.vector_load %arg24[%swap3A_1366] {strides = array<i32>} : memref<32xf32, #tpu.memory_space<vmem>>, vector<16xf32>,
        %swap3A_1368 = vector.shape_cast %swap3A_1367 : vector<16xf32> to vector<16xf32>
        %swap3A_1369 = vector.shape_cast %add3A_1365 : vector<16xf32> to vector<16xf32>
        tpu.vector_store %arg24[%swap3A_1366], %swap3A_1369 {strides = array<i32>} : memref<32xf32, #tpu.memory_space<vmem>>, vector<16xf32>,
        %get3A_1370 = arith.constant 1 : index
        %get3A_1371 = tpu.vector_load %arg24[%get3A_1370] {strides = array<i32>} : memref<32xf32, #tpu.memory_space<vmem>>, vector<16xf32>,
        %get3A_1372 = vector.shape_cast %get3A_1371 : vector<16xf32> to vector<16xf32>
        %add3A_1373 = arith.addf %add3A_1365, %get3A_1372 : vector<16xf32>
        %slice3A_1374 = vector.extract_strided_slice %add3A_1373 {offsets = [0], sizes = [1], strides = [1]} : vector<16xf32> to vector<1xf32>
        %squeeze3A_1375 = vector.extract %slice3A_1374[0] : f32 from vector<1xf32>
        %broadcast_in_dim3A_1376 = vector.broadcast %squeeze3A_1375 : f32 to vector<16xf32>
        %select_n3A_1377 = arith.select %eq3A_1305, %broadcast_in_dim3A_1376, %select_n3A_1166 : vector<16xi1>, vector<16xf32>
        %mul3A_1378 = arith.constant 16 : i32
        %mul3A_1379 = arith.muli %scan3A_112, %mul3A_1378 : i32
        %add3A_1380 = arith.constant 6 : i32
        %add3A_1381 = arith.addi %mul3A_1379, %add3A_1380 : i32
        %broadcast_in_dim3A_1382 = arith.constant 0.000000e+00 : f32
        %broadcast_in_dim3A_1383 = vector.broadcast %broadcast_in_dim3A_1382 : f32 to vector<16xf32>
        %broadcast_in_dim3A_1384 = arith.constant 0.000000e+00 : f32
        %broadcast_in_dim3A_1385 = vector.broadcast %broadcast_in_dim3A_1384 : f32 to vector<16xf32>
        %get3A_1386 = arith.index_cast %add3A_1381 : i32 to index
        %get3A_1387 = arith.constant 0 : index
        %get3A_1388 = tpu.vector_load %arg17[%get3A_1386, %get3A_1387] {strides = array<i32>} : memref<128x64xf32, #tpu.memory_space<vmem>>, vector<1x16xf32>,
        %get3A_1389 = vector.shape_cast %get3A_1388 : vector<1x16xf32> to vector<16xf32>
        %get3A_1390 = arith.index_cast %add3A_1381 : i32 to index
        %get3A_1391 = arith.constant 0 : index
        %get3A_1392 = tpu.vector_load %arg18[%get3A_1390, %get3A_1391] {strides = array<i32>} : memref<128x64xf32, #tpu.memory_space<vmem>>, vector<1x16xf32>,
        %get3A_1393 = vector.shape_cast %get3A_1392 : vector<1x16xf32> to vector<16xf32>
        %add3A_1394 = arith.addf %get3A_1389, %get3A_1393 : vector<16xf32>
        %get3A_1395 = arith.index_cast %add3A_1381 : i32 to index
        %get3A_1396 = arith.constant 0 : index
        %get3A_1397 = tpu.vector_load %arg19[%get3A_1395, %get3A_1396] {strides = array<i32>} : memref<128x64xf32, #tpu.memory_space<vmem>>, vector<1x16xf32>,
        %get3A_1398 = vector.shape_cast %get3A_1397 : vector<1x16xf32> to vector<16xf32>
        %sub3A_1399 = arith.subf %add3A_1394, %get3A_1398 : vector<16xf32>
        %get3A_1400 = arith.index_cast %add3A_1381 : i32 to index
        %get3A_1401 = arith.constant 0 : index
        %get3A_1402 = tpu.vector_load %arg20[%get3A_1400, %get3A_1401] {strides = array<i32>} : memref<128x64xf32, #tpu.memory_space<vmem>>, vector<1x16xf32>,
        %get3A_1403 = vector.shape_cast %get3A_1402 : vector<1x16xf32> to vector<16xf32>
        %get3A_1404 = arith.index_cast %add3A_1381 : i32 to index
        %get3A_1405 = arith.constant 0 : index
        %get3A_1406 = tpu.vector_load %arg21[%get3A_1404, %get3A_1405] {strides = array<i32>} : memref<128x64xf32, #tpu.memory_space<vmem>>, vector<1x16xf32>,
        %get3A_1407 = vector.shape_cast %get3A_1406 : vector<1x16xf32> to vector<16xf32>
        %add3A_1408 = arith.addf %get3A_1403, %get3A_1407 : vector<16xf32>
        %get3A_1409 = arith.index_cast %add3A_1381 : i32 to index
        %get3A_1410 = arith.constant 0 : index
        %get3A_1411 = tpu.vector_load %arg22[%get3A_1409, %get3A_1410] {strides = array<i32>} : memref<128x64xf32, #tpu.memory_space<vmem>>, vector<1x16xf32>,
        %get3A_1412 = vector.shape_cast %get3A_1411 : vector<1x16xf32> to vector<16xf32>
        %sub3A_1413 = arith.subf %add3A_1408, %get3A_1412 : vector<16xf32>
        %mul3A_1414 = arith.mulf %sub3A_1399, %sub3A_1399 : vector<16xf32>
        %add3A_1415 = arith.addf %broadcast_in_dim3A_1383, %mul3A_1414 : vector<16xf32>
        %mul3A_1416 = arith.mulf %sub3A_1413, %sub3A_1413 : vector<16xf32>
        %add3A_1417 = arith.addf %broadcast_in_dim3A_1385, %mul3A_1416 : vector<16xf32>
        %get3A_1418 = arith.index_cast %add3A_1381 : i32 to index
        %get3A_1419 = arith.constant 16 : index
        %get3A_1420 = tpu.vector_load %arg17[%get3A_1418, %get3A_1419] {strides = array<i32>} : memref<128x64xf32, #tpu.memory_space<vmem>>, vector<1x16xf32>,
        %get3A_1421 = vector.shape_cast %get3A_1420 : vector<1x16xf32> to vector<16xf32>
        %get3A_1422 = arith.index_cast %add3A_1381 : i32 to index
        %get3A_1423 = arith.constant 16 : index
        %get3A_1424 = tpu.vector_load %arg18[%get3A_1422, %get3A_1423] {strides = array<i32>} : memref<128x64xf32, #tpu.memory_space<vmem>>, vector<1x16xf32>,
        %get3A_1425 = vector.shape_cast %get3A_1424 : vector<1x16xf32> to vector<16xf32>
        %add3A_1426 = arith.addf %get3A_1421, %get3A_1425 : vector<16xf32>
        %get3A_1427 = arith.index_cast %add3A_1381 : i32 to index
        %get3A_1428 = arith.constant 16 : index
        %get3A_1429 = tpu.vector_load %arg19[%get3A_1427, %get3A_1428] {strides = array<i32>} : memref<128x64xf32, #tpu.memory_space<vmem>>, vector<1x16xf32>,
        %get3A_1430 = vector.shape_cast %get3A_1429 : vector<1x16xf32> to vector<16xf32>
        %sub3A_1431 = arith.subf %add3A_1426, %get3A_1430 : vector<16xf32>
        %get3A_1432 = arith.index_cast %add3A_1381 : i32 to index
        %get3A_1433 = arith.constant 16 : index
        %get3A_1434 = tpu.vector_load %arg20[%get3A_1432, %get3A_1433] {strides = array<i32>} : memref<128x64xf32, #tpu.memory_space<vmem>>, vector<1x16xf32>,
        %get3A_1435 = vector.shape_cast %get3A_1434 : vector<1x16xf32> to vector<16xf32>
        %get3A_1436 = arith.index_cast %add3A_1381 : i32 to index
        %get3A_1437 = arith.constant 16 : index
        %get3A_1438 = tpu.vector_load %arg21[%get3A_1436, %get3A_1437] {strides = array<i32>} : memref<128x64xf32, #tpu.memory_space<vmem>>, vector<1x16xf32>,
        %get3A_1439 = vector.shape_cast %get3A_1438 : vector<1x16xf32> to vector<16xf32>
        %add3A_1440 = arith.addf %get3A_1435, %get3A_1439 : vector<16xf32>
        %get3A_1441 = arith.index_cast %add3A_1381 : i32 to index
        %get3A_1442 = arith.constant 16 : index
        %get3A_1443 = tpu.vector_load %arg22[%get3A_1441, %get3A_1442] {strides = array<i32>} : memref<128x64xf32, #tpu.memory_space<vmem>>, vector<1x16xf32>,
        %get3A_1444 = vector.shape_cast %get3A_1443 : vector<1x16xf32> to vector<16xf32>
        %sub3A_1445 = arith.subf %add3A_1440, %get3A_1444 : vector<16xf32>
        %mul3A_1446 = arith.mulf %sub3A_1431, %sub3A_1431 : vector<16xf32>
        %add3A_1447 = arith.addf %add3A_1415, %mul3A_1446 : vector<16xf32>
        %mul3A_1448 = arith.mulf %sub3A_1445, %sub3A_1445 : vector<16xf32>
        %add3A_1449 = arith.addf %add3A_1417, %mul3A_1448 : vector<16xf32>
        %get3A_1450 = arith.index_cast %add3A_1381 : i32 to index
        %get3A_1451 = arith.constant 32 : index
        %get3A_1452 = tpu.vector_load %arg17[%get3A_1450, %get3A_1451] {strides = array<i32>} : memref<128x64xf32, #tpu.memory_space<vmem>>, vector<1x16xf32>,
        %get3A_1453 = vector.shape_cast %get3A_1452 : vector<1x16xf32> to vector<16xf32>
        %get3A_1454 = arith.index_cast %add3A_1381 : i32 to index
        %get3A_1455 = arith.constant 32 : index
        %get3A_1456 = tpu.vector_load %arg18[%get3A_1454, %get3A_1455] {strides = array<i32>} : memref<128x64xf32, #tpu.memory_space<vmem>>, vector<1x16xf32>,
        %get3A_1457 = vector.shape_cast %get3A_1456 : vector<1x16xf32> to vector<16xf32>
        %add3A_1458 = arith.addf %get3A_1453, %get3A_1457 : vector<16xf32>
        %get3A_1459 = arith.index_cast %add3A_1381 : i32 to index
        %get3A_1460 = arith.constant 32 : index
        %get3A_1461 = tpu.vector_load %arg19[%get3A_1459, %get3A_1460] {strides = array<i32>} : memref<128x64xf32, #tpu.memory_space<vmem>>, vector<1x16xf32>,
        %get3A_1462 = vector.shape_cast %get3A_1461 : vector<1x16xf32> to vector<16xf32>
        %sub3A_1463 = arith.subf %add3A_1458, %get3A_1462 : vector<16xf32>
        %get3A_1464 = arith.index_cast %add3A_1381 : i32 to index
        %get3A_1465 = arith.constant 32 : index
        %get3A_1466 = tpu.vector_load %arg20[%get3A_1464, %get3A_1465] {strides = array<i32>} : memref<128x64xf32, #tpu.memory_space<vmem>>, vector<1x16xf32>,
        %get3A_1467 = vector.shape_cast %get3A_1466 : vector<1x16xf32> to vector<16xf32>
        %get3A_1468 = arith.index_cast %add3A_1381 : i32 to index
        %get3A_1469 = arith.constant 32 : index
        %get3A_1470 = tpu.vector_load %arg21[%get3A_1468, %get3A_1469] {strides = array<i32>} : memref<128x64xf32, #tpu.memory_space<vmem>>, vector<1x16xf32>,
        %get3A_1471 = vector.shape_cast %get3A_1470 : vector<1x16xf32> to vector<16xf32>
        %add3A_1472 = arith.addf %get3A_1467, %get3A_1471 : vector<16xf32>
        %get3A_1473 = arith.index_cast %add3A_1381 : i32 to index
        %get3A_1474 = arith.constant 32 : index
        %get3A_1475 = tpu.vector_load %arg22[%get3A_1473, %get3A_1474] {strides = array<i32>} : memref<128x64xf32, #tpu.memory_space<vmem>>, vector<1x16xf32>,
        %get3A_1476 = vector.shape_cast %get3A_1475 : vector<1x16xf32> to vector<16xf32>
        %sub3A_1477 = arith.subf %add3A_1472, %get3A_1476 : vector<16xf32>
        %mul3A_1478 = arith.mulf %sub3A_1463, %sub3A_1463 : vector<16xf32>
        %add3A_1479 = arith.addf %add3A_1447, %mul3A_1478 : vector<16xf32>
        %mul3A_1480 = arith.mulf %sub3A_1477, %sub3A_1477 : vector<16xf32>
        %add3A_1481 = arith.addf %add3A_1449, %mul3A_1480 : vector<16xf32>
        %get3A_1482 = arith.index_cast %add3A_1381 : i32 to index
        %get3A_1483 = arith.constant 48 : index
        %get3A_1484 = tpu.vector_load %arg17[%get3A_1482, %get3A_1483] {strides = array<i32>} : memref<128x64xf32, #tpu.memory_space<vmem>>, vector<1x16xf32>,
        %get3A_1485 = vector.shape_cast %get3A_1484 : vector<1x16xf32> to vector<16xf32>
        %get3A_1486 = arith.index_cast %add3A_1381 : i32 to index
        %get3A_1487 = arith.constant 48 : index
        %get3A_1488 = tpu.vector_load %arg18[%get3A_1486, %get3A_1487] {strides = array<i32>} : memref<128x64xf32, #tpu.memory_space<vmem>>, vector<1x16xf32>,
        %get3A_1489 = vector.shape_cast %get3A_1488 : vector<1x16xf32> to vector<16xf32>
        %add3A_1490 = arith.addf %get3A_1485, %get3A_1489 : vector<16xf32>
        %get3A_1491 = arith.index_cast %add3A_1381 : i32 to index
        %get3A_1492 = arith.constant 48 : index
        %get3A_1493 = tpu.vector_load %arg19[%get3A_1491, %get3A_1492] {strides = array<i32>} : memref<128x64xf32, #tpu.memory_space<vmem>>, vector<1x16xf32>,
        %get3A_1494 = vector.shape_cast %get3A_1493 : vector<1x16xf32> to vector<16xf32>
        %sub3A_1495 = arith.subf %add3A_1490, %get3A_1494 : vector<16xf32>
        %get3A_1496 = arith.index_cast %add3A_1381 : i32 to index
        %get3A_1497 = arith.constant 48 : index
        %get3A_1498 = tpu.vector_load %arg20[%get3A_1496, %get3A_1497] {strides = array<i32>} : memref<128x64xf32, #tpu.memory_space<vmem>>, vector<1x16xf32>,
        %get3A_1499 = vector.shape_cast %get3A_1498 : vector<1x16xf32> to vector<16xf32>
        %get3A_1500 = arith.index_cast %add3A_1381 : i32 to index
        %get3A_1501 = arith.constant 48 : index
        %get3A_1502 = tpu.vector_load %arg21[%get3A_1500, %get3A_1501] {strides = array<i32>} : memref<128x64xf32, #tpu.memory_space<vmem>>, vector<1x16xf32>,
        %get3A_1503 = vector.shape_cast %get3A_1502 : vector<1x16xf32> to vector<16xf32>
        %add3A_1504 = arith.addf %get3A_1499, %get3A_1503 : vector<16xf32>
        %get3A_1505 = arith.index_cast %add3A_1381 : i32 to index
        %get3A_1506 = arith.constant 48 : index
        %get3A_1507 = tpu.vector_load %arg22[%get3A_1505, %get3A_1506] {strides = array<i32>} : memref<128x64xf32, #tpu.memory_space<vmem>>, vector<1x16xf32>,
        %get3A_1508 = vector.shape_cast %get3A_1507 : vector<1x16xf32> to vector<16xf32>
        %sub3A_1509 = arith.subf %add3A_1504, %get3A_1508 : vector<16xf32>
        %mul3A_1510 = arith.mulf %sub3A_1495, %sub3A_1495 : vector<16xf32>
        %add3A_1511 = arith.addf %add3A_1479, %mul3A_1510 : vector<16xf32>
        %mul3A_1512 = arith.mulf %sub3A_1509, %sub3A_1509 : vector<16xf32>
        %add3A_1513 = arith.addf %add3A_1481, %mul3A_1512 : vector<16xf32>
        %eq3A_1514 = arith.constant 6 : i32
        %eq3A_1515 = vector.broadcast %eq3A_1514 : i32 to vector<16xi32>
        %eq3A_1516 = arith.cmpi eq, %iota3A, %eq3A_1515 : vector<16xi32>
        %swap3A_1517 = arith.constant 0 : index
        %swap3A_1518 = tpu.vector_load %arg23[%swap3A_1517] {strides = array<i32>} : memref<32xf32, #tpu.memory_space<vmem>>, vector<16xf32>,
        %swap3A_1519 = vector.shape_cast %swap3A_1518 : vector<16xf32> to vector<16xf32>
        %swap3A_1520 = vector.shape_cast %add3A_1511 : vector<16xf32> to vector<16xf32>
        tpu.vector_store %arg23[%swap3A_1517], %swap3A_1520 {strides = array<i32>} : memref<32xf32, #tpu.memory_space<vmem>>, vector<16xf32>,
        %get3A_1521 = arith.constant 8 : index
        %get3A_1522 = tpu.vector_load %arg23[%get3A_1521] {strides = array<i32>} : memref<32xf32, #tpu.memory_space<vmem>>, vector<16xf32>,
        %get3A_1523 = vector.shape_cast %get3A_1522 : vector<16xf32> to vector<16xf32>
        %add3A_1524 = arith.addf %add3A_1511, %get3A_1523 : vector<16xf32>
        %swap3A_1525 = arith.constant 0 : index
        %swap3A_1526 = tpu.vector_load %arg23[%swap3A_1525] {strides = array<i32>} : memref<32xf32, #tpu.memory_space<vmem>>, vector<16xf32>,
        %swap3A_1527 = vector.shape_cast %swap3A_1526 : vector<16xf32> to vector<16xf32>
        %swap3A_1528 = vector.shape_cast %add3A_1524 : vector<16xf32> to vector<16xf32>
        tpu.vector_store %arg23[%swap3A_1525], %swap3A_1528 {strides = array<i32>} : memref<32xf32, #tpu.memory_space<vmem>>, vector<16xf32>,
        %get3A_1529 = arith.constant 4 : index
        %get3A_1530 = tpu.vector_load %arg23[%get3A_1529] {strides = array<i32>} : memref<32xf32, #tpu.memory_space<vmem>>, vector<16xf32>,
        %get3A_1531 = vector.shape_cast %get3A_1530 : vector<16xf32> to vector<16xf32>
        %add3A_1532 = arith.addf %add3A_1524, %get3A_1531 : vector<16xf32>
        %swap3A_1533 = arith.constant 0 : index
        %swap3A_1534 = tpu.vector_load %arg23[%swap3A_1533] {strides = array<i32>} : memref<32xf32, #tpu.memory_space<vmem>>, vector<16xf32>,
        %swap3A_1535 = vector.shape_cast %swap3A_1534 : vector<16xf32> to vector<16xf32>
        %swap3A_1536 = vector.shape_cast %add3A_1532 : vector<16xf32> to vector<16xf32>
        tpu.vector_store %arg23[%swap3A_1533], %swap3A_1536 {strides = array<i32>} : memref<32xf32, #tpu.memory_space<vmem>>, vector<16xf32>,
        %get3A_1537 = arith.constant 2 : index
        %get3A_1538 = tpu.vector_load %arg23[%get3A_1537] {strides = array<i32>} : memref<32xf32, #tpu.memory_space<vmem>>, vector<16xf32>,
        %get3A_1539 = vector.shape_cast %get3A_1538 : vector<16xf32> to vector<16xf32>
        %add3A_1540 = arith.addf %add3A_1532, %get3A_1539 : vector<16xf32>
        %swap3A_1541 = arith.constant 0 : index
        %swap3A_1542 = tpu.vector_load %arg23[%swap3A_1541] {strides = array<i32>} : memref<32xf32, #tpu.memory_space<vmem>>, vector<16xf32>,
        %swap3A_1543 = vector.shape_cast %swap3A_1542 : vector<16xf32> to vector<16xf32>
        %swap3A_1544 = vector.shape_cast %add3A_1540 : vector<16xf32> to vector<16xf32>
        tpu.vector_store %arg23[%swap3A_1541], %swap3A_1544 {strides = array<i32>} : memref<32xf32, #tpu.memory_space<vmem>>, vector<16xf32>,
        %get3A_1545 = arith.constant 1 : index
        %get3A_1546 = tpu.vector_load %arg23[%get3A_1545] {strides = array<i32>} : memref<32xf32, #tpu.memory_space<vmem>>, vector<16xf32>,
        %get3A_1547 = vector.shape_cast %get3A_1546 : vector<16xf32> to vector<16xf32>
        %add3A_1548 = arith.addf %add3A_1540, %get3A_1547 : vector<16xf32>
        %slice3A_1549 = vector.extract_strided_slice %add3A_1548 {offsets = [0], sizes = [1], strides = [1]} : vector<16xf32> to vector<1xf32>
        %squeeze3A_1550 = vector.extract %slice3A_1549[0] : f32 from vector<1xf32>
        %broadcast_in_dim3A_1551 = vector.broadcast %squeeze3A_1550 : f32 to vector<16xf32>
        %select_n3A_1552 = arith.select %eq3A_1516, %broadcast_in_dim3A_1551, %select_n3A_1341 : vector<16xi1>, vector<16xf32>
        %swap3A_1553 = arith.constant 0 : index
        %swap3A_1554 = tpu.vector_load %arg24[%swap3A_1553] {strides = array<i32>} : memref<32xf32, #tpu.memory_space<vmem>>, vector<16xf32>,
        %swap3A_1555 = vector.shape_cast %swap3A_1554 : vector<16xf32> to vector<16xf32>
        %swap3A_1556 = vector.shape_cast %add3A_1513 : vector<16xf32> to vector<16xf32>
        tpu.vector_store %arg24[%swap3A_1553], %swap3A_1556 {strides = array<i32>} : memref<32xf32, #tpu.memory_space<vmem>>, vector<16xf32>,
        %get3A_1557 = arith.constant 8 : index
        %get3A_1558 = tpu.vector_load %arg24[%get3A_1557] {strides = array<i32>} : memref<32xf32, #tpu.memory_space<vmem>>, vector<16xf32>,
        %get3A_1559 = vector.shape_cast %get3A_1558 : vector<16xf32> to vector<16xf32>
        %add3A_1560 = arith.addf %add3A_1513, %get3A_1559 : vector<16xf32>
        %swap3A_1561 = arith.constant 0 : index
        %swap3A_1562 = tpu.vector_load %arg24[%swap3A_1561] {strides = array<i32>} : memref<32xf32, #tpu.memory_space<vmem>>, vector<16xf32>,
        %swap3A_1563 = vector.shape_cast %swap3A_1562 : vector<16xf32> to vector<16xf32>
        %swap3A_1564 = vector.shape_cast %add3A_1560 : vector<16xf32> to vector<16xf32>
        tpu.vector_store %arg24[%swap3A_1561], %swap3A_1564 {strides = array<i32>} : memref<32xf32, #tpu.memory_space<vmem>>, vector<16xf32>,
        %get3A_1565 = arith.constant 4 : index
        %get3A_1566 = tpu.vector_load %arg24[%get3A_1565] {strides = array<i32>} : memref<32xf32, #tpu.memory_space<vmem>>, vector<16xf32>,
        %get3A_1567 = vector.shape_cast %get3A_1566 : vector<16xf32> to vector<16xf32>
        %add3A_1568 = arith.addf %add3A_1560, %get3A_1567 : vector<16xf32>
        %swap3A_1569 = arith.constant 0 : index
        %swap3A_1570 = tpu.vector_load %arg24[%swap3A_1569] {strides = array<i32>} : memref<32xf32, #tpu.memory_space<vmem>>, vector<16xf32>,
        %swap3A_1571 = vector.shape_cast %swap3A_1570 : vector<16xf32> to vector<16xf32>
        %swap3A_1572 = vector.shape_cast %add3A_1568 : vector<16xf32> to vector<16xf32>
        tpu.vector_store %arg24[%swap3A_1569], %swap3A_1572 {strides = array<i32>} : memref<32xf32, #tpu.memory_space<vmem>>, vector<16xf32>,
        %get3A_1573 = arith.constant 2 : index
        %get3A_1574 = tpu.vector_load %arg24[%get3A_1573] {strides = array<i32>} : memref<32xf32, #tpu.memory_space<vmem>>, vector<16xf32>,
        %get3A_1575 = vector.shape_cast %get3A_1574 : vector<16xf32> to vector<16xf32>
        %add3A_1576 = arith.addf %add3A_1568, %get3A_1575 : vector<16xf32>
        %swap3A_1577 = arith.constant 0 : index
        %swap3A_1578 = tpu.vector_load %arg24[%swap3A_1577] {strides = array<i32>} : memref<32xf32, #tpu.memory_space<vmem>>, vector<16xf32>,
        %swap3A_1579 = vector.shape_cast %swap3A_1578 : vector<16xf32> to vector<16xf32>
        %swap3A_1580 = vector.shape_cast %add3A_1576 : vector<16xf32> to vector<16xf32>
        tpu.vector_store %arg24[%swap3A_1577], %swap3A_1580 {strides = array<i32>} : memref<32xf32, #tpu.memory_space<vmem>>, vector<16xf32>,
        %get3A_1581 = arith.constant 1 : index
        %get3A_1582 = tpu.vector_load %arg24[%get3A_1581] {strides = array<i32>} : memref<32xf32, #tpu.memory_space<vmem>>, vector<16xf32>,
        %get3A_1583 = vector.shape_cast %get3A_1582 : vector<16xf32> to vector<16xf32>
        %add3A_1584 = arith.addf %add3A_1576, %get3A_1583 : vector<16xf32>
        %slice3A_1585 = vector.extract_strided_slice %add3A_1584 {offsets = [0], sizes = [1], strides = [1]} : vector<16xf32> to vector<1xf32>
        %squeeze3A_1586 = vector.extract %slice3A_1585[0] : f32 from vector<1xf32>
        %broadcast_in_dim3A_1587 = vector.broadcast %squeeze3A_1586 : f32 to vector<16xf32>
        %select_n3A_1588 = arith.select %eq3A_1516, %broadcast_in_dim3A_1587, %select_n3A_1377 : vector<16xi1>, vector<16xf32>
        %mul3A_1589 = arith.constant 16 : i32
        %mul3A_1590 = arith.muli %scan3A_112, %mul3A_1589 : i32
        %add3A_1591 = arith.constant 7 : i32
        %add3A_1592 = arith.addi %mul3A_1590, %add3A_1591 : i32
        %broadcast_in_dim3A_1593 = arith.constant 0.000000e+00 : f32
        %broadcast_in_dim3A_1594 = vector.broadcast %broadcast_in_dim3A_1593 : f32 to vector<16xf32>
        %broadcast_in_dim3A_1595 = arith.constant 0.000000e+00 : f32
        %broadcast_in_dim3A_1596 = vector.broadcast %broadcast_in_dim3A_1595 : f32 to vector<16xf32>
        %get3A_1597 = arith.index_cast %add3A_1592 : i32 to index
        %get3A_1598 = arith.constant 0 : index
        %get3A_1599 = tpu.vector_load %arg17[%get3A_1597, %get3A_1598] {strides = array<i32>} : memref<128x64xf32, #tpu.memory_space<vmem>>, vector<1x16xf32>,
        %get3A_1600 = vector.shape_cast %get3A_1599 : vector<1x16xf32> to vector<16xf32>
        %get3A_1601 = arith.index_cast %add3A_1592 : i32 to index
        %get3A_1602 = arith.constant 0 : index
        %get3A_1603 = tpu.vector_load %arg18[%get3A_1601, %get3A_1602] {strides = array<i32>} : memref<128x64xf32, #tpu.memory_space<vmem>>, vector<1x16xf32>,
        %get3A_1604 = vector.shape_cast %get3A_1603 : vector<1x16xf32> to vector<16xf32>
        %add3A_1605 = arith.addf %get3A_1600, %get3A_1604 : vector<16xf32>
        %get3A_1606 = arith.index_cast %add3A_1592 : i32 to index
        %get3A_1607 = arith.constant 0 : index
        %get3A_1608 = tpu.vector_load %arg19[%get3A_1606, %get3A_1607] {strides = array<i32>} : memref<128x64xf32, #tpu.memory_space<vmem>>, vector<1x16xf32>,
        %get3A_1609 = vector.shape_cast %get3A_1608 : vector<1x16xf32> to vector<16xf32>
        %sub3A_1610 = arith.subf %add3A_1605, %get3A_1609 : vector<16xf32>
        %get3A_1611 = arith.index_cast %add3A_1592 : i32 to index
        %get3A_1612 = arith.constant 0 : index
        %get3A_1613 = tpu.vector_load %arg20[%get3A_1611, %get3A_1612] {strides = array<i32>} : memref<128x64xf32, #tpu.memory_space<vmem>>, vector<1x16xf32>,
        %get3A_1614 = vector.shape_cast %get3A_1613 : vector<1x16xf32> to vector<16xf32>
        %get3A_1615 = arith.index_cast %add3A_1592 : i32 to index
        %get3A_1616 = arith.constant 0 : index
        %get3A_1617 = tpu.vector_load %arg21[%get3A_1615, %get3A_1616] {strides = array<i32>} : memref<128x64xf32, #tpu.memory_space<vmem>>, vector<1x16xf32>,
        %get3A_1618 = vector.shape_cast %get3A_1617 : vector<1x16xf32> to vector<16xf32>
        %add3A_1619 = arith.addf %get3A_1614, %get3A_1618 : vector<16xf32>
        %get3A_1620 = arith.index_cast %add3A_1592 : i32 to index
        %get3A_1621 = arith.constant 0 : index
        %get3A_1622 = tpu.vector_load %arg22[%get3A_1620, %get3A_1621] {strides = array<i32>} : memref<128x64xf32, #tpu.memory_space<vmem>>, vector<1x16xf32>,
        %get3A_1623 = vector.shape_cast %get3A_1622 : vector<1x16xf32> to vector<16xf32>
        %sub3A_1624 = arith.subf %add3A_1619, %get3A_1623 : vector<16xf32>
        %mul3A_1625 = arith.mulf %sub3A_1610, %sub3A_1610 : vector<16xf32>
        %add3A_1626 = arith.addf %broadcast_in_dim3A_1594, %mul3A_1625 : vector<16xf32>
        %mul3A_1627 = arith.mulf %sub3A_1624, %sub3A_1624 : vector<16xf32>
        %add3A_1628 = arith.addf %broadcast_in_dim3A_1596, %mul3A_1627 : vector<16xf32>
        %get3A_1629 = arith.index_cast %add3A_1592 : i32 to index
        %get3A_1630 = arith.constant 16 : index
        %get3A_1631 = tpu.vector_load %arg17[%get3A_1629, %get3A_1630] {strides = array<i32>} : memref<128x64xf32, #tpu.memory_space<vmem>>, vector<1x16xf32>,
        %get3A_1632 = vector.shape_cast %get3A_1631 : vector<1x16xf32> to vector<16xf32>
        %get3A_1633 = arith.index_cast %add3A_1592 : i32 to index
        %get3A_1634 = arith.constant 16 : index
        %get3A_1635 = tpu.vector_load %arg18[%get3A_1633, %get3A_1634] {strides = array<i32>} : memref<128x64xf32, #tpu.memory_space<vmem>>, vector<1x16xf32>,
        %get3A_1636 = vector.shape_cast %get3A_1635 : vector<1x16xf32> to vector<16xf32>
        %add3A_1637 = arith.addf %get3A_1632, %get3A_1636 : vector<16xf32>
        %get3A_1638 = arith.index_cast %add3A_1592 : i32 to index
        %get3A_1639 = arith.constant 16 : index
        %get3A_1640 = tpu.vector_load %arg19[%get3A_1638, %get3A_1639] {strides = array<i32>} : memref<128x64xf32, #tpu.memory_space<vmem>>, vector<1x16xf32>,
        %get3A_1641 = vector.shape_cast %get3A_1640 : vector<1x16xf32> to vector<16xf32>
        %sub3A_1642 = arith.subf %add3A_1637, %get3A_1641 : vector<16xf32>
        %get3A_1643 = arith.index_cast %add3A_1592 : i32 to index
        %get3A_1644 = arith.constant 16 : index
        %get3A_1645 = tpu.vector_load %arg20[%get3A_1643, %get3A_1644] {strides = array<i32>} : memref<128x64xf32, #tpu.memory_space<vmem>>, vector<1x16xf32>,
        %get3A_1646 = vector.shape_cast %get3A_1645 : vector<1x16xf32> to vector<16xf32>
        %get3A_1647 = arith.index_cast %add3A_1592 : i32 to index
        %get3A_1648 = arith.constant 16 : index
        %get3A_1649 = tpu.vector_load %arg21[%get3A_1647, %get3A_1648] {strides = array<i32>} : memref<128x64xf32, #tpu.memory_space<vmem>>, vector<1x16xf32>,
        %get3A_1650 = vector.shape_cast %get3A_1649 : vector<1x16xf32> to vector<16xf32>
        %add3A_1651 = arith.addf %get3A_1646, %get3A_1650 : vector<16xf32>
        %get3A_1652 = arith.index_cast %add3A_1592 : i32 to index
        %get3A_1653 = arith.constant 16 : index
        %get3A_1654 = tpu.vector_load %arg22[%get3A_1652, %get3A_1653] {strides = array<i32>} : memref<128x64xf32, #tpu.memory_space<vmem>>, vector<1x16xf32>,
        %get3A_1655 = vector.shape_cast %get3A_1654 : vector<1x16xf32> to vector<16xf32>
        %sub3A_1656 = arith.subf %add3A_1651, %get3A_1655 : vector<16xf32>
        %mul3A_1657 = arith.mulf %sub3A_1642, %sub3A_1642 : vector<16xf32>
        %add3A_1658 = arith.addf %add3A_1626, %mul3A_1657 : vector<16xf32>
        %mul3A_1659 = arith.mulf %sub3A_1656, %sub3A_1656 : vector<16xf32>
        %add3A_1660 = arith.addf %add3A_1628, %mul3A_1659 : vector<16xf32>
        %get3A_1661 = arith.index_cast %add3A_1592 : i32 to index
        %get3A_1662 = arith.constant 32 : index
        %get3A_1663 = tpu.vector_load %arg17[%get3A_1661, %get3A_1662] {strides = array<i32>} : memref<128x64xf32, #tpu.memory_space<vmem>>, vector<1x16xf32>,
        %get3A_1664 = vector.shape_cast %get3A_1663 : vector<1x16xf32> to vector<16xf32>
        %get3A_1665 = arith.index_cast %add3A_1592 : i32 to index
        %get3A_1666 = arith.constant 32 : index
        %get3A_1667 = tpu.vector_load %arg18[%get3A_1665, %get3A_1666] {strides = array<i32>} : memref<128x64xf32, #tpu.memory_space<vmem>>, vector<1x16xf32>,
        %get3A_1668 = vector.shape_cast %get3A_1667 : vector<1x16xf32> to vector<16xf32>
        %add3A_1669 = arith.addf %get3A_1664, %get3A_1668 : vector<16xf32>
        %get3A_1670 = arith.index_cast %add3A_1592 : i32 to index
        %get3A_1671 = arith.constant 32 : index
        %get3A_1672 = tpu.vector_load %arg19[%get3A_1670, %get3A_1671] {strides = array<i32>} : memref<128x64xf32, #tpu.memory_space<vmem>>, vector<1x16xf32>,
        %get3A_1673 = vector.shape_cast %get3A_1672 : vector<1x16xf32> to vector<16xf32>
        %sub3A_1674 = arith.subf %add3A_1669, %get3A_1673 : vector<16xf32>
        %get3A_1675 = arith.index_cast %add3A_1592 : i32 to index
        %get3A_1676 = arith.constant 32 : index
        %get3A_1677 = tpu.vector_load %arg20[%get3A_1675, %get3A_1676] {strides = array<i32>} : memref<128x64xf32, #tpu.memory_space<vmem>>, vector<1x16xf32>,
        %get3A_1678 = vector.shape_cast %get3A_1677 : vector<1x16xf32> to vector<16xf32>
        %get3A_1679 = arith.index_cast %add3A_1592 : i32 to index
        %get3A_1680 = arith.constant 32 : index
        %get3A_1681 = tpu.vector_load %arg21[%get3A_1679, %get3A_1680] {strides = array<i32>} : memref<128x64xf32, #tpu.memory_space<vmem>>, vector<1x16xf32>,
        %get3A_1682 = vector.shape_cast %get3A_1681 : vector<1x16xf32> to vector<16xf32>
        %add3A_1683 = arith.addf %get3A_1678, %get3A_1682 : vector<16xf32>
        %get3A_1684 = arith.index_cast %add3A_1592 : i32 to index
        %get3A_1685 = arith.constant 32 : index
        %get3A_1686 = tpu.vector_load %arg22[%get3A_1684, %get3A_1685] {strides = array<i32>} : memref<128x64xf32, #tpu.memory_space<vmem>>, vector<1x16xf32>,
        %get3A_1687 = vector.shape_cast %get3A_1686 : vector<1x16xf32> to vector<16xf32>
        %sub3A_1688 = arith.subf %add3A_1683, %get3A_1687 : vector<16xf32>
        %mul3A_1689 = arith.mulf %sub3A_1674, %sub3A_1674 : vector<16xf32>
        %add3A_1690 = arith.addf %add3A_1658, %mul3A_1689 : vector<16xf32>
        %mul3A_1691 = arith.mulf %sub3A_1688, %sub3A_1688 : vector<16xf32>
        %add3A_1692 = arith.addf %add3A_1660, %mul3A_1691 : vector<16xf32>
        %get3A_1693 = arith.index_cast %add3A_1592 : i32 to index
        %get3A_1694 = arith.constant 48 : index
        %get3A_1695 = tpu.vector_load %arg17[%get3A_1693, %get3A_1694] {strides = array<i32>} : memref<128x64xf32, #tpu.memory_space<vmem>>, vector<1x16xf32>,
        %get3A_1696 = vector.shape_cast %get3A_1695 : vector<1x16xf32> to vector<16xf32>
        %get3A_1697 = arith.index_cast %add3A_1592 : i32 to index
        %get3A_1698 = arith.constant 48 : index
        %get3A_1699 = tpu.vector_load %arg18[%get3A_1697, %get3A_1698] {strides = array<i32>} : memref<128x64xf32, #tpu.memory_space<vmem>>, vector<1x16xf32>,
        %get3A_1700 = vector.shape_cast %get3A_1699 : vector<1x16xf32> to vector<16xf32>
        %add3A_1701 = arith.addf %get3A_1696, %get3A_1700 : vector<16xf32>
        %get3A_1702 = arith.index_cast %add3A_1592 : i32 to index
        %get3A_1703 = arith.constant 48 : index
        %get3A_1704 = tpu.vector_load %arg19[%get3A_1702, %get3A_1703] {strides = array<i32>} : memref<128x64xf32, #tpu.memory_space<vmem>>, vector<1x16xf32>,
        %get3A_1705 = vector.shape_cast %get3A_1704 : vector<1x16xf32> to vector<16xf32>
        %sub3A_1706 = arith.subf %add3A_1701, %get3A_1705 : vector<16xf32>
        %get3A_1707 = arith.index_cast %add3A_1592 : i32 to index
        %get3A_1708 = arith.constant 48 : index
        %get3A_1709 = tpu.vector_load %arg20[%get3A_1707, %get3A_1708] {strides = array<i32>} : memref<128x64xf32, #tpu.memory_space<vmem>>, vector<1x16xf32>,
        %get3A_1710 = vector.shape_cast %get3A_1709 : vector<1x16xf32> to vector<16xf32>
        %get3A_1711 = arith.index_cast %add3A_1592 : i32 to index
        %get3A_1712 = arith.constant 48 : index
        %get3A_1713 = tpu.vector_load %arg21[%get3A_1711, %get3A_1712] {strides = array<i32>} : memref<128x64xf32, #tpu.memory_space<vmem>>, vector<1x16xf32>,
        %get3A_1714 = vector.shape_cast %get3A_1713 : vector<1x16xf32> to vector<16xf32>
        %add3A_1715 = arith.addf %get3A_1710, %get3A_1714 : vector<16xf32>
        %get3A_1716 = arith.index_cast %add3A_1592 : i32 to index
        %get3A_1717 = arith.constant 48 : index
        %get3A_1718 = tpu.vector_load %arg22[%get3A_1716, %get3A_1717] {strides = array<i32>} : memref<128x64xf32, #tpu.memory_space<vmem>>, vector<1x16xf32>,
        %get3A_1719 = vector.shape_cast %get3A_1718 : vector<1x16xf32> to vector<16xf32>
        %sub3A_1720 = arith.subf %add3A_1715, %get3A_1719 : vector<16xf32>
        %mul3A_1721 = arith.mulf %sub3A_1706, %sub3A_1706 : vector<16xf32>
        %add3A_1722 = arith.addf %add3A_1690, %mul3A_1721 : vector<16xf32>
        %mul3A_1723 = arith.mulf %sub3A_1720, %sub3A_1720 : vector<16xf32>
        %add3A_1724 = arith.addf %add3A_1692, %mul3A_1723 : vector<16xf32>
        %eq3A_1725 = arith.constant 7 : i32
        %eq3A_1726 = vector.broadcast %eq3A_1725 : i32 to vector<16xi32>
        %eq3A_1727 = arith.cmpi eq, %iota3A, %eq3A_1726 : vector<16xi32>
        %swap3A_1728 = arith.constant 0 : index
        %swap3A_1729 = tpu.vector_load %arg23[%swap3A_1728] {strides = array<i32>} : memref<32xf32, #tpu.memory_space<vmem>>, vector<16xf32>,
        %swap3A_1730 = vector.shape_cast %swap3A_1729 : vector<16xf32> to vector<16xf32>
        %swap3A_1731 = vector.shape_cast %add3A_1722 : vector<16xf32> to vector<16xf32>
        tpu.vector_store %arg23[%swap3A_1728], %swap3A_1731 {strides = array<i32>} : memref<32xf32, #tpu.memory_space<vmem>>, vector<16xf32>,
        %get3A_1732 = arith.constant 8 : index
        %get3A_1733 = tpu.vector_load %arg23[%get3A_1732] {strides = array<i32>} : memref<32xf32, #tpu.memory_space<vmem>>, vector<16xf32>,
        %get3A_1734 = vector.shape_cast %get3A_1733 : vector<16xf32> to vector<16xf32>
        %add3A_1735 = arith.addf %add3A_1722, %get3A_1734 : vector<16xf32>
        %swap3A_1736 = arith.constant 0 : index
        %swap3A_1737 = tpu.vector_load %arg23[%swap3A_1736] {strides = array<i32>} : memref<32xf32, #tpu.memory_space<vmem>>, vector<16xf32>,
        %swap3A_1738 = vector.shape_cast %swap3A_1737 : vector<16xf32> to vector<16xf32>
        %swap3A_1739 = vector.shape_cast %add3A_1735 : vector<16xf32> to vector<16xf32>
        tpu.vector_store %arg23[%swap3A_1736], %swap3A_1739 {strides = array<i32>} : memref<32xf32, #tpu.memory_space<vmem>>, vector<16xf32>,
        %get3A_1740 = arith.constant 4 : index
        %get3A_1741 = tpu.vector_load %arg23[%get3A_1740] {strides = array<i32>} : memref<32xf32, #tpu.memory_space<vmem>>, vector<16xf32>,
        %get3A_1742 = vector.shape_cast %get3A_1741 : vector<16xf32> to vector<16xf32>
        %add3A_1743 = arith.addf %add3A_1735, %get3A_1742 : vector<16xf32>
        %swap3A_1744 = arith.constant 0 : index
        %swap3A_1745 = tpu.vector_load %arg23[%swap3A_1744] {strides = array<i32>} : memref<32xf32, #tpu.memory_space<vmem>>, vector<16xf32>,
        %swap3A_1746 = vector.shape_cast %swap3A_1745 : vector<16xf32> to vector<16xf32>
        %swap3A_1747 = vector.shape_cast %add3A_1743 : vector<16xf32> to vector<16xf32>
        tpu.vector_store %arg23[%swap3A_1744], %swap3A_1747 {strides = array<i32>} : memref<32xf32, #tpu.memory_space<vmem>>, vector<16xf32>,
        %get3A_1748 = arith.constant 2 : index
        %get3A_1749 = tpu.vector_load %arg23[%get3A_1748] {strides = array<i32>} : memref<32xf32, #tpu.memory_space<vmem>>, vector<16xf32>,
        %get3A_1750 = vector.shape_cast %get3A_1749 : vector<16xf32> to vector<16xf32>
        %add3A_1751 = arith.addf %add3A_1743, %get3A_1750 : vector<16xf32>
        %swap3A_1752 = arith.constant 0 : index
        %swap3A_1753 = tpu.vector_load %arg23[%swap3A_1752] {strides = array<i32>} : memref<32xf32, #tpu.memory_space<vmem>>, vector<16xf32>,
        %swap3A_1754 = vector.shape_cast %swap3A_1753 : vector<16xf32> to vector<16xf32>
        %swap3A_1755 = vector.shape_cast %add3A_1751 : vector<16xf32> to vector<16xf32>
        tpu.vector_store %arg23[%swap3A_1752], %swap3A_1755 {strides = array<i32>} : memref<32xf32, #tpu.memory_space<vmem>>, vector<16xf32>,
        %get3A_1756 = arith.constant 1 : index
        %get3A_1757 = tpu.vector_load %arg23[%get3A_1756] {strides = array<i32>} : memref<32xf32, #tpu.memory_space<vmem>>, vector<16xf32>,
        %get3A_1758 = vector.shape_cast %get3A_1757 : vector<16xf32> to vector<16xf32>
        %add3A_1759 = arith.addf %add3A_1751, %get3A_1758 : vector<16xf32>
        %slice3A_1760 = vector.extract_strided_slice %add3A_1759 {offsets = [0], sizes = [1], strides = [1]} : vector<16xf32> to vector<1xf32>
        %squeeze3A_1761 = vector.extract %slice3A_1760[0] : f32 from vector<1xf32>
        %broadcast_in_dim3A_1762 = vector.broadcast %squeeze3A_1761 : f32 to vector<16xf32>
        %select_n3A_1763 = arith.select %eq3A_1727, %broadcast_in_dim3A_1762, %select_n3A_1552 : vector<16xi1>, vector<16xf32>
        %swap3A_1764 = arith.constant 0 : index
        %swap3A_1765 = tpu.vector_load %arg24[%swap3A_1764] {strides = array<i32>} : memref<32xf32, #tpu.memory_space<vmem>>, vector<16xf32>,
        %swap3A_1766 = vector.shape_cast %swap3A_1765 : vector<16xf32> to vector<16xf32>
        %swap3A_1767 = vector.shape_cast %add3A_1724 : vector<16xf32> to vector<16xf32>
        tpu.vector_store %arg24[%swap3A_1764], %swap3A_1767 {strides = array<i32>} : memref<32xf32, #tpu.memory_space<vmem>>, vector<16xf32>,
        %get3A_1768 = arith.constant 8 : index
        %get3A_1769 = tpu.vector_load %arg24[%get3A_1768] {strides = array<i32>} : memref<32xf32, #tpu.memory_space<vmem>>, vector<16xf32>,
        %get3A_1770 = vector.shape_cast %get3A_1769 : vector<16xf32> to vector<16xf32>
        %add3A_1771 = arith.addf %add3A_1724, %get3A_1770 : vector<16xf32>
        %swap3A_1772 = arith.constant 0 : index
        %swap3A_1773 = tpu.vector_load %arg24[%swap3A_1772] {strides = array<i32>} : memref<32xf32, #tpu.memory_space<vmem>>, vector<16xf32>,
        %swap3A_1774 = vector.shape_cast %swap3A_1773 : vector<16xf32> to vector<16xf32>
        %swap3A_1775 = vector.shape_cast %add3A_1771 : vector<16xf32> to vector<16xf32>
        tpu.vector_store %arg24[%swap3A_1772], %swap3A_1775 {strides = array<i32>} : memref<32xf32, #tpu.memory_space<vmem>>, vector<16xf32>,
        %get3A_1776 = arith.constant 4 : index
        %get3A_1777 = tpu.vector_load %arg24[%get3A_1776] {strides = array<i32>} : memref<32xf32, #tpu.memory_space<vmem>>, vector<16xf32>,
        %get3A_1778 = vector.shape_cast %get3A_1777 : vector<16xf32> to vector<16xf32>
        %add3A_1779 = arith.addf %add3A_1771, %get3A_1778 : vector<16xf32>
        %swap3A_1780 = arith.constant 0 : index
        %swap3A_1781 = tpu.vector_load %arg24[%swap3A_1780] {strides = array<i32>} : memref<32xf32, #tpu.memory_space<vmem>>, vector<16xf32>,
        %swap3A_1782 = vector.shape_cast %swap3A_1781 : vector<16xf32> to vector<16xf32>
        %swap3A_1783 = vector.shape_cast %add3A_1779 : vector<16xf32> to vector<16xf32>
        tpu.vector_store %arg24[%swap3A_1780], %swap3A_1783 {strides = array<i32>} : memref<32xf32, #tpu.memory_space<vmem>>, vector<16xf32>,
        %get3A_1784 = arith.constant 2 : index
        %get3A_1785 = tpu.vector_load %arg24[%get3A_1784] {strides = array<i32>} : memref<32xf32, #tpu.memory_space<vmem>>, vector<16xf32>,
        %get3A_1786 = vector.shape_cast %get3A_1785 : vector<16xf32> to vector<16xf32>
        %add3A_1787 = arith.addf %add3A_1779, %get3A_1786 : vector<16xf32>
        %swap3A_1788 = arith.constant 0 : index
        %swap3A_1789 = tpu.vector_load %arg24[%swap3A_1788] {strides = array<i32>} : memref<32xf32, #tpu.memory_space<vmem>>, vector<16xf32>,
        %swap3A_1790 = vector.shape_cast %swap3A_1789 : vector<16xf32> to vector<16xf32>
        %swap3A_1791 = vector.shape_cast %add3A_1787 : vector<16xf32> to vector<16xf32>
        tpu.vector_store %arg24[%swap3A_1788], %swap3A_1791 {strides = array<i32>} : memref<32xf32, #tpu.memory_space<vmem>>, vector<16xf32>,
        %get3A_1792 = arith.constant 1 : index
        %get3A_1793 = tpu.vector_load %arg24[%get3A_1792] {strides = array<i32>} : memref<32xf32, #tpu.memory_space<vmem>>, vector<16xf32>,
        %get3A_1794 = vector.shape_cast %get3A_1793 : vector<16xf32> to vector<16xf32>
        %add3A_1795 = arith.addf %add3A_1787, %get3A_1794 : vector<16xf32>
        %slice3A_1796 = vector.extract_strided_slice %add3A_1795 {offsets = [0], sizes = [1], strides = [1]} : vector<16xf32> to vector<1xf32>
        %squeeze3A_1797 = vector.extract %slice3A_1796[0] : f32 from vector<1xf32>
        %broadcast_in_dim3A_1798 = vector.broadcast %squeeze3A_1797 : f32 to vector<16xf32>
        %select_n3A_1799 = arith.select %eq3A_1727, %broadcast_in_dim3A_1798, %select_n3A_1588 : vector<16xi1>, vector<16xf32>
        %mul3A_1800 = arith.constant 16 : i32
        %mul3A_1801 = arith.muli %scan3A_112, %mul3A_1800 : i32
        %add3A_1802 = arith.constant 8 : i32
        %add3A_1803 = arith.addi %mul3A_1801, %add3A_1802 : i32
        %broadcast_in_dim3A_1804 = arith.constant 0.000000e+00 : f32
        %broadcast_in_dim3A_1805 = vector.broadcast %broadcast_in_dim3A_1804 : f32 to vector<16xf32>
        %broadcast_in_dim3A_1806 = arith.constant 0.000000e+00 : f32
        %broadcast_in_dim3A_1807 = vector.broadcast %broadcast_in_dim3A_1806 : f32 to vector<16xf32>
        %get3A_1808 = arith.index_cast %add3A_1803 : i32 to index
        %get3A_1809 = arith.constant 0 : index
        %get3A_1810 = tpu.vector_load %arg17[%get3A_1808, %get3A_1809] {strides = array<i32>} : memref<128x64xf32, #tpu.memory_space<vmem>>, vector<1x16xf32>,
        %get3A_1811 = vector.shape_cast %get3A_1810 : vector<1x16xf32> to vector<16xf32>
        %get3A_1812 = arith.index_cast %add3A_1803 : i32 to index
        %get3A_1813 = arith.constant 0 : index
        %get3A_1814 = tpu.vector_load %arg18[%get3A_1812, %get3A_1813] {strides = array<i32>} : memref<128x64xf32, #tpu.memory_space<vmem>>, vector<1x16xf32>,
        %get3A_1815 = vector.shape_cast %get3A_1814 : vector<1x16xf32> to vector<16xf32>
        %add3A_1816 = arith.addf %get3A_1811, %get3A_1815 : vector<16xf32>
        %get3A_1817 = arith.index_cast %add3A_1803 : i32 to index
        %get3A_1818 = arith.constant 0 : index
        %get3A_1819 = tpu.vector_load %arg19[%get3A_1817, %get3A_1818] {strides = array<i32>} : memref<128x64xf32, #tpu.memory_space<vmem>>, vector<1x16xf32>,
        %get3A_1820 = vector.shape_cast %get3A_1819 : vector<1x16xf32> to vector<16xf32>
        %sub3A_1821 = arith.subf %add3A_1816, %get3A_1820 : vector<16xf32>
        %get3A_1822 = arith.index_cast %add3A_1803 : i32 to index
        %get3A_1823 = arith.constant 0 : index
        %get3A_1824 = tpu.vector_load %arg20[%get3A_1822, %get3A_1823] {strides = array<i32>} : memref<128x64xf32, #tpu.memory_space<vmem>>, vector<1x16xf32>,
        %get3A_1825 = vector.shape_cast %get3A_1824 : vector<1x16xf32> to vector<16xf32>
        %get3A_1826 = arith.index_cast %add3A_1803 : i32 to index
        %get3A_1827 = arith.constant 0 : index
        %get3A_1828 = tpu.vector_load %arg21[%get3A_1826, %get3A_1827] {strides = array<i32>} : memref<128x64xf32, #tpu.memory_space<vmem>>, vector<1x16xf32>,
        %get3A_1829 = vector.shape_cast %get3A_1828 : vector<1x16xf32> to vector<16xf32>
        %add3A_1830 = arith.addf %get3A_1825, %get3A_1829 : vector<16xf32>
        %get3A_1831 = arith.index_cast %add3A_1803 : i32 to index
        %get3A_1832 = arith.constant 0 : index
        %get3A_1833 = tpu.vector_load %arg22[%get3A_1831, %get3A_1832] {strides = array<i32>} : memref<128x64xf32, #tpu.memory_space<vmem>>, vector<1x16xf32>,
        %get3A_1834 = vector.shape_cast %get3A_1833 : vector<1x16xf32> to vector<16xf32>
        %sub3A_1835 = arith.subf %add3A_1830, %get3A_1834 : vector<16xf32>
        %mul3A_1836 = arith.mulf %sub3A_1821, %sub3A_1821 : vector<16xf32>
        %add3A_1837 = arith.addf %broadcast_in_dim3A_1805, %mul3A_1836 : vector<16xf32>
        %mul3A_1838 = arith.mulf %sub3A_1835, %sub3A_1835 : vector<16xf32>
        %add3A_1839 = arith.addf %broadcast_in_dim3A_1807, %mul3A_1838 : vector<16xf32>
        %get3A_1840 = arith.index_cast %add3A_1803 : i32 to index
        %get3A_1841 = arith.constant 16 : index
        %get3A_1842 = tpu.vector_load %arg17[%get3A_1840, %get3A_1841] {strides = array<i32>} : memref<128x64xf32, #tpu.memory_space<vmem>>, vector<1x16xf32>,
        %get3A_1843 = vector.shape_cast %get3A_1842 : vector<1x16xf32> to vector<16xf32>
        %get3A_1844 = arith.index_cast %add3A_1803 : i32 to index
        %get3A_1845 = arith.constant 16 : index
        %get3A_1846 = tpu.vector_load %arg18[%get3A_1844, %get3A_1845] {strides = array<i32>} : memref<128x64xf32, #tpu.memory_space<vmem>>, vector<1x16xf32>,
        %get3A_1847 = vector.shape_cast %get3A_1846 : vector<1x16xf32> to vector<16xf32>
        %add3A_1848 = arith.addf %get3A_1843, %get3A_1847 : vector<16xf32>
        %get3A_1849 = arith.index_cast %add3A_1803 : i32 to index
        %get3A_1850 = arith.constant 16 : index
        %get3A_1851 = tpu.vector_load %arg19[%get3A_1849, %get3A_1850] {strides = array<i32>} : memref<128x64xf32, #tpu.memory_space<vmem>>, vector<1x16xf32>,
        %get3A_1852 = vector.shape_cast %get3A_1851 : vector<1x16xf32> to vector<16xf32>
        %sub3A_1853 = arith.subf %add3A_1848, %get3A_1852 : vector<16xf32>
        %get3A_1854 = arith.index_cast %add3A_1803 : i32 to index
        %get3A_1855 = arith.constant 16 : index
        %get3A_1856 = tpu.vector_load %arg20[%get3A_1854, %get3A_1855] {strides = array<i32>} : memref<128x64xf32, #tpu.memory_space<vmem>>, vector<1x16xf32>,
        %get3A_1857 = vector.shape_cast %get3A_1856 : vector<1x16xf32> to vector<16xf32>
        %get3A_1858 = arith.index_cast %add3A_1803 : i32 to index
        %get3A_1859 = arith.constant 16 : index
        %get3A_1860 = tpu.vector_load %arg21[%get3A_1858, %get3A_1859] {strides = array<i32>} : memref<128x64xf32, #tpu.memory_space<vmem>>, vector<1x16xf32>,
        %get3A_1861 = vector.shape_cast %get3A_1860 : vector<1x16xf32> to vector<16xf32>
        %add3A_1862 = arith.addf %get3A_1857, %get3A_1861 : vector<16xf32>
        %get3A_1863 = arith.index_cast %add3A_1803 : i32 to index
        %get3A_1864 = arith.constant 16 : index
        %get3A_1865 = tpu.vector_load %arg22[%get3A_1863, %get3A_1864] {strides = array<i32>} : memref<128x64xf32, #tpu.memory_space<vmem>>, vector<1x16xf32>,
        %get3A_1866 = vector.shape_cast %get3A_1865 : vector<1x16xf32> to vector<16xf32>
        %sub3A_1867 = arith.subf %add3A_1862, %get3A_1866 : vector<16xf32>
        %mul3A_1868 = arith.mulf %sub3A_1853, %sub3A_1853 : vector<16xf32>
        %add3A_1869 = arith.addf %add3A_1837, %mul3A_1868 : vector<16xf32>
        %mul3A_1870 = arith.mulf %sub3A_1867, %sub3A_1867 : vector<16xf32>
        %add3A_1871 = arith.addf %add3A_1839, %mul3A_1870 : vector<16xf32>
        %get3A_1872 = arith.index_cast %add3A_1803 : i32 to index
        %get3A_1873 = arith.constant 32 : index
        %get3A_1874 = tpu.vector_load %arg17[%get3A_1872, %get3A_1873] {strides = array<i32>} : memref<128x64xf32, #tpu.memory_space<vmem>>, vector<1x16xf32>,
        %get3A_1875 = vector.shape_cast %get3A_1874 : vector<1x16xf32> to vector<16xf32>
        %get3A_1876 = arith.index_cast %add3A_1803 : i32 to index
        %get3A_1877 = arith.constant 32 : index
        %get3A_1878 = tpu.vector_load %arg18[%get3A_1876, %get3A_1877] {strides = array<i32>} : memref<128x64xf32, #tpu.memory_space<vmem>>, vector<1x16xf32>,
        %get3A_1879 = vector.shape_cast %get3A_1878 : vector<1x16xf32> to vector<16xf32>
        %add3A_1880 = arith.addf %get3A_1875, %get3A_1879 : vector<16xf32>
        %get3A_1881 = arith.index_cast %add3A_1803 : i32 to index
        %get3A_1882 = arith.constant 32 : index
        %get3A_1883 = tpu.vector_load %arg19[%get3A_1881, %get3A_1882] {strides = array<i32>} : memref<128x64xf32, #tpu.memory_space<vmem>>, vector<1x16xf32>,
        %get3A_1884 = vector.shape_cast %get3A_1883 : vector<1x16xf32> to vector<16xf32>
        %sub3A_1885 = arith.subf %add3A_1880, %get3A_1884 : vector<16xf32>
        %get3A_1886 = arith.index_cast %add3A_1803 : i32 to index
        %get3A_1887 = arith.constant 32 : index
        %get3A_1888 = tpu.vector_load %arg20[%get3A_1886, %get3A_1887] {strides = array<i32>} : memref<128x64xf32, #tpu.memory_space<vmem>>, vector<1x16xf32>,
        %get3A_1889 = vector.shape_cast %get3A_1888 : vector<1x16xf32> to vector<16xf32>
        %get3A_1890 = arith.index_cast %add3A_1803 : i32 to index
        %get3A_1891 = arith.constant 32 : index
        %get3A_1892 = tpu.vector_load %arg21[%get3A_1890, %get3A_1891] {strides = array<i32>} : memref<128x64xf32, #tpu.memory_space<vmem>>, vector<1x16xf32>,
        %get3A_1893 = vector.shape_cast %get3A_1892 : vector<1x16xf32> to vector<16xf32>
        %add3A_1894 = arith.addf %get3A_1889, %get3A_1893 : vector<16xf32>
        %get3A_1895 = arith.index_cast %add3A_1803 : i32 to index
        %get3A_1896 = arith.constant 32 : index
        %get3A_1897 = tpu.vector_load %arg22[%get3A_1895, %get3A_1896] {strides = array<i32>} : memref<128x64xf32, #tpu.memory_space<vmem>>, vector<1x16xf32>,
        %get3A_1898 = vector.shape_cast %get3A_1897 : vector<1x16xf32> to vector<16xf32>
        %sub3A_1899 = arith.subf %add3A_1894, %get3A_1898 : vector<16xf32>
        %mul3A_1900 = arith.mulf %sub3A_1885, %sub3A_1885 : vector<16xf32>
        %add3A_1901 = arith.addf %add3A_1869, %mul3A_1900 : vector<16xf32>
        %mul3A_1902 = arith.mulf %sub3A_1899, %sub3A_1899 : vector<16xf32>
        %add3A_1903 = arith.addf %add3A_1871, %mul3A_1902 : vector<16xf32>
        %get3A_1904 = arith.index_cast %add3A_1803 : i32 to index
        %get3A_1905 = arith.constant 48 : index
        %get3A_1906 = tpu.vector_load %arg17[%get3A_1904, %get3A_1905] {strides = array<i32>} : memref<128x64xf32, #tpu.memory_space<vmem>>, vector<1x16xf32>,
        %get3A_1907 = vector.shape_cast %get3A_1906 : vector<1x16xf32> to vector<16xf32>
        %get3A_1908 = arith.index_cast %add3A_1803 : i32 to index
        %get3A_1909 = arith.constant 48 : index
        %get3A_1910 = tpu.vector_load %arg18[%get3A_1908, %get3A_1909] {strides = array<i32>} : memref<128x64xf32, #tpu.memory_space<vmem>>, vector<1x16xf32>,
        %get3A_1911 = vector.shape_cast %get3A_1910 : vector<1x16xf32> to vector<16xf32>
        %add3A_1912 = arith.addf %get3A_1907, %get3A_1911 : vector<16xf32>
        %get3A_1913 = arith.index_cast %add3A_1803 : i32 to index
        %get3A_1914 = arith.constant 48 : index
        %get3A_1915 = tpu.vector_load %arg19[%get3A_1913, %get3A_1914] {strides = array<i32>} : memref<128x64xf32, #tpu.memory_space<vmem>>, vector<1x16xf32>,
        %get3A_1916 = vector.shape_cast %get3A_1915 : vector<1x16xf32> to vector<16xf32>
        %sub3A_1917 = arith.subf %add3A_1912, %get3A_1916 : vector<16xf32>
        %get3A_1918 = arith.index_cast %add3A_1803 : i32 to index
        %get3A_1919 = arith.constant 48 : index
        %get3A_1920 = tpu.vector_load %arg20[%get3A_1918, %get3A_1919] {strides = array<i32>} : memref<128x64xf32, #tpu.memory_space<vmem>>, vector<1x16xf32>,
        %get3A_1921 = vector.shape_cast %get3A_1920 : vector<1x16xf32> to vector<16xf32>
        %get3A_1922 = arith.index_cast %add3A_1803 : i32 to index
        %get3A_1923 = arith.constant 48 : index
        %get3A_1924 = tpu.vector_load %arg21[%get3A_1922, %get3A_1923] {strides = array<i32>} : memref<128x64xf32, #tpu.memory_space<vmem>>, vector<1x16xf32>,
        %get3A_1925 = vector.shape_cast %get3A_1924 : vector<1x16xf32> to vector<16xf32>
        %add3A_1926 = arith.addf %get3A_1921, %get3A_1925 : vector<16xf32>
        %get3A_1927 = arith.index_cast %add3A_1803 : i32 to index
        %get3A_1928 = arith.constant 48 : index
        %get3A_1929 = tpu.vector_load %arg22[%get3A_1927, %get3A_1928] {strides = array<i32>} : memref<128x64xf32, #tpu.memory_space<vmem>>, vector<1x16xf32>,
        %get3A_1930 = vector.shape_cast %get3A_1929 : vector<1x16xf32> to vector<16xf32>
        %sub3A_1931 = arith.subf %add3A_1926, %get3A_1930 : vector<16xf32>
        %mul3A_1932 = arith.mulf %sub3A_1917, %sub3A_1917 : vector<16xf32>
        %add3A_1933 = arith.addf %add3A_1901, %mul3A_1932 : vector<16xf32>
        %mul3A_1934 = arith.mulf %sub3A_1931, %sub3A_1931 : vector<16xf32>
        %add3A_1935 = arith.addf %add3A_1903, %mul3A_1934 : vector<16xf32>
        %eq3A_1936 = arith.constant 8 : i32
        %eq3A_1937 = vector.broadcast %eq3A_1936 : i32 to vector<16xi32>
        %eq3A_1938 = arith.cmpi eq, %iota3A, %eq3A_1937 : vector<16xi32>
        %swap3A_1939 = arith.constant 0 : index
        %swap3A_1940 = tpu.vector_load %arg23[%swap3A_1939] {strides = array<i32>} : memref<32xf32, #tpu.memory_space<vmem>>, vector<16xf32>,
        %swap3A_1941 = vector.shape_cast %swap3A_1940 : vector<16xf32> to vector<16xf32>
        %swap3A_1942 = vector.shape_cast %add3A_1933 : vector<16xf32> to vector<16xf32>
        tpu.vector_store %arg23[%swap3A_1939], %swap3A_1942 {strides = array<i32>} : memref<32xf32, #tpu.memory_space<vmem>>, vector<16xf32>,
        %get3A_1943 = arith.constant 8 : index
        %get3A_1944 = tpu.vector_load %arg23[%get3A_1943] {strides = array<i32>} : memref<32xf32, #tpu.memory_space<vmem>>, vector<16xf32>,
        %get3A_1945 = vector.shape_cast %get3A_1944 : vector<16xf32> to vector<16xf32>
        %add3A_1946 = arith.addf %add3A_1933, %get3A_1945 : vector<16xf32>
        %swap3A_1947 = arith.constant 0 : index
        %swap3A_1948 = tpu.vector_load %arg23[%swap3A_1947] {strides = array<i32>} : memref<32xf32, #tpu.memory_space<vmem>>, vector<16xf32>,
        %swap3A_1949 = vector.shape_cast %swap3A_1948 : vector<16xf32> to vector<16xf32>
        %swap3A_1950 = vector.shape_cast %add3A_1946 : vector<16xf32> to vector<16xf32>
        tpu.vector_store %arg23[%swap3A_1947], %swap3A_1950 {strides = array<i32>} : memref<32xf32, #tpu.memory_space<vmem>>, vector<16xf32>,
        %get3A_1951 = arith.constant 4 : index
        %get3A_1952 = tpu.vector_load %arg23[%get3A_1951] {strides = array<i32>} : memref<32xf32, #tpu.memory_space<vmem>>, vector<16xf32>,
        %get3A_1953 = vector.shape_cast %get3A_1952 : vector<16xf32> to vector<16xf32>
        %add3A_1954 = arith.addf %add3A_1946, %get3A_1953 : vector<16xf32>
        %swap3A_1955 = arith.constant 0 : index
        %swap3A_1956 = tpu.vector_load %arg23[%swap3A_1955] {strides = array<i32>} : memref<32xf32, #tpu.memory_space<vmem>>, vector<16xf32>,
        %swap3A_1957 = vector.shape_cast %swap3A_1956 : vector<16xf32> to vector<16xf32>
        %swap3A_1958 = vector.shape_cast %add3A_1954 : vector<16xf32> to vector<16xf32>
        tpu.vector_store %arg23[%swap3A_1955], %swap3A_1958 {strides = array<i32>} : memref<32xf32, #tpu.memory_space<vmem>>, vector<16xf32>,
        %get3A_1959 = arith.constant 2 : index
        %get3A_1960 = tpu.vector_load %arg23[%get3A_1959] {strides = array<i32>} : memref<32xf32, #tpu.memory_space<vmem>>, vector<16xf32>,
        %get3A_1961 = vector.shape_cast %get3A_1960 : vector<16xf32> to vector<16xf32>
        %add3A_1962 = arith.addf %add3A_1954, %get3A_1961 : vector<16xf32>
        %swap3A_1963 = arith.constant 0 : index
        %swap3A_1964 = tpu.vector_load %arg23[%swap3A_1963] {strides = array<i32>} : memref<32xf32, #tpu.memory_space<vmem>>, vector<16xf32>,
        %swap3A_1965 = vector.shape_cast %swap3A_1964 : vector<16xf32> to vector<16xf32>
        %swap3A_1966 = vector.shape_cast %add3A_1962 : vector<16xf32> to vector<16xf32>
        tpu.vector_store %arg23[%swap3A_1963], %swap3A_1966 {strides = array<i32>} : memref<32xf32, #tpu.memory_space<vmem>>, vector<16xf32>,
        %get3A_1967 = arith.constant 1 : index
        %get3A_1968 = tpu.vector_load %arg23[%get3A_1967] {strides = array<i32>} : memref<32xf32, #tpu.memory_space<vmem>>, vector<16xf32>,
        %get3A_1969 = vector.shape_cast %get3A_1968 : vector<16xf32> to vector<16xf32>
        %add3A_1970 = arith.addf %add3A_1962, %get3A_1969 : vector<16xf32>
        %slice3A_1971 = vector.extract_strided_slice %add3A_1970 {offsets = [0], sizes = [1], strides = [1]} : vector<16xf32> to vector<1xf32>
        %squeeze3A_1972 = vector.extract %slice3A_1971[0] : f32 from vector<1xf32>
        %broadcast_in_dim3A_1973 = vector.broadcast %squeeze3A_1972 : f32 to vector<16xf32>
        %select_n3A_1974 = arith.select %eq3A_1938, %broadcast_in_dim3A_1973, %select_n3A_1763 : vector<16xi1>, vector<16xf32>
        %swap3A_1975 = arith.constant 0 : index
        %swap3A_1976 = tpu.vector_load %arg24[%swap3A_1975] {strides = array<i32>} : memref<32xf32, #tpu.memory_space<vmem>>, vector<16xf32>,
        %swap3A_1977 = vector.shape_cast %swap3A_1976 : vector<16xf32> to vector<16xf32>
        %swap3A_1978 = vector.shape_cast %add3A_1935 : vector<16xf32> to vector<16xf32>
        tpu.vector_store %arg24[%swap3A_1975], %swap3A_1978 {strides = array<i32>} : memref<32xf32, #tpu.memory_space<vmem>>, vector<16xf32>,
        %get3A_1979 = arith.constant 8 : index
        %get3A_1980 = tpu.vector_load %arg24[%get3A_1979] {strides = array<i32>} : memref<32xf32, #tpu.memory_space<vmem>>, vector<16xf32>,
        %get3A_1981 = vector.shape_cast %get3A_1980 : vector<16xf32> to vector<16xf32>
        %add3A_1982 = arith.addf %add3A_1935, %get3A_1981 : vector<16xf32>
        %swap3A_1983 = arith.constant 0 : index
        %swap3A_1984 = tpu.vector_load %arg24[%swap3A_1983] {strides = array<i32>} : memref<32xf32, #tpu.memory_space<vmem>>, vector<16xf32>,
        %swap3A_1985 = vector.shape_cast %swap3A_1984 : vector<16xf32> to vector<16xf32>
        %swap3A_1986 = vector.shape_cast %add3A_1982 : vector<16xf32> to vector<16xf32>
        tpu.vector_store %arg24[%swap3A_1983], %swap3A_1986 {strides = array<i32>} : memref<32xf32, #tpu.memory_space<vmem>>, vector<16xf32>,
        %get3A_1987 = arith.constant 4 : index
        %get3A_1988 = tpu.vector_load %arg24[%get3A_1987] {strides = array<i32>} : memref<32xf32, #tpu.memory_space<vmem>>, vector<16xf32>,
        %get3A_1989 = vector.shape_cast %get3A_1988 : vector<16xf32> to vector<16xf32>
        %add3A_1990 = arith.addf %add3A_1982, %get3A_1989 : vector<16xf32>
        %swap3A_1991 = arith.constant 0 : index
        %swap3A_1992 = tpu.vector_load %arg24[%swap3A_1991] {strides = array<i32>} : memref<32xf32, #tpu.memory_space<vmem>>, vector<16xf32>,
        %swap3A_1993 = vector.shape_cast %swap3A_1992 : vector<16xf32> to vector<16xf32>
        %swap3A_1994 = vector.shape_cast %add3A_1990 : vector<16xf32> to vector<16xf32>
        tpu.vector_store %arg24[%swap3A_1991], %swap3A_1994 {strides = array<i32>} : memref<32xf32, #tpu.memory_space<vmem>>, vector<16xf32>,
        %get3A_1995 = arith.constant 2 : index
        %get3A_1996 = tpu.vector_load %arg24[%get3A_1995] {strides = array<i32>} : memref<32xf32, #tpu.memory_space<vmem>>, vector<16xf32>,
        %get3A_1997 = vector.shape_cast %get3A_1996 : vector<16xf32> to vector<16xf32>
        %add3A_1998 = arith.addf %add3A_1990, %get3A_1997 : vector<16xf32>
        %swap3A_1999 = arith.constant 0 : index
        %swap3A_2000 = tpu.vector_load %arg24[%swap3A_1999] {strides = array<i32>} : memref<32xf32, #tpu.memory_space<vmem>>, vector<16xf32>,
        %swap3A_2001 = vector.shape_cast %swap3A_2000 : vector<16xf32> to vector<16xf32>
        %swap3A_2002 = vector.shape_cast %add3A_1998 : vector<16xf32> to vector<16xf32>
        tpu.vector_store %arg24[%swap3A_1999], %swap3A_2002 {strides = array<i32>} : memref<32xf32, #tpu.memory_space<vmem>>, vector<16xf32>,
        %get3A_2003 = arith.constant 1 : index
        %get3A_2004 = tpu.vector_load %arg24[%get3A_2003] {strides = array<i32>} : memref<32xf32, #tpu.memory_space<vmem>>, vector<16xf32>,
        %get3A_2005 = vector.shape_cast %get3A_2004 : vector<16xf32> to vector<16xf32>
        %add3A_2006 = arith.addf %add3A_1998, %get3A_2005 : vector<16xf32>
        %slice3A_2007 = vector.extract_strided_slice %add3A_2006 {offsets = [0], sizes = [1], strides = [1]} : vector<16xf32> to vector<1xf32>
        %squeeze3A_2008 = vector.extract %slice3A_2007[0] : f32 from vector<1xf32>
        %broadcast_in_dim3A_2009 = vector.broadcast %squeeze3A_2008 : f32 to vector<16xf32>
        %select_n3A_2010 = arith.select %eq3A_1938, %broadcast_in_dim3A_2009, %select_n3A_1799 : vector<16xi1>, vector<16xf32>
        %mul3A_2011 = arith.constant 16 : i32
        %mul3A_2012 = arith.muli %scan3A_112, %mul3A_2011 : i32
        %add3A_2013 = arith.constant 9 : i32
        %add3A_2014 = arith.addi %mul3A_2012, %add3A_2013 : i32
        %broadcast_in_dim3A_2015 = arith.constant 0.000000e+00 : f32
        %broadcast_in_dim3A_2016 = vector.broadcast %broadcast_in_dim3A_2015 : f32 to vector<16xf32>
        %broadcast_in_dim3A_2017 = arith.constant 0.000000e+00 : f32
        %broadcast_in_dim3A_2018 = vector.broadcast %broadcast_in_dim3A_2017 : f32 to vector<16xf32>
        %get3A_2019 = arith.index_cast %add3A_2014 : i32 to index
        %get3A_2020 = arith.constant 0 : index
        %get3A_2021 = tpu.vector_load %arg17[%get3A_2019, %get3A_2020] {strides = array<i32>} : memref<128x64xf32, #tpu.memory_space<vmem>>, vector<1x16xf32>,
        %get3A_2022 = vector.shape_cast %get3A_2021 : vector<1x16xf32> to vector<16xf32>
        %get3A_2023 = arith.index_cast %add3A_2014 : i32 to index
        %get3A_2024 = arith.constant 0 : index
        %get3A_2025 = tpu.vector_load %arg18[%get3A_2023, %get3A_2024] {strides = array<i32>} : memref<128x64xf32, #tpu.memory_space<vmem>>, vector<1x16xf32>,
        %get3A_2026 = vector.shape_cast %get3A_2025 : vector<1x16xf32> to vector<16xf32>
        %add3A_2027 = arith.addf %get3A_2022, %get3A_2026 : vector<16xf32>
        %get3A_2028 = arith.index_cast %add3A_2014 : i32 to index
        %get3A_2029 = arith.constant 0 : index
        %get3A_2030 = tpu.vector_load %arg19[%get3A_2028, %get3A_2029] {strides = array<i32>} : memref<128x64xf32, #tpu.memory_space<vmem>>, vector<1x16xf32>,
        %get3A_2031 = vector.shape_cast %get3A_2030 : vector<1x16xf32> to vector<16xf32>
        %sub3A_2032 = arith.subf %add3A_2027, %get3A_2031 : vector<16xf32>
        %get3A_2033 = arith.index_cast %add3A_2014 : i32 to index
        %get3A_2034 = arith.constant 0 : index
        %get3A_2035 = tpu.vector_load %arg20[%get3A_2033, %get3A_2034] {strides = array<i32>} : memref<128x64xf32, #tpu.memory_space<vmem>>, vector<1x16xf32>,
        %get3A_2036 = vector.shape_cast %get3A_2035 : vector<1x16xf32> to vector<16xf32>
        %get3A_2037 = arith.index_cast %add3A_2014 : i32 to index
        %get3A_2038 = arith.constant 0 : index
        %get3A_2039 = tpu.vector_load %arg21[%get3A_2037, %get3A_2038] {strides = array<i32>} : memref<128x64xf32, #tpu.memory_space<vmem>>, vector<1x16xf32>,
        %get3A_2040 = vector.shape_cast %get3A_2039 : vector<1x16xf32> to vector<16xf32>
        %add3A_2041 = arith.addf %get3A_2036, %get3A_2040 : vector<16xf32>
        %get3A_2042 = arith.index_cast %add3A_2014 : i32 to index
        %get3A_2043 = arith.constant 0 : index
        %get3A_2044 = tpu.vector_load %arg22[%get3A_2042, %get3A_2043] {strides = array<i32>} : memref<128x64xf32, #tpu.memory_space<vmem>>, vector<1x16xf32>,
        %get3A_2045 = vector.shape_cast %get3A_2044 : vector<1x16xf32> to vector<16xf32>
        %sub3A_2046 = arith.subf %add3A_2041, %get3A_2045 : vector<16xf32>
        %mul3A_2047 = arith.mulf %sub3A_2032, %sub3A_2032 : vector<16xf32>
        %add3A_2048 = arith.addf %broadcast_in_dim3A_2016, %mul3A_2047 : vector<16xf32>
        %mul3A_2049 = arith.mulf %sub3A_2046, %sub3A_2046 : vector<16xf32>
        %add3A_2050 = arith.addf %broadcast_in_dim3A_2018, %mul3A_2049 : vector<16xf32>
        %get3A_2051 = arith.index_cast %add3A_2014 : i32 to index
        %get3A_2052 = arith.constant 16 : index
        %get3A_2053 = tpu.vector_load %arg17[%get3A_2051, %get3A_2052] {strides = array<i32>} : memref<128x64xf32, #tpu.memory_space<vmem>>, vector<1x16xf32>,
        %get3A_2054 = vector.shape_cast %get3A_2053 : vector<1x16xf32> to vector<16xf32>
        %get3A_2055 = arith.index_cast %add3A_2014 : i32 to index
        %get3A_2056 = arith.constant 16 : index
        %get3A_2057 = tpu.vector_load %arg18[%get3A_2055, %get3A_2056] {strides = array<i32>} : memref<128x64xf32, #tpu.memory_space<vmem>>, vector<1x16xf32>,
        %get3A_2058 = vector.shape_cast %get3A_2057 : vector<1x16xf32> to vector<16xf32>
        %add3A_2059 = arith.addf %get3A_2054, %get3A_2058 : vector<16xf32>
        %get3A_2060 = arith.index_cast %add3A_2014 : i32 to index
        %get3A_2061 = arith.constant 16 : index
        %get3A_2062 = tpu.vector_load %arg19[%get3A_2060, %get3A_2061] {strides = array<i32>} : memref<128x64xf32, #tpu.memory_space<vmem>>, vector<1x16xf32>,
        %get3A_2063 = vector.shape_cast %get3A_2062 : vector<1x16xf32> to vector<16xf32>
        %sub3A_2064 = arith.subf %add3A_2059, %get3A_2063 : vector<16xf32>
        %get3A_2065 = arith.index_cast %add3A_2014 : i32 to index
        %get3A_2066 = arith.constant 16 : index
        %get3A_2067 = tpu.vector_load %arg20[%get3A_2065, %get3A_2066] {strides = array<i32>} : memref<128x64xf32, #tpu.memory_space<vmem>>, vector<1x16xf32>,
        %get3A_2068 = vector.shape_cast %get3A_2067 : vector<1x16xf32> to vector<16xf32>
        %get3A_2069 = arith.index_cast %add3A_2014 : i32 to index
        %get3A_2070 = arith.constant 16 : index
        %get3A_2071 = tpu.vector_load %arg21[%get3A_2069, %get3A_2070] {strides = array<i32>} : memref<128x64xf32, #tpu.memory_space<vmem>>, vector<1x16xf32>,
        %get3A_2072 = vector.shape_cast %get3A_2071 : vector<1x16xf32> to vector<16xf32>
        %add3A_2073 = arith.addf %get3A_2068, %get3A_2072 : vector<16xf32>
        %get3A_2074 = arith.index_cast %add3A_2014 : i32 to index
        %get3A_2075 = arith.constant 16 : index
        %get3A_2076 = tpu.vector_load %arg22[%get3A_2074, %get3A_2075] {strides = array<i32>} : memref<128x64xf32, #tpu.memory_space<vmem>>, vector<1x16xf32>,
        %get3A_2077 = vector.shape_cast %get3A_2076 : vector<1x16xf32> to vector<16xf32>
        %sub3A_2078 = arith.subf %add3A_2073, %get3A_2077 : vector<16xf32>
        %mul3A_2079 = arith.mulf %sub3A_2064, %sub3A_2064 : vector<16xf32>
        %add3A_2080 = arith.addf %add3A_2048, %mul3A_2079 : vector<16xf32>
        %mul3A_2081 = arith.mulf %sub3A_2078, %sub3A_2078 : vector<16xf32>
        %add3A_2082 = arith.addf %add3A_2050, %mul3A_2081 : vector<16xf32>
        %get3A_2083 = arith.index_cast %add3A_2014 : i32 to index
        %get3A_2084 = arith.constant 32 : index
        %get3A_2085 = tpu.vector_load %arg17[%get3A_2083, %get3A_2084] {strides = array<i32>} : memref<128x64xf32, #tpu.memory_space<vmem>>, vector<1x16xf32>,
        %get3A_2086 = vector.shape_cast %get3A_2085 : vector<1x16xf32> to vector<16xf32>
        %get3A_2087 = arith.index_cast %add3A_2014 : i32 to index
        %get3A_2088 = arith.constant 32 : index
        %get3A_2089 = tpu.vector_load %arg18[%get3A_2087, %get3A_2088] {strides = array<i32>} : memref<128x64xf32, #tpu.memory_space<vmem>>, vector<1x16xf32>,
        %get3A_2090 = vector.shape_cast %get3A_2089 : vector<1x16xf32> to vector<16xf32>
        %add3A_2091 = arith.addf %get3A_2086, %get3A_2090 : vector<16xf32>
        %get3A_2092 = arith.index_cast %add3A_2014 : i32 to index
        %get3A_2093 = arith.constant 32 : index
        %get3A_2094 = tpu.vector_load %arg19[%get3A_2092, %get3A_2093] {strides = array<i32>} : memref<128x64xf32, #tpu.memory_space<vmem>>, vector<1x16xf32>,
        %get3A_2095 = vector.shape_cast %get3A_2094 : vector<1x16xf32> to vector<16xf32>
        %sub3A_2096 = arith.subf %add3A_2091, %get3A_2095 : vector<16xf32>
        %get3A_2097 = arith.index_cast %add3A_2014 : i32 to index
        %get3A_2098 = arith.constant 32 : index
        %get3A_2099 = tpu.vector_load %arg20[%get3A_2097, %get3A_2098] {strides = array<i32>} : memref<128x64xf32, #tpu.memory_space<vmem>>, vector<1x16xf32>,
        %get3A_2100 = vector.shape_cast %get3A_2099 : vector<1x16xf32> to vector<16xf32>
        %get3A_2101 = arith.index_cast %add3A_2014 : i32 to index
        %get3A_2102 = arith.constant 32 : index
        %get3A_2103 = tpu.vector_load %arg21[%get3A_2101, %get3A_2102] {strides = array<i32>} : memref<128x64xf32, #tpu.memory_space<vmem>>, vector<1x16xf32>,
        %get3A_2104 = vector.shape_cast %get3A_2103 : vector<1x16xf32> to vector<16xf32>
        %add3A_2105 = arith.addf %get3A_2100, %get3A_2104 : vector<16xf32>
        %get3A_2106 = arith.index_cast %add3A_2014 : i32 to index
        %get3A_2107 = arith.constant 32 : index
        %get3A_2108 = tpu.vector_load %arg22[%get3A_2106, %get3A_2107] {strides = array<i32>} : memref<128x64xf32, #tpu.memory_space<vmem>>, vector<1x16xf32>,
        %get3A_2109 = vector.shape_cast %get3A_2108 : vector<1x16xf32> to vector<16xf32>
        %sub3A_2110 = arith.subf %add3A_2105, %get3A_2109 : vector<16xf32>
        %mul3A_2111 = arith.mulf %sub3A_2096, %sub3A_2096 : vector<16xf32>
        %add3A_2112 = arith.addf %add3A_2080, %mul3A_2111 : vector<16xf32>
        %mul3A_2113 = arith.mulf %sub3A_2110, %sub3A_2110 : vector<16xf32>
        %add3A_2114 = arith.addf %add3A_2082, %mul3A_2113 : vector<16xf32>
        %get3A_2115 = arith.index_cast %add3A_2014 : i32 to index
        %get3A_2116 = arith.constant 48 : index
        %get3A_2117 = tpu.vector_load %arg17[%get3A_2115, %get3A_2116] {strides = array<i32>} : memref<128x64xf32, #tpu.memory_space<vmem>>, vector<1x16xf32>,
        %get3A_2118 = vector.shape_cast %get3A_2117 : vector<1x16xf32> to vector<16xf32>
        %get3A_2119 = arith.index_cast %add3A_2014 : i32 to index
        %get3A_2120 = arith.constant 48 : index
        %get3A_2121 = tpu.vector_load %arg18[%get3A_2119, %get3A_2120] {strides = array<i32>} : memref<128x64xf32, #tpu.memory_space<vmem>>, vector<1x16xf32>,
        %get3A_2122 = vector.shape_cast %get3A_2121 : vector<1x16xf32> to vector<16xf32>
        %add3A_2123 = arith.addf %get3A_2118, %get3A_2122 : vector<16xf32>
        %get3A_2124 = arith.index_cast %add3A_2014 : i32 to index
        %get3A_2125 = arith.constant 48 : index
        %get3A_2126 = tpu.vector_load %arg19[%get3A_2124, %get3A_2125] {strides = array<i32>} : memref<128x64xf32, #tpu.memory_space<vmem>>, vector<1x16xf32>,
        %get3A_2127 = vector.shape_cast %get3A_2126 : vector<1x16xf32> to vector<16xf32>
        %sub3A_2128 = arith.subf %add3A_2123, %get3A_2127 : vector<16xf32>
        %get3A_2129 = arith.index_cast %add3A_2014 : i32 to index
        %get3A_2130 = arith.constant 48 : index
        %get3A_2131 = tpu.vector_load %arg20[%get3A_2129, %get3A_2130] {strides = array<i32>} : memref<128x64xf32, #tpu.memory_space<vmem>>, vector<1x16xf32>,
        %get3A_2132 = vector.shape_cast %get3A_2131 : vector<1x16xf32> to vector<16xf32>
        %get3A_2133 = arith.index_cast %add3A_2014 : i32 to index
        %get3A_2134 = arith.constant 48 : index
        %get3A_2135 = tpu.vector_load %arg21[%get3A_2133, %get3A_2134] {strides = array<i32>} : memref<128x64xf32, #tpu.memory_space<vmem>>, vector<1x16xf32>,
        %get3A_2136 = vector.shape_cast %get3A_2135 : vector<1x16xf32> to vector<16xf32>
        %add3A_2137 = arith.addf %get3A_2132, %get3A_2136 : vector<16xf32>
        %get3A_2138 = arith.index_cast %add3A_2014 : i32 to index
        %get3A_2139 = arith.constant 48 : index
        %get3A_2140 = tpu.vector_load %arg22[%get3A_2138, %get3A_2139] {strides = array<i32>} : memref<128x64xf32, #tpu.memory_space<vmem>>, vector<1x16xf32>,
        %get3A_2141 = vector.shape_cast %get3A_2140 : vector<1x16xf32> to vector<16xf32>
        %sub3A_2142 = arith.subf %add3A_2137, %get3A_2141 : vector<16xf32>
        %mul3A_2143 = arith.mulf %sub3A_2128, %sub3A_2128 : vector<16xf32>
        %add3A_2144 = arith.addf %add3A_2112, %mul3A_2143 : vector<16xf32>
        %mul3A_2145 = arith.mulf %sub3A_2142, %sub3A_2142 : vector<16xf32>
        %add3A_2146 = arith.addf %add3A_2114, %mul3A_2145 : vector<16xf32>
        %eq3A_2147 = arith.constant 9 : i32
        %eq3A_2148 = vector.broadcast %eq3A_2147 : i32 to vector<16xi32>
        %eq3A_2149 = arith.cmpi eq, %iota3A, %eq3A_2148 : vector<16xi32>
        %swap3A_2150 = arith.constant 0 : index
        %swap3A_2151 = tpu.vector_load %arg23[%swap3A_2150] {strides = array<i32>} : memref<32xf32, #tpu.memory_space<vmem>>, vector<16xf32>,
        %swap3A_2152 = vector.shape_cast %swap3A_2151 : vector<16xf32> to vector<16xf32>
        %swap3A_2153 = vector.shape_cast %add3A_2144 : vector<16xf32> to vector<16xf32>
        tpu.vector_store %arg23[%swap3A_2150], %swap3A_2153 {strides = array<i32>} : memref<32xf32, #tpu.memory_space<vmem>>, vector<16xf32>,
        %get3A_2154 = arith.constant 8 : index
        %get3A_2155 = tpu.vector_load %arg23[%get3A_2154] {strides = array<i32>} : memref<32xf32, #tpu.memory_space<vmem>>, vector<16xf32>,
        %get3A_2156 = vector.shape_cast %get3A_2155 : vector<16xf32> to vector<16xf32>
        %add3A_2157 = arith.addf %add3A_2144, %get3A_2156 : vector<16xf32>
        %swap3A_2158 = arith.constant 0 : index
        %swap3A_2159 = tpu.vector_load %arg23[%swap3A_2158] {strides = array<i32>} : memref<32xf32, #tpu.memory_space<vmem>>, vector<16xf32>,
        %swap3A_2160 = vector.shape_cast %swap3A_2159 : vector<16xf32> to vector<16xf32>
        %swap3A_2161 = vector.shape_cast %add3A_2157 : vector<16xf32> to vector<16xf32>
        tpu.vector_store %arg23[%swap3A_2158], %swap3A_2161 {strides = array<i32>} : memref<32xf32, #tpu.memory_space<vmem>>, vector<16xf32>,
        %get3A_2162 = arith.constant 4 : index
        %get3A_2163 = tpu.vector_load %arg23[%get3A_2162] {strides = array<i32>} : memref<32xf32, #tpu.memory_space<vmem>>, vector<16xf32>,
        %get3A_2164 = vector.shape_cast %get3A_2163 : vector<16xf32> to vector<16xf32>
        %add3A_2165 = arith.addf %add3A_2157, %get3A_2164 : vector<16xf32>
        %swap3A_2166 = arith.constant 0 : index
        %swap3A_2167 = tpu.vector_load %arg23[%swap3A_2166] {strides = array<i32>} : memref<32xf32, #tpu.memory_space<vmem>>, vector<16xf32>,
        %swap3A_2168 = vector.shape_cast %swap3A_2167 : vector<16xf32> to vector<16xf32>
        %swap3A_2169 = vector.shape_cast %add3A_2165 : vector<16xf32> to vector<16xf32>
        tpu.vector_store %arg23[%swap3A_2166], %swap3A_2169 {strides = array<i32>} : memref<32xf32, #tpu.memory_space<vmem>>, vector<16xf32>,
        %get3A_2170 = arith.constant 2 : index
        %get3A_2171 = tpu.vector_load %arg23[%get3A_2170] {strides = array<i32>} : memref<32xf32, #tpu.memory_space<vmem>>, vector<16xf32>,
        %get3A_2172 = vector.shape_cast %get3A_2171 : vector<16xf32> to vector<16xf32>
        %add3A_2173 = arith.addf %add3A_2165, %get3A_2172 : vector<16xf32>
        %swap3A_2174 = arith.constant 0 : index
        %swap3A_2175 = tpu.vector_load %arg23[%swap3A_2174] {strides = array<i32>} : memref<32xf32, #tpu.memory_space<vmem>>, vector<16xf32>,
        %swap3A_2176 = vector.shape_cast %swap3A_2175 : vector<16xf32> to vector<16xf32>
        %swap3A_2177 = vector.shape_cast %add3A_2173 : vector<16xf32> to vector<16xf32>
        tpu.vector_store %arg23[%swap3A_2174], %swap3A_2177 {strides = array<i32>} : memref<32xf32, #tpu.memory_space<vmem>>, vector<16xf32>,
        %get3A_2178 = arith.constant 1 : index
        %get3A_2179 = tpu.vector_load %arg23[%get3A_2178] {strides = array<i32>} : memref<32xf32, #tpu.memory_space<vmem>>, vector<16xf32>,
        %get3A_2180 = vector.shape_cast %get3A_2179 : vector<16xf32> to vector<16xf32>
        %add3A_2181 = arith.addf %add3A_2173, %get3A_2180 : vector<16xf32>
        %slice3A_2182 = vector.extract_strided_slice %add3A_2181 {offsets = [0], sizes = [1], strides = [1]} : vector<16xf32> to vector<1xf32>
        %squeeze3A_2183 = vector.extract %slice3A_2182[0] : f32 from vector<1xf32>
        %broadcast_in_dim3A_2184 = vector.broadcast %squeeze3A_2183 : f32 to vector<16xf32>
        %select_n3A_2185 = arith.select %eq3A_2149, %broadcast_in_dim3A_2184, %select_n3A_1974 : vector<16xi1>, vector<16xf32>
        %swap3A_2186 = arith.constant 0 : index
        %swap3A_2187 = tpu.vector_load %arg24[%swap3A_2186] {strides = array<i32>} : memref<32xf32, #tpu.memory_space<vmem>>, vector<16xf32>,
        %swap3A_2188 = vector.shape_cast %swap3A_2187 : vector<16xf32> to vector<16xf32>
        %swap3A_2189 = vector.shape_cast %add3A_2146 : vector<16xf32> to vector<16xf32>
        tpu.vector_store %arg24[%swap3A_2186], %swap3A_2189 {strides = array<i32>} : memref<32xf32, #tpu.memory_space<vmem>>, vector<16xf32>,
        %get3A_2190 = arith.constant 8 : index
        %get3A_2191 = tpu.vector_load %arg24[%get3A_2190] {strides = array<i32>} : memref<32xf32, #tpu.memory_space<vmem>>, vector<16xf32>,
        %get3A_2192 = vector.shape_cast %get3A_2191 : vector<16xf32> to vector<16xf32>
        %add3A_2193 = arith.addf %add3A_2146, %get3A_2192 : vector<16xf32>
        %swap3A_2194 = arith.constant 0 : index
        %swap3A_2195 = tpu.vector_load %arg24[%swap3A_2194] {strides = array<i32>} : memref<32xf32, #tpu.memory_space<vmem>>, vector<16xf32>,
        %swap3A_2196 = vector.shape_cast %swap3A_2195 : vector<16xf32> to vector<16xf32>
        %swap3A_2197 = vector.shape_cast %add3A_2193 : vector<16xf32> to vector<16xf32>
        tpu.vector_store %arg24[%swap3A_2194], %swap3A_2197 {strides = array<i32>} : memref<32xf32, #tpu.memory_space<vmem>>, vector<16xf32>,
        %get3A_2198 = arith.constant 4 : index
        %get3A_2199 = tpu.vector_load %arg24[%get3A_2198] {strides = array<i32>} : memref<32xf32, #tpu.memory_space<vmem>>, vector<16xf32>,
        %get3A_2200 = vector.shape_cast %get3A_2199 : vector<16xf32> to vector<16xf32>
        %add3A_2201 = arith.addf %add3A_2193, %get3A_2200 : vector<16xf32>
        %swap3A_2202 = arith.constant 0 : index
        %swap3A_2203 = tpu.vector_load %arg24[%swap3A_2202] {strides = array<i32>} : memref<32xf32, #tpu.memory_space<vmem>>, vector<16xf32>,
        %swap3A_2204 = vector.shape_cast %swap3A_2203 : vector<16xf32> to vector<16xf32>
        %swap3A_2205 = vector.shape_cast %add3A_2201 : vector<16xf32> to vector<16xf32>
        tpu.vector_store %arg24[%swap3A_2202], %swap3A_2205 {strides = array<i32>} : memref<32xf32, #tpu.memory_space<vmem>>, vector<16xf32>,
        %get3A_2206 = arith.constant 2 : index
        %get3A_2207 = tpu.vector_load %arg24[%get3A_2206] {strides = array<i32>} : memref<32xf32, #tpu.memory_space<vmem>>, vector<16xf32>,
        %get3A_2208 = vector.shape_cast %get3A_2207 : vector<16xf32> to vector<16xf32>
        %add3A_2209 = arith.addf %add3A_2201, %get3A_2208 : vector<16xf32>
        %swap3A_2210 = arith.constant 0 : index
        %swap3A_2211 = tpu.vector_load %arg24[%swap3A_2210] {strides = array<i32>} : memref<32xf32, #tpu.memory_space<vmem>>, vector<16xf32>,
        %swap3A_2212 = vector.shape_cast %swap3A_2211 : vector<16xf32> to vector<16xf32>
        %swap3A_2213 = vector.shape_cast %add3A_2209 : vector<16xf32> to vector<16xf32>
        tpu.vector_store %arg24[%swap3A_2210], %swap3A_2213 {strides = array<i32>} : memref<32xf32, #tpu.memory_space<vmem>>, vector<16xf32>,
        %get3A_2214 = arith.constant 1 : index
        %get3A_2215 = tpu.vector_load %arg24[%get3A_2214] {strides = array<i32>} : memref<32xf32, #tpu.memory_space<vmem>>, vector<16xf32>,
        %get3A_2216 = vector.shape_cast %get3A_2215 : vector<16xf32> to vector<16xf32>
        %add3A_2217 = arith.addf %add3A_2209, %get3A_2216 : vector<16xf32>
        %slice3A_2218 = vector.extract_strided_slice %add3A_2217 {offsets = [0], sizes = [1], strides = [1]} : vector<16xf32> to vector<1xf32>
        %squeeze3A_2219 = vector.extract %slice3A_2218[0] : f32 from vector<1xf32>
        %broadcast_in_dim3A_2220 = vector.broadcast %squeeze3A_2219 : f32 to vector<16xf32>
        %select_n3A_2221 = arith.select %eq3A_2149, %broadcast_in_dim3A_2220, %select_n3A_2010 : vector<16xi1>, vector<16xf32>
        %mul3A_2222 = arith.constant 16 : i32
        %mul3A_2223 = arith.muli %scan3A_112, %mul3A_2222 : i32
        %add3A_2224 = arith.constant 10 : i32
        %add3A_2225 = arith.addi %mul3A_2223, %add3A_2224 : i32
        %broadcast_in_dim3A_2226 = arith.constant 0.000000e+00 : f32
        %broadcast_in_dim3A_2227 = vector.broadcast %broadcast_in_dim3A_2226 : f32 to vector<16xf32>
        %broadcast_in_dim3A_2228 = arith.constant 0.000000e+00 : f32
        %broadcast_in_dim3A_2229 = vector.broadcast %broadcast_in_dim3A_2228 : f32 to vector<16xf32>
        %get3A_2230 = arith.index_cast %add3A_2225 : i32 to index
        %get3A_2231 = arith.constant 0 : index
        %get3A_2232 = tpu.vector_load %arg17[%get3A_2230, %get3A_2231] {strides = array<i32>} : memref<128x64xf32, #tpu.memory_space<vmem>>, vector<1x16xf32>,
        %get3A_2233 = vector.shape_cast %get3A_2232 : vector<1x16xf32> to vector<16xf32>
        %get3A_2234 = arith.index_cast %add3A_2225 : i32 to index
        %get3A_2235 = arith.constant 0 : index
        %get3A_2236 = tpu.vector_load %arg18[%get3A_2234, %get3A_2235] {strides = array<i32>} : memref<128x64xf32, #tpu.memory_space<vmem>>, vector<1x16xf32>,
        %get3A_2237 = vector.shape_cast %get3A_2236 : vector<1x16xf32> to vector<16xf32>
        %add3A_2238 = arith.addf %get3A_2233, %get3A_2237 : vector<16xf32>
        %get3A_2239 = arith.index_cast %add3A_2225 : i32 to index
        %get3A_2240 = arith.constant 0 : index
        %get3A_2241 = tpu.vector_load %arg19[%get3A_2239, %get3A_2240] {strides = array<i32>} : memref<128x64xf32, #tpu.memory_space<vmem>>, vector<1x16xf32>,
        %get3A_2242 = vector.shape_cast %get3A_2241 : vector<1x16xf32> to vector<16xf32>
        %sub3A_2243 = arith.subf %add3A_2238, %get3A_2242 : vector<16xf32>
        %get3A_2244 = arith.index_cast %add3A_2225 : i32 to index
        %get3A_2245 = arith.constant 0 : index
        %get3A_2246 = tpu.vector_load %arg20[%get3A_2244, %get3A_2245] {strides = array<i32>} : memref<128x64xf32, #tpu.memory_space<vmem>>, vector<1x16xf32>,
        %get3A_2247 = vector.shape_cast %get3A_2246 : vector<1x16xf32> to vector<16xf32>
        %get3A_2248 = arith.index_cast %add3A_2225 : i32 to index
        %get3A_2249 = arith.constant 0 : index
        %get3A_2250 = tpu.vector_load %arg21[%get3A_2248, %get3A_2249] {strides = array<i32>} : memref<128x64xf32, #tpu.memory_space<vmem>>, vector<1x16xf32>,
        %get3A_2251 = vector.shape_cast %get3A_2250 : vector<1x16xf32> to vector<16xf32>
        %add3A_2252 = arith.addf %get3A_2247, %get3A_2251 : vector<16xf32>
        %get3A_2253 = arith.index_cast %add3A_2225 : i32 to index
        %get3A_2254 = arith.constant 0 : index
        %get3A_2255 = tpu.vector_load %arg22[%get3A_2253, %get3A_2254] {strides = array<i32>} : memref<128x64xf32, #tpu.memory_space<vmem>>, vector<1x16xf32>,
        %get3A_2256 = vector.shape_cast %get3A_2255 : vector<1x16xf32> to vector<16xf32>
        %sub3A_2257 = arith.subf %add3A_2252, %get3A_2256 : vector<16xf32>
        %mul3A_2258 = arith.mulf %sub3A_2243, %sub3A_2243 : vector<16xf32>
        %add3A_2259 = arith.addf %broadcast_in_dim3A_2227, %mul3A_2258 : vector<16xf32>
        %mul3A_2260 = arith.mulf %sub3A_2257, %sub3A_2257 : vector<16xf32>
        %add3A_2261 = arith.addf %broadcast_in_dim3A_2229, %mul3A_2260 : vector<16xf32>
        %get3A_2262 = arith.index_cast %add3A_2225 : i32 to index
        %get3A_2263 = arith.constant 16 : index
        %get3A_2264 = tpu.vector_load %arg17[%get3A_2262, %get3A_2263] {strides = array<i32>} : memref<128x64xf32, #tpu.memory_space<vmem>>, vector<1x16xf32>,
        %get3A_2265 = vector.shape_cast %get3A_2264 : vector<1x16xf32> to vector<16xf32>
        %get3A_2266 = arith.index_cast %add3A_2225 : i32 to index
        %get3A_2267 = arith.constant 16 : index
        %get3A_2268 = tpu.vector_load %arg18[%get3A_2266, %get3A_2267] {strides = array<i32>} : memref<128x64xf32, #tpu.memory_space<vmem>>, vector<1x16xf32>,
        %get3A_2269 = vector.shape_cast %get3A_2268 : vector<1x16xf32> to vector<16xf32>
        %add3A_2270 = arith.addf %get3A_2265, %get3A_2269 : vector<16xf32>
        %get3A_2271 = arith.index_cast %add3A_2225 : i32 to index
        %get3A_2272 = arith.constant 16 : index
        %get3A_2273 = tpu.vector_load %arg19[%get3A_2271, %get3A_2272] {strides = array<i32>} : memref<128x64xf32, #tpu.memory_space<vmem>>, vector<1x16xf32>,
        %get3A_2274 = vector.shape_cast %get3A_2273 : vector<1x16xf32> to vector<16xf32>
        %sub3A_2275 = arith.subf %add3A_2270, %get3A_2274 : vector<16xf32>
        %get3A_2276 = arith.index_cast %add3A_2225 : i32 to index
        %get3A_2277 = arith.constant 16 : index
        %get3A_2278 = tpu.vector_load %arg20[%get3A_2276, %get3A_2277] {strides = array<i32>} : memref<128x64xf32, #tpu.memory_space<vmem>>, vector<1x16xf32>,
        %get3A_2279 = vector.shape_cast %get3A_2278 : vector<1x16xf32> to vector<16xf32>
        %get3A_2280 = arith.index_cast %add3A_2225 : i32 to index
        %get3A_2281 = arith.constant 16 : index
        %get3A_2282 = tpu.vector_load %arg21[%get3A_2280, %get3A_2281] {strides = array<i32>} : memref<128x64xf32, #tpu.memory_space<vmem>>, vector<1x16xf32>,
        %get3A_2283 = vector.shape_cast %get3A_2282 : vector<1x16xf32> to vector<16xf32>
        %add3A_2284 = arith.addf %get3A_2279, %get3A_2283 : vector<16xf32>
        %get3A_2285 = arith.index_cast %add3A_2225 : i32 to index
        %get3A_2286 = arith.constant 16 : index
        %get3A_2287 = tpu.vector_load %arg22[%get3A_2285, %get3A_2286] {strides = array<i32>} : memref<128x64xf32, #tpu.memory_space<vmem>>, vector<1x16xf32>,
        %get3A_2288 = vector.shape_cast %get3A_2287 : vector<1x16xf32> to vector<16xf32>
        %sub3A_2289 = arith.subf %add3A_2284, %get3A_2288 : vector<16xf32>
        %mul3A_2290 = arith.mulf %sub3A_2275, %sub3A_2275 : vector<16xf32>
        %add3A_2291 = arith.addf %add3A_2259, %mul3A_2290 : vector<16xf32>
        %mul3A_2292 = arith.mulf %sub3A_2289, %sub3A_2289 : vector<16xf32>
        %add3A_2293 = arith.addf %add3A_2261, %mul3A_2292 : vector<16xf32>
        %get3A_2294 = arith.index_cast %add3A_2225 : i32 to index
        %get3A_2295 = arith.constant 32 : index
        %get3A_2296 = tpu.vector_load %arg17[%get3A_2294, %get3A_2295] {strides = array<i32>} : memref<128x64xf32, #tpu.memory_space<vmem>>, vector<1x16xf32>,
        %get3A_2297 = vector.shape_cast %get3A_2296 : vector<1x16xf32> to vector<16xf32>
        %get3A_2298 = arith.index_cast %add3A_2225 : i32 to index
        %get3A_2299 = arith.constant 32 : index
        %get3A_2300 = tpu.vector_load %arg18[%get3A_2298, %get3A_2299] {strides = array<i32>} : memref<128x64xf32, #tpu.memory_space<vmem>>, vector<1x16xf32>,
        %get3A_2301 = vector.shape_cast %get3A_2300 : vector<1x16xf32> to vector<16xf32>
        %add3A_2302 = arith.addf %get3A_2297, %get3A_2301 : vector<16xf32>
        %get3A_2303 = arith.index_cast %add3A_2225 : i32 to index
        %get3A_2304 = arith.constant 32 : index
        %get3A_2305 = tpu.vector_load %arg19[%get3A_2303, %get3A_2304] {strides = array<i32>} : memref<128x64xf32, #tpu.memory_space<vmem>>, vector<1x16xf32>,
        %get3A_2306 = vector.shape_cast %get3A_2305 : vector<1x16xf32> to vector<16xf32>
        %sub3A_2307 = arith.subf %add3A_2302, %get3A_2306 : vector<16xf32>
        %get3A_2308 = arith.index_cast %add3A_2225 : i32 to index
        %get3A_2309 = arith.constant 32 : index
        %get3A_2310 = tpu.vector_load %arg20[%get3A_2308, %get3A_2309] {strides = array<i32>} : memref<128x64xf32, #tpu.memory_space<vmem>>, vector<1x16xf32>,
        %get3A_2311 = vector.shape_cast %get3A_2310 : vector<1x16xf32> to vector<16xf32>
        %get3A_2312 = arith.index_cast %add3A_2225 : i32 to index
        %get3A_2313 = arith.constant 32 : index
        %get3A_2314 = tpu.vector_load %arg21[%get3A_2312, %get3A_2313] {strides = array<i32>} : memref<128x64xf32, #tpu.memory_space<vmem>>, vector<1x16xf32>,
        %get3A_2315 = vector.shape_cast %get3A_2314 : vector<1x16xf32> to vector<16xf32>
        %add3A_2316 = arith.addf %get3A_2311, %get3A_2315 : vector<16xf32>
        %get3A_2317 = arith.index_cast %add3A_2225 : i32 to index
        %get3A_2318 = arith.constant 32 : index
        %get3A_2319 = tpu.vector_load %arg22[%get3A_2317, %get3A_2318] {strides = array<i32>} : memref<128x64xf32, #tpu.memory_space<vmem>>, vector<1x16xf32>,
        %get3A_2320 = vector.shape_cast %get3A_2319 : vector<1x16xf32> to vector<16xf32>
        %sub3A_2321 = arith.subf %add3A_2316, %get3A_2320 : vector<16xf32>
        %mul3A_2322 = arith.mulf %sub3A_2307, %sub3A_2307 : vector<16xf32>
        %add3A_2323 = arith.addf %add3A_2291, %mul3A_2322 : vector<16xf32>
        %mul3A_2324 = arith.mulf %sub3A_2321, %sub3A_2321 : vector<16xf32>
        %add3A_2325 = arith.addf %add3A_2293, %mul3A_2324 : vector<16xf32>
        %get3A_2326 = arith.index_cast %add3A_2225 : i32 to index
        %get3A_2327 = arith.constant 48 : index
        %get3A_2328 = tpu.vector_load %arg17[%get3A_2326, %get3A_2327] {strides = array<i32>} : memref<128x64xf32, #tpu.memory_space<vmem>>, vector<1x16xf32>,
        %get3A_2329 = vector.shape_cast %get3A_2328 : vector<1x16xf32> to vector<16xf32>
        %get3A_2330 = arith.index_cast %add3A_2225 : i32 to index
        %get3A_2331 = arith.constant 48 : index
        %get3A_2332 = tpu.vector_load %arg18[%get3A_2330, %get3A_2331] {strides = array<i32>} : memref<128x64xf32, #tpu.memory_space<vmem>>, vector<1x16xf32>,
        %get3A_2333 = vector.shape_cast %get3A_2332 : vector<1x16xf32> to vector<16xf32>
        %add3A_2334 = arith.addf %get3A_2329, %get3A_2333 : vector<16xf32>
        %get3A_2335 = arith.index_cast %add3A_2225 : i32 to index
        %get3A_2336 = arith.constant 48 : index
        %get3A_2337 = tpu.vector_load %arg19[%get3A_2335, %get3A_2336] {strides = array<i32>} : memref<128x64xf32, #tpu.memory_space<vmem>>, vector<1x16xf32>,
        %get3A_2338 = vector.shape_cast %get3A_2337 : vector<1x16xf32> to vector<16xf32>
        %sub3A_2339 = arith.subf %add3A_2334, %get3A_2338 : vector<16xf32>
        %get3A_2340 = arith.index_cast %add3A_2225 : i32 to index
        %get3A_2341 = arith.constant 48 : index
        %get3A_2342 = tpu.vector_load %arg20[%get3A_2340, %get3A_2341] {strides = array<i32>} : memref<128x64xf32, #tpu.memory_space<vmem>>, vector<1x16xf32>,
        %get3A_2343 = vector.shape_cast %get3A_2342 : vector<1x16xf32> to vector<16xf32>
        %get3A_2344 = arith.index_cast %add3A_2225 : i32 to index
        %get3A_2345 = arith.constant 48 : index
        %get3A_2346 = tpu.vector_load %arg21[%get3A_2344, %get3A_2345] {strides = array<i32>} : memref<128x64xf32, #tpu.memory_space<vmem>>, vector<1x16xf32>,
        %get3A_2347 = vector.shape_cast %get3A_2346 : vector<1x16xf32> to vector<16xf32>
        %add3A_2348 = arith.addf %get3A_2343, %get3A_2347 : vector<16xf32>
        %get3A_2349 = arith.index_cast %add3A_2225 : i32 to index
        %get3A_2350 = arith.constant 48 : index
        %get3A_2351 = tpu.vector_load %arg22[%get3A_2349, %get3A_2350] {strides = array<i32>} : memref<128x64xf32, #tpu.memory_space<vmem>>, vector<1x16xf32>,
        %get3A_2352 = vector.shape_cast %get3A_2351 : vector<1x16xf32> to vector<16xf32>
        %sub3A_2353 = arith.subf %add3A_2348, %get3A_2352 : vector<16xf32>
        %mul3A_2354 = arith.mulf %sub3A_2339, %sub3A_2339 : vector<16xf32>
        %add3A_2355 = arith.addf %add3A_2323, %mul3A_2354 : vector<16xf32>
        %mul3A_2356 = arith.mulf %sub3A_2353, %sub3A_2353 : vector<16xf32>
        %add3A_2357 = arith.addf %add3A_2325, %mul3A_2356 : vector<16xf32>
        %eq3A_2358 = arith.constant 10 : i32
        %eq3A_2359 = vector.broadcast %eq3A_2358 : i32 to vector<16xi32>
        %eq3A_2360 = arith.cmpi eq, %iota3A, %eq3A_2359 : vector<16xi32>
        %swap3A_2361 = arith.constant 0 : index
        %swap3A_2362 = tpu.vector_load %arg23[%swap3A_2361] {strides = array<i32>} : memref<32xf32, #tpu.memory_space<vmem>>, vector<16xf32>,
        %swap3A_2363 = vector.shape_cast %swap3A_2362 : vector<16xf32> to vector<16xf32>
        %swap3A_2364 = vector.shape_cast %add3A_2355 : vector<16xf32> to vector<16xf32>
        tpu.vector_store %arg23[%swap3A_2361], %swap3A_2364 {strides = array<i32>} : memref<32xf32, #tpu.memory_space<vmem>>, vector<16xf32>,
        %get3A_2365 = arith.constant 8 : index
        %get3A_2366 = tpu.vector_load %arg23[%get3A_2365] {strides = array<i32>} : memref<32xf32, #tpu.memory_space<vmem>>, vector<16xf32>,
        %get3A_2367 = vector.shape_cast %get3A_2366 : vector<16xf32> to vector<16xf32>
        %add3A_2368 = arith.addf %add3A_2355, %get3A_2367 : vector<16xf32>
        %swap3A_2369 = arith.constant 0 : index
        %swap3A_2370 = tpu.vector_load %arg23[%swap3A_2369] {strides = array<i32>} : memref<32xf32, #tpu.memory_space<vmem>>, vector<16xf32>,
        %swap3A_2371 = vector.shape_cast %swap3A_2370 : vector<16xf32> to vector<16xf32>
        %swap3A_2372 = vector.shape_cast %add3A_2368 : vector<16xf32> to vector<16xf32>
        tpu.vector_store %arg23[%swap3A_2369], %swap3A_2372 {strides = array<i32>} : memref<32xf32, #tpu.memory_space<vmem>>, vector<16xf32>,
        %get3A_2373 = arith.constant 4 : index
        %get3A_2374 = tpu.vector_load %arg23[%get3A_2373] {strides = array<i32>} : memref<32xf32, #tpu.memory_space<vmem>>, vector<16xf32>,
        %get3A_2375 = vector.shape_cast %get3A_2374 : vector<16xf32> to vector<16xf32>
        %add3A_2376 = arith.addf %add3A_2368, %get3A_2375 : vector<16xf32>
        %swap3A_2377 = arith.constant 0 : index
        %swap3A_2378 = tpu.vector_load %arg23[%swap3A_2377] {strides = array<i32>} : memref<32xf32, #tpu.memory_space<vmem>>, vector<16xf32>,
        %swap3A_2379 = vector.shape_cast %swap3A_2378 : vector<16xf32> to vector<16xf32>
        %swap3A_2380 = vector.shape_cast %add3A_2376 : vector<16xf32> to vector<16xf32>
        tpu.vector_store %arg23[%swap3A_2377], %swap3A_2380 {strides = array<i32>} : memref<32xf32, #tpu.memory_space<vmem>>, vector<16xf32>,
        %get3A_2381 = arith.constant 2 : index
        %get3A_2382 = tpu.vector_load %arg23[%get3A_2381] {strides = array<i32>} : memref<32xf32, #tpu.memory_space<vmem>>, vector<16xf32>,
        %get3A_2383 = vector.shape_cast %get3A_2382 : vector<16xf32> to vector<16xf32>
        %add3A_2384 = arith.addf %add3A_2376, %get3A_2383 : vector<16xf32>
        %swap3A_2385 = arith.constant 0 : index
        %swap3A_2386 = tpu.vector_load %arg23[%swap3A_2385] {strides = array<i32>} : memref<32xf32, #tpu.memory_space<vmem>>, vector<16xf32>,
        %swap3A_2387 = vector.shape_cast %swap3A_2386 : vector<16xf32> to vector<16xf32>
        %swap3A_2388 = vector.shape_cast %add3A_2384 : vector<16xf32> to vector<16xf32>
        tpu.vector_store %arg23[%swap3A_2385], %swap3A_2388 {strides = array<i32>} : memref<32xf32, #tpu.memory_space<vmem>>, vector<16xf32>,
        %get3A_2389 = arith.constant 1 : index
        %get3A_2390 = tpu.vector_load %arg23[%get3A_2389] {strides = array<i32>} : memref<32xf32, #tpu.memory_space<vmem>>, vector<16xf32>,
        %get3A_2391 = vector.shape_cast %get3A_2390 : vector<16xf32> to vector<16xf32>
        %add3A_2392 = arith.addf %add3A_2384, %get3A_2391 : vector<16xf32>
        %slice3A_2393 = vector.extract_strided_slice %add3A_2392 {offsets = [0], sizes = [1], strides = [1]} : vector<16xf32> to vector<1xf32>
        %squeeze3A_2394 = vector.extract %slice3A_2393[0] : f32 from vector<1xf32>
        %broadcast_in_dim3A_2395 = vector.broadcast %squeeze3A_2394 : f32 to vector<16xf32>
        %select_n3A_2396 = arith.select %eq3A_2360, %broadcast_in_dim3A_2395, %select_n3A_2185 : vector<16xi1>, vector<16xf32>
        %swap3A_2397 = arith.constant 0 : index
        %swap3A_2398 = tpu.vector_load %arg24[%swap3A_2397] {strides = array<i32>} : memref<32xf32, #tpu.memory_space<vmem>>, vector<16xf32>,
        %swap3A_2399 = vector.shape_cast %swap3A_2398 : vector<16xf32> to vector<16xf32>
        %swap3A_2400 = vector.shape_cast %add3A_2357 : vector<16xf32> to vector<16xf32>
        tpu.vector_store %arg24[%swap3A_2397], %swap3A_2400 {strides = array<i32>} : memref<32xf32, #tpu.memory_space<vmem>>, vector<16xf32>,
        %get3A_2401 = arith.constant 8 : index
        %get3A_2402 = tpu.vector_load %arg24[%get3A_2401] {strides = array<i32>} : memref<32xf32, #tpu.memory_space<vmem>>, vector<16xf32>,
        %get3A_2403 = vector.shape_cast %get3A_2402 : vector<16xf32> to vector<16xf32>
        %add3A_2404 = arith.addf %add3A_2357, %get3A_2403 : vector<16xf32>
        %swap3A_2405 = arith.constant 0 : index
        %swap3A_2406 = tpu.vector_load %arg24[%swap3A_2405] {strides = array<i32>} : memref<32xf32, #tpu.memory_space<vmem>>, vector<16xf32>,
        %swap3A_2407 = vector.shape_cast %swap3A_2406 : vector<16xf32> to vector<16xf32>
        %swap3A_2408 = vector.shape_cast %add3A_2404 : vector<16xf32> to vector<16xf32>
        tpu.vector_store %arg24[%swap3A_2405], %swap3A_2408 {strides = array<i32>} : memref<32xf32, #tpu.memory_space<vmem>>, vector<16xf32>,
        %get3A_2409 = arith.constant 4 : index
        %get3A_2410 = tpu.vector_load %arg24[%get3A_2409] {strides = array<i32>} : memref<32xf32, #tpu.memory_space<vmem>>, vector<16xf32>,
        %get3A_2411 = vector.shape_cast %get3A_2410 : vector<16xf32> to vector<16xf32>
        %add3A_2412 = arith.addf %add3A_2404, %get3A_2411 : vector<16xf32>
        %swap3A_2413 = arith.constant 0 : index
        %swap3A_2414 = tpu.vector_load %arg24[%swap3A_2413] {strides = array<i32>} : memref<32xf32, #tpu.memory_space<vmem>>, vector<16xf32>,
        %swap3A_2415 = vector.shape_cast %swap3A_2414 : vector<16xf32> to vector<16xf32>
        %swap3A_2416 = vector.shape_cast %add3A_2412 : vector<16xf32> to vector<16xf32>
        tpu.vector_store %arg24[%swap3A_2413], %swap3A_2416 {strides = array<i32>} : memref<32xf32, #tpu.memory_space<vmem>>, vector<16xf32>,
        %get3A_2417 = arith.constant 2 : index
        %get3A_2418 = tpu.vector_load %arg24[%get3A_2417] {strides = array<i32>} : memref<32xf32, #tpu.memory_space<vmem>>, vector<16xf32>,
        %get3A_2419 = vector.shape_cast %get3A_2418 : vector<16xf32> to vector<16xf32>
        %add3A_2420 = arith.addf %add3A_2412, %get3A_2419 : vector<16xf32>
        %swap3A_2421 = arith.constant 0 : index
        %swap3A_2422 = tpu.vector_load %arg24[%swap3A_2421] {strides = array<i32>} : memref<32xf32, #tpu.memory_space<vmem>>, vector<16xf32>,
        %swap3A_2423 = vector.shape_cast %swap3A_2422 : vector<16xf32> to vector<16xf32>
        %swap3A_2424 = vector.shape_cast %add3A_2420 : vector<16xf32> to vector<16xf32>
        tpu.vector_store %arg24[%swap3A_2421], %swap3A_2424 {strides = array<i32>} : memref<32xf32, #tpu.memory_space<vmem>>, vector<16xf32>,
        %get3A_2425 = arith.constant 1 : index
        %get3A_2426 = tpu.vector_load %arg24[%get3A_2425] {strides = array<i32>} : memref<32xf32, #tpu.memory_space<vmem>>, vector<16xf32>,
        %get3A_2427 = vector.shape_cast %get3A_2426 : vector<16xf32> to vector<16xf32>
        %add3A_2428 = arith.addf %add3A_2420, %get3A_2427 : vector<16xf32>
        %slice3A_2429 = vector.extract_strided_slice %add3A_2428 {offsets = [0], sizes = [1], strides = [1]} : vector<16xf32> to vector<1xf32>
        %squeeze3A_2430 = vector.extract %slice3A_2429[0] : f32 from vector<1xf32>
        %broadcast_in_dim3A_2431 = vector.broadcast %squeeze3A_2430 : f32 to vector<16xf32>
        %select_n3A_2432 = arith.select %eq3A_2360, %broadcast_in_dim3A_2431, %select_n3A_2221 : vector<16xi1>, vector<16xf32>
        %mul3A_2433 = arith.constant 16 : i32
        %mul3A_2434 = arith.muli %scan3A_112, %mul3A_2433 : i32
        %add3A_2435 = arith.constant 11 : i32
        %add3A_2436 = arith.addi %mul3A_2434, %add3A_2435 : i32
        %broadcast_in_dim3A_2437 = arith.constant 0.000000e+00 : f32
        %broadcast_in_dim3A_2438 = vector.broadcast %broadcast_in_dim3A_2437 : f32 to vector<16xf32>
        %broadcast_in_dim3A_2439 = arith.constant 0.000000e+00 : f32
        %broadcast_in_dim3A_2440 = vector.broadcast %broadcast_in_dim3A_2439 : f32 to vector<16xf32>
        %get3A_2441 = arith.index_cast %add3A_2436 : i32 to index
        %get3A_2442 = arith.constant 0 : index
        %get3A_2443 = tpu.vector_load %arg17[%get3A_2441, %get3A_2442] {strides = array<i32>} : memref<128x64xf32, #tpu.memory_space<vmem>>, vector<1x16xf32>,
        %get3A_2444 = vector.shape_cast %get3A_2443 : vector<1x16xf32> to vector<16xf32>
        %get3A_2445 = arith.index_cast %add3A_2436 : i32 to index
        %get3A_2446 = arith.constant 0 : index
        %get3A_2447 = tpu.vector_load %arg18[%get3A_2445, %get3A_2446] {strides = array<i32>} : memref<128x64xf32, #tpu.memory_space<vmem>>, vector<1x16xf32>,
        %get3A_2448 = vector.shape_cast %get3A_2447 : vector<1x16xf32> to vector<16xf32>
        %add3A_2449 = arith.addf %get3A_2444, %get3A_2448 : vector<16xf32>
        %get3A_2450 = arith.index_cast %add3A_2436 : i32 to index
        %get3A_2451 = arith.constant 0 : index
        %get3A_2452 = tpu.vector_load %arg19[%get3A_2450, %get3A_2451] {strides = array<i32>} : memref<128x64xf32, #tpu.memory_space<vmem>>, vector<1x16xf32>,
        %get3A_2453 = vector.shape_cast %get3A_2452 : vector<1x16xf32> to vector<16xf32>
        %sub3A_2454 = arith.subf %add3A_2449, %get3A_2453 : vector<16xf32>
        %get3A_2455 = arith.index_cast %add3A_2436 : i32 to index
        %get3A_2456 = arith.constant 0 : index
        %get3A_2457 = tpu.vector_load %arg20[%get3A_2455, %get3A_2456] {strides = array<i32>} : memref<128x64xf32, #tpu.memory_space<vmem>>, vector<1x16xf32>,
        %get3A_2458 = vector.shape_cast %get3A_2457 : vector<1x16xf32> to vector<16xf32>
        %get3A_2459 = arith.index_cast %add3A_2436 : i32 to index
        %get3A_2460 = arith.constant 0 : index
        %get3A_2461 = tpu.vector_load %arg21[%get3A_2459, %get3A_2460] {strides = array<i32>} : memref<128x64xf32, #tpu.memory_space<vmem>>, vector<1x16xf32>,
        %get3A_2462 = vector.shape_cast %get3A_2461 : vector<1x16xf32> to vector<16xf32>
        %add3A_2463 = arith.addf %get3A_2458, %get3A_2462 : vector<16xf32>
        %get3A_2464 = arith.index_cast %add3A_2436 : i32 to index
        %get3A_2465 = arith.constant 0 : index
        %get3A_2466 = tpu.vector_load %arg22[%get3A_2464, %get3A_2465] {strides = array<i32>} : memref<128x64xf32, #tpu.memory_space<vmem>>, vector<1x16xf32>,
        %get3A_2467 = vector.shape_cast %get3A_2466 : vector<1x16xf32> to vector<16xf32>
        %sub3A_2468 = arith.subf %add3A_2463, %get3A_2467 : vector<16xf32>
        %mul3A_2469 = arith.mulf %sub3A_2454, %sub3A_2454 : vector<16xf32>
        %add3A_2470 = arith.addf %broadcast_in_dim3A_2438, %mul3A_2469 : vector<16xf32>
        %mul3A_2471 = arith.mulf %sub3A_2468, %sub3A_2468 : vector<16xf32>
        %add3A_2472 = arith.addf %broadcast_in_dim3A_2440, %mul3A_2471 : vector<16xf32>
        %get3A_2473 = arith.index_cast %add3A_2436 : i32 to index
        %get3A_2474 = arith.constant 16 : index
        %get3A_2475 = tpu.vector_load %arg17[%get3A_2473, %get3A_2474] {strides = array<i32>} : memref<128x64xf32, #tpu.memory_space<vmem>>, vector<1x16xf32>,
        %get3A_2476 = vector.shape_cast %get3A_2475 : vector<1x16xf32> to vector<16xf32>
        %get3A_2477 = arith.index_cast %add3A_2436 : i32 to index
        %get3A_2478 = arith.constant 16 : index
        %get3A_2479 = tpu.vector_load %arg18[%get3A_2477, %get3A_2478] {strides = array<i32>} : memref<128x64xf32, #tpu.memory_space<vmem>>, vector<1x16xf32>,
        %get3A_2480 = vector.shape_cast %get3A_2479 : vector<1x16xf32> to vector<16xf32>
        %add3A_2481 = arith.addf %get3A_2476, %get3A_2480 : vector<16xf32>
        %get3A_2482 = arith.index_cast %add3A_2436 : i32 to index
        %get3A_2483 = arith.constant 16 : index
        %get3A_2484 = tpu.vector_load %arg19[%get3A_2482, %get3A_2483] {strides = array<i32>} : memref<128x64xf32, #tpu.memory_space<vmem>>, vector<1x16xf32>,
        %get3A_2485 = vector.shape_cast %get3A_2484 : vector<1x16xf32> to vector<16xf32>
        %sub3A_2486 = arith.subf %add3A_2481, %get3A_2485 : vector<16xf32>
        %get3A_2487 = arith.index_cast %add3A_2436 : i32 to index
        %get3A_2488 = arith.constant 16 : index
        %get3A_2489 = tpu.vector_load %arg20[%get3A_2487, %get3A_2488] {strides = array<i32>} : memref<128x64xf32, #tpu.memory_space<vmem>>, vector<1x16xf32>,
        %get3A_2490 = vector.shape_cast %get3A_2489 : vector<1x16xf32> to vector<16xf32>
        %get3A_2491 = arith.index_cast %add3A_2436 : i32 to index
        %get3A_2492 = arith.constant 16 : index
        %get3A_2493 = tpu.vector_load %arg21[%get3A_2491, %get3A_2492] {strides = array<i32>} : memref<128x64xf32, #tpu.memory_space<vmem>>, vector<1x16xf32>,
        %get3A_2494 = vector.shape_cast %get3A_2493 : vector<1x16xf32> to vector<16xf32>
        %add3A_2495 = arith.addf %get3A_2490, %get3A_2494 : vector<16xf32>
        %get3A_2496 = arith.index_cast %add3A_2436 : i32 to index
        %get3A_2497 = arith.constant 16 : index
        %get3A_2498 = tpu.vector_load %arg22[%get3A_2496, %get3A_2497] {strides = array<i32>} : memref<128x64xf32, #tpu.memory_space<vmem>>, vector<1x16xf32>,
        %get3A_2499 = vector.shape_cast %get3A_2498 : vector<1x16xf32> to vector<16xf32>
        %sub3A_2500 = arith.subf %add3A_2495, %get3A_2499 : vector<16xf32>
        %mul3A_2501 = arith.mulf %sub3A_2486, %sub3A_2486 : vector<16xf32>
        %add3A_2502 = arith.addf %add3A_2470, %mul3A_2501 : vector<16xf32>
        %mul3A_2503 = arith.mulf %sub3A_2500, %sub3A_2500 : vector<16xf32>
        %add3A_2504 = arith.addf %add3A_2472, %mul3A_2503 : vector<16xf32>
        %get3A_2505 = arith.index_cast %add3A_2436 : i32 to index
        %get3A_2506 = arith.constant 32 : index
        %get3A_2507 = tpu.vector_load %arg17[%get3A_2505, %get3A_2506] {strides = array<i32>} : memref<128x64xf32, #tpu.memory_space<vmem>>, vector<1x16xf32>,
        %get3A_2508 = vector.shape_cast %get3A_2507 : vector<1x16xf32> to vector<16xf32>
        %get3A_2509 = arith.index_cast %add3A_2436 : i32 to index
        %get3A_2510 = arith.constant 32 : index
        %get3A_2511 = tpu.vector_load %arg18[%get3A_2509, %get3A_2510] {strides = array<i32>} : memref<128x64xf32, #tpu.memory_space<vmem>>, vector<1x16xf32>,
        %get3A_2512 = vector.shape_cast %get3A_2511 : vector<1x16xf32> to vector<16xf32>
        %add3A_2513 = arith.addf %get3A_2508, %get3A_2512 : vector<16xf32>
        %get3A_2514 = arith.index_cast %add3A_2436 : i32 to index
        %get3A_2515 = arith.constant 32 : index
        %get3A_2516 = tpu.vector_load %arg19[%get3A_2514, %get3A_2515] {strides = array<i32>} : memref<128x64xf32, #tpu.memory_space<vmem>>, vector<1x16xf32>,
        %get3A_2517 = vector.shape_cast %get3A_2516 : vector<1x16xf32> to vector<16xf32>
        %sub3A_2518 = arith.subf %add3A_2513, %get3A_2517 : vector<16xf32>
        %get3A_2519 = arith.index_cast %add3A_2436 : i32 to index
        %get3A_2520 = arith.constant 32 : index
        %get3A_2521 = tpu.vector_load %arg20[%get3A_2519, %get3A_2520] {strides = array<i32>} : memref<128x64xf32, #tpu.memory_space<vmem>>, vector<1x16xf32>,
        %get3A_2522 = vector.shape_cast %get3A_2521 : vector<1x16xf32> to vector<16xf32>
        %get3A_2523 = arith.index_cast %add3A_2436 : i32 to index
        %get3A_2524 = arith.constant 32 : index
        %get3A_2525 = tpu.vector_load %arg21[%get3A_2523, %get3A_2524] {strides = array<i32>} : memref<128x64xf32, #tpu.memory_space<vmem>>, vector<1x16xf32>,
        %get3A_2526 = vector.shape_cast %get3A_2525 : vector<1x16xf32> to vector<16xf32>
        %add3A_2527 = arith.addf %get3A_2522, %get3A_2526 : vector<16xf32>
        %get3A_2528 = arith.index_cast %add3A_2436 : i32 to index
        %get3A_2529 = arith.constant 32 : index
        %get3A_2530 = tpu.vector_load %arg22[%get3A_2528, %get3A_2529] {strides = array<i32>} : memref<128x64xf32, #tpu.memory_space<vmem>>, vector<1x16xf32>,
        %get3A_2531 = vector.shape_cast %get3A_2530 : vector<1x16xf32> to vector<16xf32>
        %sub3A_2532 = arith.subf %add3A_2527, %get3A_2531 : vector<16xf32>
        %mul3A_2533 = arith.mulf %sub3A_2518, %sub3A_2518 : vector<16xf32>
        %add3A_2534 = arith.addf %add3A_2502, %mul3A_2533 : vector<16xf32>
        %mul3A_2535 = arith.mulf %sub3A_2532, %sub3A_2532 : vector<16xf32>
        %add3A_2536 = arith.addf %add3A_2504, %mul3A_2535 : vector<16xf32>
        %get3A_2537 = arith.index_cast %add3A_2436 : i32 to index
        %get3A_2538 = arith.constant 48 : index
        %get3A_2539 = tpu.vector_load %arg17[%get3A_2537, %get3A_2538] {strides = array<i32>} : memref<128x64xf32, #tpu.memory_space<vmem>>, vector<1x16xf32>,
        %get3A_2540 = vector.shape_cast %get3A_2539 : vector<1x16xf32> to vector<16xf32>
        %get3A_2541 = arith.index_cast %add3A_2436 : i32 to index
        %get3A_2542 = arith.constant 48 : index
        %get3A_2543 = tpu.vector_load %arg18[%get3A_2541, %get3A_2542] {strides = array<i32>} : memref<128x64xf32, #tpu.memory_space<vmem>>, vector<1x16xf32>,
        %get3A_2544 = vector.shape_cast %get3A_2543 : vector<1x16xf32> to vector<16xf32>
        %add3A_2545 = arith.addf %get3A_2540, %get3A_2544 : vector<16xf32>
        %get3A_2546 = arith.index_cast %add3A_2436 : i32 to index
        %get3A_2547 = arith.constant 48 : index
        %get3A_2548 = tpu.vector_load %arg19[%get3A_2546, %get3A_2547] {strides = array<i32>} : memref<128x64xf32, #tpu.memory_space<vmem>>, vector<1x16xf32>,
        %get3A_2549 = vector.shape_cast %get3A_2548 : vector<1x16xf32> to vector<16xf32>
        %sub3A_2550 = arith.subf %add3A_2545, %get3A_2549 : vector<16xf32>
        %get3A_2551 = arith.index_cast %add3A_2436 : i32 to index
        %get3A_2552 = arith.constant 48 : index
        %get3A_2553 = tpu.vector_load %arg20[%get3A_2551, %get3A_2552] {strides = array<i32>} : memref<128x64xf32, #tpu.memory_space<vmem>>, vector<1x16xf32>,
        %get3A_2554 = vector.shape_cast %get3A_2553 : vector<1x16xf32> to vector<16xf32>
        %get3A_2555 = arith.index_cast %add3A_2436 : i32 to index
        %get3A_2556 = arith.constant 48 : index
        %get3A_2557 = tpu.vector_load %arg21[%get3A_2555, %get3A_2556] {strides = array<i32>} : memref<128x64xf32, #tpu.memory_space<vmem>>, vector<1x16xf32>,
        %get3A_2558 = vector.shape_cast %get3A_2557 : vector<1x16xf32> to vector<16xf32>
        %add3A_2559 = arith.addf %get3A_2554, %get3A_2558 : vector<16xf32>
        %get3A_2560 = arith.index_cast %add3A_2436 : i32 to index
        %get3A_2561 = arith.constant 48 : index
        %get3A_2562 = tpu.vector_load %arg22[%get3A_2560, %get3A_2561] {strides = array<i32>} : memref<128x64xf32, #tpu.memory_space<vmem>>, vector<1x16xf32>,
        %get3A_2563 = vector.shape_cast %get3A_2562 : vector<1x16xf32> to vector<16xf32>
        %sub3A_2564 = arith.subf %add3A_2559, %get3A_2563 : vector<16xf32>
        %mul3A_2565 = arith.mulf %sub3A_2550, %sub3A_2550 : vector<16xf32>
        %add3A_2566 = arith.addf %add3A_2534, %mul3A_2565 : vector<16xf32>
        %mul3A_2567 = arith.mulf %sub3A_2564, %sub3A_2564 : vector<16xf32>
        %add3A_2568 = arith.addf %add3A_2536, %mul3A_2567 : vector<16xf32>
        %eq3A_2569 = arith.constant 11 : i32
        %eq3A_2570 = vector.broadcast %eq3A_2569 : i32 to vector<16xi32>
        %eq3A_2571 = arith.cmpi eq, %iota3A, %eq3A_2570 : vector<16xi32>
        %swap3A_2572 = arith.constant 0 : index
        %swap3A_2573 = tpu.vector_load %arg23[%swap3A_2572] {strides = array<i32>} : memref<32xf32, #tpu.memory_space<vmem>>, vector<16xf32>,
        %swap3A_2574 = vector.shape_cast %swap3A_2573 : vector<16xf32> to vector<16xf32>
        %swap3A_2575 = vector.shape_cast %add3A_2566 : vector<16xf32> to vector<16xf32>
        tpu.vector_store %arg23[%swap3A_2572], %swap3A_2575 {strides = array<i32>} : memref<32xf32, #tpu.memory_space<vmem>>, vector<16xf32>,
        %get3A_2576 = arith.constant 8 : index
        %get3A_2577 = tpu.vector_load %arg23[%get3A_2576] {strides = array<i32>} : memref<32xf32, #tpu.memory_space<vmem>>, vector<16xf32>,
        %get3A_2578 = vector.shape_cast %get3A_2577 : vector<16xf32> to vector<16xf32>
        %add3A_2579 = arith.addf %add3A_2566, %get3A_2578 : vector<16xf32>
        %swap3A_2580 = arith.constant 0 : index
        %swap3A_2581 = tpu.vector_load %arg23[%swap3A_2580] {strides = array<i32>} : memref<32xf32, #tpu.memory_space<vmem>>, vector<16xf32>,
        %swap3A_2582 = vector.shape_cast %swap3A_2581 : vector<16xf32> to vector<16xf32>
        %swap3A_2583 = vector.shape_cast %add3A_2579 : vector<16xf32> to vector<16xf32>
        tpu.vector_store %arg23[%swap3A_2580], %swap3A_2583 {strides = array<i32>} : memref<32xf32, #tpu.memory_space<vmem>>, vector<16xf32>,
        %get3A_2584 = arith.constant 4 : index
        %get3A_2585 = tpu.vector_load %arg23[%get3A_2584] {strides = array<i32>} : memref<32xf32, #tpu.memory_space<vmem>>, vector<16xf32>,
        %get3A_2586 = vector.shape_cast %get3A_2585 : vector<16xf32> to vector<16xf32>
        %add3A_2587 = arith.addf %add3A_2579, %get3A_2586 : vector<16xf32>
        %swap3A_2588 = arith.constant 0 : index
        %swap3A_2589 = tpu.vector_load %arg23[%swap3A_2588] {strides = array<i32>} : memref<32xf32, #tpu.memory_space<vmem>>, vector<16xf32>,
        %swap3A_2590 = vector.shape_cast %swap3A_2589 : vector<16xf32> to vector<16xf32>
        %swap3A_2591 = vector.shape_cast %add3A_2587 : vector<16xf32> to vector<16xf32>
        tpu.vector_store %arg23[%swap3A_2588], %swap3A_2591 {strides = array<i32>} : memref<32xf32, #tpu.memory_space<vmem>>, vector<16xf32>,
        %get3A_2592 = arith.constant 2 : index
        %get3A_2593 = tpu.vector_load %arg23[%get3A_2592] {strides = array<i32>} : memref<32xf32, #tpu.memory_space<vmem>>, vector<16xf32>,
        %get3A_2594 = vector.shape_cast %get3A_2593 : vector<16xf32> to vector<16xf32>
        %add3A_2595 = arith.addf %add3A_2587, %get3A_2594 : vector<16xf32>
        %swap3A_2596 = arith.constant 0 : index
        %swap3A_2597 = tpu.vector_load %arg23[%swap3A_2596] {strides = array<i32>} : memref<32xf32, #tpu.memory_space<vmem>>, vector<16xf32>,
        %swap3A_2598 = vector.shape_cast %swap3A_2597 : vector<16xf32> to vector<16xf32>
        %swap3A_2599 = vector.shape_cast %add3A_2595 : vector<16xf32> to vector<16xf32>
        tpu.vector_store %arg23[%swap3A_2596], %swap3A_2599 {strides = array<i32>} : memref<32xf32, #tpu.memory_space<vmem>>, vector<16xf32>,
        %get3A_2600 = arith.constant 1 : index
        %get3A_2601 = tpu.vector_load %arg23[%get3A_2600] {strides = array<i32>} : memref<32xf32, #tpu.memory_space<vmem>>, vector<16xf32>,
        %get3A_2602 = vector.shape_cast %get3A_2601 : vector<16xf32> to vector<16xf32>
        %add3A_2603 = arith.addf %add3A_2595, %get3A_2602 : vector<16xf32>
        %slice3A_2604 = vector.extract_strided_slice %add3A_2603 {offsets = [0], sizes = [1], strides = [1]} : vector<16xf32> to vector<1xf32>
        %squeeze3A_2605 = vector.extract %slice3A_2604[0] : f32 from vector<1xf32>
        %broadcast_in_dim3A_2606 = vector.broadcast %squeeze3A_2605 : f32 to vector<16xf32>
        %select_n3A_2607 = arith.select %eq3A_2571, %broadcast_in_dim3A_2606, %select_n3A_2396 : vector<16xi1>, vector<16xf32>
        %swap3A_2608 = arith.constant 0 : index
        %swap3A_2609 = tpu.vector_load %arg24[%swap3A_2608] {strides = array<i32>} : memref<32xf32, #tpu.memory_space<vmem>>, vector<16xf32>,
        %swap3A_2610 = vector.shape_cast %swap3A_2609 : vector<16xf32> to vector<16xf32>
        %swap3A_2611 = vector.shape_cast %add3A_2568 : vector<16xf32> to vector<16xf32>
        tpu.vector_store %arg24[%swap3A_2608], %swap3A_2611 {strides = array<i32>} : memref<32xf32, #tpu.memory_space<vmem>>, vector<16xf32>,
        %get3A_2612 = arith.constant 8 : index
        %get3A_2613 = tpu.vector_load %arg24[%get3A_2612] {strides = array<i32>} : memref<32xf32, #tpu.memory_space<vmem>>, vector<16xf32>,
        %get3A_2614 = vector.shape_cast %get3A_2613 : vector<16xf32> to vector<16xf32>
        %add3A_2615 = arith.addf %add3A_2568, %get3A_2614 : vector<16xf32>
        %swap3A_2616 = arith.constant 0 : index
        %swap3A_2617 = tpu.vector_load %arg24[%swap3A_2616] {strides = array<i32>} : memref<32xf32, #tpu.memory_space<vmem>>, vector<16xf32>,
        %swap3A_2618 = vector.shape_cast %swap3A_2617 : vector<16xf32> to vector<16xf32>
        %swap3A_2619 = vector.shape_cast %add3A_2615 : vector<16xf32> to vector<16xf32>
        tpu.vector_store %arg24[%swap3A_2616], %swap3A_2619 {strides = array<i32>} : memref<32xf32, #tpu.memory_space<vmem>>, vector<16xf32>,
        %get3A_2620 = arith.constant 4 : index
        %get3A_2621 = tpu.vector_load %arg24[%get3A_2620] {strides = array<i32>} : memref<32xf32, #tpu.memory_space<vmem>>, vector<16xf32>,
        %get3A_2622 = vector.shape_cast %get3A_2621 : vector<16xf32> to vector<16xf32>
        %add3A_2623 = arith.addf %add3A_2615, %get3A_2622 : vector<16xf32>
        %swap3A_2624 = arith.constant 0 : index
        %swap3A_2625 = tpu.vector_load %arg24[%swap3A_2624] {strides = array<i32>} : memref<32xf32, #tpu.memory_space<vmem>>, vector<16xf32>,
        %swap3A_2626 = vector.shape_cast %swap3A_2625 : vector<16xf32> to vector<16xf32>
        %swap3A_2627 = vector.shape_cast %add3A_2623 : vector<16xf32> to vector<16xf32>
        tpu.vector_store %arg24[%swap3A_2624], %swap3A_2627 {strides = array<i32>} : memref<32xf32, #tpu.memory_space<vmem>>, vector<16xf32>,
        %get3A_2628 = arith.constant 2 : index
        %get3A_2629 = tpu.vector_load %arg24[%get3A_2628] {strides = array<i32>} : memref<32xf32, #tpu.memory_space<vmem>>, vector<16xf32>,
        %get3A_2630 = vector.shape_cast %get3A_2629 : vector<16xf32> to vector<16xf32>
        %add3A_2631 = arith.addf %add3A_2623, %get3A_2630 : vector<16xf32>
        %swap3A_2632 = arith.constant 0 : index
        %swap3A_2633 = tpu.vector_load %arg24[%swap3A_2632] {strides = array<i32>} : memref<32xf32, #tpu.memory_space<vmem>>, vector<16xf32>,
        %swap3A_2634 = vector.shape_cast %swap3A_2633 : vector<16xf32> to vector<16xf32>
        %swap3A_2635 = vector.shape_cast %add3A_2631 : vector<16xf32> to vector<16xf32>
        tpu.vector_store %arg24[%swap3A_2632], %swap3A_2635 {strides = array<i32>} : memref<32xf32, #tpu.memory_space<vmem>>, vector<16xf32>,
        %get3A_2636 = arith.constant 1 : index
        %get3A_2637 = tpu.vector_load %arg24[%get3A_2636] {strides = array<i32>} : memref<32xf32, #tpu.memory_space<vmem>>, vector<16xf32>,
        %get3A_2638 = vector.shape_cast %get3A_2637 : vector<16xf32> to vector<16xf32>
        %add3A_2639 = arith.addf %add3A_2631, %get3A_2638 : vector<16xf32>
        %slice3A_2640 = vector.extract_strided_slice %add3A_2639 {offsets = [0], sizes = [1], strides = [1]} : vector<16xf32> to vector<1xf32>
        %squeeze3A_2641 = vector.extract %slice3A_2640[0] : f32 from vector<1xf32>
        %broadcast_in_dim3A_2642 = vector.broadcast %squeeze3A_2641 : f32 to vector<16xf32>
        %select_n3A_2643 = arith.select %eq3A_2571, %broadcast_in_dim3A_2642, %select_n3A_2432 : vector<16xi1>, vector<16xf32>
        %mul3A_2644 = arith.constant 16 : i32
        %mul3A_2645 = arith.muli %scan3A_112, %mul3A_2644 : i32
        %add3A_2646 = arith.constant 12 : i32
        %add3A_2647 = arith.addi %mul3A_2645, %add3A_2646 : i32
        %broadcast_in_dim3A_2648 = arith.constant 0.000000e+00 : f32
        %broadcast_in_dim3A_2649 = vector.broadcast %broadcast_in_dim3A_2648 : f32 to vector<16xf32>
        %broadcast_in_dim3A_2650 = arith.constant 0.000000e+00 : f32
        %broadcast_in_dim3A_2651 = vector.broadcast %broadcast_in_dim3A_2650 : f32 to vector<16xf32>
        %get3A_2652 = arith.index_cast %add3A_2647 : i32 to index
        %get3A_2653 = arith.constant 0 : index
        %get3A_2654 = tpu.vector_load %arg17[%get3A_2652, %get3A_2653] {strides = array<i32>} : memref<128x64xf32, #tpu.memory_space<vmem>>, vector<1x16xf32>,
        %get3A_2655 = vector.shape_cast %get3A_2654 : vector<1x16xf32> to vector<16xf32>
        %get3A_2656 = arith.index_cast %add3A_2647 : i32 to index
        %get3A_2657 = arith.constant 0 : index
        %get3A_2658 = tpu.vector_load %arg18[%get3A_2656, %get3A_2657] {strides = array<i32>} : memref<128x64xf32, #tpu.memory_space<vmem>>, vector<1x16xf32>,
        %get3A_2659 = vector.shape_cast %get3A_2658 : vector<1x16xf32> to vector<16xf32>
        %add3A_2660 = arith.addf %get3A_2655, %get3A_2659 : vector<16xf32>
        %get3A_2661 = arith.index_cast %add3A_2647 : i32 to index
        %get3A_2662 = arith.constant 0 : index
        %get3A_2663 = tpu.vector_load %arg19[%get3A_2661, %get3A_2662] {strides = array<i32>} : memref<128x64xf32, #tpu.memory_space<vmem>>, vector<1x16xf32>,
        %get3A_2664 = vector.shape_cast %get3A_2663 : vector<1x16xf32> to vector<16xf32>
        %sub3A_2665 = arith.subf %add3A_2660, %get3A_2664 : vector<16xf32>
        %get3A_2666 = arith.index_cast %add3A_2647 : i32 to index
        %get3A_2667 = arith.constant 0 : index
        %get3A_2668 = tpu.vector_load %arg20[%get3A_2666, %get3A_2667] {strides = array<i32>} : memref<128x64xf32, #tpu.memory_space<vmem>>, vector<1x16xf32>,
        %get3A_2669 = vector.shape_cast %get3A_2668 : vector<1x16xf32> to vector<16xf32>
        %get3A_2670 = arith.index_cast %add3A_2647 : i32 to index
        %get3A_2671 = arith.constant 0 : index
        %get3A_2672 = tpu.vector_load %arg21[%get3A_2670, %get3A_2671] {strides = array<i32>} : memref<128x64xf32, #tpu.memory_space<vmem>>, vector<1x16xf32>,
        %get3A_2673 = vector.shape_cast %get3A_2672 : vector<1x16xf32> to vector<16xf32>
        %add3A_2674 = arith.addf %get3A_2669, %get3A_2673 : vector<16xf32>
        %get3A_2675 = arith.index_cast %add3A_2647 : i32 to index
        %get3A_2676 = arith.constant 0 : index
        %get3A_2677 = tpu.vector_load %arg22[%get3A_2675, %get3A_2676] {strides = array<i32>} : memref<128x64xf32, #tpu.memory_space<vmem>>, vector<1x16xf32>,
        %get3A_2678 = vector.shape_cast %get3A_2677 : vector<1x16xf32> to vector<16xf32>
        %sub3A_2679 = arith.subf %add3A_2674, %get3A_2678 : vector<16xf32>
        %mul3A_2680 = arith.mulf %sub3A_2665, %sub3A_2665 : vector<16xf32>
        %add3A_2681 = arith.addf %broadcast_in_dim3A_2649, %mul3A_2680 : vector<16xf32>
        %mul3A_2682 = arith.mulf %sub3A_2679, %sub3A_2679 : vector<16xf32>
        %add3A_2683 = arith.addf %broadcast_in_dim3A_2651, %mul3A_2682 : vector<16xf32>
        %get3A_2684 = arith.index_cast %add3A_2647 : i32 to index
        %get3A_2685 = arith.constant 16 : index
        %get3A_2686 = tpu.vector_load %arg17[%get3A_2684, %get3A_2685] {strides = array<i32>} : memref<128x64xf32, #tpu.memory_space<vmem>>, vector<1x16xf32>,
        %get3A_2687 = vector.shape_cast %get3A_2686 : vector<1x16xf32> to vector<16xf32>
        %get3A_2688 = arith.index_cast %add3A_2647 : i32 to index
        %get3A_2689 = arith.constant 16 : index
        %get3A_2690 = tpu.vector_load %arg18[%get3A_2688, %get3A_2689] {strides = array<i32>} : memref<128x64xf32, #tpu.memory_space<vmem>>, vector<1x16xf32>,
        %get3A_2691 = vector.shape_cast %get3A_2690 : vector<1x16xf32> to vector<16xf32>
        %add3A_2692 = arith.addf %get3A_2687, %get3A_2691 : vector<16xf32>
        %get3A_2693 = arith.index_cast %add3A_2647 : i32 to index
        %get3A_2694 = arith.constant 16 : index
        %get3A_2695 = tpu.vector_load %arg19[%get3A_2693, %get3A_2694] {strides = array<i32>} : memref<128x64xf32, #tpu.memory_space<vmem>>, vector<1x16xf32>,
        %get3A_2696 = vector.shape_cast %get3A_2695 : vector<1x16xf32> to vector<16xf32>
        %sub3A_2697 = arith.subf %add3A_2692, %get3A_2696 : vector<16xf32>
        %get3A_2698 = arith.index_cast %add3A_2647 : i32 to index
        %get3A_2699 = arith.constant 16 : index
        %get3A_2700 = tpu.vector_load %arg20[%get3A_2698, %get3A_2699] {strides = array<i32>} : memref<128x64xf32, #tpu.memory_space<vmem>>, vector<1x16xf32>,
        %get3A_2701 = vector.shape_cast %get3A_2700 : vector<1x16xf32> to vector<16xf32>
        %get3A_2702 = arith.index_cast %add3A_2647 : i32 to index
        %get3A_2703 = arith.constant 16 : index
        %get3A_2704 = tpu.vector_load %arg21[%get3A_2702, %get3A_2703] {strides = array<i32>} : memref<128x64xf32, #tpu.memory_space<vmem>>, vector<1x16xf32>,
        %get3A_2705 = vector.shape_cast %get3A_2704 : vector<1x16xf32> to vector<16xf32>
        %add3A_2706 = arith.addf %get3A_2701, %get3A_2705 : vector<16xf32>
        %get3A_2707 = arith.index_cast %add3A_2647 : i32 to index
        %get3A_2708 = arith.constant 16 : index
        %get3A_2709 = tpu.vector_load %arg22[%get3A_2707, %get3A_2708] {strides = array<i32>} : memref<128x64xf32, #tpu.memory_space<vmem>>, vector<1x16xf32>,
        %get3A_2710 = vector.shape_cast %get3A_2709 : vector<1x16xf32> to vector<16xf32>
        %sub3A_2711 = arith.subf %add3A_2706, %get3A_2710 : vector<16xf32>
        %mul3A_2712 = arith.mulf %sub3A_2697, %sub3A_2697 : vector<16xf32>
        %add3A_2713 = arith.addf %add3A_2681, %mul3A_2712 : vector<16xf32>
        %mul3A_2714 = arith.mulf %sub3A_2711, %sub3A_2711 : vector<16xf32>
        %add3A_2715 = arith.addf %add3A_2683, %mul3A_2714 : vector<16xf32>
        %get3A_2716 = arith.index_cast %add3A_2647 : i32 to index
        %get3A_2717 = arith.constant 32 : index
        %get3A_2718 = tpu.vector_load %arg17[%get3A_2716, %get3A_2717] {strides = array<i32>} : memref<128x64xf32, #tpu.memory_space<vmem>>, vector<1x16xf32>,
        %get3A_2719 = vector.shape_cast %get3A_2718 : vector<1x16xf32> to vector<16xf32>
        %get3A_2720 = arith.index_cast %add3A_2647 : i32 to index
        %get3A_2721 = arith.constant 32 : index
        %get3A_2722 = tpu.vector_load %arg18[%get3A_2720, %get3A_2721] {strides = array<i32>} : memref<128x64xf32, #tpu.memory_space<vmem>>, vector<1x16xf32>,
        %get3A_2723 = vector.shape_cast %get3A_2722 : vector<1x16xf32> to vector<16xf32>
        %add3A_2724 = arith.addf %get3A_2719, %get3A_2723 : vector<16xf32>
        %get3A_2725 = arith.index_cast %add3A_2647 : i32 to index
        %get3A_2726 = arith.constant 32 : index
        %get3A_2727 = tpu.vector_load %arg19[%get3A_2725, %get3A_2726] {strides = array<i32>} : memref<128x64xf32, #tpu.memory_space<vmem>>, vector<1x16xf32>,
        %get3A_2728 = vector.shape_cast %get3A_2727 : vector<1x16xf32> to vector<16xf32>
        %sub3A_2729 = arith.subf %add3A_2724, %get3A_2728 : vector<16xf32>
        %get3A_2730 = arith.index_cast %add3A_2647 : i32 to index
        %get3A_2731 = arith.constant 32 : index
        %get3A_2732 = tpu.vector_load %arg20[%get3A_2730, %get3A_2731] {strides = array<i32>} : memref<128x64xf32, #tpu.memory_space<vmem>>, vector<1x16xf32>,
        %get3A_2733 = vector.shape_cast %get3A_2732 : vector<1x16xf32> to vector<16xf32>
        %get3A_2734 = arith.index_cast %add3A_2647 : i32 to index
        %get3A_2735 = arith.constant 32 : index
        %get3A_2736 = tpu.vector_load %arg21[%get3A_2734, %get3A_2735] {strides = array<i32>} : memref<128x64xf32, #tpu.memory_space<vmem>>, vector<1x16xf32>,
        %get3A_2737 = vector.shape_cast %get3A_2736 : vector<1x16xf32> to vector<16xf32>
        %add3A_2738 = arith.addf %get3A_2733, %get3A_2737 : vector<16xf32>
        %get3A_2739 = arith.index_cast %add3A_2647 : i32 to index
        %get3A_2740 = arith.constant 32 : index
        %get3A_2741 = tpu.vector_load %arg22[%get3A_2739, %get3A_2740] {strides = array<i32>} : memref<128x64xf32, #tpu.memory_space<vmem>>, vector<1x16xf32>,
        %get3A_2742 = vector.shape_cast %get3A_2741 : vector<1x16xf32> to vector<16xf32>
        %sub3A_2743 = arith.subf %add3A_2738, %get3A_2742 : vector<16xf32>
        %mul3A_2744 = arith.mulf %sub3A_2729, %sub3A_2729 : vector<16xf32>
        %add3A_2745 = arith.addf %add3A_2713, %mul3A_2744 : vector<16xf32>
        %mul3A_2746 = arith.mulf %sub3A_2743, %sub3A_2743 : vector<16xf32>
        %add3A_2747 = arith.addf %add3A_2715, %mul3A_2746 : vector<16xf32>
        %get3A_2748 = arith.index_cast %add3A_2647 : i32 to index
        %get3A_2749 = arith.constant 48 : index
        %get3A_2750 = tpu.vector_load %arg17[%get3A_2748, %get3A_2749] {strides = array<i32>} : memref<128x64xf32, #tpu.memory_space<vmem>>, vector<1x16xf32>,
        %get3A_2751 = vector.shape_cast %get3A_2750 : vector<1x16xf32> to vector<16xf32>
        %get3A_2752 = arith.index_cast %add3A_2647 : i32 to index
        %get3A_2753 = arith.constant 48 : index
        %get3A_2754 = tpu.vector_load %arg18[%get3A_2752, %get3A_2753] {strides = array<i32>} : memref<128x64xf32, #tpu.memory_space<vmem>>, vector<1x16xf32>,
        %get3A_2755 = vector.shape_cast %get3A_2754 : vector<1x16xf32> to vector<16xf32>
        %add3A_2756 = arith.addf %get3A_2751, %get3A_2755 : vector<16xf32>
        %get3A_2757 = arith.index_cast %add3A_2647 : i32 to index
        %get3A_2758 = arith.constant 48 : index
        %get3A_2759 = tpu.vector_load %arg19[%get3A_2757, %get3A_2758] {strides = array<i32>} : memref<128x64xf32, #tpu.memory_space<vmem>>, vector<1x16xf32>,
        %get3A_2760 = vector.shape_cast %get3A_2759 : vector<1x16xf32> to vector<16xf32>
        %sub3A_2761 = arith.subf %add3A_2756, %get3A_2760 : vector<16xf32>
        %get3A_2762 = arith.index_cast %add3A_2647 : i32 to index
        %get3A_2763 = arith.constant 48 : index
        %get3A_2764 = tpu.vector_load %arg20[%get3A_2762, %get3A_2763] {strides = array<i32>} : memref<128x64xf32, #tpu.memory_space<vmem>>, vector<1x16xf32>,
        %get3A_2765 = vector.shape_cast %get3A_2764 : vector<1x16xf32> to vector<16xf32>
        %get3A_2766 = arith.index_cast %add3A_2647 : i32 to index
        %get3A_2767 = arith.constant 48 : index
        %get3A_2768 = tpu.vector_load %arg21[%get3A_2766, %get3A_2767] {strides = array<i32>} : memref<128x64xf32, #tpu.memory_space<vmem>>, vector<1x16xf32>,
        %get3A_2769 = vector.shape_cast %get3A_2768 : vector<1x16xf32> to vector<16xf32>
        %add3A_2770 = arith.addf %get3A_2765, %get3A_2769 : vector<16xf32>
        %get3A_2771 = arith.index_cast %add3A_2647 : i32 to index
        %get3A_2772 = arith.constant 48 : index
        %get3A_2773 = tpu.vector_load %arg22[%get3A_2771, %get3A_2772] {strides = array<i32>} : memref<128x64xf32, #tpu.memory_space<vmem>>, vector<1x16xf32>,
        %get3A_2774 = vector.shape_cast %get3A_2773 : vector<1x16xf32> to vector<16xf32>
        %sub3A_2775 = arith.subf %add3A_2770, %get3A_2774 : vector<16xf32>
        %mul3A_2776 = arith.mulf %sub3A_2761, %sub3A_2761 : vector<16xf32>
        %add3A_2777 = arith.addf %add3A_2745, %mul3A_2776 : vector<16xf32>
        %mul3A_2778 = arith.mulf %sub3A_2775, %sub3A_2775 : vector<16xf32>
        %add3A_2779 = arith.addf %add3A_2747, %mul3A_2778 : vector<16xf32>
        %eq3A_2780 = arith.constant 12 : i32
        %eq3A_2781 = vector.broadcast %eq3A_2780 : i32 to vector<16xi32>
        %eq3A_2782 = arith.cmpi eq, %iota3A, %eq3A_2781 : vector<16xi32>
        %swap3A_2783 = arith.constant 0 : index
        %swap3A_2784 = tpu.vector_load %arg23[%swap3A_2783] {strides = array<i32>} : memref<32xf32, #tpu.memory_space<vmem>>, vector<16xf32>,
        %swap3A_2785 = vector.shape_cast %swap3A_2784 : vector<16xf32> to vector<16xf32>
        %swap3A_2786 = vector.shape_cast %add3A_2777 : vector<16xf32> to vector<16xf32>
        tpu.vector_store %arg23[%swap3A_2783], %swap3A_2786 {strides = array<i32>} : memref<32xf32, #tpu.memory_space<vmem>>, vector<16xf32>,
        %get3A_2787 = arith.constant 8 : index
        %get3A_2788 = tpu.vector_load %arg23[%get3A_2787] {strides = array<i32>} : memref<32xf32, #tpu.memory_space<vmem>>, vector<16xf32>,
        %get3A_2789 = vector.shape_cast %get3A_2788 : vector<16xf32> to vector<16xf32>
        %add3A_2790 = arith.addf %add3A_2777, %get3A_2789 : vector<16xf32>
        %swap3A_2791 = arith.constant 0 : index
        %swap3A_2792 = tpu.vector_load %arg23[%swap3A_2791] {strides = array<i32>} : memref<32xf32, #tpu.memory_space<vmem>>, vector<16xf32>,
        %swap3A_2793 = vector.shape_cast %swap3A_2792 : vector<16xf32> to vector<16xf32>
        %swap3A_2794 = vector.shape_cast %add3A_2790 : vector<16xf32> to vector<16xf32>
        tpu.vector_store %arg23[%swap3A_2791], %swap3A_2794 {strides = array<i32>} : memref<32xf32, #tpu.memory_space<vmem>>, vector<16xf32>,
        %get3A_2795 = arith.constant 4 : index
        %get3A_2796 = tpu.vector_load %arg23[%get3A_2795] {strides = array<i32>} : memref<32xf32, #tpu.memory_space<vmem>>, vector<16xf32>,
        %get3A_2797 = vector.shape_cast %get3A_2796 : vector<16xf32> to vector<16xf32>
        %add3A_2798 = arith.addf %add3A_2790, %get3A_2797 : vector<16xf32>
        %swap3A_2799 = arith.constant 0 : index
        %swap3A_2800 = tpu.vector_load %arg23[%swap3A_2799] {strides = array<i32>} : memref<32xf32, #tpu.memory_space<vmem>>, vector<16xf32>,
        %swap3A_2801 = vector.shape_cast %swap3A_2800 : vector<16xf32> to vector<16xf32>
        %swap3A_2802 = vector.shape_cast %add3A_2798 : vector<16xf32> to vector<16xf32>
        tpu.vector_store %arg23[%swap3A_2799], %swap3A_2802 {strides = array<i32>} : memref<32xf32, #tpu.memory_space<vmem>>, vector<16xf32>,
        %get3A_2803 = arith.constant 2 : index
        %get3A_2804 = tpu.vector_load %arg23[%get3A_2803] {strides = array<i32>} : memref<32xf32, #tpu.memory_space<vmem>>, vector<16xf32>,
        %get3A_2805 = vector.shape_cast %get3A_2804 : vector<16xf32> to vector<16xf32>
        %add3A_2806 = arith.addf %add3A_2798, %get3A_2805 : vector<16xf32>
        %swap3A_2807 = arith.constant 0 : index
        %swap3A_2808 = tpu.vector_load %arg23[%swap3A_2807] {strides = array<i32>} : memref<32xf32, #tpu.memory_space<vmem>>, vector<16xf32>,
        %swap3A_2809 = vector.shape_cast %swap3A_2808 : vector<16xf32> to vector<16xf32>
        %swap3A_2810 = vector.shape_cast %add3A_2806 : vector<16xf32> to vector<16xf32>
        tpu.vector_store %arg23[%swap3A_2807], %swap3A_2810 {strides = array<i32>} : memref<32xf32, #tpu.memory_space<vmem>>, vector<16xf32>,
        %get3A_2811 = arith.constant 1 : index
        %get3A_2812 = tpu.vector_load %arg23[%get3A_2811] {strides = array<i32>} : memref<32xf32, #tpu.memory_space<vmem>>, vector<16xf32>,
        %get3A_2813 = vector.shape_cast %get3A_2812 : vector<16xf32> to vector<16xf32>
        %add3A_2814 = arith.addf %add3A_2806, %get3A_2813 : vector<16xf32>
        %slice3A_2815 = vector.extract_strided_slice %add3A_2814 {offsets = [0], sizes = [1], strides = [1]} : vector<16xf32> to vector<1xf32>
        %squeeze3A_2816 = vector.extract %slice3A_2815[0] : f32 from vector<1xf32>
        %broadcast_in_dim3A_2817 = vector.broadcast %squeeze3A_2816 : f32 to vector<16xf32>
        %select_n3A_2818 = arith.select %eq3A_2782, %broadcast_in_dim3A_2817, %select_n3A_2607 : vector<16xi1>, vector<16xf32>
        %swap3A_2819 = arith.constant 0 : index
        %swap3A_2820 = tpu.vector_load %arg24[%swap3A_2819] {strides = array<i32>} : memref<32xf32, #tpu.memory_space<vmem>>, vector<16xf32>,
        %swap3A_2821 = vector.shape_cast %swap3A_2820 : vector<16xf32> to vector<16xf32>
        %swap3A_2822 = vector.shape_cast %add3A_2779 : vector<16xf32> to vector<16xf32>
        tpu.vector_store %arg24[%swap3A_2819], %swap3A_2822 {strides = array<i32>} : memref<32xf32, #tpu.memory_space<vmem>>, vector<16xf32>,
        %get3A_2823 = arith.constant 8 : index
        %get3A_2824 = tpu.vector_load %arg24[%get3A_2823] {strides = array<i32>} : memref<32xf32, #tpu.memory_space<vmem>>, vector<16xf32>,
        %get3A_2825 = vector.shape_cast %get3A_2824 : vector<16xf32> to vector<16xf32>
        %add3A_2826 = arith.addf %add3A_2779, %get3A_2825 : vector<16xf32>
        %swap3A_2827 = arith.constant 0 : index
        %swap3A_2828 = tpu.vector_load %arg24[%swap3A_2827] {strides = array<i32>} : memref<32xf32, #tpu.memory_space<vmem>>, vector<16xf32>,
        %swap3A_2829 = vector.shape_cast %swap3A_2828 : vector<16xf32> to vector<16xf32>
        %swap3A_2830 = vector.shape_cast %add3A_2826 : vector<16xf32> to vector<16xf32>
        tpu.vector_store %arg24[%swap3A_2827], %swap3A_2830 {strides = array<i32>} : memref<32xf32, #tpu.memory_space<vmem>>, vector<16xf32>,
        %get3A_2831 = arith.constant 4 : index
        %get3A_2832 = tpu.vector_load %arg24[%get3A_2831] {strides = array<i32>} : memref<32xf32, #tpu.memory_space<vmem>>, vector<16xf32>,
        %get3A_2833 = vector.shape_cast %get3A_2832 : vector<16xf32> to vector<16xf32>
        %add3A_2834 = arith.addf %add3A_2826, %get3A_2833 : vector<16xf32>
        %swap3A_2835 = arith.constant 0 : index
        %swap3A_2836 = tpu.vector_load %arg24[%swap3A_2835] {strides = array<i32>} : memref<32xf32, #tpu.memory_space<vmem>>, vector<16xf32>,
        %swap3A_2837 = vector.shape_cast %swap3A_2836 : vector<16xf32> to vector<16xf32>
        %swap3A_2838 = vector.shape_cast %add3A_2834 : vector<16xf32> to vector<16xf32>
        tpu.vector_store %arg24[%swap3A_2835], %swap3A_2838 {strides = array<i32>} : memref<32xf32, #tpu.memory_space<vmem>>, vector<16xf32>,
        %get3A_2839 = arith.constant 2 : index
        %get3A_2840 = tpu.vector_load %arg24[%get3A_2839] {strides = array<i32>} : memref<32xf32, #tpu.memory_space<vmem>>, vector<16xf32>,
        %get3A_2841 = vector.shape_cast %get3A_2840 : vector<16xf32> to vector<16xf32>
        %add3A_2842 = arith.addf %add3A_2834, %get3A_2841 : vector<16xf32>
        %swap3A_2843 = arith.constant 0 : index
        %swap3A_2844 = tpu.vector_load %arg24[%swap3A_2843] {strides = array<i32>} : memref<32xf32, #tpu.memory_space<vmem>>, vector<16xf32>,
        %swap3A_2845 = vector.shape_cast %swap3A_2844 : vector<16xf32> to vector<16xf32>
        %swap3A_2846 = vector.shape_cast %add3A_2842 : vector<16xf32> to vector<16xf32>
        tpu.vector_store %arg24[%swap3A_2843], %swap3A_2846 {strides = array<i32>} : memref<32xf32, #tpu.memory_space<vmem>>, vector<16xf32>,
        %get3A_2847 = arith.constant 1 : index
        %get3A_2848 = tpu.vector_load %arg24[%get3A_2847] {strides = array<i32>} : memref<32xf32, #tpu.memory_space<vmem>>, vector<16xf32>,
        %get3A_2849 = vector.shape_cast %get3A_2848 : vector<16xf32> to vector<16xf32>
        %add3A_2850 = arith.addf %add3A_2842, %get3A_2849 : vector<16xf32>
        %slice3A_2851 = vector.extract_strided_slice %add3A_2850 {offsets = [0], sizes = [1], strides = [1]} : vector<16xf32> to vector<1xf32>
        %squeeze3A_2852 = vector.extract %slice3A_2851[0] : f32 from vector<1xf32>
        %broadcast_in_dim3A_2853 = vector.broadcast %squeeze3A_2852 : f32 to vector<16xf32>
        %select_n3A_2854 = arith.select %eq3A_2782, %broadcast_in_dim3A_2853, %select_n3A_2643 : vector<16xi1>, vector<16xf32>
        %mul3A_2855 = arith.constant 16 : i32
        %mul3A_2856 = arith.muli %scan3A_112, %mul3A_2855 : i32
        %add3A_2857 = arith.constant 13 : i32
        %add3A_2858 = arith.addi %mul3A_2856, %add3A_2857 : i32
        %broadcast_in_dim3A_2859 = arith.constant 0.000000e+00 : f32
        %broadcast_in_dim3A_2860 = vector.broadcast %broadcast_in_dim3A_2859 : f32 to vector<16xf32>
        %broadcast_in_dim3A_2861 = arith.constant 0.000000e+00 : f32
        %broadcast_in_dim3A_2862 = vector.broadcast %broadcast_in_dim3A_2861 : f32 to vector<16xf32>
        %get3A_2863 = arith.index_cast %add3A_2858 : i32 to index
        %get3A_2864 = arith.constant 0 : index
        %get3A_2865 = tpu.vector_load %arg17[%get3A_2863, %get3A_2864] {strides = array<i32>} : memref<128x64xf32, #tpu.memory_space<vmem>>, vector<1x16xf32>,
        %get3A_2866 = vector.shape_cast %get3A_2865 : vector<1x16xf32> to vector<16xf32>
        %get3A_2867 = arith.index_cast %add3A_2858 : i32 to index
        %get3A_2868 = arith.constant 0 : index
        %get3A_2869 = tpu.vector_load %arg18[%get3A_2867, %get3A_2868] {strides = array<i32>} : memref<128x64xf32, #tpu.memory_space<vmem>>, vector<1x16xf32>,
        %get3A_2870 = vector.shape_cast %get3A_2869 : vector<1x16xf32> to vector<16xf32>
        %add3A_2871 = arith.addf %get3A_2866, %get3A_2870 : vector<16xf32>
        %get3A_2872 = arith.index_cast %add3A_2858 : i32 to index
        %get3A_2873 = arith.constant 0 : index
        %get3A_2874 = tpu.vector_load %arg19[%get3A_2872, %get3A_2873] {strides = array<i32>} : memref<128x64xf32, #tpu.memory_space<vmem>>, vector<1x16xf32>,
        %get3A_2875 = vector.shape_cast %get3A_2874 : vector<1x16xf32> to vector<16xf32>
        %sub3A_2876 = arith.subf %add3A_2871, %get3A_2875 : vector<16xf32>
        %get3A_2877 = arith.index_cast %add3A_2858 : i32 to index
        %get3A_2878 = arith.constant 0 : index
        %get3A_2879 = tpu.vector_load %arg20[%get3A_2877, %get3A_2878] {strides = array<i32>} : memref<128x64xf32, #tpu.memory_space<vmem>>, vector<1x16xf32>,
        %get3A_2880 = vector.shape_cast %get3A_2879 : vector<1x16xf32> to vector<16xf32>
        %get3A_2881 = arith.index_cast %add3A_2858 : i32 to index
        %get3A_2882 = arith.constant 0 : index
        %get3A_2883 = tpu.vector_load %arg21[%get3A_2881, %get3A_2882] {strides = array<i32>} : memref<128x64xf32, #tpu.memory_space<vmem>>, vector<1x16xf32>,
        %get3A_2884 = vector.shape_cast %get3A_2883 : vector<1x16xf32> to vector<16xf32>
        %add3A_2885 = arith.addf %get3A_2880, %get3A_2884 : vector<16xf32>
        %get3A_2886 = arith.index_cast %add3A_2858 : i32 to index
        %get3A_2887 = arith.constant 0 : index
        %get3A_2888 = tpu.vector_load %arg22[%get3A_2886, %get3A_2887] {strides = array<i32>} : memref<128x64xf32, #tpu.memory_space<vmem>>, vector<1x16xf32>,
        %get3A_2889 = vector.shape_cast %get3A_2888 : vector<1x16xf32> to vector<16xf32>
        %sub3A_2890 = arith.subf %add3A_2885, %get3A_2889 : vector<16xf32>
        %mul3A_2891 = arith.mulf %sub3A_2876, %sub3A_2876 : vector<16xf32>
        %add3A_2892 = arith.addf %broadcast_in_dim3A_2860, %mul3A_2891 : vector<16xf32>
        %mul3A_2893 = arith.mulf %sub3A_2890, %sub3A_2890 : vector<16xf32>
        %add3A_2894 = arith.addf %broadcast_in_dim3A_2862, %mul3A_2893 : vector<16xf32>
        %get3A_2895 = arith.index_cast %add3A_2858 : i32 to index
        %get3A_2896 = arith.constant 16 : index
        %get3A_2897 = tpu.vector_load %arg17[%get3A_2895, %get3A_2896] {strides = array<i32>} : memref<128x64xf32, #tpu.memory_space<vmem>>, vector<1x16xf32>,
        %get3A_2898 = vector.shape_cast %get3A_2897 : vector<1x16xf32> to vector<16xf32>
        %get3A_2899 = arith.index_cast %add3A_2858 : i32 to index
        %get3A_2900 = arith.constant 16 : index
        %get3A_2901 = tpu.vector_load %arg18[%get3A_2899, %get3A_2900] {strides = array<i32>} : memref<128x64xf32, #tpu.memory_space<vmem>>, vector<1x16xf32>,
        %get3A_2902 = vector.shape_cast %get3A_2901 : vector<1x16xf32> to vector<16xf32>
        %add3A_2903 = arith.addf %get3A_2898, %get3A_2902 : vector<16xf32>
        %get3A_2904 = arith.index_cast %add3A_2858 : i32 to index
        %get3A_2905 = arith.constant 16 : index
        %get3A_2906 = tpu.vector_load %arg19[%get3A_2904, %get3A_2905] {strides = array<i32>} : memref<128x64xf32, #tpu.memory_space<vmem>>, vector<1x16xf32>,
        %get3A_2907 = vector.shape_cast %get3A_2906 : vector<1x16xf32> to vector<16xf32>
        %sub3A_2908 = arith.subf %add3A_2903, %get3A_2907 : vector<16xf32>
        %get3A_2909 = arith.index_cast %add3A_2858 : i32 to index
        %get3A_2910 = arith.constant 16 : index
        %get3A_2911 = tpu.vector_load %arg20[%get3A_2909, %get3A_2910] {strides = array<i32>} : memref<128x64xf32, #tpu.memory_space<vmem>>, vector<1x16xf32>,
        %get3A_2912 = vector.shape_cast %get3A_2911 : vector<1x16xf32> to vector<16xf32>
        %get3A_2913 = arith.index_cast %add3A_2858 : i32 to index
        %get3A_2914 = arith.constant 16 : index
        %get3A_2915 = tpu.vector_load %arg21[%get3A_2913, %get3A_2914] {strides = array<i32>} : memref<128x64xf32, #tpu.memory_space<vmem>>, vector<1x16xf32>,
        %get3A_2916 = vector.shape_cast %get3A_2915 : vector<1x16xf32> to vector<16xf32>
        %add3A_2917 = arith.addf %get3A_2912, %get3A_2916 : vector<16xf32>
        %get3A_2918 = arith.index_cast %add3A_2858 : i32 to index
        %get3A_2919 = arith.constant 16 : index
        %get3A_2920 = tpu.vector_load %arg22[%get3A_2918, %get3A_2919] {strides = array<i32>} : memref<128x64xf32, #tpu.memory_space<vmem>>, vector<1x16xf32>,
        %get3A_2921 = vector.shape_cast %get3A_2920 : vector<1x16xf32> to vector<16xf32>
        %sub3A_2922 = arith.subf %add3A_2917, %get3A_2921 : vector<16xf32>
        %mul3A_2923 = arith.mulf %sub3A_2908, %sub3A_2908 : vector<16xf32>
        %add3A_2924 = arith.addf %add3A_2892, %mul3A_2923 : vector<16xf32>
        %mul3A_2925 = arith.mulf %sub3A_2922, %sub3A_2922 : vector<16xf32>
        %add3A_2926 = arith.addf %add3A_2894, %mul3A_2925 : vector<16xf32>
        %get3A_2927 = arith.index_cast %add3A_2858 : i32 to index
        %get3A_2928 = arith.constant 32 : index
        %get3A_2929 = tpu.vector_load %arg17[%get3A_2927, %get3A_2928] {strides = array<i32>} : memref<128x64xf32, #tpu.memory_space<vmem>>, vector<1x16xf32>,
        %get3A_2930 = vector.shape_cast %get3A_2929 : vector<1x16xf32> to vector<16xf32>
        %get3A_2931 = arith.index_cast %add3A_2858 : i32 to index
        %get3A_2932 = arith.constant 32 : index
        %get3A_2933 = tpu.vector_load %arg18[%get3A_2931, %get3A_2932] {strides = array<i32>} : memref<128x64xf32, #tpu.memory_space<vmem>>, vector<1x16xf32>,
        %get3A_2934 = vector.shape_cast %get3A_2933 : vector<1x16xf32> to vector<16xf32>
        %add3A_2935 = arith.addf %get3A_2930, %get3A_2934 : vector<16xf32>
        %get3A_2936 = arith.index_cast %add3A_2858 : i32 to index
        %get3A_2937 = arith.constant 32 : index
        %get3A_2938 = tpu.vector_load %arg19[%get3A_2936, %get3A_2937] {strides = array<i32>} : memref<128x64xf32, #tpu.memory_space<vmem>>, vector<1x16xf32>,
        %get3A_2939 = vector.shape_cast %get3A_2938 : vector<1x16xf32> to vector<16xf32>
        %sub3A_2940 = arith.subf %add3A_2935, %get3A_2939 : vector<16xf32>
        %get3A_2941 = arith.index_cast %add3A_2858 : i32 to index
        %get3A_2942 = arith.constant 32 : index
        %get3A_2943 = tpu.vector_load %arg20[%get3A_2941, %get3A_2942] {strides = array<i32>} : memref<128x64xf32, #tpu.memory_space<vmem>>, vector<1x16xf32>,
        %get3A_2944 = vector.shape_cast %get3A_2943 : vector<1x16xf32> to vector<16xf32>
        %get3A_2945 = arith.index_cast %add3A_2858 : i32 to index
        %get3A_2946 = arith.constant 32 : index
        %get3A_2947 = tpu.vector_load %arg21[%get3A_2945, %get3A_2946] {strides = array<i32>} : memref<128x64xf32, #tpu.memory_space<vmem>>, vector<1x16xf32>,
        %get3A_2948 = vector.shape_cast %get3A_2947 : vector<1x16xf32> to vector<16xf32>
        %add3A_2949 = arith.addf %get3A_2944, %get3A_2948 : vector<16xf32>
        %get3A_2950 = arith.index_cast %add3A_2858 : i32 to index
        %get3A_2951 = arith.constant 32 : index
        %get3A_2952 = tpu.vector_load %arg22[%get3A_2950, %get3A_2951] {strides = array<i32>} : memref<128x64xf32, #tpu.memory_space<vmem>>, vector<1x16xf32>,
        %get3A_2953 = vector.shape_cast %get3A_2952 : vector<1x16xf32> to vector<16xf32>
        %sub3A_2954 = arith.subf %add3A_2949, %get3A_2953 : vector<16xf32>
        %mul3A_2955 = arith.mulf %sub3A_2940, %sub3A_2940 : vector<16xf32>
        %add3A_2956 = arith.addf %add3A_2924, %mul3A_2955 : vector<16xf32>
        %mul3A_2957 = arith.mulf %sub3A_2954, %sub3A_2954 : vector<16xf32>
        %add3A_2958 = arith.addf %add3A_2926, %mul3A_2957 : vector<16xf32>
        %get3A_2959 = arith.index_cast %add3A_2858 : i32 to index
        %get3A_2960 = arith.constant 48 : index
        %get3A_2961 = tpu.vector_load %arg17[%get3A_2959, %get3A_2960] {strides = array<i32>} : memref<128x64xf32, #tpu.memory_space<vmem>>, vector<1x16xf32>,
        %get3A_2962 = vector.shape_cast %get3A_2961 : vector<1x16xf32> to vector<16xf32>
        %get3A_2963 = arith.index_cast %add3A_2858 : i32 to index
        %get3A_2964 = arith.constant 48 : index
        %get3A_2965 = tpu.vector_load %arg18[%get3A_2963, %get3A_2964] {strides = array<i32>} : memref<128x64xf32, #tpu.memory_space<vmem>>, vector<1x16xf32>,
        %get3A_2966 = vector.shape_cast %get3A_2965 : vector<1x16xf32> to vector<16xf32>
        %add3A_2967 = arith.addf %get3A_2962, %get3A_2966 : vector<16xf32>
        %get3A_2968 = arith.index_cast %add3A_2858 : i32 to index
        %get3A_2969 = arith.constant 48 : index
        %get3A_2970 = tpu.vector_load %arg19[%get3A_2968, %get3A_2969] {strides = array<i32>} : memref<128x64xf32, #tpu.memory_space<vmem>>, vector<1x16xf32>,
        %get3A_2971 = vector.shape_cast %get3A_2970 : vector<1x16xf32> to vector<16xf32>
        %sub3A_2972 = arith.subf %add3A_2967, %get3A_2971 : vector<16xf32>
        %get3A_2973 = arith.index_cast %add3A_2858 : i32 to index
        %get3A_2974 = arith.constant 48 : index
        %get3A_2975 = tpu.vector_load %arg20[%get3A_2973, %get3A_2974] {strides = array<i32>} : memref<128x64xf32, #tpu.memory_space<vmem>>, vector<1x16xf32>,
        %get3A_2976 = vector.shape_cast %get3A_2975 : vector<1x16xf32> to vector<16xf32>
        %get3A_2977 = arith.index_cast %add3A_2858 : i32 to index
        %get3A_2978 = arith.constant 48 : index
        %get3A_2979 = tpu.vector_load %arg21[%get3A_2977, %get3A_2978] {strides = array<i32>} : memref<128x64xf32, #tpu.memory_space<vmem>>, vector<1x16xf32>,
        %get3A_2980 = vector.shape_cast %get3A_2979 : vector<1x16xf32> to vector<16xf32>
        %add3A_2981 = arith.addf %get3A_2976, %get3A_2980 : vector<16xf32>
        %get3A_2982 = arith.index_cast %add3A_2858 : i32 to index
        %get3A_2983 = arith.constant 48 : index
        %get3A_2984 = tpu.vector_load %arg22[%get3A_2982, %get3A_2983] {strides = array<i32>} : memref<128x64xf32, #tpu.memory_space<vmem>>, vector<1x16xf32>,
        %get3A_2985 = vector.shape_cast %get3A_2984 : vector<1x16xf32> to vector<16xf32>
        %sub3A_2986 = arith.subf %add3A_2981, %get3A_2985 : vector<16xf32>
        %mul3A_2987 = arith.mulf %sub3A_2972, %sub3A_2972 : vector<16xf32>
        %add3A_2988 = arith.addf %add3A_2956, %mul3A_2987 : vector<16xf32>
        %mul3A_2989 = arith.mulf %sub3A_2986, %sub3A_2986 : vector<16xf32>
        %add3A_2990 = arith.addf %add3A_2958, %mul3A_2989 : vector<16xf32>
        %eq3A_2991 = arith.constant 13 : i32
        %eq3A_2992 = vector.broadcast %eq3A_2991 : i32 to vector<16xi32>
        %eq3A_2993 = arith.cmpi eq, %iota3A, %eq3A_2992 : vector<16xi32>
        %swap3A_2994 = arith.constant 0 : index
        %swap3A_2995 = tpu.vector_load %arg23[%swap3A_2994] {strides = array<i32>} : memref<32xf32, #tpu.memory_space<vmem>>, vector<16xf32>,
        %swap3A_2996 = vector.shape_cast %swap3A_2995 : vector<16xf32> to vector<16xf32>
        %swap3A_2997 = vector.shape_cast %add3A_2988 : vector<16xf32> to vector<16xf32>
        tpu.vector_store %arg23[%swap3A_2994], %swap3A_2997 {strides = array<i32>} : memref<32xf32, #tpu.memory_space<vmem>>, vector<16xf32>,
        %get3A_2998 = arith.constant 8 : index
        %get3A_2999 = tpu.vector_load %arg23[%get3A_2998] {strides = array<i32>} : memref<32xf32, #tpu.memory_space<vmem>>, vector<16xf32>,
        %get3A_3000 = vector.shape_cast %get3A_2999 : vector<16xf32> to vector<16xf32>
        %add3A_3001 = arith.addf %add3A_2988, %get3A_3000 : vector<16xf32>
        %swap3A_3002 = arith.constant 0 : index
        %swap3A_3003 = tpu.vector_load %arg23[%swap3A_3002] {strides = array<i32>} : memref<32xf32, #tpu.memory_space<vmem>>, vector<16xf32>,
        %swap3A_3004 = vector.shape_cast %swap3A_3003 : vector<16xf32> to vector<16xf32>
        %swap3A_3005 = vector.shape_cast %add3A_3001 : vector<16xf32> to vector<16xf32>
        tpu.vector_store %arg23[%swap3A_3002], %swap3A_3005 {strides = array<i32>} : memref<32xf32, #tpu.memory_space<vmem>>, vector<16xf32>,
        %get3A_3006 = arith.constant 4 : index
        %get3A_3007 = tpu.vector_load %arg23[%get3A_3006] {strides = array<i32>} : memref<32xf32, #tpu.memory_space<vmem>>, vector<16xf32>,
        %get3A_3008 = vector.shape_cast %get3A_3007 : vector<16xf32> to vector<16xf32>
        %add3A_3009 = arith.addf %add3A_3001, %get3A_3008 : vector<16xf32>
        %swap3A_3010 = arith.constant 0 : index
        %swap3A_3011 = tpu.vector_load %arg23[%swap3A_3010] {strides = array<i32>} : memref<32xf32, #tpu.memory_space<vmem>>, vector<16xf32>,
        %swap3A_3012 = vector.shape_cast %swap3A_3011 : vector<16xf32> to vector<16xf32>
        %swap3A_3013 = vector.shape_cast %add3A_3009 : vector<16xf32> to vector<16xf32>
        tpu.vector_store %arg23[%swap3A_3010], %swap3A_3013 {strides = array<i32>} : memref<32xf32, #tpu.memory_space<vmem>>, vector<16xf32>,
        %get3A_3014 = arith.constant 2 : index
        %get3A_3015 = tpu.vector_load %arg23[%get3A_3014] {strides = array<i32>} : memref<32xf32, #tpu.memory_space<vmem>>, vector<16xf32>,
        %get3A_3016 = vector.shape_cast %get3A_3015 : vector<16xf32> to vector<16xf32>
        %add3A_3017 = arith.addf %add3A_3009, %get3A_3016 : vector<16xf32>
        %swap3A_3018 = arith.constant 0 : index
        %swap3A_3019 = tpu.vector_load %arg23[%swap3A_3018] {strides = array<i32>} : memref<32xf32, #tpu.memory_space<vmem>>, vector<16xf32>,
        %swap3A_3020 = vector.shape_cast %swap3A_3019 : vector<16xf32> to vector<16xf32>
        %swap3A_3021 = vector.shape_cast %add3A_3017 : vector<16xf32> to vector<16xf32>
        tpu.vector_store %arg23[%swap3A_3018], %swap3A_3021 {strides = array<i32>} : memref<32xf32, #tpu.memory_space<vmem>>, vector<16xf32>,
        %get3A_3022 = arith.constant 1 : index
        %get3A_3023 = tpu.vector_load %arg23[%get3A_3022] {strides = array<i32>} : memref<32xf32, #tpu.memory_space<vmem>>, vector<16xf32>,
        %get3A_3024 = vector.shape_cast %get3A_3023 : vector<16xf32> to vector<16xf32>
        %add3A_3025 = arith.addf %add3A_3017, %get3A_3024 : vector<16xf32>
        %slice3A_3026 = vector.extract_strided_slice %add3A_3025 {offsets = [0], sizes = [1], strides = [1]} : vector<16xf32> to vector<1xf32>
        %squeeze3A_3027 = vector.extract %slice3A_3026[0] : f32 from vector<1xf32>
        %broadcast_in_dim3A_3028 = vector.broadcast %squeeze3A_3027 : f32 to vector<16xf32>
        %select_n3A_3029 = arith.select %eq3A_2993, %broadcast_in_dim3A_3028, %select_n3A_2818 : vector<16xi1>, vector<16xf32>
        %swap3A_3030 = arith.constant 0 : index
        %swap3A_3031 = tpu.vector_load %arg24[%swap3A_3030] {strides = array<i32>} : memref<32xf32, #tpu.memory_space<vmem>>, vector<16xf32>,
        %swap3A_3032 = vector.shape_cast %swap3A_3031 : vector<16xf32> to vector<16xf32>
        %swap3A_3033 = vector.shape_cast %add3A_2990 : vector<16xf32> to vector<16xf32>
        tpu.vector_store %arg24[%swap3A_3030], %swap3A_3033 {strides = array<i32>} : memref<32xf32, #tpu.memory_space<vmem>>, vector<16xf32>,
        %get3A_3034 = arith.constant 8 : index
        %get3A_3035 = tpu.vector_load %arg24[%get3A_3034] {strides = array<i32>} : memref<32xf32, #tpu.memory_space<vmem>>, vector<16xf32>,
        %get3A_3036 = vector.shape_cast %get3A_3035 : vector<16xf32> to vector<16xf32>
        %add3A_3037 = arith.addf %add3A_2990, %get3A_3036 : vector<16xf32>
        %swap3A_3038 = arith.constant 0 : index
        %swap3A_3039 = tpu.vector_load %arg24[%swap3A_3038] {strides = array<i32>} : memref<32xf32, #tpu.memory_space<vmem>>, vector<16xf32>,
        %swap3A_3040 = vector.shape_cast %swap3A_3039 : vector<16xf32> to vector<16xf32>
        %swap3A_3041 = vector.shape_cast %add3A_3037 : vector<16xf32> to vector<16xf32>
        tpu.vector_store %arg24[%swap3A_3038], %swap3A_3041 {strides = array<i32>} : memref<32xf32, #tpu.memory_space<vmem>>, vector<16xf32>,
        %get3A_3042 = arith.constant 4 : index
        %get3A_3043 = tpu.vector_load %arg24[%get3A_3042] {strides = array<i32>} : memref<32xf32, #tpu.memory_space<vmem>>, vector<16xf32>,
        %get3A_3044 = vector.shape_cast %get3A_3043 : vector<16xf32> to vector<16xf32>
        %add3A_3045 = arith.addf %add3A_3037, %get3A_3044 : vector<16xf32>
        %swap3A_3046 = arith.constant 0 : index
        %swap3A_3047 = tpu.vector_load %arg24[%swap3A_3046] {strides = array<i32>} : memref<32xf32, #tpu.memory_space<vmem>>, vector<16xf32>,
        %swap3A_3048 = vector.shape_cast %swap3A_3047 : vector<16xf32> to vector<16xf32>
        %swap3A_3049 = vector.shape_cast %add3A_3045 : vector<16xf32> to vector<16xf32>
        tpu.vector_store %arg24[%swap3A_3046], %swap3A_3049 {strides = array<i32>} : memref<32xf32, #tpu.memory_space<vmem>>, vector<16xf32>,
        %get3A_3050 = arith.constant 2 : index
        %get3A_3051 = tpu.vector_load %arg24[%get3A_3050] {strides = array<i32>} : memref<32xf32, #tpu.memory_space<vmem>>, vector<16xf32>,
        %get3A_3052 = vector.shape_cast %get3A_3051 : vector<16xf32> to vector<16xf32>
        %add3A_3053 = arith.addf %add3A_3045, %get3A_3052 : vector<16xf32>
        %swap3A_3054 = arith.constant 0 : index
        %swap3A_3055 = tpu.vector_load %arg24[%swap3A_3054] {strides = array<i32>} : memref<32xf32, #tpu.memory_space<vmem>>, vector<16xf32>,
        %swap3A_3056 = vector.shape_cast %swap3A_3055 : vector<16xf32> to vector<16xf32>
        %swap3A_3057 = vector.shape_cast %add3A_3053 : vector<16xf32> to vector<16xf32>
        tpu.vector_store %arg24[%swap3A_3054], %swap3A_3057 {strides = array<i32>} : memref<32xf32, #tpu.memory_space<vmem>>, vector<16xf32>,
        %get3A_3058 = arith.constant 1 : index
        %get3A_3059 = tpu.vector_load %arg24[%get3A_3058] {strides = array<i32>} : memref<32xf32, #tpu.memory_space<vmem>>, vector<16xf32>,
        %get3A_3060 = vector.shape_cast %get3A_3059 : vector<16xf32> to vector<16xf32>
        %add3A_3061 = arith.addf %add3A_3053, %get3A_3060 : vector<16xf32>
        %slice3A_3062 = vector.extract_strided_slice %add3A_3061 {offsets = [0], sizes = [1], strides = [1]} : vector<16xf32> to vector<1xf32>
        %squeeze3A_3063 = vector.extract %slice3A_3062[0] : f32 from vector<1xf32>
        %broadcast_in_dim3A_3064 = vector.broadcast %squeeze3A_3063 : f32 to vector<16xf32>
        %select_n3A_3065 = arith.select %eq3A_2993, %broadcast_in_dim3A_3064, %select_n3A_2854 : vector<16xi1>, vector<16xf32>
        %mul3A_3066 = arith.constant 16 : i32
        %mul3A_3067 = arith.muli %scan3A_112, %mul3A_3066 : i32
        %add3A_3068 = arith.constant 14 : i32
        %add3A_3069 = arith.addi %mul3A_3067, %add3A_3068 : i32
        %broadcast_in_dim3A_3070 = arith.constant 0.000000e+00 : f32
        %broadcast_in_dim3A_3071 = vector.broadcast %broadcast_in_dim3A_3070 : f32 to vector<16xf32>
        %broadcast_in_dim3A_3072 = arith.constant 0.000000e+00 : f32
        %broadcast_in_dim3A_3073 = vector.broadcast %broadcast_in_dim3A_3072 : f32 to vector<16xf32>
        %get3A_3074 = arith.index_cast %add3A_3069 : i32 to index
        %get3A_3075 = arith.constant 0 : index
        %get3A_3076 = tpu.vector_load %arg17[%get3A_3074, %get3A_3075] {strides = array<i32>} : memref<128x64xf32, #tpu.memory_space<vmem>>, vector<1x16xf32>,
        %get3A_3077 = vector.shape_cast %get3A_3076 : vector<1x16xf32> to vector<16xf32>
        %get3A_3078 = arith.index_cast %add3A_3069 : i32 to index
        %get3A_3079 = arith.constant 0 : index
        %get3A_3080 = tpu.vector_load %arg18[%get3A_3078, %get3A_3079] {strides = array<i32>} : memref<128x64xf32, #tpu.memory_space<vmem>>, vector<1x16xf32>,
        %get3A_3081 = vector.shape_cast %get3A_3080 : vector<1x16xf32> to vector<16xf32>
        %add3A_3082 = arith.addf %get3A_3077, %get3A_3081 : vector<16xf32>
        %get3A_3083 = arith.index_cast %add3A_3069 : i32 to index
        %get3A_3084 = arith.constant 0 : index
        %get3A_3085 = tpu.vector_load %arg19[%get3A_3083, %get3A_3084] {strides = array<i32>} : memref<128x64xf32, #tpu.memory_space<vmem>>, vector<1x16xf32>,
        %get3A_3086 = vector.shape_cast %get3A_3085 : vector<1x16xf32> to vector<16xf32>
        %sub3A_3087 = arith.subf %add3A_3082, %get3A_3086 : vector<16xf32>
        %get3A_3088 = arith.index_cast %add3A_3069 : i32 to index
        %get3A_3089 = arith.constant 0 : index
        %get3A_3090 = tpu.vector_load %arg20[%get3A_3088, %get3A_3089] {strides = array<i32>} : memref<128x64xf32, #tpu.memory_space<vmem>>, vector<1x16xf32>,
        %get3A_3091 = vector.shape_cast %get3A_3090 : vector<1x16xf32> to vector<16xf32>
        %get3A_3092 = arith.index_cast %add3A_3069 : i32 to index
        %get3A_3093 = arith.constant 0 : index
        %get3A_3094 = tpu.vector_load %arg21[%get3A_3092, %get3A_3093] {strides = array<i32>} : memref<128x64xf32, #tpu.memory_space<vmem>>, vector<1x16xf32>,
        %get3A_3095 = vector.shape_cast %get3A_3094 : vector<1x16xf32> to vector<16xf32>
        %add3A_3096 = arith.addf %get3A_3091, %get3A_3095 : vector<16xf32>
        %get3A_3097 = arith.index_cast %add3A_3069 : i32 to index
        %get3A_3098 = arith.constant 0 : index
        %get3A_3099 = tpu.vector_load %arg22[%get3A_3097, %get3A_3098] {strides = array<i32>} : memref<128x64xf32, #tpu.memory_space<vmem>>, vector<1x16xf32>,
        %get3A_3100 = vector.shape_cast %get3A_3099 : vector<1x16xf32> to vector<16xf32>
        %sub3A_3101 = arith.subf %add3A_3096, %get3A_3100 : vector<16xf32>
        %mul3A_3102 = arith.mulf %sub3A_3087, %sub3A_3087 : vector<16xf32>
        %add3A_3103 = arith.addf %broadcast_in_dim3A_3071, %mul3A_3102 : vector<16xf32>
        %mul3A_3104 = arith.mulf %sub3A_3101, %sub3A_3101 : vector<16xf32>
        %add3A_3105 = arith.addf %broadcast_in_dim3A_3073, %mul3A_3104 : vector<16xf32>
        %get3A_3106 = arith.index_cast %add3A_3069 : i32 to index
        %get3A_3107 = arith.constant 16 : index
        %get3A_3108 = tpu.vector_load %arg17[%get3A_3106, %get3A_3107] {strides = array<i32>} : memref<128x64xf32, #tpu.memory_space<vmem>>, vector<1x16xf32>,
        %get3A_3109 = vector.shape_cast %get3A_3108 : vector<1x16xf32> to vector<16xf32>
        %get3A_3110 = arith.index_cast %add3A_3069 : i32 to index
        %get3A_3111 = arith.constant 16 : index
        %get3A_3112 = tpu.vector_load %arg18[%get3A_3110, %get3A_3111] {strides = array<i32>} : memref<128x64xf32, #tpu.memory_space<vmem>>, vector<1x16xf32>,
        %get3A_3113 = vector.shape_cast %get3A_3112 : vector<1x16xf32> to vector<16xf32>
        %add3A_3114 = arith.addf %get3A_3109, %get3A_3113 : vector<16xf32>
        %get3A_3115 = arith.index_cast %add3A_3069 : i32 to index
        %get3A_3116 = arith.constant 16 : index
        %get3A_3117 = tpu.vector_load %arg19[%get3A_3115, %get3A_3116] {strides = array<i32>} : memref<128x64xf32, #tpu.memory_space<vmem>>, vector<1x16xf32>,
        %get3A_3118 = vector.shape_cast %get3A_3117 : vector<1x16xf32> to vector<16xf32>
        %sub3A_3119 = arith.subf %add3A_3114, %get3A_3118 : vector<16xf32>
        %get3A_3120 = arith.index_cast %add3A_3069 : i32 to index
        %get3A_3121 = arith.constant 16 : index
        %get3A_3122 = tpu.vector_load %arg20[%get3A_3120, %get3A_3121] {strides = array<i32>} : memref<128x64xf32, #tpu.memory_space<vmem>>, vector<1x16xf32>,
        %get3A_3123 = vector.shape_cast %get3A_3122 : vector<1x16xf32> to vector<16xf32>
        %get3A_3124 = arith.index_cast %add3A_3069 : i32 to index
        %get3A_3125 = arith.constant 16 : index
        %get3A_3126 = tpu.vector_load %arg21[%get3A_3124, %get3A_3125] {strides = array<i32>} : memref<128x64xf32, #tpu.memory_space<vmem>>, vector<1x16xf32>,
        %get3A_3127 = vector.shape_cast %get3A_3126 : vector<1x16xf32> to vector<16xf32>
        %add3A_3128 = arith.addf %get3A_3123, %get3A_3127 : vector<16xf32>
        %get3A_3129 = arith.index_cast %add3A_3069 : i32 to index
        %get3A_3130 = arith.constant 16 : index
        %get3A_3131 = tpu.vector_load %arg22[%get3A_3129, %get3A_3130] {strides = array<i32>} : memref<128x64xf32, #tpu.memory_space<vmem>>, vector<1x16xf32>,
        %get3A_3132 = vector.shape_cast %get3A_3131 : vector<1x16xf32> to vector<16xf32>
        %sub3A_3133 = arith.subf %add3A_3128, %get3A_3132 : vector<16xf32>
        %mul3A_3134 = arith.mulf %sub3A_3119, %sub3A_3119 : vector<16xf32>
        %add3A_3135 = arith.addf %add3A_3103, %mul3A_3134 : vector<16xf32>
        %mul3A_3136 = arith.mulf %sub3A_3133, %sub3A_3133 : vector<16xf32>
        %add3A_3137 = arith.addf %add3A_3105, %mul3A_3136 : vector<16xf32>
        %get3A_3138 = arith.index_cast %add3A_3069 : i32 to index
        %get3A_3139 = arith.constant 32 : index
        %get3A_3140 = tpu.vector_load %arg17[%get3A_3138, %get3A_3139] {strides = array<i32>} : memref<128x64xf32, #tpu.memory_space<vmem>>, vector<1x16xf32>,
        %get3A_3141 = vector.shape_cast %get3A_3140 : vector<1x16xf32> to vector<16xf32>
        %get3A_3142 = arith.index_cast %add3A_3069 : i32 to index
        %get3A_3143 = arith.constant 32 : index
        %get3A_3144 = tpu.vector_load %arg18[%get3A_3142, %get3A_3143] {strides = array<i32>} : memref<128x64xf32, #tpu.memory_space<vmem>>, vector<1x16xf32>,
        %get3A_3145 = vector.shape_cast %get3A_3144 : vector<1x16xf32> to vector<16xf32>
        %add3A_3146 = arith.addf %get3A_3141, %get3A_3145 : vector<16xf32>
        %get3A_3147 = arith.index_cast %add3A_3069 : i32 to index
        %get3A_3148 = arith.constant 32 : index
        %get3A_3149 = tpu.vector_load %arg19[%get3A_3147, %get3A_3148] {strides = array<i32>} : memref<128x64xf32, #tpu.memory_space<vmem>>, vector<1x16xf32>,
        %get3A_3150 = vector.shape_cast %get3A_3149 : vector<1x16xf32> to vector<16xf32>
        %sub3A_3151 = arith.subf %add3A_3146, %get3A_3150 : vector<16xf32>
        %get3A_3152 = arith.index_cast %add3A_3069 : i32 to index
        %get3A_3153 = arith.constant 32 : index
        %get3A_3154 = tpu.vector_load %arg20[%get3A_3152, %get3A_3153] {strides = array<i32>} : memref<128x64xf32, #tpu.memory_space<vmem>>, vector<1x16xf32>,
        %get3A_3155 = vector.shape_cast %get3A_3154 : vector<1x16xf32> to vector<16xf32>
        %get3A_3156 = arith.index_cast %add3A_3069 : i32 to index
        %get3A_3157 = arith.constant 32 : index
        %get3A_3158 = tpu.vector_load %arg21[%get3A_3156, %get3A_3157] {strides = array<i32>} : memref<128x64xf32, #tpu.memory_space<vmem>>, vector<1x16xf32>,
        %get3A_3159 = vector.shape_cast %get3A_3158 : vector<1x16xf32> to vector<16xf32>
        %add3A_3160 = arith.addf %get3A_3155, %get3A_3159 : vector<16xf32>
        %get3A_3161 = arith.index_cast %add3A_3069 : i32 to index
        %get3A_3162 = arith.constant 32 : index
        %get3A_3163 = tpu.vector_load %arg22[%get3A_3161, %get3A_3162] {strides = array<i32>} : memref<128x64xf32, #tpu.memory_space<vmem>>, vector<1x16xf32>,
        %get3A_3164 = vector.shape_cast %get3A_3163 : vector<1x16xf32> to vector<16xf32>
        %sub3A_3165 = arith.subf %add3A_3160, %get3A_3164 : vector<16xf32>
        %mul3A_3166 = arith.mulf %sub3A_3151, %sub3A_3151 : vector<16xf32>
        %add3A_3167 = arith.addf %add3A_3135, %mul3A_3166 : vector<16xf32>
        %mul3A_3168 = arith.mulf %sub3A_3165, %sub3A_3165 : vector<16xf32>
        %add3A_3169 = arith.addf %add3A_3137, %mul3A_3168 : vector<16xf32>
        %get3A_3170 = arith.index_cast %add3A_3069 : i32 to index
        %get3A_3171 = arith.constant 48 : index
        %get3A_3172 = tpu.vector_load %arg17[%get3A_3170, %get3A_3171] {strides = array<i32>} : memref<128x64xf32, #tpu.memory_space<vmem>>, vector<1x16xf32>,
        %get3A_3173 = vector.shape_cast %get3A_3172 : vector<1x16xf32> to vector<16xf32>
        %get3A_3174 = arith.index_cast %add3A_3069 : i32 to index
        %get3A_3175 = arith.constant 48 : index
        %get3A_3176 = tpu.vector_load %arg18[%get3A_3174, %get3A_3175] {strides = array<i32>} : memref<128x64xf32, #tpu.memory_space<vmem>>, vector<1x16xf32>,
        %get3A_3177 = vector.shape_cast %get3A_3176 : vector<1x16xf32> to vector<16xf32>
        %add3A_3178 = arith.addf %get3A_3173, %get3A_3177 : vector<16xf32>
        %get3A_3179 = arith.index_cast %add3A_3069 : i32 to index
        %get3A_3180 = arith.constant 48 : index
        %get3A_3181 = tpu.vector_load %arg19[%get3A_3179, %get3A_3180] {strides = array<i32>} : memref<128x64xf32, #tpu.memory_space<vmem>>, vector<1x16xf32>,
        %get3A_3182 = vector.shape_cast %get3A_3181 : vector<1x16xf32> to vector<16xf32>
        %sub3A_3183 = arith.subf %add3A_3178, %get3A_3182 : vector<16xf32>
        %get3A_3184 = arith.index_cast %add3A_3069 : i32 to index
        %get3A_3185 = arith.constant 48 : index
        %get3A_3186 = tpu.vector_load %arg20[%get3A_3184, %get3A_3185] {strides = array<i32>} : memref<128x64xf32, #tpu.memory_space<vmem>>, vector<1x16xf32>,
        %get3A_3187 = vector.shape_cast %get3A_3186 : vector<1x16xf32> to vector<16xf32>
        %get3A_3188 = arith.index_cast %add3A_3069 : i32 to index
        %get3A_3189 = arith.constant 48 : index
        %get3A_3190 = tpu.vector_load %arg21[%get3A_3188, %get3A_3189] {strides = array<i32>} : memref<128x64xf32, #tpu.memory_space<vmem>>, vector<1x16xf32>,
        %get3A_3191 = vector.shape_cast %get3A_3190 : vector<1x16xf32> to vector<16xf32>
        %add3A_3192 = arith.addf %get3A_3187, %get3A_3191 : vector<16xf32>
        %get3A_3193 = arith.index_cast %add3A_3069 : i32 to index
        %get3A_3194 = arith.constant 48 : index
        %get3A_3195 = tpu.vector_load %arg22[%get3A_3193, %get3A_3194] {strides = array<i32>} : memref<128x64xf32, #tpu.memory_space<vmem>>, vector<1x16xf32>,
        %get3A_3196 = vector.shape_cast %get3A_3195 : vector<1x16xf32> to vector<16xf32>
        %sub3A_3197 = arith.subf %add3A_3192, %get3A_3196 : vector<16xf32>
        %mul3A_3198 = arith.mulf %sub3A_3183, %sub3A_3183 : vector<16xf32>
        %add3A_3199 = arith.addf %add3A_3167, %mul3A_3198 : vector<16xf32>
        %mul3A_3200 = arith.mulf %sub3A_3197, %sub3A_3197 : vector<16xf32>
        %add3A_3201 = arith.addf %add3A_3169, %mul3A_3200 : vector<16xf32>
        %eq3A_3202 = arith.constant 14 : i32
        %eq3A_3203 = vector.broadcast %eq3A_3202 : i32 to vector<16xi32>
        %eq3A_3204 = arith.cmpi eq, %iota3A, %eq3A_3203 : vector<16xi32>
        %swap3A_3205 = arith.constant 0 : index
        %swap3A_3206 = tpu.vector_load %arg23[%swap3A_3205] {strides = array<i32>} : memref<32xf32, #tpu.memory_space<vmem>>, vector<16xf32>,
        %swap3A_3207 = vector.shape_cast %swap3A_3206 : vector<16xf32> to vector<16xf32>
        %swap3A_3208 = vector.shape_cast %add3A_3199 : vector<16xf32> to vector<16xf32>
        tpu.vector_store %arg23[%swap3A_3205], %swap3A_3208 {strides = array<i32>} : memref<32xf32, #tpu.memory_space<vmem>>, vector<16xf32>,
        %get3A_3209 = arith.constant 8 : index
        %get3A_3210 = tpu.vector_load %arg23[%get3A_3209] {strides = array<i32>} : memref<32xf32, #tpu.memory_space<vmem>>, vector<16xf32>,
        %get3A_3211 = vector.shape_cast %get3A_3210 : vector<16xf32> to vector<16xf32>
        %add3A_3212 = arith.addf %add3A_3199, %get3A_3211 : vector<16xf32>
        %swap3A_3213 = arith.constant 0 : index
        %swap3A_3214 = tpu.vector_load %arg23[%swap3A_3213] {strides = array<i32>} : memref<32xf32, #tpu.memory_space<vmem>>, vector<16xf32>,
        %swap3A_3215 = vector.shape_cast %swap3A_3214 : vector<16xf32> to vector<16xf32>
        %swap3A_3216 = vector.shape_cast %add3A_3212 : vector<16xf32> to vector<16xf32>
        tpu.vector_store %arg23[%swap3A_3213], %swap3A_3216 {strides = array<i32>} : memref<32xf32, #tpu.memory_space<vmem>>, vector<16xf32>,
        %get3A_3217 = arith.constant 4 : index
        %get3A_3218 = tpu.vector_load %arg23[%get3A_3217] {strides = array<i32>} : memref<32xf32, #tpu.memory_space<vmem>>, vector<16xf32>,
        %get3A_3219 = vector.shape_cast %get3A_3218 : vector<16xf32> to vector<16xf32>
        %add3A_3220 = arith.addf %add3A_3212, %get3A_3219 : vector<16xf32>
        %swap3A_3221 = arith.constant 0 : index
        %swap3A_3222 = tpu.vector_load %arg23[%swap3A_3221] {strides = array<i32>} : memref<32xf32, #tpu.memory_space<vmem>>, vector<16xf32>,
        %swap3A_3223 = vector.shape_cast %swap3A_3222 : vector<16xf32> to vector<16xf32>
        %swap3A_3224 = vector.shape_cast %add3A_3220 : vector<16xf32> to vector<16xf32>
        tpu.vector_store %arg23[%swap3A_3221], %swap3A_3224 {strides = array<i32>} : memref<32xf32, #tpu.memory_space<vmem>>, vector<16xf32>,
        %get3A_3225 = arith.constant 2 : index
        %get3A_3226 = tpu.vector_load %arg23[%get3A_3225] {strides = array<i32>} : memref<32xf32, #tpu.memory_space<vmem>>, vector<16xf32>,
        %get3A_3227 = vector.shape_cast %get3A_3226 : vector<16xf32> to vector<16xf32>
        %add3A_3228 = arith.addf %add3A_3220, %get3A_3227 : vector<16xf32>
        %swap3A_3229 = arith.constant 0 : index
        %swap3A_3230 = tpu.vector_load %arg23[%swap3A_3229] {strides = array<i32>} : memref<32xf32, #tpu.memory_space<vmem>>, vector<16xf32>,
        %swap3A_3231 = vector.shape_cast %swap3A_3230 : vector<16xf32> to vector<16xf32>
        %swap3A_3232 = vector.shape_cast %add3A_3228 : vector<16xf32> to vector<16xf32>
        tpu.vector_store %arg23[%swap3A_3229], %swap3A_3232 {strides = array<i32>} : memref<32xf32, #tpu.memory_space<vmem>>, vector<16xf32>,
        %get3A_3233 = arith.constant 1 : index
        %get3A_3234 = tpu.vector_load %arg23[%get3A_3233] {strides = array<i32>} : memref<32xf32, #tpu.memory_space<vmem>>, vector<16xf32>,
        %get3A_3235 = vector.shape_cast %get3A_3234 : vector<16xf32> to vector<16xf32>
        %add3A_3236 = arith.addf %add3A_3228, %get3A_3235 : vector<16xf32>
        %slice3A_3237 = vector.extract_strided_slice %add3A_3236 {offsets = [0], sizes = [1], strides = [1]} : vector<16xf32> to vector<1xf32>
        %squeeze3A_3238 = vector.extract %slice3A_3237[0] : f32 from vector<1xf32>
        %broadcast_in_dim3A_3239 = vector.broadcast %squeeze3A_3238 : f32 to vector<16xf32>
        %select_n3A_3240 = arith.select %eq3A_3204, %broadcast_in_dim3A_3239, %select_n3A_3029 : vector<16xi1>, vector<16xf32>
        %swap3A_3241 = arith.constant 0 : index
        %swap3A_3242 = tpu.vector_load %arg24[%swap3A_3241] {strides = array<i32>} : memref<32xf32, #tpu.memory_space<vmem>>, vector<16xf32>,
        %swap3A_3243 = vector.shape_cast %swap3A_3242 : vector<16xf32> to vector<16xf32>
        %swap3A_3244 = vector.shape_cast %add3A_3201 : vector<16xf32> to vector<16xf32>
        tpu.vector_store %arg24[%swap3A_3241], %swap3A_3244 {strides = array<i32>} : memref<32xf32, #tpu.memory_space<vmem>>, vector<16xf32>,
        %get3A_3245 = arith.constant 8 : index
        %get3A_3246 = tpu.vector_load %arg24[%get3A_3245] {strides = array<i32>} : memref<32xf32, #tpu.memory_space<vmem>>, vector<16xf32>,
        %get3A_3247 = vector.shape_cast %get3A_3246 : vector<16xf32> to vector<16xf32>
        %add3A_3248 = arith.addf %add3A_3201, %get3A_3247 : vector<16xf32>
        %swap3A_3249 = arith.constant 0 : index
        %swap3A_3250 = tpu.vector_load %arg24[%swap3A_3249] {strides = array<i32>} : memref<32xf32, #tpu.memory_space<vmem>>, vector<16xf32>,
        %swap3A_3251 = vector.shape_cast %swap3A_3250 : vector<16xf32> to vector<16xf32>
        %swap3A_3252 = vector.shape_cast %add3A_3248 : vector<16xf32> to vector<16xf32>
        tpu.vector_store %arg24[%swap3A_3249], %swap3A_3252 {strides = array<i32>} : memref<32xf32, #tpu.memory_space<vmem>>, vector<16xf32>,
        %get3A_3253 = arith.constant 4 : index
        %get3A_3254 = tpu.vector_load %arg24[%get3A_3253] {strides = array<i32>} : memref<32xf32, #tpu.memory_space<vmem>>, vector<16xf32>,
        %get3A_3255 = vector.shape_cast %get3A_3254 : vector<16xf32> to vector<16xf32>
        %add3A_3256 = arith.addf %add3A_3248, %get3A_3255 : vector<16xf32>
        %swap3A_3257 = arith.constant 0 : index
        %swap3A_3258 = tpu.vector_load %arg24[%swap3A_3257] {strides = array<i32>} : memref<32xf32, #tpu.memory_space<vmem>>, vector<16xf32>,
        %swap3A_3259 = vector.shape_cast %swap3A_3258 : vector<16xf32> to vector<16xf32>
        %swap3A_3260 = vector.shape_cast %add3A_3256 : vector<16xf32> to vector<16xf32>
        tpu.vector_store %arg24[%swap3A_3257], %swap3A_3260 {strides = array<i32>} : memref<32xf32, #tpu.memory_space<vmem>>, vector<16xf32>,
        %get3A_3261 = arith.constant 2 : index
        %get3A_3262 = tpu.vector_load %arg24[%get3A_3261] {strides = array<i32>} : memref<32xf32, #tpu.memory_space<vmem>>, vector<16xf32>,
        %get3A_3263 = vector.shape_cast %get3A_3262 : vector<16xf32> to vector<16xf32>
        %add3A_3264 = arith.addf %add3A_3256, %get3A_3263 : vector<16xf32>
        %swap3A_3265 = arith.constant 0 : index
        %swap3A_3266 = tpu.vector_load %arg24[%swap3A_3265] {strides = array<i32>} : memref<32xf32, #tpu.memory_space<vmem>>, vector<16xf32>,
        %swap3A_3267 = vector.shape_cast %swap3A_3266 : vector<16xf32> to vector<16xf32>
        %swap3A_3268 = vector.shape_cast %add3A_3264 : vector<16xf32> to vector<16xf32>
        tpu.vector_store %arg24[%swap3A_3265], %swap3A_3268 {strides = array<i32>} : memref<32xf32, #tpu.memory_space<vmem>>, vector<16xf32>,
        %get3A_3269 = arith.constant 1 : index
        %get3A_3270 = tpu.vector_load %arg24[%get3A_3269] {strides = array<i32>} : memref<32xf32, #tpu.memory_space<vmem>>, vector<16xf32>,
        %get3A_3271 = vector.shape_cast %get3A_3270 : vector<16xf32> to vector<16xf32>
        %add3A_3272 = arith.addf %add3A_3264, %get3A_3271 : vector<16xf32>
        %slice3A_3273 = vector.extract_strided_slice %add3A_3272 {offsets = [0], sizes = [1], strides = [1]} : vector<16xf32> to vector<1xf32>
        %squeeze3A_3274 = vector.extract %slice3A_3273[0] : f32 from vector<1xf32>
        %broadcast_in_dim3A_3275 = vector.broadcast %squeeze3A_3274 : f32 to vector<16xf32>
        %select_n3A_3276 = arith.select %eq3A_3204, %broadcast_in_dim3A_3275, %select_n3A_3065 : vector<16xi1>, vector<16xf32>
        %mul3A_3277 = arith.constant 16 : i32
        %mul3A_3278 = arith.muli %scan3A_112, %mul3A_3277 : i32
        %add3A_3279 = arith.constant 15 : i32
        %add3A_3280 = arith.addi %mul3A_3278, %add3A_3279 : i32
        %broadcast_in_dim3A_3281 = arith.constant 0.000000e+00 : f32
        %broadcast_in_dim3A_3282 = vector.broadcast %broadcast_in_dim3A_3281 : f32 to vector<16xf32>
        %broadcast_in_dim3A_3283 = arith.constant 0.000000e+00 : f32
        %broadcast_in_dim3A_3284 = vector.broadcast %broadcast_in_dim3A_3283 : f32 to vector<16xf32>
        %get3A_3285 = arith.index_cast %add3A_3280 : i32 to index
        %get3A_3286 = arith.constant 0 : index
        %get3A_3287 = tpu.vector_load %arg17[%get3A_3285, %get3A_3286] {strides = array<i32>} : memref<128x64xf32, #tpu.memory_space<vmem>>, vector<1x16xf32>,
        %get3A_3288 = vector.shape_cast %get3A_3287 : vector<1x16xf32> to vector<16xf32>
        %get3A_3289 = arith.index_cast %add3A_3280 : i32 to index
        %get3A_3290 = arith.constant 0 : index
        %get3A_3291 = tpu.vector_load %arg18[%get3A_3289, %get3A_3290] {strides = array<i32>} : memref<128x64xf32, #tpu.memory_space<vmem>>, vector<1x16xf32>,
        %get3A_3292 = vector.shape_cast %get3A_3291 : vector<1x16xf32> to vector<16xf32>
        %add3A_3293 = arith.addf %get3A_3288, %get3A_3292 : vector<16xf32>
        %get3A_3294 = arith.index_cast %add3A_3280 : i32 to index
        %get3A_3295 = arith.constant 0 : index
        %get3A_3296 = tpu.vector_load %arg19[%get3A_3294, %get3A_3295] {strides = array<i32>} : memref<128x64xf32, #tpu.memory_space<vmem>>, vector<1x16xf32>,
        %get3A_3297 = vector.shape_cast %get3A_3296 : vector<1x16xf32> to vector<16xf32>
        %sub3A_3298 = arith.subf %add3A_3293, %get3A_3297 : vector<16xf32>
        %get3A_3299 = arith.index_cast %add3A_3280 : i32 to index
        %get3A_3300 = arith.constant 0 : index
        %get3A_3301 = tpu.vector_load %arg20[%get3A_3299, %get3A_3300] {strides = array<i32>} : memref<128x64xf32, #tpu.memory_space<vmem>>, vector<1x16xf32>,
        %get3A_3302 = vector.shape_cast %get3A_3301 : vector<1x16xf32> to vector<16xf32>
        %get3A_3303 = arith.index_cast %add3A_3280 : i32 to index
        %get3A_3304 = arith.constant 0 : index
        %get3A_3305 = tpu.vector_load %arg21[%get3A_3303, %get3A_3304] {strides = array<i32>} : memref<128x64xf32, #tpu.memory_space<vmem>>, vector<1x16xf32>,
        %get3A_3306 = vector.shape_cast %get3A_3305 : vector<1x16xf32> to vector<16xf32>
        %add3A_3307 = arith.addf %get3A_3302, %get3A_3306 : vector<16xf32>
        %get3A_3308 = arith.index_cast %add3A_3280 : i32 to index
        %get3A_3309 = arith.constant 0 : index
        %get3A_3310 = tpu.vector_load %arg22[%get3A_3308, %get3A_3309] {strides = array<i32>} : memref<128x64xf32, #tpu.memory_space<vmem>>, vector<1x16xf32>,
        %get3A_3311 = vector.shape_cast %get3A_3310 : vector<1x16xf32> to vector<16xf32>
        %sub3A_3312 = arith.subf %add3A_3307, %get3A_3311 : vector<16xf32>
        %mul3A_3313 = arith.mulf %sub3A_3298, %sub3A_3298 : vector<16xf32>
        %add3A_3314 = arith.addf %broadcast_in_dim3A_3282, %mul3A_3313 : vector<16xf32>
        %mul3A_3315 = arith.mulf %sub3A_3312, %sub3A_3312 : vector<16xf32>
        %add3A_3316 = arith.addf %broadcast_in_dim3A_3284, %mul3A_3315 : vector<16xf32>
        %get3A_3317 = arith.index_cast %add3A_3280 : i32 to index
        %get3A_3318 = arith.constant 16 : index
        %get3A_3319 = tpu.vector_load %arg17[%get3A_3317, %get3A_3318] {strides = array<i32>} : memref<128x64xf32, #tpu.memory_space<vmem>>, vector<1x16xf32>,
        %get3A_3320 = vector.shape_cast %get3A_3319 : vector<1x16xf32> to vector<16xf32>
        %get3A_3321 = arith.index_cast %add3A_3280 : i32 to index
        %get3A_3322 = arith.constant 16 : index
        %get3A_3323 = tpu.vector_load %arg18[%get3A_3321, %get3A_3322] {strides = array<i32>} : memref<128x64xf32, #tpu.memory_space<vmem>>, vector<1x16xf32>,
        %get3A_3324 = vector.shape_cast %get3A_3323 : vector<1x16xf32> to vector<16xf32>
        %add3A_3325 = arith.addf %get3A_3320, %get3A_3324 : vector<16xf32>
        %get3A_3326 = arith.index_cast %add3A_3280 : i32 to index
        %get3A_3327 = arith.constant 16 : index
        %get3A_3328 = tpu.vector_load %arg19[%get3A_3326, %get3A_3327] {strides = array<i32>} : memref<128x64xf32, #tpu.memory_space<vmem>>, vector<1x16xf32>,
        %get3A_3329 = vector.shape_cast %get3A_3328 : vector<1x16xf32> to vector<16xf32>
        %sub3A_3330 = arith.subf %add3A_3325, %get3A_3329 : vector<16xf32>
        %get3A_3331 = arith.index_cast %add3A_3280 : i32 to index
        %get3A_3332 = arith.constant 16 : index
        %get3A_3333 = tpu.vector_load %arg20[%get3A_3331, %get3A_3332] {strides = array<i32>} : memref<128x64xf32, #tpu.memory_space<vmem>>, vector<1x16xf32>,
        %get3A_3334 = vector.shape_cast %get3A_3333 : vector<1x16xf32> to vector<16xf32>
        %get3A_3335 = arith.index_cast %add3A_3280 : i32 to index
        %get3A_3336 = arith.constant 16 : index
        %get3A_3337 = tpu.vector_load %arg21[%get3A_3335, %get3A_3336] {strides = array<i32>} : memref<128x64xf32, #tpu.memory_space<vmem>>, vector<1x16xf32>,
        %get3A_3338 = vector.shape_cast %get3A_3337 : vector<1x16xf32> to vector<16xf32>
        %add3A_3339 = arith.addf %get3A_3334, %get3A_3338 : vector<16xf32>
        %get3A_3340 = arith.index_cast %add3A_3280 : i32 to index
        %get3A_3341 = arith.constant 16 : index
        %get3A_3342 = tpu.vector_load %arg22[%get3A_3340, %get3A_3341] {strides = array<i32>} : memref<128x64xf32, #tpu.memory_space<vmem>>, vector<1x16xf32>,
        %get3A_3343 = vector.shape_cast %get3A_3342 : vector<1x16xf32> to vector<16xf32>
        %sub3A_3344 = arith.subf %add3A_3339, %get3A_3343 : vector<16xf32>
        %mul3A_3345 = arith.mulf %sub3A_3330, %sub3A_3330 : vector<16xf32>
        %add3A_3346 = arith.addf %add3A_3314, %mul3A_3345 : vector<16xf32>
        %mul3A_3347 = arith.mulf %sub3A_3344, %sub3A_3344 : vector<16xf32>
        %add3A_3348 = arith.addf %add3A_3316, %mul3A_3347 : vector<16xf32>
        %get3A_3349 = arith.index_cast %add3A_3280 : i32 to index
        %get3A_3350 = arith.constant 32 : index
        %get3A_3351 = tpu.vector_load %arg17[%get3A_3349, %get3A_3350] {strides = array<i32>} : memref<128x64xf32, #tpu.memory_space<vmem>>, vector<1x16xf32>,
        %get3A_3352 = vector.shape_cast %get3A_3351 : vector<1x16xf32> to vector<16xf32>
        %get3A_3353 = arith.index_cast %add3A_3280 : i32 to index
        %get3A_3354 = arith.constant 32 : index
        %get3A_3355 = tpu.vector_load %arg18[%get3A_3353, %get3A_3354] {strides = array<i32>} : memref<128x64xf32, #tpu.memory_space<vmem>>, vector<1x16xf32>,
        %get3A_3356 = vector.shape_cast %get3A_3355 : vector<1x16xf32> to vector<16xf32>
        %add3A_3357 = arith.addf %get3A_3352, %get3A_3356 : vector<16xf32>
        %get3A_3358 = arith.index_cast %add3A_3280 : i32 to index
        %get3A_3359 = arith.constant 32 : index
        %get3A_3360 = tpu.vector_load %arg19[%get3A_3358, %get3A_3359] {strides = array<i32>} : memref<128x64xf32, #tpu.memory_space<vmem>>, vector<1x16xf32>,
        %get3A_3361 = vector.shape_cast %get3A_3360 : vector<1x16xf32> to vector<16xf32>
        %sub3A_3362 = arith.subf %add3A_3357, %get3A_3361 : vector<16xf32>
        %get3A_3363 = arith.index_cast %add3A_3280 : i32 to index
        %get3A_3364 = arith.constant 32 : index
        %get3A_3365 = tpu.vector_load %arg20[%get3A_3363, %get3A_3364] {strides = array<i32>} : memref<128x64xf32, #tpu.memory_space<vmem>>, vector<1x16xf32>,
        %get3A_3366 = vector.shape_cast %get3A_3365 : vector<1x16xf32> to vector<16xf32>
        %get3A_3367 = arith.index_cast %add3A_3280 : i32 to index
        %get3A_3368 = arith.constant 32 : index
        %get3A_3369 = tpu.vector_load %arg21[%get3A_3367, %get3A_3368] {strides = array<i32>} : memref<128x64xf32, #tpu.memory_space<vmem>>, vector<1x16xf32>,
        %get3A_3370 = vector.shape_cast %get3A_3369 : vector<1x16xf32> to vector<16xf32>
        %add3A_3371 = arith.addf %get3A_3366, %get3A_3370 : vector<16xf32>
        %get3A_3372 = arith.index_cast %add3A_3280 : i32 to index
        %get3A_3373 = arith.constant 32 : index
        %get3A_3374 = tpu.vector_load %arg22[%get3A_3372, %get3A_3373] {strides = array<i32>} : memref<128x64xf32, #tpu.memory_space<vmem>>, vector<1x16xf32>,
        %get3A_3375 = vector.shape_cast %get3A_3374 : vector<1x16xf32> to vector<16xf32>
        %sub3A_3376 = arith.subf %add3A_3371, %get3A_3375 : vector<16xf32>
        %mul3A_3377 = arith.mulf %sub3A_3362, %sub3A_3362 : vector<16xf32>
        %add3A_3378 = arith.addf %add3A_3346, %mul3A_3377 : vector<16xf32>
        %mul3A_3379 = arith.mulf %sub3A_3376, %sub3A_3376 : vector<16xf32>
        %add3A_3380 = arith.addf %add3A_3348, %mul3A_3379 : vector<16xf32>
        %get3A_3381 = arith.index_cast %add3A_3280 : i32 to index
        %get3A_3382 = arith.constant 48 : index
        %get3A_3383 = tpu.vector_load %arg17[%get3A_3381, %get3A_3382] {strides = array<i32>} : memref<128x64xf32, #tpu.memory_space<vmem>>, vector<1x16xf32>,
        %get3A_3384 = vector.shape_cast %get3A_3383 : vector<1x16xf32> to vector<16xf32>
        %get3A_3385 = arith.index_cast %add3A_3280 : i32 to index
        %get3A_3386 = arith.constant 48 : index
        %get3A_3387 = tpu.vector_load %arg18[%get3A_3385, %get3A_3386] {strides = array<i32>} : memref<128x64xf32, #tpu.memory_space<vmem>>, vector<1x16xf32>,
        %get3A_3388 = vector.shape_cast %get3A_3387 : vector<1x16xf32> to vector<16xf32>
        %add3A_3389 = arith.addf %get3A_3384, %get3A_3388 : vector<16xf32>
        %get3A_3390 = arith.index_cast %add3A_3280 : i32 to index
        %get3A_3391 = arith.constant 48 : index
        %get3A_3392 = tpu.vector_load %arg19[%get3A_3390, %get3A_3391] {strides = array<i32>} : memref<128x64xf32, #tpu.memory_space<vmem>>, vector<1x16xf32>,
        %get3A_3393 = vector.shape_cast %get3A_3392 : vector<1x16xf32> to vector<16xf32>
        %sub3A_3394 = arith.subf %add3A_3389, %get3A_3393 : vector<16xf32>
        %get3A_3395 = arith.index_cast %add3A_3280 : i32 to index
        %get3A_3396 = arith.constant 48 : index
        %get3A_3397 = tpu.vector_load %arg20[%get3A_3395, %get3A_3396] {strides = array<i32>} : memref<128x64xf32, #tpu.memory_space<vmem>>, vector<1x16xf32>,
        %get3A_3398 = vector.shape_cast %get3A_3397 : vector<1x16xf32> to vector<16xf32>
        %get3A_3399 = arith.index_cast %add3A_3280 : i32 to index
        %get3A_3400 = arith.constant 48 : index
        %get3A_3401 = tpu.vector_load %arg21[%get3A_3399, %get3A_3400] {strides = array<i32>} : memref<128x64xf32, #tpu.memory_space<vmem>>, vector<1x16xf32>,
        %get3A_3402 = vector.shape_cast %get3A_3401 : vector<1x16xf32> to vector<16xf32>
        %add3A_3403 = arith.addf %get3A_3398, %get3A_3402 : vector<16xf32>
        %get3A_3404 = arith.index_cast %add3A_3280 : i32 to index
        %get3A_3405 = arith.constant 48 : index
        %get3A_3406 = tpu.vector_load %arg22[%get3A_3404, %get3A_3405] {strides = array<i32>} : memref<128x64xf32, #tpu.memory_space<vmem>>, vector<1x16xf32>,
        %get3A_3407 = vector.shape_cast %get3A_3406 : vector<1x16xf32> to vector<16xf32>
        %sub3A_3408 = arith.subf %add3A_3403, %get3A_3407 : vector<16xf32>
        %mul3A_3409 = arith.mulf %sub3A_3394, %sub3A_3394 : vector<16xf32>
        %add3A_3410 = arith.addf %add3A_3378, %mul3A_3409 : vector<16xf32>
        %mul3A_3411 = arith.mulf %sub3A_3408, %sub3A_3408 : vector<16xf32>
        %add3A_3412 = arith.addf %add3A_3380, %mul3A_3411 : vector<16xf32>
        %eq3A_3413 = arith.constant 15 : i32
        %eq3A_3414 = vector.broadcast %eq3A_3413 : i32 to vector<16xi32>
        %eq3A_3415 = arith.cmpi eq, %iota3A, %eq3A_3414 : vector<16xi32>
        %swap3A_3416 = arith.constant 0 : index
        %swap3A_3417 = tpu.vector_load %arg23[%swap3A_3416] {strides = array<i32>} : memref<32xf32, #tpu.memory_space<vmem>>, vector<16xf32>,
        %swap3A_3418 = vector.shape_cast %swap3A_3417 : vector<16xf32> to vector<16xf32>
        %swap3A_3419 = vector.shape_cast %add3A_3410 : vector<16xf32> to vector<16xf32>
        tpu.vector_store %arg23[%swap3A_3416], %swap3A_3419 {strides = array<i32>} : memref<32xf32, #tpu.memory_space<vmem>>, vector<16xf32>,
        %get3A_3420 = arith.constant 8 : index
        %get3A_3421 = tpu.vector_load %arg23[%get3A_3420] {strides = array<i32>} : memref<32xf32, #tpu.memory_space<vmem>>, vector<16xf32>,
        %get3A_3422 = vector.shape_cast %get3A_3421 : vector<16xf32> to vector<16xf32>
        %add3A_3423 = arith.addf %add3A_3410, %get3A_3422 : vector<16xf32>
        %swap3A_3424 = arith.constant 0 : index
        %swap3A_3425 = tpu.vector_load %arg23[%swap3A_3424] {strides = array<i32>} : memref<32xf32, #tpu.memory_space<vmem>>, vector<16xf32>,
        %swap3A_3426 = vector.shape_cast %swap3A_3425 : vector<16xf32> to vector<16xf32>
        %swap3A_3427 = vector.shape_cast %add3A_3423 : vector<16xf32> to vector<16xf32>
        tpu.vector_store %arg23[%swap3A_3424], %swap3A_3427 {strides = array<i32>} : memref<32xf32, #tpu.memory_space<vmem>>, vector<16xf32>,
        %get3A_3428 = arith.constant 4 : index
        %get3A_3429 = tpu.vector_load %arg23[%get3A_3428] {strides = array<i32>} : memref<32xf32, #tpu.memory_space<vmem>>, vector<16xf32>,
        %get3A_3430 = vector.shape_cast %get3A_3429 : vector<16xf32> to vector<16xf32>
        %add3A_3431 = arith.addf %add3A_3423, %get3A_3430 : vector<16xf32>
        %swap3A_3432 = arith.constant 0 : index
        %swap3A_3433 = tpu.vector_load %arg23[%swap3A_3432] {strides = array<i32>} : memref<32xf32, #tpu.memory_space<vmem>>, vector<16xf32>,
        %swap3A_3434 = vector.shape_cast %swap3A_3433 : vector<16xf32> to vector<16xf32>
        %swap3A_3435 = vector.shape_cast %add3A_3431 : vector<16xf32> to vector<16xf32>
        tpu.vector_store %arg23[%swap3A_3432], %swap3A_3435 {strides = array<i32>} : memref<32xf32, #tpu.memory_space<vmem>>, vector<16xf32>,
        %get3A_3436 = arith.constant 2 : index
        %get3A_3437 = tpu.vector_load %arg23[%get3A_3436] {strides = array<i32>} : memref<32xf32, #tpu.memory_space<vmem>>, vector<16xf32>,
        %get3A_3438 = vector.shape_cast %get3A_3437 : vector<16xf32> to vector<16xf32>
        %add3A_3439 = arith.addf %add3A_3431, %get3A_3438 : vector<16xf32>
        %swap3A_3440 = arith.constant 0 : index
        %swap3A_3441 = tpu.vector_load %arg23[%swap3A_3440] {strides = array<i32>} : memref<32xf32, #tpu.memory_space<vmem>>, vector<16xf32>,
        %swap3A_3442 = vector.shape_cast %swap3A_3441 : vector<16xf32> to vector<16xf32>
        %swap3A_3443 = vector.shape_cast %add3A_3439 : vector<16xf32> to vector<16xf32>
        tpu.vector_store %arg23[%swap3A_3440], %swap3A_3443 {strides = array<i32>} : memref<32xf32, #tpu.memory_space<vmem>>, vector<16xf32>,
        %get3A_3444 = arith.constant 1 : index
        %get3A_3445 = tpu.vector_load %arg23[%get3A_3444] {strides = array<i32>} : memref<32xf32, #tpu.memory_space<vmem>>, vector<16xf32>,
        %get3A_3446 = vector.shape_cast %get3A_3445 : vector<16xf32> to vector<16xf32>
        %add3A_3447 = arith.addf %add3A_3439, %get3A_3446 : vector<16xf32>
        %slice3A_3448 = vector.extract_strided_slice %add3A_3447 {offsets = [0], sizes = [1], strides = [1]} : vector<16xf32> to vector<1xf32>
        %squeeze3A_3449 = vector.extract %slice3A_3448[0] : f32 from vector<1xf32>
        %broadcast_in_dim3A_3450 = vector.broadcast %squeeze3A_3449 : f32 to vector<16xf32>
        %select_n3A_3451 = arith.select %eq3A_3415, %broadcast_in_dim3A_3450, %select_n3A_3240 : vector<16xi1>, vector<16xf32>
        %swap3A_3452 = arith.constant 0 : index
        %swap3A_3453 = tpu.vector_load %arg24[%swap3A_3452] {strides = array<i32>} : memref<32xf32, #tpu.memory_space<vmem>>, vector<16xf32>,
        %swap3A_3454 = vector.shape_cast %swap3A_3453 : vector<16xf32> to vector<16xf32>
        %swap3A_3455 = vector.shape_cast %add3A_3412 : vector<16xf32> to vector<16xf32>
        tpu.vector_store %arg24[%swap3A_3452], %swap3A_3455 {strides = array<i32>} : memref<32xf32, #tpu.memory_space<vmem>>, vector<16xf32>,
        %get3A_3456 = arith.constant 8 : index
        %get3A_3457 = tpu.vector_load %arg24[%get3A_3456] {strides = array<i32>} : memref<32xf32, #tpu.memory_space<vmem>>, vector<16xf32>,
        %get3A_3458 = vector.shape_cast %get3A_3457 : vector<16xf32> to vector<16xf32>
        %add3A_3459 = arith.addf %add3A_3412, %get3A_3458 : vector<16xf32>
        %swap3A_3460 = arith.constant 0 : index
        %swap3A_3461 = tpu.vector_load %arg24[%swap3A_3460] {strides = array<i32>} : memref<32xf32, #tpu.memory_space<vmem>>, vector<16xf32>,
        %swap3A_3462 = vector.shape_cast %swap3A_3461 : vector<16xf32> to vector<16xf32>
        %swap3A_3463 = vector.shape_cast %add3A_3459 : vector<16xf32> to vector<16xf32>
        tpu.vector_store %arg24[%swap3A_3460], %swap3A_3463 {strides = array<i32>} : memref<32xf32, #tpu.memory_space<vmem>>, vector<16xf32>,
        %get3A_3464 = arith.constant 4 : index
        %get3A_3465 = tpu.vector_load %arg24[%get3A_3464] {strides = array<i32>} : memref<32xf32, #tpu.memory_space<vmem>>, vector<16xf32>,
        %get3A_3466 = vector.shape_cast %get3A_3465 : vector<16xf32> to vector<16xf32>
        %add3A_3467 = arith.addf %add3A_3459, %get3A_3466 : vector<16xf32>
        %swap3A_3468 = arith.constant 0 : index
        %swap3A_3469 = tpu.vector_load %arg24[%swap3A_3468] {strides = array<i32>} : memref<32xf32, #tpu.memory_space<vmem>>, vector<16xf32>,
        %swap3A_3470 = vector.shape_cast %swap3A_3469 : vector<16xf32> to vector<16xf32>
        %swap3A_3471 = vector.shape_cast %add3A_3467 : vector<16xf32> to vector<16xf32>
        tpu.vector_store %arg24[%swap3A_3468], %swap3A_3471 {strides = array<i32>} : memref<32xf32, #tpu.memory_space<vmem>>, vector<16xf32>,
        %get3A_3472 = arith.constant 2 : index
        %get3A_3473 = tpu.vector_load %arg24[%get3A_3472] {strides = array<i32>} : memref<32xf32, #tpu.memory_space<vmem>>, vector<16xf32>,
        %get3A_3474 = vector.shape_cast %get3A_3473 : vector<16xf32> to vector<16xf32>
        %add3A_3475 = arith.addf %add3A_3467, %get3A_3474 : vector<16xf32>
        %swap3A_3476 = arith.constant 0 : index
        %swap3A_3477 = tpu.vector_load %arg24[%swap3A_3476] {strides = array<i32>} : memref<32xf32, #tpu.memory_space<vmem>>, vector<16xf32>,
        %swap3A_3478 = vector.shape_cast %swap3A_3477 : vector<16xf32> to vector<16xf32>
        %swap3A_3479 = vector.shape_cast %add3A_3475 : vector<16xf32> to vector<16xf32>
        tpu.vector_store %arg24[%swap3A_3476], %swap3A_3479 {strides = array<i32>} : memref<32xf32, #tpu.memory_space<vmem>>, vector<16xf32>,
        %get3A_3480 = arith.constant 1 : index
        %get3A_3481 = tpu.vector_load %arg24[%get3A_3480] {strides = array<i32>} : memref<32xf32, #tpu.memory_space<vmem>>, vector<16xf32>,
        %get3A_3482 = vector.shape_cast %get3A_3481 : vector<16xf32> to vector<16xf32>
        %add3A_3483 = arith.addf %add3A_3475, %get3A_3482 : vector<16xf32>
        %slice3A_3484 = vector.extract_strided_slice %add3A_3483 {offsets = [0], sizes = [1], strides = [1]} : vector<16xf32> to vector<1xf32>
        %squeeze3A_3485 = vector.extract %slice3A_3484[0] : f32 from vector<1xf32>
        %broadcast_in_dim3A_3486 = vector.broadcast %squeeze3A_3485 : f32 to vector<16xf32>
        %select_n3A_3487 = arith.select %eq3A_3415, %broadcast_in_dim3A_3486, %select_n3A_3276 : vector<16xi1>, vector<16xf32>
        %max3A = arith.constant 1.000000e-30 : f32
        %max3A_3488 = vector.broadcast %max3A : f32 to vector<16xf32>
        %max3A_3489 = arith.maximumf %select_n3A_3451, %max3A_3488 : vector<16xf32>
        %bitcast_convert_type3A = tpu.bitcast %max3A_3489 : vector<16xf32> -> vector<16xi32>
        %shift_right_arithmetic3A = arith.constant 1 : i32
        %shift_right_arithmetic3A_3490 = vector.broadcast %shift_right_arithmetic3A : i32 to vector<16xi32>
        %shift_right_arithmetic3A_3491 = arith.shrsi %bitcast_convert_type3A, %shift_right_arithmetic3A_3490 : vector<16xi32>
        %sub3A_3492 = arith.constant 1597463007 : i32
        %sub3A_3493 = vector.broadcast %sub3A_3492 : i32 to vector<16xi32>
        %sub3A_3494 = arith.subi %sub3A_3493, %shift_right_arithmetic3A_3491 : vector<16xi32>
        %bitcast_convert_type3A_3495 = tpu.bitcast %sub3A_3494 : vector<16xi32> -> vector<16xf32>
        %mul3A_3496 = arith.constant 5.000000e-01 : f32
        %mul3A_3497 = vector.broadcast %mul3A_3496 : f32 to vector<16xf32>
        %mul3A_3498 = arith.mulf %mul3A_3497, %max3A_3489 : vector<16xf32>
        %mul3A_3499 = arith.mulf %mul3A_3498, %bitcast_convert_type3A_3495 : vector<16xf32>
        %mul3A_3500 = arith.mulf %mul3A_3499, %bitcast_convert_type3A_3495 : vector<16xf32>
        %sub3A_3501 = arith.constant 1.500000e+00 : f32
        %sub3A_3502 = vector.broadcast %sub3A_3501 : f32 to vector<16xf32>
        %sub3A_3503 = arith.subf %sub3A_3502, %mul3A_3500 : vector<16xf32>
        %mul3A_3504 = arith.mulf %bitcast_convert_type3A_3495, %sub3A_3503 : vector<16xf32>
        %mul3A_3505 = arith.constant 5.000000e-01 : f32
        %mul3A_3506 = vector.broadcast %mul3A_3505 : f32 to vector<16xf32>
        %mul3A_3507 = arith.mulf %mul3A_3506, %max3A_3489 : vector<16xf32>
        %mul3A_3508 = arith.mulf %mul3A_3507, %mul3A_3504 : vector<16xf32>
        %mul3A_3509 = arith.mulf %mul3A_3508, %mul3A_3504 : vector<16xf32>
        %sub3A_3510 = arith.constant 1.500000e+00 : f32
        %sub3A_3511 = vector.broadcast %sub3A_3510 : f32 to vector<16xf32>
        %sub3A_3512 = arith.subf %sub3A_3511, %mul3A_3509 : vector<16xf32>
        %mul3A_3513 = arith.mulf %mul3A_3504, %sub3A_3512 : vector<16xf32>
        %mul3A_3514 = arith.constant 5.000000e-01 : f32
        %mul3A_3515 = vector.broadcast %mul3A_3514 : f32 to vector<16xf32>
        %mul3A_3516 = arith.mulf %mul3A_3515, %max3A_3489 : vector<16xf32>
        %mul3A_3517 = arith.mulf %mul3A_3516, %mul3A_3513 : vector<16xf32>
        %mul3A_3518 = arith.mulf %mul3A_3517, %mul3A_3513 : vector<16xf32>
        %sub3A_3519 = arith.constant 1.500000e+00 : f32
        %sub3A_3520 = vector.broadcast %sub3A_3519 : f32 to vector<16xf32>
        %sub3A_3521 = arith.subf %sub3A_3520, %mul3A_3518 : vector<16xf32>
        %mul3A_3522 = arith.mulf %mul3A_3513, %sub3A_3521 : vector<16xf32>
        %mul3A_3523 = arith.mulf %max3A_3489, %mul3A_3522 : vector<16xf32>
        %add3A_3524 = arith.constant 1.000000e+00 : f32
        %add3A_3525 = vector.broadcast %add3A_3524 : f32 to vector<16xf32>
        %add3A_3526 = arith.addf %add3A_3525, %mul3A_3523 : vector<16xf32>
        %max3A_3527 = arith.constant 1.000000e-30 : f32
        %max3A_3528 = vector.broadcast %max3A_3527 : f32 to vector<16xf32>
        %max3A_3529 = arith.maximumf %select_n3A_3487, %max3A_3528 : vector<16xf32>
        %bitcast_convert_type3A_3530 = tpu.bitcast %max3A_3529 : vector<16xf32> -> vector<16xi32>
        %shift_right_arithmetic3A_3531 = arith.constant 1 : i32
        %shift_right_arithmetic3A_3532 = vector.broadcast %shift_right_arithmetic3A_3531 : i32 to vector<16xi32>
        %shift_right_arithmetic3A_3533 = arith.shrsi %bitcast_convert_type3A_3530, %shift_right_arithmetic3A_3532 : vector<16xi32>
        %sub3A_3534 = arith.constant 1597463007 : i32
        %sub3A_3535 = vector.broadcast %sub3A_3534 : i32 to vector<16xi32>
        %sub3A_3536 = arith.subi %sub3A_3535, %shift_right_arithmetic3A_3533 : vector<16xi32>
        %bitcast_convert_type3A_3537 = tpu.bitcast %sub3A_3536 : vector<16xi32> -> vector<16xf32>
        %mul3A_3538 = arith.constant 5.000000e-01 : f32
        %mul3A_3539 = vector.broadcast %mul3A_3538 : f32 to vector<16xf32>
        %mul3A_3540 = arith.mulf %mul3A_3539, %max3A_3529 : vector<16xf32>
        %mul3A_3541 = arith.mulf %mul3A_3540, %bitcast_convert_type3A_3537 : vector<16xf32>
        %mul3A_3542 = arith.mulf %mul3A_3541, %bitcast_convert_type3A_3537 : vector<16xf32>
        %sub3A_3543 = arith.constant 1.500000e+00 : f32
        %sub3A_3544 = vector.broadcast %sub3A_3543 : f32 to vector<16xf32>
        %sub3A_3545 = arith.subf %sub3A_3544, %mul3A_3542 : vector<16xf32>
        %mul3A_3546 = arith.mulf %bitcast_convert_type3A_3537, %sub3A_3545 : vector<16xf32>
        %mul3A_3547 = arith.constant 5.000000e-01 : f32
        %mul3A_3548 = vector.broadcast %mul3A_3547 : f32 to vector<16xf32>
        %mul3A_3549 = arith.mulf %mul3A_3548, %max3A_3529 : vector<16xf32>
        %mul3A_3550 = arith.mulf %mul3A_3549, %mul3A_3546 : vector<16xf32>
        %mul3A_3551 = arith.mulf %mul3A_3550, %mul3A_3546 : vector<16xf32>
        %sub3A_3552 = arith.constant 1.500000e+00 : f32
        %sub3A_3553 = vector.broadcast %sub3A_3552 : f32 to vector<16xf32>
        %sub3A_3554 = arith.subf %sub3A_3553, %mul3A_3551 : vector<16xf32>
        %mul3A_3555 = arith.mulf %mul3A_3546, %sub3A_3554 : vector<16xf32>
        %mul3A_3556 = arith.constant 5.000000e-01 : f32
        %mul3A_3557 = vector.broadcast %mul3A_3556 : f32 to vector<16xf32>
        %mul3A_3558 = arith.mulf %mul3A_3557, %max3A_3529 : vector<16xf32>
        %mul3A_3559 = arith.mulf %mul3A_3558, %mul3A_3555 : vector<16xf32>
        %mul3A_3560 = arith.mulf %mul3A_3559, %mul3A_3555 : vector<16xf32>
        %sub3A_3561 = arith.constant 1.500000e+00 : f32
        %sub3A_3562 = vector.broadcast %sub3A_3561 : f32 to vector<16xf32>
        %sub3A_3563 = arith.subf %sub3A_3562, %mul3A_3560 : vector<16xf32>
        %mul3A_3564 = arith.mulf %mul3A_3555, %sub3A_3563 : vector<16xf32>
        %mul3A_3565 = arith.mulf %max3A_3529, %mul3A_3564 : vector<16xf32>
        %sub3A_3566 = arith.subf %add3A_3526, %mul3A_3565 : vector<16xf32>
        %max3A_3567 = arith.constant 0.000000e+00 : f32
        %max3A_3568 = vector.broadcast %max3A_3567 : f32 to vector<16xf32>
        %max3A_3569 = arith.maximumf %sub3A_3566, %max3A_3568 : vector<16xf32>
        %add3A_3570 = arith.addf %scan3A_113, %max3A_3569 : vector<16xf32>
        scf.yield %add3A_3570 : vector<16xf32>
      }
      %scan3A_111 = arith.constant 8 : i32
      scf.yield %scan3A_110 : vector<16xf32>
    }
    %scan3A_15 = arith.constant 4 : i32
    %swap3A_16 = arith.constant 0 : index
    %swap3A_17 = tpu.vector_load %arg25[%swap3A_16] {strides = array<i32>} : memref<16xf32, #tpu.memory_space<vmem>>, vector<16xf32>,
    %swap3A_18 = vector.shape_cast %swap3A_17 : vector<16xf32> to vector<16xf32>
    %swap3A_19 = vector.shape_cast %scan3A_14 : vector<16xf32> to vector<16xf32>
    tpu.vector_store %arg25[%swap3A_16], %swap3A_19 {strides = array<i32>} : memref<16xf32, #tpu.memory_space<vmem>>, vector<16xf32>,
    "tpu.region"() ({
      %run_scoped3A = tpu.sem_alloc : memref<!tpu.dma_semaphore, #tpu.memory_space<semaphore_mem>>
      %dma_start3A = arith.constant 0 : i32
      %dma_start3A_20 = tpu.memref_slice %arg10[%add3A, %dma_start3A] : memref<32x16xf32, #tpu.memory_space<hbm>> -> memref<1x16xf32, #tpu.memory_space<hbm>>
      %dma_start3A_21 = tpu.memref_squeeze %dma_start3A_20 : memref<1x16xf32, #tpu.memory_space<hbm>> -> memref<16xf32, #tpu.memory_space<hbm>>
      %dma_start3A_22 = arith.constant 0 : i32
      %dma_start3A_23 = tpu.memref_slice %arg10[%add3A, %dma_start3A_22] : memref<32x16xf32, #tpu.memory_space<hbm>> -> memref<1x16xf32, #tpu.memory_space<hbm>>
      %dma_start3A_24 = tpu.memref_squeeze %dma_start3A_23 : memref<1x16xf32, #tpu.memory_space<hbm>> -> memref<16xf32, #tpu.memory_space<hbm>>
      tpu.enqueue_dma source(%arg25 : memref<16xf32, #tpu.memory_space<vmem>>) target(%dma_start3A_24 : memref<16xf32, #tpu.memory_space<hbm>>) target_semaphore(%run_scoped3A : memref<!tpu.dma_semaphore, #tpu.memory_space<semaphore_mem>>)
      %dma_wait3A = arith.constant 0 : i32
      %dma_wait3A_25 = tpu.memref_slice %arg10[%add3A, %dma_wait3A] : memref<32x16xf32, #tpu.memory_space<hbm>> -> memref<1x16xf32, #tpu.memory_space<hbm>>
      %dma_wait3A_26 = tpu.memref_squeeze %dma_wait3A_25 : memref<1x16xf32, #tpu.memory_space<hbm>> -> memref<16xf32, #tpu.memory_space<hbm>>
      %dma_wait3A_27 = arith.constant 0 : i32
      %dma_wait3A_28 = tpu.memref_slice %arg10[%add3A, %dma_wait3A_27] : memref<32x16xf32, #tpu.memory_space<hbm>> -> memref<1x16xf32, #tpu.memory_space<hbm>>
      %dma_wait3A_29 = tpu.memref_squeeze %dma_wait3A_28 : memref<1x16xf32, #tpu.memory_space<hbm>> -> memref<16xf32, #tpu.memory_space<hbm>>
      tpu.wait_dma2 semaphore(%run_scoped3A : memref<!tpu.dma_semaphore, #tpu.memory_space<semaphore_mem>>) src(%arg25 : memref<16xf32, #tpu.memory_space<vmem>>) dst(%dma_wait3A_29 : memref<16xf32, #tpu.memory_space<hbm>>)
      tpu.yield
    }) : () -> ()
    return
  }
}

</mosaic_0001>

<sc_bundles>
// kernel: kernel.3.cloned.1.call-start
scs
__scs_entry_jumppad:
0x0: {  	(pc) =	sbr.rel $0x88, $3  }
0x1: {  	(tag) =	ssettag $0x0;
	lr =	simm.s32 $0x1  }
0x2: {  	[smem:$0x3F99] =	sst lr;
	_ =	strace $0xD0000000  }
0x3: {  	_ = 	snop  }
0x4: {  	_ = 	snop  }
0x5: {  	_ = 	snop  }
0x6: {  	_ = 	snop  }
0x7: {  	_ = 	snop  }
__scs_overlays_trampoline_lowered:
0x8: {  	[smem:$0x3FA8] =	sst s0  }
0x9: {  	[smem:$0x3FA9] =	sst s1  }
0xa: {  	[smem:$0x3FAA] =	sst s2  }
0xb: {  	[smem:$0x3FAB] =	sst s3  }
0xc: {  	[smem:$0x3FAC] =	sst s4  }
0xd: {  	[smem:$0x3FAD] =	sst s5  }
0xe: {  	[smem:$0x3FAE] =	sst s6  }
0xf: {  	[smem:$0x3FAF] =	sst s7  }
0x10: {  	[smem:$0x3FB0] =	sst s8  }
0x11: {  	[smem:$0x3FB1] =	sst s9;
	s0 =	simm.s32 @!p0 $0x0  }
0x12: {  	s1 =	sld [smem:$0x3F97];
	s0 =	simm.s32 @p0 $0x1  }
0x13: {  	[smem:$0x3FB2] =	sst s0;
	s0 =	simm.s32 @!p1 $0x0  }
0x14: {  	s2 =	sld [smem:$0x3F96];
	s0 =	simm.s32 @p1 $0x1  }
0x15: {  	[smem:$0x3FB3] =	sst s0;
	s0 =	simm.s32 @!p2 $0x0  }
0x16: {  	s3 =	sld [smem:$0x3FDB];
	s0 =	simm.s32 @p2 $0x1  }
0x17: {  	s4 =	simm.s32 $0x1BF5;
	[smem:$0x3FB5] =	sst s0  }
0x18: {  	s0 =	sld [smem:$0x3F98];
	_ =	swait.ge [sflag:s4], $0x0  }
0x19: {  	s7 =	sld [smem:$0x3F99]  }
0x1a: {  	s8 =	sadd.s32 $0xFFFFE003, lr  }
0x1b: {  	s9 =	sadd.s32 $0xFFFFFEF7, lr;
	s5 =	simm.s32 $0xFFFFFFFF;
	p2 =	slt.u32 s8, $0xFFFFF086  }
0x1c: {  	p1 =	slt.u32 s9, $0xF7A;
	s5 =	simm.s32 @!p2 $0x0  }
0x1d: {  	s5 =	simm.s32 @p1 $0x1;
	p0 =	seq.s32 s7, s2  }
0x1e: {  	s7 =	smul.u32 @!p0 $0xF7A, s2;
	p2 =	seq.s32 @!p0 s5, $0x0  }
0x1f: {  	s9 =	smul.u32 $0xF7A, s1;
	s8 =	simm.s32 @!p0 $0x1BF5;
	p2 =	por !p2, p0  }
0x20: {  	[sflag:s8] =	ssyncset.s32 @!p0 $0xFFFFF086;
	s6 =	sadd.s32 @!p0 s3, s7;
	s7 =	simm.s32 @!p0 $0x108  }
0x21: {  	s3 =	sadd.s32 s3, s9;
	s6 =	sadd.s32 @!p0 $0x88, s6;
	s7 =	simm.s32 @p2 $0x1082  }
0x22: {  	[simem:s7], [sflag:s8] =	dma.local @!p0 [hbm:s6], $0xF7A  }
0x23: {  	s9 =	sor.u32 $0xD0000000, s2;
	s6 =	simm.s32 $0x108;
	_ =	swait.ge @!p0 [sflag:s8], $0x0  }
0x24: {  	s3 =	sadd.s32 $0x88, s3;
	s6 =	simm.s32 @!p1 $0x1082;
	[sflag:s4] =	ssyncset.s32 $0xFFFFF086  }
0x25: {  	[simem:s6], [sflag:s4] =	dma.local [hbm:s3], $0xF7A  }
0x26: {  	[smem:$0x3F99] =	sst s1;
	(tag) =	ssettag s2;
	_ =	strace s9  }
0x27: {  	s1 =	sld [smem:$0x3FA9]  }
0x28: {  	s2 =	sld [smem:$0x3FAA]  }
0x29: {  	s4 =	sld [smem:$0x3FAC]  }
0x2a: {  	p0 =	seq.s32 s5, $0x0;
	s5 =	sld [smem:$0x3FAD]  }
0x2b: {  	s6 =	sld [smem:$0x3FAE]  }
0x2c: {  	s7 =	sld [smem:$0x3FAF]  }
0x2d: {  	s3 =	simm.s32 $0x108;
	s8 =	sld [smem:$0x3FB0]  }
0x2e: {  	s3 =	simm.s32 @!p0 $0x1082;
	s9 =	sld [smem:$0x3FB1]  }
0x2f: {  	lr =	sadd.s32 s0, s3;
	s0 =	sld [smem:$0x3FA8]  }
0x30: {  	s3 =	sld [smem:$0x3FAB]  }
0x31: {  	[smem:$0x3FB4] =	sst s10  }
0x32: {  	s10 =	sld [smem:$0x3FB2];
	_ =	sdelay $0x3  }
0x33: {  	p0 =	seq.s32 s10, $0x1;
	s10 =	sld [smem:$0x3FB4];
	_ =	sdelay $0x3  }
0x34: {  	[smem:$0x3FB4] =	sst s10  }
0x35: {  	s10 =	sld [smem:$0x3FB3];
	_ =	sdelay $0x3  }
0x36: {  	p1 =	seq.s32 s10, $0x1;
	s10 =	sld [smem:$0x3FB4];
	_ =	sdelay $0x3  }
0x37: {  	[smem:$0x3FB4] =	sst s10  }
0x38: {  	s10 =	sld [smem:$0x3FB5]  }
0x39: {  	_ = 	snop;
	(pc) =	sbr.ind lr, $3  }
0x3a: {  	_ = 	snop  }
0x3b: {  	_ = 	snop  }
0x3c: {  	p2 =	seq.s32 s10, $0x1;
	s10 =	sld [smem:$0x3FB4]  }
0x3d: {  	_ =	shalt  }
0x3e: {  	_ =	shalt  }
0x3f: {  	_ =	shalt  }
0x40: {  	_ =	shalt  }
0x41: {  	_ =	shalt  }
0x42: {  	_ =	shalt  }
0x43: {  	_ =	shalt  }
0x44: {  	_ =	shalt  }
0x45: {  	_ =	shalt  }
0x46: {  	_ =	shalt  }
0x47: {  	_ =	shalt  }
0x48: {  	_ =	shalt  }
0x49: {  	_ =	shalt  }
0x4a: {  	_ =	shalt  }
0x4b: {  	_ =	shalt  }
0x4c: {  	_ =	shalt  }
0x4d: {  	_ =	shalt  }
0x4e: {  	_ =	shalt  }
0x4f: {  	_ =	shalt  }
0x50: {  	_ =	shalt  }
0x51: {  	_ =	shalt  }
0x52: {  	_ =	shalt  }
0x53: {  	_ =	shalt  }
0x54: {  	_ =	shalt  }
0x55: {  	_ =	shalt  }
0x56: {  	_ =	shalt  }
0x57: {  	_ =	shalt  }
0x58: {  	_ =	shalt  }
0x59: {  	_ =	shalt  }
0x5a: {  	_ =	shalt  }
0x5b: {  	_ =	shalt  }
0x5c: {  	_ =	shalt  }
0x5d: {  	_ =	shalt  }
0x5e: {  	_ =	shalt  }
0x5f: {  	_ =	shalt  }
0x60: {  	_ =	shalt  }
0x61: {  	_ =	shalt  }
0x62: {  	_ =	shalt  }
0x63: {  	_ =	shalt  }
0x64: {  	_ =	shalt  }
0x65: {  	_ =	shalt  }
0x66: {  	_ =	shalt  }
0x67: {  	_ =	shalt  }
0x68: {  	_ =	shalt  }
0x69: {  	_ =	shalt  }
0x6a: {  	_ =	shalt  }
0x6b: {  	_ =	shalt  }
0x6c: {  	_ =	shalt  }
0x6d: {  	_ =	shalt  }
0x6e: {  	_ =	shalt  }
0x6f: {  	_ =	shalt  }
0x70: {  	_ =	shalt  }
0x71: {  	_ =	shalt  }
0x72: {  	_ =	shalt  }
0x73: {  	_ =	shalt  }
0x74: {  	_ =	shalt  }
0x75: {  	_ =	shalt  }
0x76: {  	_ =	shalt  }
0x77: {  	_ =	shalt  }
0x78: {  	_ =	shalt  }
0x79: {  	_ =	shalt  }
0x7a: {  	_ =	shalt  }
0x7b: {  	_ =	shalt  }
0x7c: {  	_ =	shalt  }
0x7d: {  	_ =	shalt  }
0x7e: {  	_ =	shalt  }
0x7f: {  	_ =	shalt  }
0x80: {  	_ =	shalt  }
0x81: {  	_ =	shalt  }
0x82: {  	_ =	shalt  }
0x83: {  	_ =	shalt  }
0x84: {  	_ =	shalt  }
0x85: {  	_ =	shalt  }
0x86: {  	_ =	shalt  }
0x87: {  	_ =	shalt  }
.Lfunc_end0:
.L_simem_size_0:
called_computation_lowered:
.L_overlay_start_0:
0x88: {  	s2 =	sld [smem:$0x3FD9]  }
0x89: {  	s3 =	sld [smem:$0x3FFE];
	_ =	sdelay $0x1  }
0x8a: {  	s1 =	srdreg.scid  }
0x8b: {  	s0 =	sand.u32 $0x1, s1  }
0x8c: {  	s17 =	sshll.u32 s0, $0xA;
	s2 =	sadd.s32 s3, s2  }
0x8d: {  	s2 =	sadd.s32 s2, s17  }
0x8e: {  	[smem:$0x3FC0] =	sst s2  }
0x8f: {  	_ = 	snop  }
0x90: {  	s2 =	sld [smem:$0x3FC9]  }
0x91: {  	s18 =	sld [smem:$0x3FC8]  }
0x92: {  	s4 =	sld [smem:$0x3FC7]  }
0x93: {  	s5 =	sld [smem:$0x3FC6]  }
0x94: {  	s6 =	sld [smem:$0x3FC5]  }
0x95: {  	s7 =	sld [smem:$0x3FC4];
	(tm) =	ssettm $0x1  }
0x96: {  	s8 =	sld [smem:$0x3FFB];
	_ =	sdelay $0x3  }
0x97: {  	_ =	strace s8  }
0x98: {  	s8 =	sld [smem:$0x3FFC];
	_ =	sdelay $0x3  }
0x99: {  	_ =	strace s8  }
0x9a: {  	s8 =	sld [smem:$0x3FFD];
	_ =	sdelay $0x3  }
0x9b: {  	_ =	strace s8  }
0x9c: {  	_ =	strace $0x8FFFFFFF  }
0x9d: {  	s19 =	sld [smem:$0x3FDB];
	_ =	sdelay $0x1  }
0x9e: {  	s9 =	simm.s32 $_scs_section_size  }
0x9f: {  	s10 =	simm.s32 $_size__tile_overlayer_lowered;
	s11 =	simm.s32 $_tile_overlayer_lowered  }
0xa0: {  	s22 =	simm.s32 $0x1BFF;
	s21 =	sshll.u32 s11, $0x1;
	s8 =	sadd.s32 s9, s19  }
0xa1: {  	s12 =	simm.s32 $0x0;
	s20 =	sshll.u32 s10, $0x1;
	s10 =	sadd.s32 s21, s8  }
0xa2: {  	[timem:s12], [sflag:s22] =	dma.local [hbm:s10], s20  }
0xa3: {  	_ =	swait.ge [sflag:s22], s20  }
0xa4: {  	s9 =	ssub.s32 $0x0, s20;
	[sflag:s22] =	ssyncset.done $0x0  }
0xa5: {  	[sflag:s22] =	ssyncadd.s32 s9;
	_ =	sdelay $0x1  }
0xa6: {  	s23 =	simm.s32 $0x1B8B  }
0xa7: {  	_ =	swait.ge [sflag:s23], $0x1  }
0xa8: {  	[sflag:s23] =	ssyncset.done $0x0  }
0xa9: {  	s25 =	simm.s32 $0x1B8E;
	s24 =	sld [smem:$0x3FFE];
	[sflag:s23] =	ssyncadd.s32 $0xFFFFFFFF  }
0xaa: {  	s26 =	simm.s32 $execute0_lowered;
	[smem:$0x3FD2] =	sst s25  }
0xab: {  	s10 =	sshll.u32 s26, $0x1;
	_ =	strace $0x80000046;
	[dreg:$0x1] =	wrdreg $0xFFFFFFFF  }
0xac: {  	s28 =	simm.s32 $_size_execute0_lowered;
	s8 =	sadd.s32 s8, s10;
	[dreg:$0x0] =	wrdreg $0x0  }
0xad: {  	s10 =	sshll.u32 s28, $0x1;
	[dreg:$0x2] =	wrdreg s8  }
0xae: {  	[dreg:$0x3] =	wrdreg s10  }
0xaf: {  	[dreg:$0x4] =	wrdreg $0xC0  }
0xb0: {  	_ =	task [dreg:s12], $0x5FFFF  }
0xb1: {  	[dreg:$0x1] =	wrdreg $0xFFFFFFFF  }
0xb2: {  	[dreg:$0x0] =	wrdreg $0x60  }
0xb3: {  	[dreg:$0x2] =	wrdreg s2  }
0xb4: {  	[dreg:$0x3] =	wrdreg s18  }
0xb5: {  	[dreg:$0x4] =	wrdreg s4  }
0xb6: {  	[dreg:$0x5] =	wrdreg s5  }
0xb7: {  	[dreg:$0x6] =	wrdreg s6  }
0xb8: {  	[dreg:$0x7] =	wrdreg s7  }
0xb9: {  	[dreg:$0x8] =	wrdreg s24  }
0xba: {  	[dreg:$0x9] =	wrdreg $0x9  }
0xbb: {  	_ =	task.clear_ibuf [dreg:s12], $0xAFFFF;
	_ =	strace $0x90000046  }
0xbc: {  	s29 =	simm.s32 $0x9;
	_ =	strace $0x80000048  }
0xbd: {  	_ =	swait.ge [sflag:s29], $0x1  }
0xbe: {  	[sflag:s29] =	ssyncadd.s32 $0xFFFFFFFF  }
0xbf: {  	_ =	strace $0x90000048  }
0xc0: {  	_ =	sfence  }
0xc1: {  	s30 =	sld [smem:$0x0];
	_ =	sdelay $0x2  }
0xc2: {  	s31 =	sshll.u32 s1, $0xD;
	s1 =	sshrl.u32 s1, $0x2  }
0xc3: {  	s3 =	sand.u32 $0x4000, s31;
	s1 =	sadd.s32 s1, s30  }
0xc4: {  	s0 =	sor.u32 s3, s0;
	s1 =	sshll.u32 s1, $0x11  }
0xc5: {  	s0 =	sor.u32 s1, s0  }
0xc6: {  	s0 =	sadd.s32 $0x8F2B, s0  }
0xc7: {  	[sflag:s0] =	ssyncadd.remote.s32 $0x1  }
0xc8: {  	_ =	sfence.sel $0xFFFF  }
0xc9: {  	[dreg:$0x0] =	wrdreg $0xFFFFFFFF;
	(pc) =	sbr.abs _section_cstart, $3  }
0xca: {  	[dreg:$0x1] =	wrdreg $0xFFFFFFFF  }
0xcb: {  	_ =	task.clear_ibuf [dreg:s12], $0x2FFFF;
	_ =	strace $0x9FFFFFFF  }
0xcc: {  	(tm) =	ssettm $0x7FFFFFFF  }
0xcd: {  	_ =	shalt  }
tec
execute0_lowered:
.L_overlay_start_1:
0x0: {  	(tag) =	ssettag $0x1  }
0x1: {  	s0 =	rddreg [dreg:$0x0]  }
0x2: {  	s1 =	rddreg [dreg:$0x1]  }
0x3: {  	s2 =	rddreg [dreg:$0x2]  }
0x4: {  	s3 =	rddreg [dreg:$0x3]  }
0x5: {  	s4 =	rddreg [dreg:$0x4]  }
0x6: {  	s5 =	rddreg [dreg:$0x5]  }
0x7: {  	s6 =	rddreg [dreg:$0x6];
	s10 =	simm.s32 $0x0;
	s7 =	srdreg.scid  }
0x8: {  	s8 =	stileid.u32;
	[smem:$0x7FF] =	sst s10  }
0x9: {  	s7 =	sand.u32 $0x1, s7;
	s8 =	sshll.u32 s8, $0x1;
	s9 =	sadd.s32 $0x186C00, s6  }
0xa: {  	s21 =	sadd.s32 $0x200, s6;
	_ =	strace $0x80000047;
	s8 =	sor.u32 s7, s8  }
0xb: {  	[dreg:$0x8] =	wrdreg s9;
	s22 =	sshll.u32 s8, $0x1;
	s8 =	sshll.u32 s8, $0x6  }
0xc: {  	[dreg:$0x9] =	wrdreg s21;
	s0 =	sadd.s32 s0, s8  }
0xd: {  	s24 =	sadd.s32 s1, s8;
	[dreg:$0xa] =	wrdreg s0  }
0xe: {  	s25 =	sadd.s32 s2, s8;
	[dreg:$0xb] =	wrdreg s24  }
0xf: {  	s7 =	ssub.s32 $0x2, s7;
	s26 =	sadd.s32 s3, s8;
	[dreg:$0xc] =	wrdreg s25  }
0x10: {  	vm0 =	vcmask $0x300;
	vm1 =	vcmask $0x704;
	vm2 =	vcmask $0xB08;
	s23 =	sshrl.u32 s7, $0x1;
	s28 =	sadd.s32 s4, s8;
	[dreg:$0xd] =	wrdreg s26  }
0x11: {  	vm3 =	vcmask $0xF0C;
	vm4 =	vcmask $0x1310;
	vm5 =	vcmask $0x1714;
	s6 =	sadd.s32 s22, s6;
	s29 =	sadd.s32 s5, s8;
	[dreg:$0xe] =	wrdreg s28  }
0x12: {  	vm6 =	vcmask $0x1B18;
	vm7 =	vcmask $0x1F1C;
	vm8 =	vcmask $0x2320;
	s7 =	ssub.s32 s7, s23;
	[dreg:$0xf] =	wrdreg s29;
	s30 =	sadd.s32 $0x2200, s6  }
0x13: {  	vm9 =	vcmask $0x2724;
	vm10 =	vcmask $0x2B28;
	vm11 =	vcmask $0x2F2C;
	s31 =	smax.u32 s7, $0x1;
	[dreg:$0x10] =	wrdreg s30  }
0x14: {  	vm12 =	vcmask $0x3330;
	vm13 =	vcmask $0x3734;
	vm14 =	vcmask $0x3B38;
	s1 =	simm.s32 $0x7;
	s2 =	simm.s32 $0x0;
	[dreg:$0x11] =	wrdreg s31  }
.LBB2_1:
0x15: {  	[dreg:$0x12] =	wrdreg s2  }
0x16: {  	s0 =	rddreg [dreg:$0xa]  }
0x17: {  	[tilespmem:s10], [sflag:$0x7] =	stream.linear.gather [hbm4b:s0+s10], $0x200, $0x38;
	[tilespmem:$0xCC50] =	vst v63  }
0x18: {  	_ =	swait.ge [sflag:s1], $0x200  }
0x19: {  	[sflag:s1] =	ssyncset.done $0x0  }
0x1a: {  	s22 =	simm.s32 $0x200;
	s21 =	rddreg [dreg:$0xb];
	[sflag:s1] =	ssyncadd.s32 $0xFFFFFE00  }
0x1b: {  	[tilespmem:s22], [sflag:$0x7] =	stream.linear.gather [hbm4b:s21+s10], $0x200, $0x38;
	[tilespmem:$0xCC50] =	vst v63  }
0x1c: {  	_ =	swait.ge [sflag:s1], $0x200  }
0x1d: {  	[sflag:s1] =	ssyncset.done $0x0  }
0x1e: {  	s24 =	simm.s32 $0x400;
	s23 =	rddreg [dreg:$0xc];
	[sflag:s1] =	ssyncadd.s32 $0xFFFFFE00  }
0x1f: {  	[tilespmem:s24], [sflag:$0x7] =	stream.linear.gather [hbm4b:s23+s10], $0x200, $0x38;
	[tilespmem:$0xCC50] =	vst v63  }
0x20: {  	_ =	swait.ge [sflag:s1], $0x200  }
0x21: {  	[sflag:s1] =	ssyncset.done $0x0  }
0x22: {  	s26 =	simm.s32 $0x600;
	s25 =	rddreg [dreg:$0xd];
	[sflag:s1] =	ssyncadd.s32 $0xFFFFFE00  }
0x23: {  	[tilespmem:s26], [sflag:$0x7] =	stream.linear.gather [hbm4b:s25+s10], $0x200, $0x38;
	[tilespmem:$0xCC50] =	vst v63  }
0x24: {  	_ =	swait.ge [sflag:s1], $0x200  }
0x25: {  	[sflag:s1] =	ssyncset.done $0x0  }
0x26: {  	s29 =	simm.s32 $0x800;
	s28 =	rddreg [dreg:$0xe];
	[sflag:s1] =	ssyncadd.s32 $0xFFFFFE00  }
0x27: {  	[tilespmem:s29], [sflag:$0x7] =	stream.linear.gather [hbm4b:s28+s10], $0x200, $0x38;
	[tilespmem:$0xCC50] =	vst v63  }
0x28: {  	_ =	swait.ge [sflag:s1], $0x200  }
0x29: {  	[sflag:s1] =	ssyncset.done $0x0  }
0x2a: {  	s31 =	simm.s32 $0xA00;
	s30 =	rddreg [dreg:$0xf];
	[sflag:s1] =	ssyncadd.s32 $0xFFFFFE00  }
0x2b: {  	[tilespmem:s31], [sflag:$0x7] =	stream.linear.gather [hbm4b:s30+s10], $0x200, $0x38;
	[tilespmem:$0xCC50] =	vst v63  }
0x2c: {  	_ =	swait.ge [sflag:s1], $0x200  }
0x2d: {  	[sflag:s1] =	ssyncset.done $0x0  }
0x2e: {  	v0 =	vimm.f32 $0.0e+00;
	[sflag:s1] =	ssyncadd.s32 $0xFFFFFE00  }
0x2f: {  	[tilespmem:$0xCC10] =	vst v0  }
0x30: {  	s0 =	simm.s32 $0x0;
	[tilespmem:$0xCC30] =	vst v0  }
.LBB2_2:
0x31: {  	s16 =	sshll.u32 s0, $0x7  }
0x32: {  	s2 =	rddreg [dreg:$0x8];
	s4 =	simm.s32 $0x80;
	s1 =	simm.s32 $0xC00  }
0x33: {  	[tilespmem:s1], [sflag:$0x1] =	stream.indirect.gather [hbm4b:s2+s4], $0x40, s16, s4, $0xb8;
	[tilespmem:$0xCC50] =	vst v63  }
0x34: {  	s3 =	rddreg [dreg:$0x9];
	s5 =	simm.s32 $0x2C00;
	s17 =	sadd.s32 $0x200, s16  }
0x35: {  	[tilespmem:s5], [sflag:$0x2] =	stream.indirect.gather [hbm4b:s3+s4], $0x40, s17, s4, $0xb8;
	[tilespmem:$0xCC50] =	vst v63  }
0x36: {  	s19 =	simm.s32 $0x4C00;
	s18 =	sadd.s32 $0x400, s16  }
0x37: {  	[tilespmem:s19], [sflag:$0x3] =	stream.indirect.gather [hbm4b:s2+s4], $0x40, s18, s4, $0xb8;
	[tilespmem:$0xCC50] =	vst v63  }
0x38: {  	s21 =	simm.s32 $0x6C00;
	s20 =	sadd.s32 $0x600, s16  }
0x39: {  	[tilespmem:s21], [sflag:$0x4] =	stream.indirect.gather [hbm4b:s2+s4], $0x40, s20, s4, $0xb8;
	[tilespmem:$0xCC50] =	vst v63  }
0x3a: {  	[dreg:$0x13] =	wrdreg s0;
	s23 =	simm.s32 $0x8C00;
	s22 =	sadd.s32 $0x800, s16  }
0x3b: {  	[tilespmem:s23], [sflag:$0x5] =	stream.indirect.gather [hbm4b:s3+s4], $0x40, s22, s4, $0xb8;
	[tilespmem:$0xCC50] =	vst v63  }
0x3c: {  	s24 =	simm.s32 $0xAC00;
	s25 =	simm.s32 $0x1;
	s0 =	sadd.s32 $0xA00, s16  }
0x3d: {  	[tilespmem:s24], [sflag:$0x6] =	stream.indirect.gather [hbm4b:s2+s4], $0x40, s0, s4, $0xb8;
	[tilespmem:$0xCC50] =	vst v63  }
0x3e: {  	_ =	swait.ge [sflag:s25], $0x2000  }
0x3f: {  	[sflag:s25] =	ssyncset.done $0x0  }
0x40: {  	s26 =	simm.s32 $0x2;
	[sflag:s25] =	ssyncadd.s32 $0xFFFFE000  }
0x41: {  	_ =	swait.ge [sflag:s26], $0x2000  }
0x42: {  	[sflag:s26] =	ssyncset.done $0x0  }
0x43: {  	s28 =	simm.s32 $0x3;
	[sflag:s26] =	ssyncadd.s32 $0xFFFFE000  }
0x44: {  	_ =	swait.ge [sflag:s28], $0x2000  }
0x45: {  	[sflag:s28] =	ssyncset.done $0x0  }
0x46: {  	s29 =	simm.s32 $0x4;
	[sflag:s28] =	ssyncadd.s32 $0xFFFFE000  }
0x47: {  	_ =	swait.ge [sflag:s29], $0x2000  }
0x48: {  	[sflag:s29] =	ssyncset.done $0x0  }
0x49: {  	s30 =	simm.s32 $0x5;
	[sflag:s29] =	ssyncadd.s32 $0xFFFFE000  }
0x4a: {  	_ =	swait.ge [sflag:s30], $0x2000  }
0x4b: {  	[sflag:s30] =	ssyncset.done $0x0  }
0x4c: {  	s31 =	simm.s32 $0x6;
	[sflag:s30] =	ssyncadd.s32 $0xFFFFE000  }
0x4d: {  	_ =	swait.ge [sflag:s31], $0x2000  }
0x4e: {  	[sflag:s31] =	ssyncset.done $0x0  }
0x4f: {  	s0 =	simm.s32 $0x0;
	[sflag:s31] =	ssyncadd.s32 $0xFFFFE000  }
.LBB2_3:
0x50: {  	s17 =	sshll.u32 s0, $0xA  }
0x51: {  	v1 =	vld [tilespmem:s17+$0xC00]  }
0x52: {  	v2 =	vld [tilespmem:s17+$0x2C00]  }
0x53: {  	v3 =	vld [tilespmem:s17+$0x4C00]  }
0x54: {  	v4 =	vld [tilespmem:s17+$0x6C00]  }
0x55: {  	v5 =	vld [tilespmem:s17+$0x8C00]  }
0x56: {  	v6 =	vld [tilespmem:s17+$0xAC00]  }
0x57: {  	v7 =	vld [tilespmem:s17+$0xC10]  }
0x58: {  	v8 =	vld [tilespmem:s17+$0x2C10]  }
0x59: {  	v9 =	vld [tilespmem:s17+$0x4C10]  }
0x5a: {  	v10 =	vld [tilespmem:s17+$0x6C10]  }
0x5b: {  	v11 =	vld [tilespmem:s17+$0x8C10]  }
0x5c: {  	v12 =	vld [tilespmem:s17+$0xAC10]  }
0x5d: {  	v13 =	vld [tilespmem:s17+$0xC20]  }
0x5e: {  	v14 =	vld [tilespmem:s17+$0x2C20]  }
0x5f: {  	v15 =	vld [tilespmem:s17+$0x4C20]  }
0x60: {  	v16 =	vld [tilespmem:s17+$0x6C20]  }
0x61: {  	v17 =	vld [tilespmem:s17+$0x8C20]  }
0x62: {  	v42 =	vld [tilespmem:s17+$0x6C30]  }
0x63: {  	v43 =	vld [tilespmem:s17+$0x8C30]  }
0x64: {  	v19 =	vld [tilespmem:s17+$0xC30];
	v1 =	vadd.f32 v2, v1  }
0x65: {  	v2 =	vld [tilespmem:s17+$0x2C30];
	v4 =	vadd.f32 v5, v4;
	v44 =	vadd.f32 v11, v10  }
0x66: {  	v18 =	vld [tilespmem:s17+$0xAC20];
	v1 =	vsub.f32 v1, v3;
	v3 =	vadd.f32 v8, v7  }
0x67: {  	v45 =	vld [tilespmem:s17+$0x4C30];
	v46 =	vadd.f32 v14, v13;
	v48 =	vadd.f32 v17, v16  }
0x68: {  	v47 =	vld [tilespmem:s17+$0xAC30];
	v5 =	vadd.f32 v43, v42;
	v3 =	vsub.f32 v3, v9  }
0x69: {  	v4 =	vsub.f32 v4, v6;
	v6 =	vsub.f32 v44, v12;
	v1 =	vmul.f32 v1, v1  }
0x6a: {  	v9 =	vsub.f32 v46, v15;
	v2 =	vadd.f32 v2, v19;
	v3 =	vmul.f32 v3, v3  }
0x6b: {  	v11 =	vsub.f32 v48, v18;
	v4 =	vmul.f32 v4, v4;
	v6 =	vmul.f32 v6, v6  }
0x6c: {  	v2 =	vsub.f32 v2, v45;
	v1 =	vadd.f32 v3, v1;
	v3 =	vmul.f32 v9, v9  }
0x6d: {  	v5 =	vsub.f32 v5, v47;
	v49 =	vmul.f32 v11, v11;
	v4 =	vadd.f32 v6, v4  }
0x6e: {  	v2 =	vmul.f32 v2, v2;
	v1 =	vadd.f32 v3, v1  }
0x6f: {  	v50 =	vmul.f32 v5, v5;
	v3 =	vadd.f32 v49, v4  }
0x70: {  	v1 =	vadd.f32 v2, v1  }
0x71: {  	v2 =	vadd.f32 v50, v3  }
0x72: {  	[tilespmem:$0xCC00] =	vst v1  }
0x73: {  	[tilespmem:$0xCC20] =	vst v2;
	v3 =	vld [tilespmem:$0xCC08]  }
0x74: {  	v51 =	vld [tilespmem:$0xCC28];
	_ =	sdelay $0x3  }
0x75: {  	v1 =	vadd.f32 v3, v1  }
0x76: {  	v2 =	vadd.f32 v51, v2  }
0x77: {  	[tilespmem:$0xCC00] =	vst v1  }
0x78: {  	[tilespmem:$0xCC20] =	vst v2;
	v3 =	vld [tilespmem:$0xCC04]  }
0x79: {  	v52 =	vld [tilespmem:$0xCC24];
	_ =	sdelay $0x3  }
0x7a: {  	v1 =	vadd.f32 v3, v1  }
0x7b: {  	v3 =	vadd.f32 v52, v2  }
0x7c: {  	[tilespmem:$0xCC00] =	vst v1  }
0x7d: {  	[tilespmem:$0xCC20] =	vst v3;
	v2 =	vld [tilespmem:$0xCC02]  }
0x7e: {  	v53 =	vld [tilespmem:$0xCC22];
	_ =	sdelay $0x3  }
0x7f: {  	v2 =	vadd.f32 v2, v1  }
0x80: {  	v1 =	vadd.f32 v53, v3  }
0x81: {  	[tilespmem:$0xCC00] =	vst v2  }
0x82: {  	[tilespmem:$0xCC20] =	vst v1  }
0x83: {  	v3 =	vld [tilespmem:s17+$0xC40]  }
0x84: {  	v54 =	vld [tilespmem:s17+$0x2C40]  }
0x85: {  	v55 =	vld [tilespmem:s17+$0x4C40]  }
0x86: {  	v56 =	vld [tilespmem:s17+$0x6C40]  }
0x87: {  	v57 =	vld [tilespmem:s17+$0x8C40]  }
0x88: {  	v58 =	vld [tilespmem:s17+$0xAC40]  }
0x89: {  	v59 =	vld [tilespmem:s17+$0xC50]  }
0x8a: {  	v60 =	vld [tilespmem:s17+$0x2C50]  }
0x8b: {  	v62 =	vld [tilespmem:s17+$0x6C50]  }
0x8c: {  	v63 =	vld [tilespmem:s17+$0x8C50]  }
0x8d: {  	v25 =	vld [tilespmem:s17+$0xC60]  }
0x8e: {  	v26 =	vld [tilespmem:s17+$0x2C60]  }
0x8f: {  	v28 =	vld [tilespmem:s17+$0x6C60]  }
0x90: {  	v29 =	vld [tilespmem:s17+$0x8C60]  }
0x91: {  	v21 =	vld [tilespmem:s17+$0xC70]  }
0x92: {  	v30 =	vld [tilespmem:s17+$0x2C70]  }
0x93: {  	v31 =	vld [tilespmem:s17+$0x6C70]  }
0x94: {  	v33 =	vld [tilespmem:s17+$0x8C70]  }
0x95: {  	v61 =	vld [tilespmem:s17+$0x4C50]  }
0x96: {  	v24 =	vld [tilespmem:s17+$0xAC50];
	v3 =	vadd.f32 v54, v3;
	v6 =	vadd.f32 v57, v56  }
0x97: {  	v27 =	vld [tilespmem:s17+$0x4C60];
	v32 =	vadd.f32 v60, v59;
	v34 =	vadd.f32 v63, v62  }
0x98: {  	v20 =	vld [tilespmem:s17+$0xAC60];
	v36 =	vadd.f32 v26, v25;
	v38 =	vadd.f32 v29, v28  }
0x99: {  	v35 =	vld [tilespmem:s17+$0x4C70];
	v4 =	vadd.f32 v30, v21;
	v7 =	vadd.f32 v33, v31  }
0x9a: {  	v37 =	vld [tilespmem:s17+$0xAC70];
	v3 =	vsub.f32 v3, v55;
	v5 =	vsub.f32 v32, v61  }
0x9b: {  	v6 =	vsub.f32 v6, v58;
	v8 =	vsub.f32 v34, v24  }
0x9c: {  	v11 =	vsub.f32 v36, v27;
	v3 =	vmul.f32 v3, v3;
	v5 =	vmul.f32 v5, v5  }
0x9d: {  	v13 =	vsub.f32 v38, v20;
	v6 =	vmul.f32 v6, v6;
	v8 =	vmul.f32 v8, v8  }
0x9e: {  	v4 =	vsub.f32 v4, v35;
	v39 =	vmul.f32 v11, v11;
	v3 =	vadd.f32 v5, v3  }
0x9f: {  	v7 =	vsub.f32 v7, v37;
	v40 =	vmul.f32 v13, v13;
	v6 =	vadd.f32 v8, v6  }
0xa0: {  	v4 =	vmul.f32 v4, v4;
	v3 =	vadd.f32 v39, v3  }
0xa1: {  	v42 =	vmul.f32 v7, v7;
	v41 =	vadd.f32 v40, v6  }
0xa2: {  	v43 =	vadd.f32 v4, v3  }
0xa3: {  	v4 =	vld [tilespmem:$0xCC01];
	v5 =	vadd.f32 v42, v41  }
0xa4: {  	v3 =	vld [tilespmem:$0xCC21];
	[tilespmem:$0xCC00] =	vst v43  }
0xa5: {  	[tilespmem:$0xCC20] =	vst v5;
	v44 =	vld [tilespmem:$0xCC08]  }
0xa6: {  	v45 =	vld [tilespmem:$0xCC28];
	_ =	sdelay $0x3  }
0xa7: {  	v6 =	vadd.f32 v44, v43  }
0xa8: {  	v5 =	vadd.f32 v45, v5  }
0xa9: {  	[tilespmem:$0xCC00] =	vst v6  }
0xaa: {  	[tilespmem:$0xCC20] =	vst v5;
	v46 =	vld [tilespmem:$0xCC04]  }
0xab: {  	v47 =	vld [tilespmem:$0xCC24];
	_ =	sdelay $0x3  }
0xac: {  	v6 =	vadd.f32 v46, v6  }
0xad: {  	v5 =	vadd.f32 v47, v5  }
0xae: {  	[tilespmem:$0xCC00] =	vst v6  }
0xaf: {  	[tilespmem:$0xCC20] =	vst v5;
	v48 =	vld [tilespmem:$0xCC02]  }
0xb0: {  	v49 =	vld [tilespmem:$0xCC22];
	_ =	sdelay $0x3  }
0xb1: {  	v6 =	vadd.f32 v48, v6  }
0xb2: {  	v5 =	vadd.f32 v49, v5  }
0xb3: {  	[tilespmem:$0xCC00] =	vst v6  }
0xb4: {  	[tilespmem:$0xCC20] =	vst v5  }
0xb5: {  	v50 =	vld [tilespmem:s17+$0xC80]  }
0xb6: {  	v51 =	vld [tilespmem:s17+$0x2C80]  }
0xb7: {  	v52 =	vld [tilespmem:s17+$0x4C80]  }
0xb8: {  	v53 =	vld [tilespmem:s17+$0x6C80]  }
0xb9: {  	v54 =	vld [tilespmem:s17+$0x8C80]  }
0xba: {  	v55 =	vld [tilespmem:s17+$0xAC80]  }
0xbb: {  	v56 =	vld [tilespmem:s17+$0xC90]  }
0xbc: {  	v57 =	vld [tilespmem:s17+$0x2C90]  }
0xbd: {  	v59 =	vld [tilespmem:s17+$0x6C90]  }
0xbe: {  	v60 =	vld [tilespmem:s17+$0x8C90]  }
0xbf: {  	v62 =	vld [tilespmem:s17+$0xCA0]  }
0xc0: {  	v63 =	vld [tilespmem:s17+$0x2CA0]  }
0xc1: {  	v22 =	vld [tilespmem:s17+$0x6CA0]  }
0xc2: {  	v23 =	vld [tilespmem:s17+$0x8CA0]  }
0xc3: {  	v25 =	vld [tilespmem:s17+$0xCB0]  }
0xc4: {  	v29 =	vld [tilespmem:s17+$0x2CB0]  }
0xc5: {  	v30 =	vld [tilespmem:s17+$0x6CB0]  }
0xc6: {  	v32 =	vld [tilespmem:s17+$0x8CB0]  }
0xc7: {  	v58 =	vld [tilespmem:s17+$0x4C90]  }
0xc8: {  	v61 =	vld [tilespmem:s17+$0xAC90];
	v7 =	vadd.f32 v51, v50;
	v10 =	vadd.f32 v54, v53  }
0xc9: {  	v28 =	vld [tilespmem:s17+$0x4CA0];
	v31 =	vadd.f32 v57, v56;
	v33 =	vadd.f32 v60, v59  }
0xca: {  	v24 =	vld [tilespmem:s17+$0xACA0];
	v35 =	vadd.f32 v63, v62;
	v37 =	vadd.f32 v23, v22  }
0xcb: {  	v34 =	vld [tilespmem:s17+$0x4CB0];
	v8 =	vadd.f32 v29, v25;
	v11 =	vadd.f32 v32, v30  }
0xcc: {  	v36 =	vld [tilespmem:s17+$0xACB0];
	v7 =	vsub.f32 v7, v52;
	v9 =	vsub.f32 v31, v58  }
0xcd: {  	v10 =	vsub.f32 v10, v55;
	v12 =	vsub.f32 v33, v61  }
0xce: {  	v15 =	vsub.f32 v35, v28;
	v7 =	vmul.f32 v7, v7;
	v9 =	vmul.f32 v9, v9  }
0xcf: {  	v17 =	vsub.f32 v37, v24;
	v10 =	vmul.f32 v10, v10;
	v12 =	vmul.f32 v12, v12  }
0xd0: {  	v8 =	vsub.f32 v8, v34;
	v38 =	vmul.f32 v15, v15;
	v7 =	vadd.f32 v9, v7  }
0xd1: {  	v11 =	vsub.f32 v11, v36;
	v39 =	vmul.f32 v17, v17;
	v10 =	vadd.f32 v12, v10  }
0xd2: {  	v8 =	vmul.f32 v8, v8;
	v7 =	vadd.f32 v38, v7  }
0xd3: {  	v41 =	vmul.f32 v11, v11;
	v40 =	vadd.f32 v39, v10  }
0xd4: {  	v42 =	vadd.f32 v8, v7  }
0xd5: {  	v8 =	vld [tilespmem:$0xCC01];
	v9 =	vadd.f32 v41, v40  }
0xd6: {  	v7 =	vld [tilespmem:$0xCC21];
	[tilespmem:$0xCC00] =	vst v42  }
0xd7: {  	[tilespmem:$0xCC20] =	vst v9;
	v43 =	vld [tilespmem:$0xCC08]  }
0xd8: {  	v44 =	vld [tilespmem:$0xCC28];
	_ =	sdelay $0x3  }
0xd9: {  	v10 =	vadd.f32 v43, v42  }
0xda: {  	v9 =	vadd.f32 v44, v9  }
0xdb: {  	[tilespmem:$0xCC00] =	vst v10  }
0xdc: {  	[tilespmem:$0xCC20] =	vst v9;
	v45 =	vld [tilespmem:$0xCC04]  }
0xdd: {  	v46 =	vld [tilespmem:$0xCC24];
	_ =	sdelay $0x3  }
0xde: {  	v10 =	vadd.f32 v45, v10  }
0xdf: {  	v9 =	vadd.f32 v46, v9  }
0xe0: {  	[tilespmem:$0xCC00] =	vst v10  }
0xe1: {  	[tilespmem:$0xCC20] =	vst v9;
	v47 =	vld [tilespmem:$0xCC02]  }
0xe2: {  	v48 =	vld [tilespmem:$0xCC22];
	_ =	sdelay $0x3  }
0xe3: {  	v10 =	vadd.f32 v47, v10  }
0xe4: {  	v9 =	vadd.f32 v48, v9  }
0xe5: {  	[tilespmem:$0xCC00] =	vst v10  }
0xe6: {  	[tilespmem:$0xCC20] =	vst v9  }
0xe7: {  	v49 =	vld [tilespmem:s17+$0xCC0]  }
0xe8: {  	v50 =	vld [tilespmem:s17+$0x2CC0]  }
0xe9: {  	v51 =	vld [tilespmem:s17+$0x4CC0]  }
0xea: {  	v52 =	vld [tilespmem:s17+$0x6CC0]  }
0xeb: {  	v53 =	vld [tilespmem:s17+$0x8CC0]  }
0xec: {  	v54 =	vld [tilespmem:s17+$0xACC0]  }
0xed: {  	v55 =	vld [tilespmem:s17+$0xCD0]  }
0xee: {  	v56 =	vld [tilespmem:s17+$0x2CD0]  }
0xef: {  	v58 =	vld [tilespmem:s17+$0x6CD0]  }
0xf0: {  	v59 =	vld [tilespmem:s17+$0x8CD0]  }
0xf1: {  	v61 =	vld [tilespmem:s17+$0xCE0]  }
0xf2: {  	v62 =	vld [tilespmem:s17+$0x2CE0]  }
0xf3: {  	v26 =	vld [tilespmem:s17+$0x6CE0]  }
0xf4: {  	v27 =	vld [tilespmem:s17+$0x8CE0]  }
0xf5: {  	v29 =	vld [tilespmem:s17+$0xCF0]  }
0xf6: {  	v31 =	vld [tilespmem:s17+$0x2CF0]  }
0xf7: {  	v32 =	vld [tilespmem:s17+$0x6CF0]  }
0xf8: {  	v34 =	vld [tilespmem:s17+$0x8CF0]  }
0xf9: {  	v57 =	vld [tilespmem:s17+$0x4CD0]  }
0xfa: {  	v60 =	vld [tilespmem:s17+$0xACD0];
	v11 =	vadd.f32 v50, v49;
	v14 =	vadd.f32 v53, v52  }
0xfb: {  	v63 =	vld [tilespmem:s17+$0x4CE0];
	v33 =	vadd.f32 v56, v55;
	v35 =	vadd.f32 v59, v58  }
0xfc: {  	v28 =	vld [tilespmem:s17+$0xACE0];
	v37 =	vadd.f32 v62, v61;
	v39 =	vadd.f32 v27, v26  }
0xfd: {  	v36 =	vld [tilespmem:s17+$0x4CF0];
	v12 =	vadd.f32 v31, v29;
	v15 =	vadd.f32 v34, v32  }
0xfe: {  	v38 =	vld [tilespmem:s17+$0xACF0];
	v11 =	vsub.f32 v11, v51;
	v13 =	vsub.f32 v33, v57  }
0xff: {  	v14 =	vsub.f32 v14, v54;
	v16 =	vsub.f32 v35, v60  }
0x100: {  	v19 =	vsub.f32 v37, v63;
	v11 =	vmul.f32 v11, v11;
	v13 =	vmul.f32 v13, v13  }
0x101: {  	v21 =	vsub.f32 v39, v28;
	v14 =	vmul.f32 v14, v14;
	v16 =	vmul.f32 v16, v16  }
0x102: {  	v12 =	vsub.f32 v12, v36;
	v40 =	vmul.f32 v19, v19;
	v11 =	vadd.f32 v13, v11  }
0x103: {  	v15 =	vsub.f32 v15, v38;
	v41 =	vmul.f32 v21, v21;
	v14 =	vadd.f32 v16, v14  }
0x104: {  	v12 =	vmul.f32 v12, v12;
	v11 =	vadd.f32 v40, v11  }
0x105: {  	v43 =	vmul.f32 v15, v15;
	v42 =	vadd.f32 v41, v14  }
0x106: {  	v11 =	vadd.f32 v12, v11  }
0x107: {  	v14 =	vld [tilespmem:$0xCC21];
	v13 =	vadd.f32 v43, v42  }
0x108: {  	v12 =	vld [tilespmem:$0xCC01];
	[tilespmem:$0xCC00] =	vst v11  }
0x109: {  	[tilespmem:$0xCC20] =	vst v13;
	v44 =	vld [tilespmem:$0xCC08]  }
0x10a: {  	v45 =	vld [tilespmem:$0xCC28];
	_ =	sdelay $0x3  }
0x10b: {  	v11 =	vadd.f32 v44, v11  }
0x10c: {  	v13 =	vadd.f32 v45, v13  }
0x10d: {  	[tilespmem:$0xCC00] =	vst v11  }
0x10e: {  	[tilespmem:$0xCC20] =	vst v13;
	v46 =	vld [tilespmem:$0xCC04]  }
0x10f: {  	v47 =	vld [tilespmem:$0xCC24];
	_ =	sdelay $0x3  }
0x110: {  	v11 =	vadd.f32 v46, v11  }
0x111: {  	v13 =	vadd.f32 v47, v13  }
0x112: {  	[tilespmem:$0xCC00] =	vst v11  }
0x113: {  	[tilespmem:$0xCC20] =	vst v13;
	v48 =	vld [tilespmem:$0xCC02]  }
0x114: {  	v49 =	vld [tilespmem:$0xCC22];
	_ =	sdelay $0x3  }
0x115: {  	v11 =	vadd.f32 v48, v11  }
0x116: {  	v13 =	vadd.f32 v49, v13  }
0x117: {  	[tilespmem:$0xCC00] =	vst v11  }
0x118: {  	[tilespmem:$0xCC20] =	vst v13  }
0x119: {  	v50 =	vld [tilespmem:s17+$0xD00]  }
0x11a: {  	v51 =	vld [tilespmem:s17+$0x2D00]  }
0x11b: {  	v52 =	vld [tilespmem:s17+$0x4D00]  }
0x11c: {  	v53 =	vld [tilespmem:s17+$0x6D00]  }
0x11d: {  	v54 =	vld [tilespmem:s17+$0x8D00]  }
0x11e: {  	v55 =	vld [tilespmem:s17+$0xAD00]  }
0x11f: {  	v56 =	vld [tilespmem:s17+$0xD10]  }
0x120: {  	v57 =	vld [tilespmem:s17+$0x2D10]  }
0x121: {  	v59 =	vld [tilespmem:s17+$0x6D10]  }
0x122: {  	v60 =	vld [tilespmem:s17+$0x8D10]  }
0x123: {  	v62 =	vld [tilespmem:s17+$0xD20]  }
0x124: {  	v63 =	vld [tilespmem:s17+$0x2D20]  }
0x125: {  	v30 =	vld [tilespmem:s17+$0x6D20]  }
0x126: {  	v31 =	vld [tilespmem:s17+$0x8D20]  }
0x127: {  	v33 =	vld [tilespmem:s17+$0xD30]  }
0x128: {  	v37 =	vld [tilespmem:s17+$0x2D30]  }
0x129: {  	v38 =	vld [tilespmem:s17+$0x6D30]  }
0x12a: {  	v40 =	vld [tilespmem:s17+$0x8D30]  }
0x12b: {  	v58 =	vld [tilespmem:s17+$0x4D10]  }
0x12c: {  	v61 =	vld [tilespmem:s17+$0xAD10];
	v15 =	vadd.f32 v51, v50;
	v18 =	vadd.f32 v54, v53  }
0x12d: {  	v36 =	vld [tilespmem:s17+$0x4D20];
	v39 =	vadd.f32 v57, v56;
	v41 =	vadd.f32 v60, v59  }
0x12e: {  	v32 =	vld [tilespmem:s17+$0xAD20];
	v43 =	vadd.f32 v63, v62;
	v45 =	vadd.f32 v31, v30  }
0x12f: {  	v42 =	vld [tilespmem:s17+$0x4D30];
	v16 =	vadd.f32 v37, v33;
	v19 =	vadd.f32 v40, v38  }
0x130: {  	v44 =	vld [tilespmem:s17+$0xAD30];
	v15 =	vsub.f32 v15, v52;
	v17 =	vsub.f32 v39, v58  }
0x131: {  	v18 =	vsub.f32 v18, v55;
	v20 =	vsub.f32 v41, v61  }
0x132: {  	v23 =	vsub.f32 v43, v36;
	v15 =	vmul.f32 v15, v15;
	v17 =	vmul.f32 v17, v17  }
0x133: {  	v25 =	vsub.f32 v45, v32;
	v18 =	vmul.f32 v18, v18;
	v20 =	vmul.f32 v20, v20  }
0x134: {  	v16 =	vsub.f32 v16, v42;
	v46 =	vmul.f32 v23, v23;
	v15 =	vadd.f32 v17, v15  }
0x135: {  	v19 =	vsub.f32 v19, v44;
	v47 =	vmul.f32 v25, v25;
	v18 =	vadd.f32 v20, v18  }
0x136: {  	v16 =	vmul.f32 v16, v16;
	v15 =	vadd.f32 v46, v15  }
0x137: {  	v49 =	vmul.f32 v19, v19;
	v48 =	vadd.f32 v47, v18  }
0x138: {  	v15 =	vadd.f32 v16, v15  }
0x139: {  	v50 =	vld [tilespmem:$0xCC01];
	v17 =	vadd.f32 v49, v48  }
0x13a: {  	v51 =	vld [tilespmem:$0xCC21];
	[tilespmem:$0xCC00] =	vst v15  }
0x13b: {  	[tilespmem:$0xCC20] =	vst v17;
	v52 =	vld [tilespmem:$0xCC08]  }
0x13c: {  	v53 =	vld [tilespmem:$0xCC28];
	_ =	sdelay $0x3  }
0x13d: {  	v15 =	vadd.f32 v52, v15  }
0x13e: {  	v17 =	vadd.f32 v53, v17  }
0x13f: {  	[tilespmem:$0xCC00] =	vst v15  }
0x140: {  	[tilespmem:$0xCC20] =	vst v17;
	v54 =	vld [tilespmem:$0xCC04]  }
0x141: {  	v55 =	vld [tilespmem:$0xCC24];
	_ =	sdelay $0x3  }
0x142: {  	v15 =	vadd.f32 v54, v15  }
0x143: {  	v17 =	vadd.f32 v55, v17  }
0x144: {  	[tilespmem:$0xCC00] =	vst v15  }
0x145: {  	[tilespmem:$0xCC20] =	vst v17;
	v56 =	vld [tilespmem:$0xCC02]  }
0x146: {  	v57 =	vld [tilespmem:$0xCC22];
	_ =	sdelay $0x3  }
0x147: {  	v15 =	vadd.f32 v56, v15  }
0x148: {  	v17 =	vadd.f32 v57, v17  }
0x149: {  	[tilespmem:$0xCC00] =	vst v15  }
0x14a: {  	[tilespmem:$0xCC20] =	vst v17  }
0x14b: {  	v60 =	vld [tilespmem:s17+$0xD40]  }
0x14c: {  	v61 =	vld [tilespmem:s17+$0x2D40]  }
0x14d: {  	(v2sf) =	vpush v2, $0x0;
	v2 =	vld [tilespmem:s17+$0x4D40]  }
0x14e: {  	(v2sf) =	vpush v4, $0x0;
	v62 =	vld [tilespmem:s17+$0x6D40]  }
0x14f: {  	(v2sf) =	vpush v1, $0x0;
	v1 =	vld [tilespmem:s17+$0xD50]  }
0x150: {  	(v2sf) =	vpush v3, $0x0;
	v3 =	vld [tilespmem:s17+$0x2D50]  }
0x151: {  	v63 =	vld [tilespmem:s17+$0x4D50]  }
0x152: {  	v24 =	vld [tilespmem:s17+$0xD60]  }
0x153: {  	v25 =	vld [tilespmem:s17+$0x2D60]  }
0x154: {  	v26 =	vld [tilespmem:s17+$0x4D60]  }
0x155: {  	v27 =	vld [tilespmem:s17+$0xD70]  }
0x156: {  	v29 =	vld [tilespmem:s17+$0x2D70]  }
0x157: {  	(v2sf) =	vpush v6, $0x0;
	v30 =	vld [tilespmem:s17+$0x8D40]  }
0x158: {  	(v2sf) =	vpush v8, $0x0;
	v31 =	vld [tilespmem:s17+$0xAD40]  }
0x159: {  	v32 =	vld [tilespmem:s17+$0x6D50];
	v28 =	vadd.f32 v61, v60;
	v1 =	vadd.f32 v3, v1  }
0x15a: {  	(v2sf) =	vpush v5, $0x0;
	v3 =	vld [tilespmem:s17+$0x4D70];
	v5 =	vadd.f32 v25, v24  }
0x15b: {  	v33 =	vld [tilespmem:s17+$0x8D50];
	v2 =	vsub.f32 v28, v2;
	v1 =	vsub.f32 v1, v63  }
0x15c: {  	v35 =	vld [tilespmem:s17+$0xAD50];
	v34 =	vadd.f32 v29, v27  }
0x15d: {  	v36 =	vld [tilespmem:s17+$0x8D60];
	v5 =	vsub.f32 v5, v26;
	v2 =	vmul.f32 v2, v2;
	v1 =	vmul.f32 v1, v1  }
0x15e: {  	v37 =	vld [tilespmem:s17+$0xAD60]  }
0x15f: {  	v5 =	vmul.f32 v5, v5;
	v3 =	vsub.f32 v34, v3;
	v1 =	vadd.f32 v1, v2;
	v2 =	vld [tilespmem:s17+$0x6D60]  }
0x160: {  	v38 =	vld [tilespmem:s17+$0x6D70]  }
0x161: {  	v39 =	vld [tilespmem:s17+$0x8D70];
	v4 =	vadd.f32 v30, v62;
	v3 =	vmul.f32 v3, v3;
	v1 =	vadd.f32 v5, v1  }
0x162: {  	v6 =	vadd.f32 v33, v32  }
0x163: {  	v4 =	vsub.f32 v4, v31;
	v1 =	vadd.f32 v3, v1;
	v3 =	vld [tilespmem:s17+$0xAD70]  }
0x164: {  	v6 =	vsub.f32 v6, v35;
	v2 =	vadd.f32 v36, v2  }
0x165: {  	v4 =	vmul.f32 v4, v4  }
0x166: {  	v6 =	vmul.f32 v6, v6;
	v5 =	vadd.f32 v39, v38;
	v2 =	vsub.f32 v2, v37;
	_ =	sdelay $0x1  }
0x167: {  	v4 =	vadd.f32 v6, v4;
	v2 =	vmul.f32 v2, v2;
	v3 =	vsub.f32 v5, v3;
	_ =	sdelay $0x1  }
0x168: {  	v2 =	vadd.f32 v2, v4;
	v3 =	vmul.f32 v3, v3;
	_ =	sdelay $0x1  }
0x169: {  	v58 =	vld [tilespmem:$0xCC01];
	v2 =	vadd.f32 v3, v2  }
0x16a: {  	v59 =	vld [tilespmem:$0xCC21];
	[tilespmem:$0xCC00] =	vst v1  }
0x16b: {  	v40 =	vld [tilespmem:$0xCC08];
	[tilespmem:$0xCC20] =	vst v2  }
0x16c: {  	v3 =	vld [tilespmem:$0xCC28];
	_ =	sdelay $0x3  }
0x16d: {  	v1 =	vadd.f32 v40, v1  }
0x16e: {  	v2 =	vadd.f32 v3, v2  }
0x16f: {  	[tilespmem:$0xCC00] =	vst v1  }
0x170: {  	v41 =	vld [tilespmem:$0xCC04];
	[tilespmem:$0xCC20] =	vst v2  }
0x171: {  	v3 =	vld [tilespmem:$0xCC24];
	_ =	sdelay $0x3  }
0x172: {  	v1 =	vadd.f32 v41, v1  }
0x173: {  	v3 =	vadd.f32 v3, v2  }
0x174: {  	[tilespmem:$0xCC00] =	vst v1  }
0x175: {  	v2 =	vld [tilespmem:$0xCC02];
	[tilespmem:$0xCC20] =	vst v3  }
0x176: {  	v42 =	vld [tilespmem:$0xCC22];
	_ =	sdelay $0x3  }
0x177: {  	v2 =	vadd.f32 v2, v1  }
0x178: {  	v1 =	vadd.f32 v42, v3  }
0x179: {  	[tilespmem:$0xCC00] =	vst v2  }
0x17a: {  	[tilespmem:$0xCC20] =	vst v1  }
0x17b: {  	(v2sf) =	vpush v7, $0x0;
	v3 =	vld [tilespmem:s17+$0xD80]  }
0x17c: {  	(v2sf) =	vpush v10, $0x0;
	v43 =	vld [tilespmem:s17+$0x2D80]  }
0x17d: {  	(v2sf) =	vpush v12, $0x0;
	v44 =	vld [tilespmem:s17+$0x4D80]  }
0x17e: {  	(v2sf) =	vpush v9, $0x0;
	v45 =	vld [tilespmem:s17+$0x6D80]  }
0x17f: {  	(v2sf) =	vpush v14, $0x0;
	v46 =	vld [tilespmem:s17+$0x8D80]  }
0x180: {  	(v2sf) =	vpush v11, $0x0;
	v47 =	vld [tilespmem:s17+$0xAD80]  }
0x181: {  	(v2sf) =	vpush v50, $0x0;
	v48 =	vld [tilespmem:s17+$0xD90]  }
0x182: {  	(v2sf) =	vpush v13, $0x0;
	v49 =	vld [tilespmem:s17+$0x2D90]  }
0x183: {  	s1 =	spop (v2sf);
	(v2sf) =	vpush v51, $0x0;
	v51 =	vld [tilespmem:s17+$0x6D90]  }
0x184: {  	v52 =	vld [tilespmem:s17+$0x8D90]  }
0x185: {  	v54 =	vld [tilespmem:s17+$0xDA0]  }
0x186: {  	v55 =	vld [tilespmem:s17+$0x2DA0]  }
0x187: {  	s2 =	spop (v2sf);
	(v2sf) =	vpush v15, $0x0;
	v57 =	vld [tilespmem:s17+$0x6DA0]  }
0x188: {  	s3 =	spop (v2sf);
	(v2sf) =	vpush v58, $0x0;
	v58 =	vld [tilespmem:s17+$0x8DA0]  }
0x189: {  	v60 =	vld [tilespmem:s17+$0xDB0]  }
0x18a: {  	v61 =	vld [tilespmem:s17+$0x2DB0]  }
0x18b: {  	v62 =	vld [tilespmem:s17+$0x6DB0]  }
0x18c: {  	s4 =	spop (v2sf);
	(v2sf) =	vpush v17, $0x0;
	v22 =	vld [tilespmem:s17+$0x8DB0]  }
0x18d: {  	(v2sf) =	vpush v59, $0x0;
	v50 =	vld [tilespmem:s17+$0x4D90]  }
0x18e: {  	v53 =	vld [tilespmem:s17+$0xAD90];
	v3 =	vadd.f32 v43, v3;
	v6 =	vadd.f32 v46, v45  }
0x18f: {  	v56 =	vld [tilespmem:s17+$0x4DA0];
	v63 =	vadd.f32 v49, v48;
	v23 =	vadd.f32 v52, v51  }
0x190: {  	v59 =	vld [tilespmem:s17+$0xADA0];
	v25 =	vadd.f32 v55, v54;
	v27 =	vadd.f32 v58, v57  }
0x191: {  	v24 =	vld [tilespmem:s17+$0x4DB0];
	v4 =	vadd.f32 v61, v60;
	v7 =	vadd.f32 v22, v62  }
0x192: {  	v26 =	vld [tilespmem:s17+$0xADB0];
	v3 =	vsub.f32 v3, v44;
	v5 =	vsub.f32 v63, v50  }
0x193: {  	v6 =	vsub.f32 v6, v47;
	v8 =	vsub.f32 v23, v53  }
0x194: {  	v11 =	vsub.f32 v25, v56;
	v3 =	vmul.f32 v3, v3;
	v5 =	vmul.f32 v5, v5  }
0x195: {  	v13 =	vsub.f32 v27, v59;
	v6 =	vmul.f32 v6, v6;
	v8 =	vmul.f32 v8, v8  }
0x196: {  	v4 =	vsub.f32 v4, v24;
	v28 =	vmul.f32 v11, v11;
	v3 =	vadd.f32 v5, v3  }
0x197: {  	v7 =	vsub.f32 v7, v26;
	v29 =	vmul.f32 v13, v13;
	v6 =	vadd.f32 v8, v6  }
0x198: {  	v4 =	vmul.f32 v4, v4;
	v3 =	vadd.f32 v28, v3  }
0x199: {  	v31 =	vmul.f32 v7, v7;
	v30 =	vadd.f32 v29, v6  }
0x19a: {  	v32 =	vadd.f32 v4, v3  }
0x19b: {  	v4 =	vld [tilespmem:$0xCC01];
	v5 =	vadd.f32 v31, v30  }
0x19c: {  	v3 =	vld [tilespmem:$0xCC21];
	[tilespmem:$0xCC00] =	vst v32  }
0x19d: {  	[tilespmem:$0xCC20] =	vst v5;
	v33 =	vld [tilespmem:$0xCC08]  }
0x19e: {  	v34 =	vld [tilespmem:$0xCC28];
	_ =	sdelay $0x3  }
0x19f: {  	v6 =	vadd.f32 v33, v32  }
0x1a0: {  	v5 =	vadd.f32 v34, v5  }
0x1a1: {  	[tilespmem:$0xCC00] =	vst v6  }
0x1a2: {  	[tilespmem:$0xCC20] =	vst v5;
	v35 =	vld [tilespmem:$0xCC04]  }
0x1a3: {  	v36 =	vld [tilespmem:$0xCC24];
	_ =	sdelay $0x3  }
0x1a4: {  	v6 =	vadd.f32 v35, v6  }
0x1a5: {  	v5 =	vadd.f32 v36, v5  }
0x1a6: {  	[tilespmem:$0xCC00] =	vst v6  }
0x1a7: {  	[tilespmem:$0xCC20] =	vst v5;
	v37 =	vld [tilespmem:$0xCC02]  }
0x1a8: {  	s5 =	spop (v2sf);
	v38 =	vld [tilespmem:$0xCC22]  }
0x1a9: {  	s6 =	spop (v2sf)  }
0x1aa: {  	s7 =	spop (v2sf)  }
0x1ab: {  	s10 =	spop (v2sf)  }
0x1ac: {  	s9 =	spop (v2sf);
	v6 =	vadd.f32 v37, v6  }
0x1ad: {  	s11 =	spop (v2sf);
	v5 =	vadd.f32 v38, v5  }
0x1ae: {  	s12 =	spop (v2sf);
	[tilespmem:$0xCC00] =	vst v6  }
0x1af: {  	s13 =	spop (v2sf);
	[tilespmem:$0xCC20] =	vst v5  }
0x1b0: {  	s15 =	spop (v2sf);
	v39 =	vld [tilespmem:s17+$0xDC0]  }
0x1b1: {  	s16 =	spop (v2sf);
	v40 =	vld [tilespmem:s17+$0x2DC0]  }
0x1b2: {  	s18 =	spop (v2sf);
	v41 =	vld [tilespmem:s17+$0x4DC0]  }
0x1b3: {  	s20 =	spop (v2sf);
	v42 =	vld [tilespmem:s17+$0x6DC0]  }
0x1b4: {  	s30 =	spop (v2sf);
	v43 =	vld [tilespmem:s17+$0x8DC0]  }
0x1b5: {  	s8 =	spop (v2sf);
	v44 =	vld [tilespmem:s17+$0xADC0]  }
0x1b6: {  	[dreg:$0x14] =	wrdreg s8;
	s25 =	spop (v2sf);
	v45 =	vld [tilespmem:s17+$0xDD0]  }
0x1b7: {  	[dreg:$0x15] =	wrdreg s25;
	s26 =	spop (v2sf);
	v46 =	vld [tilespmem:s17+$0x2DD0]  }
0x1b8: {  	[dreg:$0x16] =	wrdreg s26;
	v47 =	vld [tilespmem:s17+$0x4DD0]  }
0x1b9: {  	v48 =	vld [tilespmem:s17+$0x6DD0]  }
0x1ba: {  	v49 =	vld [tilespmem:s17+$0x8DD0]  }
0x1bb: {  	v51 =	vld [tilespmem:s17+$0xDE0]  }
0x1bc: {  	v52 =	vld [tilespmem:s17+$0x2DE0]  }
0x1bd: {  	v54 =	vld [tilespmem:s17+$0x6DE0]  }
0x1be: {  	v55 =	vld [tilespmem:s17+$0x8DE0]  }
0x1bf: {  	v57 =	vld [tilespmem:s17+$0xDF0]  }
0x1c0: {  	v58 =	vld [tilespmem:s17+$0x2DF0]  }
0x1c1: {  	v59 =	vld [tilespmem:s17+$0x6DF0]  }
0x1c2: {  	v61 =	vld [tilespmem:s17+$0x8DF0];
	_ =	sdelay $0x1  }
0x1c3: {  	v50 =	vld [tilespmem:s17+$0xADD0];
	v7 =	vadd.f32 v40, v39;
	v10 =	vadd.f32 v43, v42  }
0x1c4: {  	v53 =	vld [tilespmem:s17+$0x4DE0];
	v60 =	vadd.f32 v46, v45;
	v62 =	vadd.f32 v49, v48  }
0x1c5: {  	v56 =	vld [tilespmem:s17+$0xADE0];
	v20 =	vadd.f32 v52, v51;
	v27 =	vadd.f32 v55, v54  }
0x1c6: {  	v63 =	vld [tilespmem:s17+$0x4DF0];
	v8 =	vadd.f32 v58, v57;
	v11 =	vadd.f32 v61, v59  }
0x1c7: {  	v26 =	vld [tilespmem:s17+$0xADF0];
	v7 =	vsub.f32 v7, v41;
	v9 =	vsub.f32 v60, v47  }
0x1c8: {  	v10 =	vsub.f32 v10, v44;
	v12 =	vsub.f32 v62, v50  }
0x1c9: {  	v15 =	vsub.f32 v20, v53;
	v7 =	vmul.f32 v7, v7;
	v9 =	vmul.f32 v9, v9  }
0x1ca: {  	v17 =	vsub.f32 v27, v56;
	v10 =	vmul.f32 v10, v10;
	v12 =	vmul.f32 v12, v12  }
0x1cb: {  	v8 =	vsub.f32 v8, v63;
	v28 =	vmul.f32 v15, v15;
	v7 =	vadd.f32 v9, v7  }
0x1cc: {  	v11 =	vsub.f32 v11, v26;
	v29 =	vmul.f32 v17, v17;
	v10 =	vadd.f32 v12, v10  }
0x1cd: {  	v8 =	vmul.f32 v8, v8;
	v7 =	vadd.f32 v28, v7  }
0x1ce: {  	v11 =	vmul.f32 v11, v11;
	v10 =	vadd.f32 v29, v10  }
0x1cf: {  	v7 =	vadd.f32 v8, v7  }
0x1d0: {  	v9 =	vld [tilespmem:$0xCC01];
	v10 =	vadd.f32 v11, v10  }
0x1d1: {  	v8 =	vld [tilespmem:$0xCC21];
	[tilespmem:$0xCC00] =	vst v7  }
0x1d2: {  	[tilespmem:$0xCC20] =	vst v10;
	v30 =	vld [tilespmem:$0xCC08]  }
0x1d3: {  	v31 =	vld [tilespmem:$0xCC28];
	_ =	sdelay $0x3  }
0x1d4: {  	v7 =	vadd.f32 v30, v7  }
0x1d5: {  	v10 =	vadd.f32 v31, v10  }
0x1d6: {  	[tilespmem:$0xCC00] =	vst v7  }
0x1d7: {  	[tilespmem:$0xCC20] =	vst v10;
	v32 =	vld [tilespmem:$0xCC04]  }
0x1d8: {  	v33 =	vld [tilespmem:$0xCC24];
	_ =	sdelay $0x3  }
0x1d9: {  	v7 =	vadd.f32 v32, v7  }
0x1da: {  	v34 =	vadd.f32 v33, v10  }
0x1db: {  	[tilespmem:$0xCC00] =	vst v7  }
0x1dc: {  	[tilespmem:$0xCC20] =	vst v34;
	v35 =	vld [tilespmem:$0xCC02]  }
0x1dd: {  	v36 =	vld [tilespmem:$0xCC22];
	_ =	sdelay $0x3  }
0x1de: {  	v10 =	vadd.f32 v35, v7  }
0x1df: {  	v7 =	vadd.f32 v36, v34  }
0x1e0: {  	[tilespmem:$0xCC00] =	vst v10  }
0x1e1: {  	[tilespmem:$0xCC20] =	vst v7  }
0x1e2: {  	v37 =	vld [tilespmem:s17+$0xE00]  }
0x1e3: {  	v38 =	vld [tilespmem:s17+$0x2E00]  }
0x1e4: {  	v39 =	vld [tilespmem:s17+$0x4E00]  }
0x1e5: {  	v40 =	vld [tilespmem:s17+$0x6E00]  }
0x1e6: {  	v41 =	vld [tilespmem:s17+$0x8E00]  }
0x1e7: {  	v42 =	vld [tilespmem:s17+$0xAE00]  }
0x1e8: {  	v43 =	vld [tilespmem:s17+$0xE10]  }
0x1e9: {  	v44 =	vld [tilespmem:s17+$0x2E10]  }
0x1ea: {  	v46 =	vld [tilespmem:s17+$0x6E10]  }
0x1eb: {  	v47 =	vld [tilespmem:s17+$0x8E10]  }
0x1ec: {  	v49 =	vld [tilespmem:s17+$0xE20]  }
0x1ed: {  	v50 =	vld [tilespmem:s17+$0x2E20]  }
0x1ee: {  	v52 =	vld [tilespmem:s17+$0x6E20]  }
0x1ef: {  	v53 =	vld [tilespmem:s17+$0x8E20]  }
0x1f0: {  	v55 =	vld [tilespmem:s17+$0xE30]  }
0x1f1: {  	v56 =	vld [tilespmem:s17+$0x2E30]  }
0x1f2: {  	v57 =	vld [tilespmem:s17+$0x6E30]  }
0x1f3: {  	v59 =	vld [tilespmem:s17+$0x8E30]  }
0x1f4: {  	v45 =	vld [tilespmem:s17+$0x4E10]  }
0x1f5: {  	v48 =	vld [tilespmem:s17+$0xAE10];
	v11 =	vadd.f32 v38, v37;
	v14 =	vadd.f32 v41, v40  }
0x1f6: {  	v51 =	vld [tilespmem:s17+$0x4E20];
	v58 =	vadd.f32 v44, v43;
	v60 =	vadd.f32 v47, v46  }
0x1f7: {  	v54 =	vld [tilespmem:s17+$0xAE20];
	v62 =	vadd.f32 v50, v49;
	v24 =	vadd.f32 v53, v52  }
0x1f8: {  	v61 =	vld [tilespmem:s17+$0x4E30];
	v12 =	vadd.f32 v56, v55;
	v15 =	vadd.f32 v59, v57  }
0x1f9: {  	v63 =	vld [tilespmem:s17+$0xAE30];
	v11 =	vsub.f32 v11, v39;
	v13 =	vsub.f32 v58, v45  }
0x1fa: {  	v14 =	vsub.f32 v14, v42;
	v16 =	vsub.f32 v60, v48  }
0x1fb: {  	v19 =	vsub.f32 v62, v51;
	v11 =	vmul.f32 v11, v11;
	v13 =	vmul.f32 v13, v13  }
0x1fc: {  	v21 =	vsub.f32 v24, v54;
	v14 =	vmul.f32 v14, v14;
	v16 =	vmul.f32 v16, v16  }
0x1fd: {  	v12 =	vsub.f32 v12, v61;
	v26 =	vmul.f32 v19, v19;
	v11 =	vadd.f32 v13, v11  }
0x1fe: {  	v15 =	vsub.f32 v15, v63;
	v27 =	vmul.f32 v21, v21;
	v14 =	vadd.f32 v16, v14  }
0x1ff: {  	v12 =	vmul.f32 v12, v12;
	v11 =	vadd.f32 v26, v11  }
0x200: {  	v29 =	vmul.f32 v15, v15;
	v28 =	vadd.f32 v27, v14  }
0x201: {  	v30 =	vadd.f32 v12, v11  }
0x202: {  	v12 =	vld [tilespmem:$0xCC01];
	v13 =	vadd.f32 v29, v28  }
0x203: {  	v11 =	vld [tilespmem:$0xCC21];
	[tilespmem:$0xCC00] =	vst v30  }
0x204: {  	[tilespmem:$0xCC20] =	vst v13;
	v31 =	vld [tilespmem:$0xCC08]  }
0x205: {  	v32 =	vld [tilespmem:$0xCC28];
	_ =	sdelay $0x3  }
0x206: {  	v14 =	vadd.f32 v31, v30  }
0x207: {  	v13 =	vadd.f32 v32, v13  }
0x208: {  	[tilespmem:$0xCC00] =	vst v14  }
0x209: {  	[tilespmem:$0xCC20] =	vst v13;
	v33 =	vld [tilespmem:$0xCC04]  }
0x20a: {  	v34 =	vld [tilespmem:$0xCC24];
	_ =	sdelay $0x3  }
0x20b: {  	v14 =	vadd.f32 v33, v14  }
0x20c: {  	v13 =	vadd.f32 v34, v13  }
0x20d: {  	[tilespmem:$0xCC00] =	vst v14  }
0x20e: {  	[tilespmem:$0xCC20] =	vst v13;
	v35 =	vld [tilespmem:$0xCC02]  }
0x20f: {  	v36 =	vld [tilespmem:$0xCC22];
	_ =	sdelay $0x3  }
0x210: {  	v14 =	vadd.f32 v35, v14  }
0x211: {  	v13 =	vadd.f32 v36, v13  }
0x212: {  	[tilespmem:$0xCC00] =	vst v14  }
0x213: {  	[tilespmem:$0xCC20] =	vst v13  }
0x214: {  	v37 =	vld [tilespmem:s17+$0xE40]  }
0x215: {  	v38 =	vld [tilespmem:s17+$0x2E40]  }
0x216: {  	v39 =	vld [tilespmem:s17+$0x4E40]  }
0x217: {  	v40 =	vld [tilespmem:s17+$0x6E40]  }
0x218: {  	v41 =	vld [tilespmem:s17+$0x8E40]  }
0x219: {  	v42 =	vld [tilespmem:s17+$0xAE40]  }
0x21a: {  	v43 =	vld [tilespmem:s17+$0xE50]  }
0x21b: {  	v44 =	vld [tilespmem:s17+$0x2E50]  }
0x21c: {  	v46 =	vld [tilespmem:s17+$0x6E50]  }
0x21d: {  	v47 =	vld [tilespmem:s17+$0x8E50]  }
0x21e: {  	v49 =	vld [tilespmem:s17+$0xE60]  }
0x21f: {  	v50 =	vld [tilespmem:s17+$0x2E60]  }
0x220: {  	v52 =	vld [tilespmem:s17+$0x6E60]  }
0x221: {  	v53 =	vld [tilespmem:s17+$0x8E60]  }
0x222: {  	v55 =	vld [tilespmem:s17+$0xE70]  }
0x223: {  	v56 =	vld [tilespmem:s17+$0x2E70]  }
0x224: {  	v57 =	vld [tilespmem:s17+$0x6E70]  }
0x225: {  	v59 =	vld [tilespmem:s17+$0x8E70]  }
0x226: {  	v45 =	vld [tilespmem:s17+$0x4E50]  }
0x227: {  	v48 =	vld [tilespmem:s17+$0xAE50];
	v15 =	vadd.f32 v38, v37;
	v18 =	vadd.f32 v41, v40  }
0x228: {  	v51 =	vld [tilespmem:s17+$0x4E60];
	v58 =	vadd.f32 v44, v43;
	v60 =	vadd.f32 v47, v46  }
0x229: {  	v54 =	vld [tilespmem:s17+$0xAE60];
	v62 =	vadd.f32 v50, v49;
	v28 =	vadd.f32 v53, v52  }
0x22a: {  	v61 =	vld [tilespmem:s17+$0x4E70];
	v16 =	vadd.f32 v56, v55;
	v19 =	vadd.f32 v59, v57  }
0x22b: {  	v63 =	vld [tilespmem:s17+$0xAE70];
	v15 =	vsub.f32 v15, v39;
	v17 =	vsub.f32 v58, v45  }
0x22c: {  	v18 =	vsub.f32 v18, v42;
	v20 =	vsub.f32 v60, v48  }
0x22d: {  	v23 =	vsub.f32 v62, v51;
	v15 =	vmul.f32 v15, v15;
	v17 =	vmul.f32 v17, v17  }
0x22e: {  	v25 =	vsub.f32 v28, v54;
	v18 =	vmul.f32 v18, v18;
	v20 =	vmul.f32 v20, v20  }
0x22f: {  	v16 =	vsub.f32 v16, v61;
	v30 =	vmul.f32 v23, v23;
	v15 =	vadd.f32 v17, v15  }
0x230: {  	v19 =	vsub.f32 v19, v63;
	v31 =	vmul.f32 v25, v25;
	v18 =	vadd.f32 v20, v18  }
0x231: {  	v16 =	vmul.f32 v16, v16;
	v15 =	vadd.f32 v30, v15  }
0x232: {  	v33 =	vmul.f32 v19, v19;
	v32 =	vadd.f32 v31, v18  }
0x233: {  	v34 =	vadd.f32 v16, v15  }
0x234: {  	v16 =	vld [tilespmem:$0xCC01];
	v17 =	vadd.f32 v33, v32  }
0x235: {  	v15 =	vld [tilespmem:$0xCC21];
	[tilespmem:$0xCC00] =	vst v34  }
0x236: {  	[tilespmem:$0xCC20] =	vst v17;
	v35 =	vld [tilespmem:$0xCC08]  }
0x237: {  	v36 =	vld [tilespmem:$0xCC28];
	_ =	sdelay $0x3  }
0x238: {  	v18 =	vadd.f32 v35, v34  }
0x239: {  	v17 =	vadd.f32 v36, v17  }
0x23a: {  	[tilespmem:$0xCC00] =	vst v18  }
0x23b: {  	[tilespmem:$0xCC20] =	vst v17;
	v37 =	vld [tilespmem:$0xCC04]  }
0x23c: {  	v38 =	vld [tilespmem:$0xCC24];
	_ =	sdelay $0x3  }
0x23d: {  	v18 =	vadd.f32 v37, v18  }
0x23e: {  	v17 =	vadd.f32 v38, v17  }
0x23f: {  	[tilespmem:$0xCC00] =	vst v18  }
0x240: {  	[tilespmem:$0xCC20] =	vst v17;
	v39 =	vld [tilespmem:$0xCC02]  }
0x241: {  	v40 =	vld [tilespmem:$0xCC22];
	_ =	sdelay $0x3  }
0x242: {  	v18 =	vadd.f32 v39, v18  }
0x243: {  	v17 =	vadd.f32 v40, v17  }
0x244: {  	[tilespmem:$0xCC00] =	vst v18  }
0x245: {  	[tilespmem:$0xCC20] =	vst v17  }
0x246: {  	v41 =	vld [tilespmem:s17+$0xE80]  }
0x247: {  	v42 =	vld [tilespmem:s17+$0x2E80]  }
0x248: {  	v43 =	vld [tilespmem:s17+$0x4E80]  }
0x249: {  	v44 =	vld [tilespmem:s17+$0x6E80]  }
0x24a: {  	v45 =	vld [tilespmem:s17+$0x8E80]  }
0x24b: {  	v46 =	vld [tilespmem:s17+$0xAE80]  }
0x24c: {  	v47 =	vld [tilespmem:s17+$0xE90]  }
0x24d: {  	v48 =	vld [tilespmem:s17+$0x2E90]  }
0x24e: {  	v50 =	vld [tilespmem:s17+$0x6E90]  }
0x24f: {  	v51 =	vld [tilespmem:s17+$0x8E90]  }
0x250: {  	v53 =	vld [tilespmem:s17+$0xEA0]  }
0x251: {  	v54 =	vld [tilespmem:s17+$0x2EA0]  }
0x252: {  	v34 =	vld [tilespmem:s17+$0x6EA0]  }
0x253: {  	v35 =	vld [tilespmem:s17+$0x8EA0]  }
0x254: {  	v37 =	vld [tilespmem:s17+$0xEB0]  }
0x255: {  	v56 =	vld [tilespmem:s17+$0x2EB0]  }
0x256: {  	v57 =	vld [tilespmem:s17+$0x6EB0]  }
0x257: {  	v59 =	vld [tilespmem:s17+$0x8EB0]  }
0x258: {  	v49 =	vld [tilespmem:s17+$0x4E90]  }
0x259: {  	v52 =	vld [tilespmem:s17+$0xAE90];
	v19 =	vadd.f32 v42, v41;
	v22 =	vadd.f32 v45, v44  }
0x25a: {  	v55 =	vld [tilespmem:s17+$0x4EA0];
	v58 =	vadd.f32 v48, v47;
	v60 =	vadd.f32 v51, v50  }
0x25b: {  	v36 =	vld [tilespmem:s17+$0xAEA0];
	v62 =	vadd.f32 v54, v53;
	v32 =	vadd.f32 v35, v34  }
0x25c: {  	v61 =	vld [tilespmem:s17+$0x4EB0];
	v20 =	vadd.f32 v56, v37;
	v23 =	vadd.f32 v59, v57  }
0x25d: {  	v63 =	vld [tilespmem:s17+$0xAEB0];
	v19 =	vsub.f32 v19, v43;
	v21 =	vsub.f32 v58, v49  }
0x25e: {  	v22 =	vsub.f32 v22, v46;
	v24 =	vsub.f32 v60, v52  }
0x25f: {  	v27 =	vsub.f32 v62, v55;
	v19 =	vmul.f32 v19, v19;
	v21 =	vmul.f32 v21, v21  }
0x260: {  	v29 =	vsub.f32 v32, v36;
	v22 =	vmul.f32 v22, v22;
	v24 =	vmul.f32 v24, v24  }
0x261: {  	v20 =	vsub.f32 v20, v61;
	v34 =	vmul.f32 v27, v27;
	v19 =	vadd.f32 v21, v19  }
0x262: {  	v23 =	vsub.f32 v23, v63;
	v35 =	vmul.f32 v29, v29;
	v22 =	vadd.f32 v24, v22  }
0x263: {  	v20 =	vmul.f32 v20, v20;
	v19 =	vadd.f32 v34, v19  }
0x264: {  	v37 =	vmul.f32 v23, v23;
	v36 =	vadd.f32 v35, v22  }
0x265: {  	v38 =	vadd.f32 v20, v19  }
0x266: {  	v20 =	vld [tilespmem:$0xCC01];
	v21 =	vadd.f32 v37, v36  }
0x267: {  	v19 =	vld [tilespmem:$0xCC21];
	[tilespmem:$0xCC00] =	vst v38  }
0x268: {  	[tilespmem:$0xCC20] =	vst v21;
	v39 =	vld [tilespmem:$0xCC08]  }
0x269: {  	v40 =	vld [tilespmem:$0xCC28];
	_ =	sdelay $0x3  }
0x26a: {  	v22 =	vadd.f32 v39, v38  }
0x26b: {  	v21 =	vadd.f32 v40, v21  }
0x26c: {  	[tilespmem:$0xCC00] =	vst v22  }
0x26d: {  	[tilespmem:$0xCC20] =	vst v21;
	v41 =	vld [tilespmem:$0xCC04]  }
0x26e: {  	v42 =	vld [tilespmem:$0xCC24];
	_ =	sdelay $0x3  }
0x26f: {  	v22 =	vadd.f32 v41, v22  }
0x270: {  	v21 =	vadd.f32 v42, v21  }
0x271: {  	[tilespmem:$0xCC00] =	vst v22  }
0x272: {  	[tilespmem:$0xCC20] =	vst v21;
	v43 =	vld [tilespmem:$0xCC02]  }
0x273: {  	v44 =	vld [tilespmem:$0xCC22];
	_ =	sdelay $0x3  }
0x274: {  	v22 =	vadd.f32 v43, v22  }
0x275: {  	v21 =	vadd.f32 v44, v21  }
0x276: {  	[tilespmem:$0xCC00] =	vst v22  }
0x277: {  	[tilespmem:$0xCC20] =	vst v21  }
0x278: {  	v45 =	vld [tilespmem:s17+$0xEC0]  }
0x279: {  	v46 =	vld [tilespmem:s17+$0x2EC0]  }
0x27a: {  	v47 =	vld [tilespmem:s17+$0x4EC0]  }
0x27b: {  	v48 =	vld [tilespmem:s17+$0x6EC0]  }
0x27c: {  	v49 =	vld [tilespmem:s17+$0x8EC0]  }
0x27d: {  	v50 =	vld [tilespmem:s17+$0xAEC0]  }
0x27e: {  	v51 =	vld [tilespmem:s17+$0xED0]  }
0x27f: {  	v52 =	vld [tilespmem:s17+$0x2ED0]  }
0x280: {  	v54 =	vld [tilespmem:s17+$0x6ED0]  }
0x281: {  	v55 =	vld [tilespmem:s17+$0x8ED0]  }
0x282: {  	v57 =	vld [tilespmem:s17+$0xEE0]  }
0x283: {  	v58 =	vld [tilespmem:s17+$0x2EE0]  }
0x284: {  	v38 =	vld [tilespmem:s17+$0x6EE0]  }
0x285: {  	v39 =	vld [tilespmem:s17+$0x8EE0]  }
0x286: {  	v41 =	vld [tilespmem:s17+$0xEF0]  }
0x287: {  	v60 =	vld [tilespmem:s17+$0x2EF0]  }
0x288: {  	v61 =	vld [tilespmem:s17+$0x6EF0]  }
0x289: {  	v63 =	vld [tilespmem:s17+$0x8EF0]  }
0x28a: {  	v53 =	vld [tilespmem:s17+$0x4ED0]  }
0x28b: {  	v56 =	vld [tilespmem:s17+$0xAED0];
	v23 =	vadd.f32 v46, v45;
	v26 =	vadd.f32 v49, v48  }
0x28c: {  	v59 =	vld [tilespmem:s17+$0x4EE0];
	v62 =	vadd.f32 v52, v51;
	v42 =	vadd.f32 v55, v54  }
0x28d: {  	v40 =	vld [tilespmem:s17+$0xAEE0];
	v44 =	vadd.f32 v58, v57;
	v46 =	vadd.f32 v39, v38  }
0x28e: {  	v43 =	vld [tilespmem:s17+$0x4EF0];
	v24 =	vadd.f32 v60, v41;
	v27 =	vadd.f32 v63, v61  }
0x28f: {  	v45 =	vld [tilespmem:s17+$0xAEF0];
	v23 =	vsub.f32 v23, v47;
	v25 =	vsub.f32 v62, v53  }
0x290: {  	v26 =	vsub.f32 v26, v50;
	v28 =	vsub.f32 v42, v56  }
0x291: {  	v31 =	vsub.f32 v44, v59;
	v23 =	vmul.f32 v23, v23;
	v25 =	vmul.f32 v25, v25  }
0x292: {  	v33 =	vsub.f32 v46, v40;
	v26 =	vmul.f32 v26, v26;
	v28 =	vmul.f32 v28, v28  }
0x293: {  	v24 =	vsub.f32 v24, v43;
	v47 =	vmul.f32 v31, v31;
	v23 =	vadd.f32 v25, v23  }
0x294: {  	v48 =	vmul.f32 v33, v33;
	v27 =	vsub.f32 v27, v45;
	v26 =	vadd.f32 v28, v26  }
0x295: {  	v24 =	vmul.f32 v24, v24;
	v23 =	vadd.f32 v47, v23  }
0x296: {  	v50 =	vmul.f32 v27, v27;
	v49 =	vadd.f32 v48, v26  }
0x297: {  	v51 =	vadd.f32 v24, v23  }
0x298: {  	v24 =	vld [tilespmem:$0xCC01];
	v25 =	vadd.f32 v50, v49  }
0x299: {  	v23 =	vld [tilespmem:$0xCC21];
	[tilespmem:$0xCC00] =	vst v51  }
0x29a: {  	[tilespmem:$0xCC20] =	vst v25;
	v52 =	vld [tilespmem:$0xCC08]  }
0x29b: {  	v53 =	vld [tilespmem:$0xCC28];
	_ =	sdelay $0x3  }
0x29c: {  	v26 =	vadd.f32 v52, v51  }
0x29d: {  	v25 =	vadd.f32 v53, v25  }
0x29e: {  	[tilespmem:$0xCC00] =	vst v26  }
0x29f: {  	[tilespmem:$0xCC20] =	vst v25;
	v54 =	vld [tilespmem:$0xCC04]  }
0x2a0: {  	v55 =	vld [tilespmem:$0xCC24];
	_ =	sdelay $0x3  }
0x2a1: {  	v26 =	vadd.f32 v54, v26  }
0x2a2: {  	v25 =	vadd.f32 v55, v25  }
0x2a3: {  	[tilespmem:$0xCC00] =	vst v26  }
0x2a4: {  	[tilespmem:$0xCC20] =	vst v25;
	v56 =	vld [tilespmem:$0xCC02]  }
0x2a5: {  	v57 =	vld [tilespmem:$0xCC22];
	_ =	sdelay $0x3  }
0x2a6: {  	v26 =	vadd.f32 v56, v26  }
0x2a7: {  	v25 =	vadd.f32 v57, v25  }
0x2a8: {  	[tilespmem:$0xCC00] =	vst v26  }
0x2a9: {  	[tilespmem:$0xCC20] =	vst v25  }
0x2aa: {  	v58 =	vld [tilespmem:s17+$0xF00]  }
0x2ab: {  	v59 =	vld [tilespmem:s17+$0x2F00]  }
0x2ac: {  	v60 =	vld [tilespmem:s17+$0x4F00]  }
0x2ad: {  	v61 =	vld [tilespmem:s17+$0x6F00]  }
0x2ae: {  	v62 =	vld [tilespmem:s17+$0x8F00]  }
0x2af: {  	v63 =	vld [tilespmem:s17+$0xAF00]  }
0x2b0: {  	v48 =	vld [tilespmem:s17+$0xF10]  }
0x2b1: {  	v49 =	vld [tilespmem:s17+$0x2F10]  }
0x2b2: {  	v50 =	vld [tilespmem:s17+$0x4F10]  }
0x2b3: {  	v51 =	vld [tilespmem:s17+$0x6F10]  }
0x2b4: {  	v52 =	vld [tilespmem:s17+$0x8F10]  }
0x2b5: {  	v53 =	vld [tilespmem:s17+$0xAF10]  }
0x2b6: {  	v54 =	vld [tilespmem:s17+$0xF20]  }
0x2b7: {  	v55 =	vld [tilespmem:s17+$0x2F20]  }
0x2b8: {  	v42 =	vld [tilespmem:s17+$0x6F20]  }
0x2b9: {  	v43 =	vld [tilespmem:s17+$0x8F20]  }
0x2ba: {  	v45 =	vld [tilespmem:s17+$0xF30]  }
0x2bb: {  	v57 =	vld [tilespmem:s17+$0x2F30]  }
0x2bc: {  	v56 =	vld [tilespmem:s17+$0x4F20]  }
0x2bd: {  	v44 =	vld [tilespmem:s17+$0xAF20];
	v27 =	vadd.f32 v59, v58;
	v30 =	vadd.f32 v62, v61  }
0x2be: {  	v58 =	vld [tilespmem:s17+$0x6F30];
	v59 =	vadd.f32 v49, v48;
	v61 =	vadd.f32 v52, v51  }
0x2bf: {  	v43 =	vadd.f32 v43, v42;
	v27 =	vsub.f32 v27, v60;
	v60 =	vld [tilespmem:s17+$0x8F30]  }
0x2c0: {  	v62 =	vld [tilespmem:s17+$0x4F30];
	v28 =	vadd.f32 v57, v45;
	v30 =	vsub.f32 v30, v63  }
0x2c1: {  	v40 =	vld [tilespmem:s17+$0xAF30];
	v29 =	vsub.f32 v59, v50;
	v63 =	vadd.f32 v55, v54  }
0x2c2: {  	v32 =	vsub.f32 v61, v53;
	v37 =	vsub.f32 v43, v44  }
0x2c3: {  	v27 =	vmul.f32 v27, v27;
	v29 =	vmul.f32 v29, v29;
	v35 =	vsub.f32 v63, v56  }
0x2c4: {  	v30 =	vmul.f32 v30, v30;
	v32 =	vmul.f32 v32, v32;
	v31 =	vadd.f32 v60, v58  }
0x2c5: {  	v28 =	vsub.f32 v28, v62;
	v27 =	vadd.f32 v29, v27;
	v45 =	vmul.f32 v35, v35  }
0x2c6: {  	v46 =	vmul.f32 v37, v37;
	v30 =	vadd.f32 v32, v30;
	v31 =	vsub.f32 v31, v40  }
0x2c7: {  	v28 =	vmul.f32 v28, v28;
	v27 =	vadd.f32 v45, v27  }
0x2c8: {  	v47 =	vadd.f32 v46, v30;
	v48 =	vmul.f32 v31, v31  }
0x2c9: {  	v49 =	vadd.f32 v28, v27  }
0x2ca: {  	v28 =	vld [tilespmem:$0xCC01];
	v29 =	vadd.f32 v48, v47  }
0x2cb: {  	v27 =	vld [tilespmem:$0xCC21];
	[tilespmem:$0xCC00] =	vst v49  }
0x2cc: {  	v50 =	vld [tilespmem:$0xCC08];
	[tilespmem:$0xCC20] =	vst v29  }
0x2cd: {  	v51 =	vld [tilespmem:$0xCC28];
	_ =	sdelay $0x3  }
0x2ce: {  	v30 =	vadd.f32 v50, v49  }
0x2cf: {  	v29 =	vadd.f32 v51, v29  }
0x2d0: {  	[tilespmem:$0xCC00] =	vst v30  }
0x2d1: {  	v52 =	vld [tilespmem:$0xCC04];
	[tilespmem:$0xCC20] =	vst v29  }
0x2d2: {  	v53 =	vld [tilespmem:$0xCC24];
	_ =	sdelay $0x3  }
0x2d3: {  	v30 =	vadd.f32 v52, v30  }
0x2d4: {  	v29 =	vadd.f32 v53, v29  }
0x2d5: {  	[tilespmem:$0xCC00] =	vst v30  }
0x2d6: {  	v54 =	vld [tilespmem:$0xCC02];
	[tilespmem:$0xCC20] =	vst v29  }
0x2d7: {  	v55 =	vld [tilespmem:$0xCC22];
	_ =	sdelay $0x3  }
0x2d8: {  	v30 =	vadd.f32 v54, v30  }
0x2d9: {  	v29 =	vadd.f32 v55, v29  }
0x2da: {  	[tilespmem:$0xCC00] =	vst v30  }
0x2db: {  	[tilespmem:$0xCC20] =	vst v29  }
0x2dc: {  	v56 =	vld [tilespmem:s17+$0xF40]  }
0x2dd: {  	v57 =	vld [tilespmem:s17+$0x2F40]  }
0x2de: {  	v33 =	vld [tilespmem:s17+$0x4F40]  }
0x2df: {  	v58 =	vld [tilespmem:s17+$0x6F40]  }
0x2e0: {  	v59 =	vld [tilespmem:s17+$0x8F40]  }
0x2e1: {  	v36 =	vld [tilespmem:s17+$0xAF40]  }
0x2e2: {  	v60 =	vld [tilespmem:s17+$0xF50]  }
0x2e3: {  	v61 =	vld [tilespmem:s17+$0x2F50]  }
0x2e4: {  	v39 =	vld [tilespmem:s17+$0x4F50]  }
0x2e5: {  	v62 =	vld [tilespmem:s17+$0x6F50]  }
0x2e6: {  	v63 =	vld [tilespmem:s17+$0x8F50]  }
0x2e7: {  	v52 =	vld [tilespmem:s17+$0xAF50]  }
0x2e8: {  	v53 =	vld [tilespmem:s17+$0xF60]  }
0x2e9: {  	v54 =	vld [tilespmem:s17+$0x2F60]  }
0x2ea: {  	v55 =	vld [tilespmem:s17+$0x4F60]  }
0x2eb: {  	v46 =	vld [tilespmem:s17+$0x6F60]  }
0x2ec: {  	v47 =	vld [tilespmem:s17+$0x8F60]  }
0x2ed: {  	v48 =	vld [tilespmem:s17+$0xAF60]  }
0x2ee: {  	v49 =	vld [tilespmem:s17+$0xF70]  }
0x2ef: {  	v31 =	vadd.f32 v57, v56;
	v56 =	vld [tilespmem:s17+$0x2F70];
	v34 =	vadd.f32 v59, v58  }
0x2f0: {  	v57 =	vld [tilespmem:s17+$0x6F70];
	v58 =	vadd.f32 v61, v60;
	v60 =	vadd.f32 v63, v62  }
0x2f1: {  	v59 =	vld [tilespmem:s17+$0x8F70];
	v62 =	vadd.f32 v54, v53;
	v44 =	vadd.f32 v47, v46  }
0x2f2: {  	v61 =	vld [tilespmem:s17+$0x4F70];
	v31 =	vsub.f32 v31, v33;
	v34 =	vsub.f32 v34, v36  }
0x2f3: {  	v63 =	vld [tilespmem:s17+$0xAF70];
	v33 =	vsub.f32 v58, v39;
	v36 =	vsub.f32 v60, v52  }
0x2f4: {  	v39 =	vsub.f32 v62, v55;
	v41 =	vsub.f32 v44, v48  }
0x2f5: {  	v31 =	vmul.f32 v31, v31;
	v33 =	vmul.f32 v33, v33;
	v32 =	vadd.f32 v56, v49  }
0x2f6: {  	v34 =	vmul.f32 v34, v34;
	v36 =	vmul.f32 v36, v36;
	v35 =	vadd.f32 v59, v57  }
0x2f7: {  	v45 =	vmul.f32 v39, v39;
	v31 =	vadd.f32 v33, v31;
	v32 =	vsub.f32 v32, v61  }
0x2f8: {  	v46 =	vmul.f32 v41, v41;
	v34 =	vadd.f32 v36, v34;
	v35 =	vsub.f32 v35, v63  }
0x2f9: {  	v31 =	vadd.f32 v45, v31;
	v32 =	vmul.f32 v32, v32  }
0x2fa: {  	v47 =	vadd.f32 v46, v34;
	v48 =	vmul.f32 v35, v35  }
0x2fb: {  	v49 =	vadd.f32 v32, v31  }
0x2fc: {  	v32 =	vld [tilespmem:$0xCC01];
	v33 =	vadd.f32 v48, v47  }
0x2fd: {  	v31 =	vld [tilespmem:$0xCC21];
	[tilespmem:$0xCC00] =	vst v49  }
0x2fe: {  	[tilespmem:$0xCC20] =	vst v33;
	v50 =	vld [tilespmem:$0xCC08]  }
0x2ff: {  	v51 =	vld [tilespmem:$0xCC28];
	_ =	sdelay $0x3  }
0x300: {  	v34 =	vadd.f32 v50, v49  }
0x301: {  	v33 =	vadd.f32 v51, v33  }
0x302: {  	[tilespmem:$0xCC00] =	vst v34  }
0x303: {  	[tilespmem:$0xCC20] =	vst v33;
	v52 =	vld [tilespmem:$0xCC04]  }
0x304: {  	v53 =	vld [tilespmem:$0xCC24];
	_ =	sdelay $0x3  }
0x305: {  	v34 =	vadd.f32 v52, v34  }
0x306: {  	v33 =	vadd.f32 v53, v33  }
0x307: {  	[tilespmem:$0xCC00] =	vst v34  }
0x308: {  	[tilespmem:$0xCC20] =	vst v33;
	v54 =	vld [tilespmem:$0xCC02]  }
0x309: {  	v55 =	vld [tilespmem:$0xCC22];
	_ =	sdelay $0x3  }
0x30a: {  	v34 =	vadd.f32 v54, v34  }
0x30b: {  	v33 =	vadd.f32 v55, v33  }
0x30c: {  	[tilespmem:$0xCC00] =	vst v34  }
0x30d: {  	[tilespmem:$0xCC20] =	vst v33  }
0x30e: {  	v35 =	vld [tilespmem:s17+$0xF80]  }
0x30f: {  	v36 =	vld [tilespmem:s17+$0x2F80]  }
0x310: {  	v37 =	vld [tilespmem:s17+$0x4F80]  }
0x311: {  	v38 =	vld [tilespmem:s17+$0x6F80]  }
0x312: {  	v56 =	vld [tilespmem:s17+$0x8F80]  }
0x313: {  	v40 =	vld [tilespmem:s17+$0xAF80]  }
0x314: {  	v57 =	vld [tilespmem:s17+$0xF90]  }
0x315: {  	v58 =	vld [tilespmem:s17+$0x2F90]  }
0x316: {  	v43 =	vld [tilespmem:s17+$0x4F90]  }
0x317: {  	v59 =	vld [tilespmem:s17+$0x6F90]  }
0x318: {  	v60 =	vld [tilespmem:s17+$0x8F90]  }
0x319: {  	v61 =	vld [tilespmem:s17+$0xAF90]  }
0x31a: {  	v62 =	vld [tilespmem:s17+$0xFA0]  }
0x31b: {  	v63 =	vld [tilespmem:s17+$0x2FA0]  }
0x31c: {  	v49 =	vld [tilespmem:s17+$0x4FA0]  }
0x31d: {  	v50 =	vld [tilespmem:s17+$0x6FA0]  }
0x31e: {  	v51 =	vld [tilespmem:s17+$0x8FA0]  }
0x31f: {  	v52 =	vld [tilespmem:s17+$0xAFA0]  }
0x320: {  	v53 =	vld [tilespmem:s17+$0xFB0]  }
0x321: {  	v55 =	vld [tilespmem:s17+$0x2FB0];
	v35 =	vadd.f32 v36, v35  }
0x322: {  	v38 =	vadd.f32 v56, v38;
	v56 =	vadd.f32 v58, v57;
	v57 =	vld [tilespmem:s17+$0x6FB0]  }
0x323: {  	v58 =	vadd.f32 v60, v59;
	v59 =	vld [tilespmem:s17+$0x8FB0];
	v35 =	vsub.f32 v35, v37  }
0x324: {  	v60 =	vld [tilespmem:s17+$0x4FB0];
	v38 =	vsub.f32 v38, v40;
	v39 =	vsub.f32 v56, v43  }
0x325: {  	v37 =	vsub.f32 v58, v61;
	v61 =	vadd.f32 v63, v62;
	v62 =	vld [tilespmem:s17+$0xAFB0]  }
0x326: {  	v36 =	vadd.f32 v55, v53;
	v63 =	vadd.f32 v51, v50;
	v35 =	vmul.f32 v35, v35  }
0x327: {  	v38 =	vmul.f32 v38, v38;
	v39 =	vmul.f32 v39, v39;
	v43 =	vsub.f32 v61, v49  }
0x328: {  	v37 =	vmul.f32 v37, v37;
	v45 =	vsub.f32 v63, v52;
	v41 =	vadd.f32 v59, v57  }
0x329: {  	v36 =	vsub.f32 v36, v60;
	v35 =	vadd.f32 v39, v35;
	v46 =	vmul.f32 v43, v43  }
0x32a: {  	v37 =	vadd.f32 v37, v38;
	v47 =	vmul.f32 v45, v45;
	v48 =	vsub.f32 v41, v62  }
0x32b: {  	v36 =	vmul.f32 v36, v36;
	v35 =	vadd.f32 v46, v35  }
0x32c: {  	v37 =	vadd.f32 v47, v37;
	v49 =	vmul.f32 v48, v48  }
0x32d: {  	v39 =	vadd.f32 v36, v35  }
0x32e: {  	v36 =	vld [tilespmem:$0xCC01];
	v37 =	vadd.f32 v49, v37  }
0x32f: {  	v35 =	vld [tilespmem:$0xCC21];
	[tilespmem:$0xCC00] =	vst v39  }
0x330: {  	v50 =	vld [tilespmem:$0xCC08];
	[tilespmem:$0xCC20] =	vst v37  }
0x331: {  	v51 =	vld [tilespmem:$0xCC28];
	_ =	sdelay $0x3  }
0x332: {  	v38 =	vadd.f32 v50, v39  }
0x333: {  	v37 =	vadd.f32 v51, v37  }
0x334: {  	[tilespmem:$0xCC00] =	vst v38  }
0x335: {  	v52 =	vld [tilespmem:$0xCC04];
	[tilespmem:$0xCC20] =	vst v37  }
0x336: {  	v53 =	vld [tilespmem:$0xCC24];
	_ =	sdelay $0x3  }
0x337: {  	v38 =	vadd.f32 v52, v38  }
0x338: {  	v37 =	vadd.f32 v53, v37  }
0x339: {  	[tilespmem:$0xCC00] =	vst v38  }
0x33a: {  	v54 =	vld [tilespmem:$0xCC02];
	[tilespmem:$0xCC20] =	vst v37  }
0x33b: {  	v55 =	vld [tilespmem:$0xCC22];
	_ =	sdelay $0x3  }
0x33c: {  	v38 =	vadd.f32 v54, v38  }
0x33d: {  	v37 =	vadd.f32 v55, v37  }
0x33e: {  	[tilespmem:$0xCC00] =	vst v38  }
0x33f: {  	[tilespmem:$0xCC20] =	vst v37  }
0x340: {  	v56 =	vld [tilespmem:s17+$0xFC0]  }
0x341: {  	v57 =	vld [tilespmem:s17+$0x2FC0]  }
0x342: {  	v41 =	vld [tilespmem:s17+$0x4FC0]  }
0x343: {  	v42 =	vld [tilespmem:s17+$0x6FC0]  }
0x344: {  	v58 =	vld [tilespmem:s17+$0x8FC0]  }
0x345: {  	v44 =	vld [tilespmem:s17+$0xAFC0]  }
0x346: {  	(v2sf) =	vpush v2, $0x0;
	v59 =	vld [tilespmem:s17+$0xFD0]  }
0x347: {  	(v2sf) =	vpush v4, $0x0;
	v60 =	vld [tilespmem:s17+$0x2FD0]  }
0x348: {  	(v2sf) =	vpush v1, $0x0;
	v61 =	vld [tilespmem:s17+$0x4FD0]  }
0x349: {  	(v2sf) =	vpush v3, $0x0;
	v62 =	vld [tilespmem:s17+$0x6FD0]  }
0x34a: {  	(v2sf) =	vpush v6, $0x0;
	v63 =	vld [tilespmem:s17+$0x8FD0]  }
0x34b: {  	(v2sf) =	vpush v9, $0x0;
	v2 =	vld [tilespmem:s17+$0xAFD0]  }
0x34c: {  	(v2sf) =	vpush v5, $0x0;
	v50 =	vld [tilespmem:s17+$0xFE0]  }
0x34d: {  	(v2sf) =	vpush v8, $0x0;
	v1 =	vld [tilespmem:s17+$0x2FE0]  }
0x34e: {  	(v2sf) =	vpush v10, $0x0;
	v3 =	vld [tilespmem:s17+$0x4FE0]  }
0x34f: {  	(v2sf) =	vpush v12, $0x0;
	v51 =	vld [tilespmem:s17+$0x6FE0]  }
0x350: {  	(v2sf) =	vpush v7, $0x0;
	v55 =	vld [tilespmem:s17+$0xFF0]  }
0x351: {  	(v2sf) =	vpush v11, $0x0;
	v54 =	vadd.f32 v57, v56;
	v57 =	vld [tilespmem:s17+$0x2FF0]  }
0x352: {  	(v2sf) =	vpush v14, $0x0;
	v52 =	vld [tilespmem:s17+$0x8FE0];
	v56 =	vadd.f32 v60, v59  }
0x353: {  	v58 =	vadd.f32 v58, v42;
	v59 =	vld [tilespmem:s17+$0x4FF0];
	v1 =	vadd.f32 v1, v50  }
0x354: {  	v53 =	vld [tilespmem:s17+$0xAFE0];
	v8 =	vsub.f32 v54, v41;
	v10 =	vsub.f32 v56, v61  }
0x355: {  	v60 =	vadd.f32 v63, v62;
	v62 =	vld [tilespmem:s17+$0x8FF0];
	v1 =	vsub.f32 v1, v3  }
0x356: {  	v61 =	vld [tilespmem:s17+$0x6FF0];
	v8 =	vmul.f32 v8, v8;
	v10 =	vmul.f32 v10, v10;
	v40 =	vadd.f32 v57, v55  }
0x357: {  	s13 =	sadd.f32 s13, s12;
	(v2sf) =	vpush v16, $0x0;
	v41 =	vsub.f32 v58, v44  }
0x358: {  	s12 =	sadd.f32 s20, s18;
	v63 =	vld [tilespmem:s17+$0xAFF0];
	v1 =	vmul.f32 v1, v1;
	v8 =	vadd.f32 v10, v8;
	v43 =	vsub.f32 v40, v59  }
0x359: {  	s8 =	sadd.f32 s6, s5;
	v2 =	vsub.f32 v60, v2;
	v3 =	vadd.f32 v52, v51  }
0x35a: {  	s6 =	sadd.f32 s16, s15;
	v41 =	vmul.f32 v41, v41;
	v1 =	vadd.f32 v1, v8;
	v5 =	vmul.f32 v43, v43  }
0x35b: {  	s15 =	rddreg [dreg:$0x16];
	s28 =	spop (v2sf);
	v3 =	vsub.f32 v3, v53;
	v2 =	vmul.f32 v2, v2;
	v4 =	vadd.f32 v62, v61  }
0x35c: {  	[dreg:$0x17] =	wrdreg s28;
	s29 =	spop (v2sf);
	(v2sf) =	vpush v13, $0x0;
	v1 =	vadd.f32 v5, v1  }
0x35d: {  	[dreg:$0x18] =	wrdreg s29;
	v2 =	vadd.f32 v2, v41;
	v3 =	vmul.f32 v3, v3;
	v4 =	vsub.f32 v4, v63  }
0x35e: {  	s31 =	spop (v2sf);
	s16 =	rddreg [dreg:$0x17];
	(v2sf) =	vpush v15, $0x0;
	v44 =	vld [tilespmem:$0xCC01];
	[tilespmem:$0xCC00] =	vst v1  }
0x35f: {  	[dreg:$0x19] =	wrdreg s31;
	v2 =	vadd.f32 v3, v2;
	v3 =	vmul.f32 v4, v4;
	v45 =	vld [tilespmem:$0xCC08]  }
0x360: {  	s14 =	spop (v2sf);
	s18 =	rddreg [dreg:$0x18]  }
0x361: {  	[dreg:$0x1a] =	wrdreg s14;
	v2 =	vadd.f32 v3, v2  }
0x362: {  	s20 =	rddreg [dreg:$0x19];
	s17 =	spop (v2sf)  }
0x363: {  	(v2sf) =	vpush v18, $0x0;
	[dreg:$0x1b] =	wrdreg s17;
	s19 =	spop (v2sf);
	v3 =	vld [tilespmem:$0xCC21];
	[tilespmem:$0xCC20] =	vst v2  }
0x364: {  	(v2sf) =	vpush v20, $0x0;
	[dreg:$0x1c] =	wrdreg s19;
	s21 =	spop (v2sf);
	v46 =	vld [tilespmem:$0xCC28];
	v1 =	vadd.f32 v45, v1  }
0x365: {  	(v2sf) =	vpush v17, $0x0;
	[dreg:$0x1d] =	wrdreg s21;
	s22 =	spop (v2sf)  }
0x366: {  	(v2sf) =	vpush v19, $0x0;
	[smem:$0x7EB] =	sst s22;
	s23 =	spop (v2sf);
	[tilespmem:$0xCC00] =	vst v1  }
0x367: {  	(v2sf) =	vpush v22, $0x0;
	[dreg:$0x1e] =	wrdreg s23;
	s24 =	spop (v2sf);
	v47 =	vld [tilespmem:$0xCC04]  }
0x368: {  	(v2sf) =	vpush v24, $0x0;
	[smem:$0x7EC] =	sst s24;
	s25 =	spop (v2sf)  }
0x369: {  	(v2sf) =	vpush v21, $0x0;
	[dreg:$0x1f] =	wrdreg s25;
	s26 =	spop (v2sf);
	v2 =	vadd.f32 v46, v2  }
0x36a: {  	(v2sf) =	vpush v23, $0x0;
	[smem:$0x7ED] =	sst s26;
	s28 =	spop (v2sf)  }
0x36b: {  	(v2sf) =	vpush v26, $0x0;
	[smem:$0x7EE] =	sst s28;
	s29 =	spop (v2sf);
	[tilespmem:$0xCC20] =	vst v2  }
0x36c: {  	(v2sf) =	vpush v28, $0x0;
	[smem:$0x7EF] =	sst s29;
	s31 =	spop (v2sf);
	v48 =	vld [tilespmem:$0xCC24];
	v1 =	vadd.f32 v47, v1  }
0x36d: {  	(v2sf) =	vpush v25, $0x0;
	[smem:$0x7F0] =	sst s31;
	s14 =	spop (v2sf)  }
0x36e: {  	(v2sf) =	vpush v27, $0x0;
	[smem:$0x7F1] =	sst s14;
	[tilespmem:$0xCC00] =	vst v1  }
0x36f: {  	(v2sf) =	vpush v30, $0x0;
	s14 =	sadd.f32 s10, s7;
	v49 =	vld [tilespmem:$0xCC02]  }
0x370: {  	(v2sf) =	vpush v32, $0x0;
	s7 =	sadd.f32 s11, s9  }
0x371: {  	(v2sf) =	vpush v29, $0x0;
	s10 =	rddreg [dreg:$0x14];
	v2 =	vadd.f32 v48, v2  }
0x372: {  	(v2sf) =	vpush v31, $0x0;
	s17 =	spop (v2sf);
	s11 =	rddreg [dreg:$0x15]  }
0x373: {  	(v2sf) =	vpush v34, $0x0;
	[smem:$0x7F2] =	sst s17;
	s19 =	spop (v2sf);
	[tilespmem:$0xCC20] =	vst v2  }
0x374: {  	(v2sf) =	vpush v36, $0x0;
	s5 =	sadd.f32 s10, s30;
	s21 =	spop (v2sf);
	v50 =	vld [tilespmem:$0xCC22];
	v1 =	vadd.f32 v49, v1  }
0x375: {  	s11 =	sadd.f32 s15, s11;
	(v2sf) =	vpush v33, $0x0;
	s22 =	spop (v2sf)  }
0x376: {  	s30 =	rddreg [dreg:$0x1a];
	(v2sf) =	vpush v35, $0x0;
	s23 =	spop (v2sf);
	[tilespmem:$0xCC00] =	vst v1  }
0x377: {  	[smem:$0x7F3] =	sst s19;
	(v2sf) =	vpush v38, $0x0;
	s24 =	spop (v2sf);
	v51 =	vld [tilespmem:$0xCC01]  }
0x378: {  	s10 =	sadd.f32 s30, s20;
	(v2sf) =	vpush v44, $0x0;
	s25 =	spop (v2sf)  }
0x379: {  	s30 =	sld [smem:$0x7EB];
	(v2sf) =	vpush v37, $0x0;
	s26 =	spop (v2sf);
	v2 =	vadd.f32 v50, v2  }
0x37a: {  	[smem:$0x7F4] =	sst s21;
	(v2sf) =	vpush v3, $0x0;
	s28 =	spop (v2sf)  }
0x37b: {  	[smem:$0x7F5] =	sst s22;
	s29 =	spop (v2sf);
	(v2sf) =	vpush v1, $0x0;
	[tilespmem:$0xCC20] =	vst v2  }
0x37c: {  	[smem:$0x7F6] =	sst s23;
	s31 =	spop (v2sf);
	v52 =	vld [tilespmem:$0xCC21];
	(v2sf) =	vpush v51, $0x0  }
0x37d: {  	[smem:$0x7FB] =	sst s29;
	s29 =	spop (v2sf)  }
0x37e: {  	[smem:$0x7FC] =	sst s31;
	s31 =	spop (v2sf)  }
0x37f: {  	[smem:$0x7F7] =	sst s24;
	s23 =	spop (v2sf)  }
0x380: {  	[smem:$0x7FA] =	sst s28;
	s28 =	spop (v2sf);
	(v2sf) =	vpush v2, $0x0  }
0x381: {  	s24 =	sadd.f32 s2, s1;
	s21 =	spop (v2sf);
	(v2sf) =	vpush v52, $0x0  }
0x382: {  	[smem:$0x7F8] =	sst s25;
	s25 =	spop (v2sf)  }
0x383: {  	s2 =	rddreg [dreg:$0x1b];
	s19 =	spop (v2sf)  }
0x384: {  	[smem:$0x7F9] =	sst s26;
	s9 =	spop (v2sf)  }
0x385: {  	s26 =	sadd.f32 s4, s3;
	s22 =	spop (v2sf)  }
0x386: {  	s4 =	sadd.f32 s18, s16;
	s17 =	spop (v2sf)  }
0x387: {  	s3 =	rddreg [dreg:$0x1c];
	s15 =	spop (v2sf)  }
0x388: {  	s3 =	sadd.f32 s3, s2;
	s18 =	spop (v2sf)  }
0x389: {  	[smem:$0x7FD] =	sst s9;
	s16 =	spop (v2sf)  }
0x38a: {  	s20 =	smov.u32 s0;
	s9 =	rddreg [dreg:$0x1d];
	s0 =	spop (v2sf)  }
0x38b: {  	s9 =	sadd.f32 s30, s9;
	s2 =	spop (v2sf)  }
0x38c: {  	s1 =	sadd.f32 s2, s0  }
0x38d: {  	s2 =	sld [smem:$0x7EC]  }
0x38e: {  	s0 =	rddreg [dreg:$0x1e]  }
0x38f: {  	s30 =	spop (v2sf);
	v1 =	vmov s1;
	s1 =	rddreg [dreg:$0x1f]  }
0x390: {  	s2 =	sadd.f32 s2, s0;
	s0 =	spop (v2sf)  }
0x391: {  	s0 =	sadd.f32 s0, s30  }
0x392: {  	s30 =	sld [smem:$0x7ED]  }
0x393: {  	v1 =	vsel vm0, s24, v1;
	s24 =	sld [smem:$0x7EE]  }
0x394: {  	v1 =	vsel vm1, s8, v1;
	s8 =	sld [smem:$0x7F0]  }
0x395: {  	s1 =	sadd.f32 s30, s1  }
0x396: {  	v2 =	vmov s0;
	s30 =	sld [smem:$0x7EF]  }
0x397: {  	v2 =	vsel vm0, s26, v2;
	s26 =	sld [smem:$0x7F2]  }
0x398: {  	v2 =	vsel vm1, s14, v2;
	s14 =	sld [smem:$0x7F7]  }
0x399: {  	s24 =	sadd.f32 s30, s24  }
0x39a: {  	s30 =	sld [smem:$0x7F1]  }
0x39b: {  	v2 =	vsel vm2, s13, v2;
	s13 =	sld [smem:$0x7F6]  }
0x39c: {  	v2 =	vsel vm3, s12, v2;
	s12 =	sld [smem:$0x7FA]  }
0x39d: {  	v1 =	vsel vm2, s7, v1;
	s0 =	sadd.f32 s30, s8  }
0x39e: {  	v1 =	vsel vm3, s6, v1;
	s30 =	sld [smem:$0x7F3]  }
0x39f: {  	v1 =	vsel vm4, s5, v1;
	s5 =	sadd.f32 s14, s13  }
0x3a0: {  	s13 =	sld [smem:$0x7FB]  }
0x3a1: {  	s7 =	sadd.f32 s30, s26  }
0x3a2: {  	v1 =	vsel vm5, s4, v1;
	s26 =	sld [smem:$0x7F4]  }
0x3a3: {  	v1 =	vsel vm6, s3, v1;
	s30 =	sld [smem:$0x7F5]  }
0x3a4: {  	v1 =	vsel vm7, s2, v1;
	s14 =	sld [smem:$0x7FC]  }
0x3a5: {  	v1 =	vsel vm8, s24, v1;
	s24 =	sadd.f32 s23, s31  }
0x3a6: {  	s6 =	sadd.f32 s30, s26  }
0x3a7: {  	s26 =	sld [smem:$0x7F8]  }
0x3a8: {  	s30 =	sld [smem:$0x7F9]  }
0x3a9: {  	v2 =	vsel vm4, s11, v2;
	s3 =	sadd.f32 s13, s12  }
0x3aa: {  	v2 =	vsel vm5, s10, v2;
	s2 =	sadd.f32 s29, s14  }
0x3ab: {  	v2 =	vsel vm6, s9, v2;
	s4 =	sadd.f32 s30, s26  }
0x3ac: {  	v2 =	vsel vm7, s1, v2;
	v1 =	vsel vm9, s7, v1;
	s26 =	sadd.f32 s21, s28  }
0x3ad: {  	v2 =	vsel vm8, s0, v2;
	v1 =	vsel vm10, s5, v1;
	s30 =	sld [smem:$0x7FD]  }
0x3ae: {  	v1 =	vsel vm11, s3, v1;
	v2 =	vsel vm9, s6, v2;
	s28 =	sadd.f32 s19, s25  }
0x3af: {  	s29 =	sadd.f32 s15, s17;
	v1 =	vsel vm12, s24, v1;
	v2 =	vsel vm10, s4, v2  }
0x3b0: {  	v1 =	vsel vm13, s28, v1;
	s4 =	sadd.f32 s22, s30;
	v2 =	vsel vm11, s2, v2  }
0x3b1: {  	s31 =	sadd.f32 s16, s18;
	v1 =	vsel vm14, s29, v1;
	v2 =	vsel vm12, s26, v2  }
0x3b2: {  	v1 =	vmax.f32 v1, $1.000000000e-30;
	v2 =	vsel vm13, s4, v2  }
0x3b3: {  	v3 =	vshra.s32 v1, $0x1;
	v53 =	vmul.f32 $5.000000000e-01, v1;
	v2 =	vsel vm14, s31, v2  }
0x3b4: {  	v3 =	vsub.s32 $0x5F3759DF, v3;
	v2 =	vmax.f32 v2, $1.000000000e-30  }
0x3b5: {  	v54 =	vmul.f32 v3, v53;
	v55 =	vshra.s32 v2, $0x1;
	v56 =	vmul.f32 $5.000000000e-01, v2  }
0x3b6: {  	v6 =	vsub.s32 $0x5F3759DF, v55  }
0x3b7: {  	v5 =	vmul.f32 v3, v54;
	v57 =	vmul.f32 v6, v56;
	_ =	sdelay $0x1  }
0x3b8: {  	v5 =	vsub.f32 $1.500000000e+00, v5;
	v8 =	vmul.f32 v6, v57;
	_ =	sdelay $0x1  }
0x3b9: {  	v3 =	vmul.f32 v3, v5;
	v58 =	vsub.f32 $1.500000000e+00, v8;
	_ =	sdelay $0x1  }
0x3ba: {  	v59 =	vmul.f32 v3, v53;
	v5 =	vmul.f32 v6, v58;
	_ =	sdelay $0x1  }
0x3bb: {  	v60 =	vmul.f32 v59, v3;
	v61 =	vmul.f32 v5, v56;
	_ =	sdelay $0x1  }
0x3bc: {  	v6 =	vsub.f32 $1.500000000e+00, v60;
	v8 =	vmul.f32 v61, v5;
	_ =	sdelay $0x1  }
0x3bd: {  	v3 =	vmul.f32 v6, v3;
	v62 =	vsub.f32 $1.500000000e+00, v8;
	_ =	sdelay $0x1  }
0x3be: {  	v4 =	vmul.f32 v3, v53;
	v5 =	vmul.f32 v62, v5;
	_ =	sdelay $0x1  }
0x3bf: {  	v4 =	vmul.f32 v4, v3;
	v6 =	vmul.f32 v5, v56;
	_ =	sdelay $0x1  }
0x3c0: {  	v4 =	vsub.f32 $1.500000000e+00, v4;
	v6 =	vmul.f32 v6, v5;
	_ =	sdelay $0x1  }
0x3c1: {  	v3 =	vmul.f32 v4, v3;
	v63 =	vsub.f32 $1.500000000e+00, v6;
	_ =	sdelay $0x1  }
0x3c2: {  	v1 =	vmul.f32 v3, v1;
	v3 =	vmul.f32 v63, v5;
	_ =	sdelay $0x1  }
0x3c3: {  	p0 =	sne.s32 s20, $0x7;
	v1 =	vadd.f32 $1.000000000e+00, v1;
	v2 =	vmul.f32 v3, v2  }
.Ltmp0:
0x3c4: {  	_ = 	snop;
	(pc) =	sbr.rel @p0 .LBB2_3-.Ltmp0, $3  }
0x3c5: {  	v1 =	vsub.f32 v1, v2;
	_ =	sdelay $0x1  }
0x3c6: {  	v1 =	vmax.f32 v1, $0.0e+00  }
0x3c7: {  	s0 =	sadd.s32 $0x1, s20;
	v0 =	vadd.f32 v1, v0  }
0x3c8: {  	s0 =	rddreg [dreg:$0x13]  }
0x3c9: {  	s0 =	sadd.s32 $0x1, s0  }
0x3ca: {  	p0 =	sne.s32 s0, $0x4  }
.Ltmp1:
0x3cb: {  	_ = 	snop;
	(pc) =	sbr.rel @p0 .LBB2_2-.Ltmp1, $1  }
0x3cc: {  	_ =	sdelay $0x3  }
0x3cd: {  	[tilespmem:$0xCC40] =	vst v0;
	s10 =	simm.s32 $0x0;
	s0 =	rddreg [dreg:$0x10];
	s1 =	simm.s32 $0xCC40  }
0x3ce: {  	[hbm4b:s0+s10] =	stream.linear.scatter [tilespmem:s1], [sflag:$0x7], $0x10, $0x38;
	[tilespmem:$0xCC50] =	vst v63  }
0x3cf: {  	s1 =	simm.s32 $0x7  }
0x3d0: {  	_ =	swait.ge [sflag:s1], $0x10  }
0x3d1: {  	s2 =	rddreg [dreg:$0x12]  }
0x3d2: {  	s31 =	rddreg [dreg:$0x11];
	s2 =	sadd.s32 $0x1, s2  }
0x3d3: {  	p0 =	sne.s32 s2, s31  }
.Ltmp2:
0x3d4: {  	_ = 	snop;
	(pc) =	sbr.rel @p0 .LBB2_1-.Ltmp2, $3  }
0x3d5: {  	_ =	sdelay $0x1  }
0x3d6: {  	[sflag:s1] =	ssyncset.done $0x0  }
0x3d7: {  	[sflag:s1] =	ssyncadd.s32 $0xFFFFFFF0  }
0x3d8: {  	_ =	sfence.sel $0x180000  }
0x3d9: {  	[bflag:$0x0] =	sbarrier.arrive $0xFFFF  }
0x3da: {  	_ =	strace $0x90000047  }
0x3db: {  	s0 =	stileid.u32;
	[bflag:$0x2] =	sbarrier.arrive $0xFFFF  }
0x3dc: {  	p0 =	sne.s32 s0, $0x0;
	s0 =	rddreg [dreg:$0x7]  }
0x3dd: {  	s0 =	sadd.s32 @!p0 $0x100000, s0  }
0x3de: {  	[sflag:s0] =	ssyncadd.tile.s32 @!p0 $0x1;
	_ =	shalt  }
.Lfunc_end2:
_tile_overlayer_lowered:
.L_overlay_start_2:
0x3df: {  	(tag) =	ssettag $0x2  }
0x3e0: {  	s0 =	rddreg [dreg:$0x0];
	s2 =	stileid.u32  }
0x3e1: {  	s1 =	rddreg [dreg:$0x1];
	p0 =	sne.s32 s2, $0x0  }
0x3e2: {  	s3 =	rddreg [dreg:$0x2];
	[bflag:$0x3] =	sbarrier.arrive $0xFFFF;
	s2 =	simm.s32 @!p0 $0x1C07  }
0x3e3: {  	[timem:s3], [sflag:s2] =	dma.local @!p0 [hbm:s0], s1  }
0x3e4: {  	s0 =	simm.s32 @!p0 $0x7  }
0x3e5: {  	_ =	swait.ge @!p0 [sflag:s0], s1  }
0x3e6: {  	s1 =	ssub.s32 @!p0 $0x0, s1;
	[sflag:s0] =	ssyncset.done @!p0 $0x0  }
0x3e7: {  	[sflag:s0] =	ssyncadd.s32 @!p0 s1  }
0x3e8: {  	[bflag:$0x3] =	sbarrier.arrive $0xFFFF  }
0x3e9: {  	_ =	shalt  }

</sc_bundles>
